<compile_context>
chip_gen: v7x
topology: tpu7x:2x2x1
jax: 0.10.2.dev20260603
libtpu: 0.0.44.dev20260713+nightly
codegen_flags: <defaults>
</compile_context>

<pallas_src>
import functools

import jax
import jax.numpy as jnp
from jax import lax
from jax.experimental import pallas as pl
from jax.experimental.pallas import tpu as pltpu
from jax.experimental.pallas import tpu_sc as plsc

N = 10000
NP = 10240
NB = NP // 8
E = 320000
B = 128
EP = 327680
STEPS = EP // (32 * B)
GS = 8
NC, NS = 2, 16
RPT = NP // NS
IN_D = 128
HID = 16
OUT_D = 7


ESTEPS = E // B
PSTEPS = 32 * STEPS - ESTEPS
_LASTW = ESTEPS // STEPS
_REM = ESTEPS - _LASTW * STEPS


def _load_ei(ei_hbm, pad_hbm, ei_v, wid):

    @pl.when(wid < _LASTW)
    def _():
        pltpu.sync_copy(ei_hbm.at[pl.ds(wid * STEPS, STEPS)], ei_v)

    @pl.when(wid == _LASTW)
    def _():
        pltpu.sync_copy(ei_hbm.at[pl.ds(_LASTW * STEPS, _REM)],
                        ei_v.at[pl.ds(0, _REM)])
        pltpu.sync_copy(pad_hbm, ei_v.at[pl.ds(_REM, PSTEPS)])


def _deg_body(ei_hbm, pad_hbm, ones_hbm, zeros_hbm, out_hbm,
              ei_v, ones_v, acc, sem):
    cid = lax.axis_index("c")
    sid = lax.axis_index("s")
    wid = sid * NC + cid
    pltpu.sync_copy(zeros_hbm.at[pl.ds(sid * RPT, RPT)],
                    acc.at[pl.ds(sid * RPT, RPT)])
    pltpu.sync_copy(ones_hbm, ones_v)
    _load_ei(ei_hbm, pad_hbm, ei_v, wid)
    plsc.subcore_barrier()

    def step(j, carry):
        pltpu.async_copy(ones_v, acc.at[ei_v.at[j, 1]], sem, add=True)
        return carry

    lax.fori_loop(0, STEPS, step, 0)

    def drain(j, carry):
        pltpu.make_async_copy(ones_v, acc.at[ei_v.at[j, 1]], sem).wait()
        return carry

    lax.fori_loop(0, STEPS, drain, 0)
    plsc.subcore_barrier()
    pltpu.sync_copy(acc.at[pl.ds(sid * RPT, RPT)],
                    out_hbm.at[cid, pl.ds(sid * RPT, RPT)])


def _agg_body(table_hbm, ei_hbm, pad_hbm, zeros_hbm, out_hbm,
              ei_v, rows_v, acc, gsem, ssem):
    cid = lax.axis_index("c")
    sid = lax.axis_index("s")
    wid = sid * NC + cid
    pltpu.sync_copy(zeros_hbm.at[pl.ds(sid * RPT, RPT)],
                    acc.at[pl.ds(sid * RPT, RPT)])
    _load_ei(ei_hbm, pad_hbm, ei_v, wid)
    plsc.subcore_barrier()

    ngrp = STEPS // GS

    def fire(g, b):
        for i in range(GS):
            pltpu.async_copy(table_hbm.at[ei_v.at[g * GS + i, 0]],
                             rows_v.at[b, i], gsem)

    def wait_fired(g, b):
        for i in range(GS):
            pltpu.make_async_copy(table_hbm.at[ei_v.at[g * GS + i, 0]],
                                  rows_v.at[b, i], gsem).wait()

    def drain_scatters(g, b):
        for i in range(GS):
            pltpu.make_async_copy(rows_v.at[b, i],
                                  acc.at[ei_v.at[g * GS + i, 1]], ssem).wait()

    fire(0, 0)

    def group(g, carry):
        b = g % 3

        @pl.when(g > 1)
        def _():
            drain_scatters(g - 2, (g - 2) % 3)

        @pl.when(g + 1 < ngrp)
        def _():
            fire(g + 1, (g + 1) % 3)

        wait_fired(g, b)
        for i in range(GS):
            pltpu.async_copy(rows_v.at[b, i], acc.at[ei_v.at[g * GS + i, 1]],
                             ssem, add=True)
        return carry

    lax.fori_loop(0, ngrp, group, 0)
    drain_scatters(ngrp - 2, (ngrp - 2) % 3)
    drain_scatters(ngrp - 1, (ngrp - 1) % 3)
    plsc.subcore_barrier()
    pltpu.sync_copy(acc.at[pl.ds(sid * RPT, RPT)],
                    out_hbm.at[cid, pl.ds(sid * RPT, RPT)])


@functools.cache
def _sc_calls():
    mesh = plsc.VectorSubcoreMesh(core_axis_name="c", subcore_axis_name="s",
                                  num_cores=NC, num_subcores=NS)
    params = pltpu.CompilerParams(use_tc_tiling_on_sc=False)
    deg_call = pl.kernel(
        _deg_body,
        out_type=jax.ShapeDtypeStruct((NC, NP, HID), jnp.float32),
        mesh=mesh,
        compiler_params=params,
        scratch_types=[
            pltpu.VMEM((STEPS, 2, B), jnp.int32),
            pltpu.VMEM((B, HID), jnp.float32),
            pltpu.VMEM_SHARED((NP, HID), jnp.float32),
            pltpu.SemaphoreType.DMA,
        ],
    )
    agg_call = pl.kernel(
        _agg_body,
        out_type=jax.ShapeDtypeStruct((NC, NP, HID), jnp.float32),
        mesh=mesh,
        compiler_params=params,
        scratch_types=[
            pltpu.VMEM((STEPS, 2, B), jnp.int32),
            pltpu.VMEM((3, GS, B, HID), jnp.float32),
            pltpu.VMEM_SHARED((NP, HID), jnp.float32),
            pltpu.SemaphoreType.DMA,
            pltpu.SemaphoreType.DMA,
        ],
    )
    return deg_call, agg_call


def _tc1_body(xb_ref, w1bd_ref, d_ref, xs_ref, dis_ref):
    dis = lax.rsqrt(d_ref[0] + d_ref[1] + 1.0)
    xw = jnp.dot(xb_ref[...], w1bd_ref[...],
                 preferred_element_type=jnp.float32)
    xs_ref[...] = dis * xw
    dis_ref[...] = dis


_tc1 = pl.pallas_call(
    _tc1_body,
    out_shape=(jax.ShapeDtypeStruct((NB, 128), jnp.float32),
               jax.ShapeDtypeStruct((NB, 128), jnp.float32)),
)


def _tc2_body(a_ref, xs1_ref, dis_ref, w2bd_ref, b1_ref, xs2_ref):
    dis = dis_ref[...]
    h = dis * (a_ref[0] + a_ref[1] + xs1_ref[...]) + b1_ref[...]
    h = jnp.maximum(h, 0.0)
    xs2_ref[...] = dis * jnp.dot(h, w2bd_ref[...],
                                 preferred_element_type=jnp.float32)


_tc2 = pl.pallas_call(
    _tc2_body,
    out_shape=jax.ShapeDtypeStruct((NB, 128), jnp.float32),
)


def _roll_lanes(m, s):
    return jnp.concatenate([m[:, s:], m[:, :s]], axis=1)


def _tc3_body(a_ref, xs2_ref, dis_ref, b2_ref, p_ref, sg_ref, out_ref):
    dis = dis_ref[...]
    o = dis * (a_ref[0] + a_ref[1] + xs2_ref[...]) + b2_ref[...]
    lane = lax.broadcasted_iota(jnp.int32, (NB, 128), 1) % HID
    valid = lane < OUT_D
    m = jnp.where(valid, o, -1e30)
    for s in (1, 2, 4, 8):
        m = jnp.maximum(m, _roll_lanes(m, s))
    mb = jnp.dot(m, p_ref[...], preferred_element_type=jnp.float32)
    z = o - mb
    e = jnp.where(valid, jnp.exp(z), 0.0)
    sb = jnp.dot(e, sg_ref[...], preferred_element_type=jnp.float32)
    out_ref[...] = z - jnp.log(sb)


_tc3 = pl.pallas_call(
    _tc3_body,
    out_shape=jax.ShapeDtypeStruct((NB, 128), jnp.float32),
)


def kernel(x, edge_index, W1, b1, W2, b2):
    f32 = jnp.float32
    ei_p = edge_index.reshape(2, ESTEPS, B).transpose(1, 0, 2)
    pad_b = (N + (jnp.arange(PSTEPS * 2 * B, dtype=jnp.int32) % (NP - N))
             ).reshape(PSTEPS, 2, B)

    x_b = jnp.concatenate(
        [x, jnp.zeros((NP - N, IN_D), f32)], axis=0).reshape(NB, 8 * IN_D)

    w1bd = jnp.zeros((8 * IN_D, 128), f32)
    w2bd = jnp.zeros((128, 128), f32)
    for b in range(8):
        w1bd = w1bd.at[b * IN_D:(b + 1) * IN_D, b * HID:(b + 1) * HID].set(W1)
        w2bd = w2bd.at[b * HID:b * HID + HID, b * HID:b * HID + OUT_D].set(W2)
    b1_b = jnp.tile(b1, 8).reshape(1, 128)
    b2_b = jnp.tile(jnp.concatenate([b2, jnp.zeros((HID - OUT_D,), f32)]),
                    8).reshape(1, 128)

    lanes = jnp.arange(128, dtype=jnp.int32)
    base = (lanes // HID) * HID
    p_mat = (lanes[:, None] == base[None, :]).astype(f32)
    sg_mat = (base[:, None] == base[None, :]).astype(f32)
    zeros16 = jnp.zeros((NP, HID), f32)
    ones_b = jnp.ones((B, HID), f32)

    _deg_call, _agg16 = _sc_calls()
    degs = _deg_call(ei_p, pad_b, ones_b, zeros16)
    xs1, dis = _tc1(x_b, w1bd, degs.reshape(2, NB, 128))
    agg1 = _agg16(xs1.reshape(NP, HID), ei_p, pad_b, zeros16)
    xs2 = _tc2(agg1.reshape(2, NB, 128), xs1, dis, w2bd, b1_b)
    agg2 = _agg16(xs2.reshape(NP, HID), ei_p, pad_b, zeros16)
    out_b = _tc3(agg2.reshape(2, NB, 128), xs2, dis, b2_b, p_mat, sg_mat)
    return out_b[:N // 8].reshape(N, HID)[:, :OUT_D]

# --- scband reference (transcript-rebuilt; emitter-appended) ---
"""Pipeline reference for scband-gcn-32573031973225 (READ-ONLY COPY).

The authoritative reference and input builder live on the scoring server;
editing this copy changes nothing except your own understanding.
"""

import jax, jax.numpy as jnp
import numpy as np

N_NODES = 10000
N_EDGES = 320000
IN_DIM = 128
HID_DIM = 16
OUT_DIM = 7


def gcn_conv(x, src, dst, W, b, n_nodes):
    # linear transform
    xw = x @ W
    # add self loops
    loop = jnp.arange(n_nodes, dtype=src.dtype)
    src_sl = jnp.concatenate([src, loop])
    dst_sl = jnp.concatenate([dst, loop])
    # symmetric normalization: deg computed on dst (target) with unit edge weights
    deg = jnp.zeros((n_nodes,), dtype=xw.dtype).at[dst_sl].add(1.0)
    deg_inv_sqrt = jnp.where(deg > 0, jax.lax.rsqrt(jnp.maximum(deg, 1e-12)), 0.0)
    norm = deg_inv_sqrt[src_sl] * deg_inv_sqrt[dst_sl]
    # gather messages from source nodes, scale, scatter-add into targets
    msg = xw[src_sl] * norm[:, None]
    out = jnp.zeros((n_nodes, xw.shape[1]), dtype=xw.dtype).at[dst_sl].add(msg)
    return out + b


def setup_inputs(seed: int = 0) -> dict:
    key = jax.random.key(seed)
    k1, k2, k3, k4, k5, k6 = jax.random.split(key, 6)
    x = jax.random.normal(k1, (N_NODES, IN_DIM), dtype=jnp.float32)
    edge_index = jax.random.randint(k2, (2, N_EDGES), 0, N_NODES, dtype=jnp.int32)
    # glorot-style init for weights, zeros for bias (matches PyG GCNConv defaults)
    s1 = (6.0 / (IN_DIM + HID_DIM)) ** 0.5
    W1 = jax.random.uniform(k3, (IN_DIM, HID_DIM), jnp.float32, -s1, s1)
    b1 = jnp.zeros((HID_DIM,), dtype=jnp.float32)
    s2 = (6.0 / (HID_DIM + OUT_DIM)) ** 0.5
    W2 = jax.random.uniform(k4, (HID_DIM, OUT_DIM), jnp.float32, -s2, s2)
    b2 = jnp.zeros((OUT_DIM,), dtype=jnp.float32)
    return {"x": x, "edge_index": edge_index, "W1": W1, "b1": b1, "W2": W2, "b2": b2}


def reference(x, edge_index, W1, b1, W2, b2):
    src = edge_index[0]
    dst = edge_index[1]
    h = gcn_conv(x, src, dst, W1, b1, N_NODES)
    h = jax.nn.relu(h)
    h = gcn_conv(h, src, dst, W2, b2, N_NODES)
    return jax.nn.log_softmax(h, axis=1)

if __name__ == "__main__":
    import jax
    _d = setup_inputs()
    print(jax.jit(kernel)(*tuple(_d.values())))

</pallas_src>

<mosaic_0001>
#map = affine_map<(d0, d1) -> (0, 0)>
#map1 = affine_map<(d0, d1) -> (0, 0, 0)>
module attributes {stable_mosaic.version = 14 : i64} {
  func.func @_agg_body(%arg0: i32, %arg1: i32, %arg2: memref<10240x16xf32, #tpu.memory_space<hbm>>, %arg3: memref<2500x2x128xi32, #tpu.memory_space<hbm>>, %arg4: memref<60x2x128xi32, #tpu.memory_space<hbm>>, %arg5: memref<10240x16xf32, #tpu.memory_space<hbm>>, %arg6: memref<2x10240x16xf32, #tpu.memory_space<hbm>>, %arg7: memref<80x2x128xi32, #tpu.memory_space<vmem>>, %arg8: memref<3x8x128x16xf32, #tpu.memory_space<vmem>>, %arg9: memref<10240x16xf32, #tpu.memory_space<vmem_shared>>, %arg10: memref<!tpu.dma_semaphore, #tpu.memory_space<semaphore_mem>>, %arg11: memref<!tpu.dma_semaphore, #tpu.memory_space<semaphore_mem>>) attributes {dimension_semantics = [#tpu.dimension_semantics<core_parallel>, #tpu.dimension_semantics<subcore_parallel>], iteration_bounds = array<i64: 2, 16>, scalar_prefetch = 0 : i64, scratch_operands = 5 : i64, tpu.core_type = #tpu.core_type<sc_vector_subcore>, window_params = [{transform_indices = #map}, {transform_indices = #map1}, {transform_indices = #map1}, {transform_indices = #map}, {transform_indices = #map1}]} {
    %mul3A = arith.constant 2 : i32
    %mul3A_0 = arith.muli %arg1, %mul3A : i32
    %add3A = arith.addi %mul3A_0, %arg0 : i32
    %mul3A_1 = arith.constant 640 : i32
    %mul3A_2 = arith.muli %arg1, %mul3A_1 : i32
    %mul3A_3 = arith.constant 640 : i32
    %mul3A_4 = arith.muli %arg1, %mul3A_3 : i32
    "tpu.region"() ({
      %run_scoped3A = tpu.sem_alloc : memref<!tpu.dma_semaphore, #tpu.memory_space<semaphore_mem>>
      %dma_start3A_355 = arith.constant 0 : i32
      %dma_start3A_356 = tpu.memref_slice %arg9[%mul3A_4, %dma_start3A_355] : memref<10240x16xf32, #tpu.memory_space<vmem_shared>> -> memref<640x16xf32, #tpu.memory_space<vmem_shared>>
      %dma_start3A_357 = arith.constant 0 : i32
      %dma_start3A_358 = tpu.memref_slice %arg5[%mul3A_2, %dma_start3A_357] : memref<10240x16xf32, #tpu.memory_space<hbm>> -> memref<640x16xf32, #tpu.memory_space<hbm>>
      tpu.enqueue_dma source(%dma_start3A_358 : memref<640x16xf32, #tpu.memory_space<hbm>>) target(%dma_start3A_356 : memref<640x16xf32, #tpu.memory_space<vmem_shared>>) target_semaphore(%run_scoped3A : memref<!tpu.dma_semaphore, #tpu.memory_space<semaphore_mem>>)
      %dma_wait3A_359 = arith.constant 0 : i32
      %dma_wait3A_360 = tpu.memref_slice %arg9[%mul3A_4, %dma_wait3A_359] : memref<10240x16xf32, #tpu.memory_space<vmem_shared>> -> memref<640x16xf32, #tpu.memory_space<vmem_shared>>
      %dma_wait3A_361 = arith.constant 0 : i32
      %dma_wait3A_362 = tpu.memref_slice %arg5[%mul3A_2, %dma_wait3A_361] : memref<10240x16xf32, #tpu.memory_space<hbm>> -> memref<640x16xf32, #tpu.memory_space<hbm>>
      tpu.wait_dma2 semaphore(%run_scoped3A : memref<!tpu.dma_semaphore, #tpu.memory_space<semaphore_mem>>) src(%dma_wait3A_362 : memref<640x16xf32, #tpu.memory_space<hbm>>) dst(%dma_wait3A_360 : memref<640x16xf32, #tpu.memory_space<vmem_shared>>)
      tpu.yield
    }) : () -> ()
    %lt3A = arith.constant 31 : i32
    %lt3A_5 = arith.cmpi slt, %add3A, %lt3A : i32
    %convert_element_type3A = arith.extui %lt3A_5 : i1 to i32
    %cond3A = arith.constant 0 : i32
    %cond3A_6 = arith.cmpi ne, %convert_element_type3A, %cond3A : i32
    scf.if %cond3A_6 {
      %mul3A_355 = arith.constant 80 : i32
      %mul3A_356 = arith.muli %add3A, %mul3A_355 : i32
      "tpu.region"() ({
        %run_scoped3A = tpu.sem_alloc : memref<!tpu.dma_semaphore, #tpu.memory_space<semaphore_mem>>
        %dma_start3A_357 = arith.constant 0 : i32
        %dma_start3A_358 = arith.constant 0 : i32
        %dma_start3A_359 = tpu.memref_slice %arg3[%mul3A_356, %dma_start3A_357, %dma_start3A_358] : memref<2500x2x128xi32, #tpu.memory_space<hbm>> -> memref<80x2x128xi32, #tpu.memory_space<hbm>>
        %dma_start3A_360 = arith.constant 0 : i32
        %dma_start3A_361 = arith.constant 0 : i32
        %dma_start3A_362 = tpu.memref_slice %arg3[%mul3A_356, %dma_start3A_360, %dma_start3A_361] : memref<2500x2x128xi32, #tpu.memory_space<hbm>> -> memref<80x2x128xi32, #tpu.memory_space<hbm>>
        tpu.enqueue_dma source(%dma_start3A_362 : memref<80x2x128xi32, #tpu.memory_space<hbm>>) target(%arg7 : memref<80x2x128xi32, #tpu.memory_space<vmem>>) target_semaphore(%run_scoped3A : memref<!tpu.dma_semaphore, #tpu.memory_space<semaphore_mem>>)
        %dma_wait3A_363 = arith.constant 0 : i32
        %dma_wait3A_364 = arith.constant 0 : i32
        %dma_wait3A_365 = tpu.memref_slice %arg3[%mul3A_356, %dma_wait3A_363, %dma_wait3A_364] : memref<2500x2x128xi32, #tpu.memory_space<hbm>> -> memref<80x2x128xi32, #tpu.memory_space<hbm>>
        %dma_wait3A_366 = arith.constant 0 : i32
        %dma_wait3A_367 = arith.constant 0 : i32
        %dma_wait3A_368 = tpu.memref_slice %arg3[%mul3A_356, %dma_wait3A_366, %dma_wait3A_367] : memref<2500x2x128xi32, #tpu.memory_space<hbm>> -> memref<80x2x128xi32, #tpu.memory_space<hbm>>
        tpu.wait_dma2 semaphore(%run_scoped3A : memref<!tpu.dma_semaphore, #tpu.memory_space<semaphore_mem>>) src(%dma_wait3A_368 : memref<80x2x128xi32, #tpu.memory_space<hbm>>) dst(%arg7 : memref<80x2x128xi32, #tpu.memory_space<vmem>>)
        tpu.yield
      }) : () -> ()
    } else {
    }
    %eq3A = arith.constant 31 : i32
    %eq3A_7 = arith.cmpi eq, %add3A, %eq3A : i32
    %convert_element_type3A_8 = arith.extui %eq3A_7 : i1 to i32
    %cond3A_9 = arith.constant 0 : i32
    %cond3A_10 = arith.cmpi ne, %convert_element_type3A_8, %cond3A_9 : i32
    scf.if %cond3A_10 {
      "tpu.region"() ({
        %run_scoped3A = tpu.sem_alloc : memref<!tpu.dma_semaphore, #tpu.memory_space<semaphore_mem>>
        %dma_start3A_355 = arith.constant 0 : i32
        %dma_start3A_356 = arith.constant 0 : i32
        %dma_start3A_357 = arith.constant 0 : i32
        %dma_start3A_358 = tpu.memref_slice %arg7[%dma_start3A_355, %dma_start3A_356, %dma_start3A_357] : memref<80x2x128xi32, #tpu.memory_space<vmem>> -> memref<20x2x128xi32, #tpu.memory_space<vmem>>
        %dma_start3A_359 = arith.constant 2480 : i32
        %dma_start3A_360 = arith.constant 0 : i32
        %dma_start3A_361 = arith.constant 0 : i32
        %dma_start3A_362 = tpu.memref_slice %arg3[%dma_start3A_359, %dma_start3A_360, %dma_start3A_361] : memref<2500x2x128xi32, #tpu.memory_space<hbm>> -> memref<20x2x128xi32, #tpu.memory_space<hbm>>
        %dma_start3A_363 = arith.constant 0 : i32
        %dma_start3A_364 = arith.constant 0 : i32
        %dma_start3A_365 = arith.constant 0 : i32
        %dma_start3A_366 = tpu.memref_slice %arg7[%dma_start3A_363, %dma_start3A_364, %dma_start3A_365] : memref<80x2x128xi32, #tpu.memory_space<vmem>> -> memref<20x2x128xi32, #tpu.memory_space<vmem>>
        %dma_start3A_367 = arith.constant 2480 : i32
        %dma_start3A_368 = arith.constant 0 : i32
        %dma_start3A_369 = arith.constant 0 : i32
        %dma_start3A_370 = tpu.memref_slice %arg3[%dma_start3A_367, %dma_start3A_368, %dma_start3A_369] : memref<2500x2x128xi32, #tpu.memory_space<hbm>> -> memref<20x2x128xi32, #tpu.memory_space<hbm>>
        tpu.enqueue_dma source(%dma_start3A_370 : memref<20x2x128xi32, #tpu.memory_space<hbm>>) target(%dma_start3A_366 : memref<20x2x128xi32, #tpu.memory_space<vmem>>) target_semaphore(%run_scoped3A : memref<!tpu.dma_semaphore, #tpu.memory_space<semaphore_mem>>)
        %dma_wait3A_371 = arith.constant 0 : i32
        %dma_wait3A_372 = arith.constant 0 : i32
        %dma_wait3A_373 = arith.constant 0 : i32
        %dma_wait3A_374 = tpu.memref_slice %arg7[%dma_wait3A_371, %dma_wait3A_372, %dma_wait3A_373] : memref<80x2x128xi32, #tpu.memory_space<vmem>> -> memref<20x2x128xi32, #tpu.memory_space<vmem>>
        %dma_wait3A_375 = arith.constant 2480 : i32
        %dma_wait3A_376 = arith.constant 0 : i32
        %dma_wait3A_377 = arith.constant 0 : i32
        %dma_wait3A_378 = tpu.memref_slice %arg3[%dma_wait3A_375, %dma_wait3A_376, %dma_wait3A_377] : memref<2500x2x128xi32, #tpu.memory_space<hbm>> -> memref<20x2x128xi32, #tpu.memory_space<hbm>>
        %dma_wait3A_379 = arith.constant 0 : i32
        %dma_wait3A_380 = arith.constant 0 : i32
        %dma_wait3A_381 = arith.constant 0 : i32
        %dma_wait3A_382 = tpu.memref_slice %arg7[%dma_wait3A_379, %dma_wait3A_380, %dma_wait3A_381] : memref<80x2x128xi32, #tpu.memory_space<vmem>> -> memref<20x2x128xi32, #tpu.memory_space<vmem>>
        %dma_wait3A_383 = arith.constant 2480 : i32
        %dma_wait3A_384 = arith.constant 0 : i32
        %dma_wait3A_385 = arith.constant 0 : i32
        %dma_wait3A_386 = tpu.memref_slice %arg3[%dma_wait3A_383, %dma_wait3A_384, %dma_wait3A_385] : memref<2500x2x128xi32, #tpu.memory_space<hbm>> -> memref<20x2x128xi32, #tpu.memory_space<hbm>>
        tpu.wait_dma2 semaphore(%run_scoped3A : memref<!tpu.dma_semaphore, #tpu.memory_space<semaphore_mem>>) src(%dma_wait3A_386 : memref<20x2x128xi32, #tpu.memory_space<hbm>>) dst(%dma_wait3A_382 : memref<20x2x128xi32, #tpu.memory_space<vmem>>)
        tpu.yield
      }) : () -> ()
      "tpu.region"() ({
        %run_scoped3A = tpu.sem_alloc : memref<!tpu.dma_semaphore, #tpu.memory_space<semaphore_mem>>
        %dma_start3A_355 = arith.constant 20 : i32
        %dma_start3A_356 = arith.constant 0 : i32
        %dma_start3A_357 = arith.constant 0 : i32
        %dma_start3A_358 = tpu.memref_slice %arg7[%dma_start3A_355, %dma_start3A_356, %dma_start3A_357] : memref<80x2x128xi32, #tpu.memory_space<vmem>> -> memref<60x2x128xi32, #tpu.memory_space<vmem>>
        %dma_start3A_359 = arith.constant 20 : i32
        %dma_start3A_360 = arith.constant 0 : i32
        %dma_start3A_361 = arith.constant 0 : i32
        %dma_start3A_362 = tpu.memref_slice %arg7[%dma_start3A_359, %dma_start3A_360, %dma_start3A_361] : memref<80x2x128xi32, #tpu.memory_space<vmem>> -> memref<60x2x128xi32, #tpu.memory_space<vmem>>
        tpu.enqueue_dma source(%arg4 : memref<60x2x128xi32, #tpu.memory_space<hbm>>) target(%dma_start3A_362 : memref<60x2x128xi32, #tpu.memory_space<vmem>>) target_semaphore(%run_scoped3A : memref<!tpu.dma_semaphore, #tpu.memory_space<semaphore_mem>>)
        %dma_wait3A_363 = arith.constant 20 : i32
        %dma_wait3A_364 = arith.constant 0 : i32
        %dma_wait3A_365 = arith.constant 0 : i32
        %dma_wait3A_366 = tpu.memref_slice %arg7[%dma_wait3A_363, %dma_wait3A_364, %dma_wait3A_365] : memref<80x2x128xi32, #tpu.memory_space<vmem>> -> memref<60x2x128xi32, #tpu.memory_space<vmem>>
        %dma_wait3A_367 = arith.constant 20 : i32
        %dma_wait3A_368 = arith.constant 0 : i32
        %dma_wait3A_369 = arith.constant 0 : i32
        %dma_wait3A_370 = tpu.memref_slice %arg7[%dma_wait3A_367, %dma_wait3A_368, %dma_wait3A_369] : memref<80x2x128xi32, #tpu.memory_space<vmem>> -> memref<60x2x128xi32, #tpu.memory_space<vmem>>
        tpu.wait_dma2 semaphore(%run_scoped3A : memref<!tpu.dma_semaphore, #tpu.memory_space<semaphore_mem>>) src(%arg4 : memref<60x2x128xi32, #tpu.memory_space<hbm>>) dst(%dma_wait3A_370 : memref<60x2x128xi32, #tpu.memory_space<vmem>>)
        tpu.yield
      }) : () -> ()
    } else {
    }
    %barrier3A = arith.constant 0 : index
    tpu.barrier barrier_id(%barrier3A)
    %dma_start3A = arith.constant 0 : i32
    %dma_start3A_11 = arith.constant 0 : i32
    %dma_start3A_12 = arith.constant 0 : i32
    %dma_start3A_13 = arith.constant 0 : i32
    %dma_start3A_14 = arith.constant 0 : i32
    %dma_start3A_15 = arith.constant 0 : i32
    %dma_start3A_16 = tpu.memref_slice %arg8[%dma_start3A_12, %dma_start3A_13, %dma_start3A_14, %dma_start3A_15] : memref<3x8x128x16xf32, #tpu.memory_space<vmem>> -> memref<1x1x128x16xf32, #tpu.memory_space<vmem>>
    %dma_start3A_17 = tpu.memref_squeeze %dma_start3A_16 : memref<1x1x128x16xf32, #tpu.memory_space<vmem>> -> memref<128x16xf32, #tpu.memory_space<vmem>>
    %dma_start3A_18 = arith.constant 0 : i32
    %dma_start3A_19 = tpu.memref_slice %arg7[%dma_start3A, %dma_start3A_11, %dma_start3A_18] : memref<80x2x128xi32, #tpu.memory_space<vmem>> -> memref<1x1x128xi32, #tpu.memory_space<vmem>>
    %dma_start3A_20 = tpu.memref_squeeze %dma_start3A_19 : memref<1x1x128xi32, #tpu.memory_space<vmem>> -> memref<128xi32, #tpu.memory_space<vmem>>
    %dma_start3A_21 = arith.constant 0 : i32
    %dma_start3A_22 = arith.constant 0 : i32
    %dma_start3A_23 = tpu.memref_slice %arg2[%dma_start3A_21, %dma_start3A_22] : memref<10240x16xf32, #tpu.memory_space<hbm>> -> memref<10240x16xf32, #tpu.memory_space<hbm>>
    tpu.enqueue_indirect_dma source(%dma_start3A_23 : memref<10240x16xf32, #tpu.memory_space<hbm>>) target(%dma_start3A_17 : memref<128x16xf32, #tpu.memory_space<vmem>>) offsets(%dma_start3A_20 : memref<128xi32, #tpu.memory_space<vmem>>) semaphore(%arg10 : memref<!tpu.dma_semaphore, #tpu.memory_space<semaphore_mem>>)
    %dma_start3A_24 = arith.constant 1 : i32
    %dma_start3A_25 = arith.constant 0 : i32
    %dma_start3A_26 = arith.constant 0 : i32
    %dma_start3A_27 = arith.constant 1 : i32
    %dma_start3A_28 = arith.constant 0 : i32
    %dma_start3A_29 = arith.constant 0 : i32
    %dma_start3A_30 = tpu.memref_slice %arg8[%dma_start3A_26, %dma_start3A_27, %dma_start3A_28, %dma_start3A_29] : memref<3x8x128x16xf32, #tpu.memory_space<vmem>> -> memref<1x1x128x16xf32, #tpu.memory_space<vmem>>
    %dma_start3A_31 = tpu.memref_squeeze %dma_start3A_30 : memref<1x1x128x16xf32, #tpu.memory_space<vmem>> -> memref<128x16xf32, #tpu.memory_space<vmem>>
    %dma_start3A_32 = arith.constant 0 : i32
    %dma_start3A_33 = tpu.memref_slice %arg7[%dma_start3A_24, %dma_start3A_25, %dma_start3A_32] : memref<80x2x128xi32, #tpu.memory_space<vmem>> -> memref<1x1x128xi32, #tpu.memory_space<vmem>>
    %dma_start3A_34 = tpu.memref_squeeze %dma_start3A_33 : memref<1x1x128xi32, #tpu.memory_space<vmem>> -> memref<128xi32, #tpu.memory_space<vmem>>
    %dma_start3A_35 = arith.constant 0 : i32
    %dma_start3A_36 = arith.constant 0 : i32
    %dma_start3A_37 = tpu.memref_slice %arg2[%dma_start3A_35, %dma_start3A_36] : memref<10240x16xf32, #tpu.memory_space<hbm>> -> memref<10240x16xf32, #tpu.memory_space<hbm>>
    tpu.enqueue_indirect_dma source(%dma_start3A_37 : memref<10240x16xf32, #tpu.memory_space<hbm>>) target(%dma_start3A_31 : memref<128x16xf32, #tpu.memory_space<vmem>>) offsets(%dma_start3A_34 : memref<128xi32, #tpu.memory_space<vmem>>) semaphore(%arg10 : memref<!tpu.dma_semaphore, #tpu.memory_space<semaphore_mem>>)
    %dma_start3A_38 = arith.constant 2 : i32
    %dma_start3A_39 = arith.constant 0 : i32
    %dma_start3A_40 = arith.constant 0 : i32
    %dma_start3A_41 = arith.constant 2 : i32
    %dma_start3A_42 = arith.constant 0 : i32
    %dma_start3A_43 = arith.constant 0 : i32
    %dma_start3A_44 = tpu.memref_slice %arg8[%dma_start3A_40, %dma_start3A_41, %dma_start3A_42, %dma_start3A_43] : memref<3x8x128x16xf32, #tpu.memory_space<vmem>> -> memref<1x1x128x16xf32, #tpu.memory_space<vmem>>
    %dma_start3A_45 = tpu.memref_squeeze %dma_start3A_44 : memref<1x1x128x16xf32, #tpu.memory_space<vmem>> -> memref<128x16xf32, #tpu.memory_space<vmem>>
    %dma_start3A_46 = arith.constant 0 : i32
    %dma_start3A_47 = tpu.memref_slice %arg7[%dma_start3A_38, %dma_start3A_39, %dma_start3A_46] : memref<80x2x128xi32, #tpu.memory_space<vmem>> -> memref<1x1x128xi32, #tpu.memory_space<vmem>>
    %dma_start3A_48 = tpu.memref_squeeze %dma_start3A_47 : memref<1x1x128xi32, #tpu.memory_space<vmem>> -> memref<128xi32, #tpu.memory_space<vmem>>
    %dma_start3A_49 = arith.constant 0 : i32
    %dma_start3A_50 = arith.constant 0 : i32
    %dma_start3A_51 = tpu.memref_slice %arg2[%dma_start3A_49, %dma_start3A_50] : memref<10240x16xf32, #tpu.memory_space<hbm>> -> memref<10240x16xf32, #tpu.memory_space<hbm>>
    tpu.enqueue_indirect_dma source(%dma_start3A_51 : memref<10240x16xf32, #tpu.memory_space<hbm>>) target(%dma_start3A_45 : memref<128x16xf32, #tpu.memory_space<vmem>>) offsets(%dma_start3A_48 : memref<128xi32, #tpu.memory_space<vmem>>) semaphore(%arg10 : memref<!tpu.dma_semaphore, #tpu.memory_space<semaphore_mem>>)
    %dma_start3A_52 = arith.constant 3 : i32
    %dma_start3A_53 = arith.constant 0 : i32
    %dma_start3A_54 = arith.constant 0 : i32
    %dma_start3A_55 = arith.constant 3 : i32
    %dma_start3A_56 = arith.constant 0 : i32
    %dma_start3A_57 = arith.constant 0 : i32
    %dma_start3A_58 = tpu.memref_slice %arg8[%dma_start3A_54, %dma_start3A_55, %dma_start3A_56, %dma_start3A_57] : memref<3x8x128x16xf32, #tpu.memory_space<vmem>> -> memref<1x1x128x16xf32, #tpu.memory_space<vmem>>
    %dma_start3A_59 = tpu.memref_squeeze %dma_start3A_58 : memref<1x1x128x16xf32, #tpu.memory_space<vmem>> -> memref<128x16xf32, #tpu.memory_space<vmem>>
    %dma_start3A_60 = arith.constant 0 : i32
    %dma_start3A_61 = tpu.memref_slice %arg7[%dma_start3A_52, %dma_start3A_53, %dma_start3A_60] : memref<80x2x128xi32, #tpu.memory_space<vmem>> -> memref<1x1x128xi32, #tpu.memory_space<vmem>>
    %dma_start3A_62 = tpu.memref_squeeze %dma_start3A_61 : memref<1x1x128xi32, #tpu.memory_space<vmem>> -> memref<128xi32, #tpu.memory_space<vmem>>
    %dma_start3A_63 = arith.constant 0 : i32
    %dma_start3A_64 = arith.constant 0 : i32
    %dma_start3A_65 = tpu.memref_slice %arg2[%dma_start3A_63, %dma_start3A_64] : memref<10240x16xf32, #tpu.memory_space<hbm>> -> memref<10240x16xf32, #tpu.memory_space<hbm>>
    tpu.enqueue_indirect_dma source(%dma_start3A_65 : memref<10240x16xf32, #tpu.memory_space<hbm>>) target(%dma_start3A_59 : memref<128x16xf32, #tpu.memory_space<vmem>>) offsets(%dma_start3A_62 : memref<128xi32, #tpu.memory_space<vmem>>) semaphore(%arg10 : memref<!tpu.dma_semaphore, #tpu.memory_space<semaphore_mem>>)
    %dma_start3A_66 = arith.constant 4 : i32
    %dma_start3A_67 = arith.constant 0 : i32
    %dma_start3A_68 = arith.constant 0 : i32
    %dma_start3A_69 = arith.constant 4 : i32
    %dma_start3A_70 = arith.constant 0 : i32
    %dma_start3A_71 = arith.constant 0 : i32
    %dma_start3A_72 = tpu.memref_slice %arg8[%dma_start3A_68, %dma_start3A_69, %dma_start3A_70, %dma_start3A_71] : memref<3x8x128x16xf32, #tpu.memory_space<vmem>> -> memref<1x1x128x16xf32, #tpu.memory_space<vmem>>
    %dma_start3A_73 = tpu.memref_squeeze %dma_start3A_72 : memref<1x1x128x16xf32, #tpu.memory_space<vmem>> -> memref<128x16xf32, #tpu.memory_space<vmem>>
    %dma_start3A_74 = arith.constant 0 : i32
    %dma_start3A_75 = tpu.memref_slice %arg7[%dma_start3A_66, %dma_start3A_67, %dma_start3A_74] : memref<80x2x128xi32, #tpu.memory_space<vmem>> -> memref<1x1x128xi32, #tpu.memory_space<vmem>>
    %dma_start3A_76 = tpu.memref_squeeze %dma_start3A_75 : memref<1x1x128xi32, #tpu.memory_space<vmem>> -> memref<128xi32, #tpu.memory_space<vmem>>
    %dma_start3A_77 = arith.constant 0 : i32
    %dma_start3A_78 = arith.constant 0 : i32
    %dma_start3A_79 = tpu.memref_slice %arg2[%dma_start3A_77, %dma_start3A_78] : memref<10240x16xf32, #tpu.memory_space<hbm>> -> memref<10240x16xf32, #tpu.memory_space<hbm>>
    tpu.enqueue_indirect_dma source(%dma_start3A_79 : memref<10240x16xf32, #tpu.memory_space<hbm>>) target(%dma_start3A_73 : memref<128x16xf32, #tpu.memory_space<vmem>>) offsets(%dma_start3A_76 : memref<128xi32, #tpu.memory_space<vmem>>) semaphore(%arg10 : memref<!tpu.dma_semaphore, #tpu.memory_space<semaphore_mem>>)
    %dma_start3A_80 = arith.constant 5 : i32
    %dma_start3A_81 = arith.constant 0 : i32
    %dma_start3A_82 = arith.constant 0 : i32
    %dma_start3A_83 = arith.constant 5 : i32
    %dma_start3A_84 = arith.constant 0 : i32
    %dma_start3A_85 = arith.constant 0 : i32
    %dma_start3A_86 = tpu.memref_slice %arg8[%dma_start3A_82, %dma_start3A_83, %dma_start3A_84, %dma_start3A_85] : memref<3x8x128x16xf32, #tpu.memory_space<vmem>> -> memref<1x1x128x16xf32, #tpu.memory_space<vmem>>
    %dma_start3A_87 = tpu.memref_squeeze %dma_start3A_86 : memref<1x1x128x16xf32, #tpu.memory_space<vmem>> -> memref<128x16xf32, #tpu.memory_space<vmem>>
    %dma_start3A_88 = arith.constant 0 : i32
    %dma_start3A_89 = tpu.memref_slice %arg7[%dma_start3A_80, %dma_start3A_81, %dma_start3A_88] : memref<80x2x128xi32, #tpu.memory_space<vmem>> -> memref<1x1x128xi32, #tpu.memory_space<vmem>>
    %dma_start3A_90 = tpu.memref_squeeze %dma_start3A_89 : memref<1x1x128xi32, #tpu.memory_space<vmem>> -> memref<128xi32, #tpu.memory_space<vmem>>
    %dma_start3A_91 = arith.constant 0 : i32
    %dma_start3A_92 = arith.constant 0 : i32
    %dma_start3A_93 = tpu.memref_slice %arg2[%dma_start3A_91, %dma_start3A_92] : memref<10240x16xf32, #tpu.memory_space<hbm>> -> memref<10240x16xf32, #tpu.memory_space<hbm>>
    tpu.enqueue_indirect_dma source(%dma_start3A_93 : memref<10240x16xf32, #tpu.memory_space<hbm>>) target(%dma_start3A_87 : memref<128x16xf32, #tpu.memory_space<vmem>>) offsets(%dma_start3A_90 : memref<128xi32, #tpu.memory_space<vmem>>) semaphore(%arg10 : memref<!tpu.dma_semaphore, #tpu.memory_space<semaphore_mem>>)
    %dma_start3A_94 = arith.constant 6 : i32
    %dma_start3A_95 = arith.constant 0 : i32
    %dma_start3A_96 = arith.constant 0 : i32
    %dma_start3A_97 = arith.constant 6 : i32
    %dma_start3A_98 = arith.constant 0 : i32
    %dma_start3A_99 = arith.constant 0 : i32
    %dma_start3A_100 = tpu.memref_slice %arg8[%dma_start3A_96, %dma_start3A_97, %dma_start3A_98, %dma_start3A_99] : memref<3x8x128x16xf32, #tpu.memory_space<vmem>> -> memref<1x1x128x16xf32, #tpu.memory_space<vmem>>
    %dma_start3A_101 = tpu.memref_squeeze %dma_start3A_100 : memref<1x1x128x16xf32, #tpu.memory_space<vmem>> -> memref<128x16xf32, #tpu.memory_space<vmem>>
    %dma_start3A_102 = arith.constant 0 : i32
    %dma_start3A_103 = tpu.memref_slice %arg7[%dma_start3A_94, %dma_start3A_95, %dma_start3A_102] : memref<80x2x128xi32, #tpu.memory_space<vmem>> -> memref<1x1x128xi32, #tpu.memory_space<vmem>>
    %dma_start3A_104 = tpu.memref_squeeze %dma_start3A_103 : memref<1x1x128xi32, #tpu.memory_space<vmem>> -> memref<128xi32, #tpu.memory_space<vmem>>
    %dma_start3A_105 = arith.constant 0 : i32
    %dma_start3A_106 = arith.constant 0 : i32
    %dma_start3A_107 = tpu.memref_slice %arg2[%dma_start3A_105, %dma_start3A_106] : memref<10240x16xf32, #tpu.memory_space<hbm>> -> memref<10240x16xf32, #tpu.memory_space<hbm>>
    tpu.enqueue_indirect_dma source(%dma_start3A_107 : memref<10240x16xf32, #tpu.memory_space<hbm>>) target(%dma_start3A_101 : memref<128x16xf32, #tpu.memory_space<vmem>>) offsets(%dma_start3A_104 : memref<128xi32, #tpu.memory_space<vmem>>) semaphore(%arg10 : memref<!tpu.dma_semaphore, #tpu.memory_space<semaphore_mem>>)
    %dma_start3A_108 = arith.constant 7 : i32
    %dma_start3A_109 = arith.constant 0 : i32
    %dma_start3A_110 = arith.constant 0 : i32
    %dma_start3A_111 = arith.constant 7 : i32
    %dma_start3A_112 = arith.constant 0 : i32
    %dma_start3A_113 = arith.constant 0 : i32
    %dma_start3A_114 = tpu.memref_slice %arg8[%dma_start3A_110, %dma_start3A_111, %dma_start3A_112, %dma_start3A_113] : memref<3x8x128x16xf32, #tpu.memory_space<vmem>> -> memref<1x1x128x16xf32, #tpu.memory_space<vmem>>
    %dma_start3A_115 = tpu.memref_squeeze %dma_start3A_114 : memref<1x1x128x16xf32, #tpu.memory_space<vmem>> -> memref<128x16xf32, #tpu.memory_space<vmem>>
    %dma_start3A_116 = arith.constant 0 : i32
    %dma_start3A_117 = tpu.memref_slice %arg7[%dma_start3A_108, %dma_start3A_109, %dma_start3A_116] : memref<80x2x128xi32, #tpu.memory_space<vmem>> -> memref<1x1x128xi32, #tpu.memory_space<vmem>>
    %dma_start3A_118 = tpu.memref_squeeze %dma_start3A_117 : memref<1x1x128xi32, #tpu.memory_space<vmem>> -> memref<128xi32, #tpu.memory_space<vmem>>
    %dma_start3A_119 = arith.constant 0 : i32
    %dma_start3A_120 = arith.constant 0 : i32
    %dma_start3A_121 = tpu.memref_slice %arg2[%dma_start3A_119, %dma_start3A_120] : memref<10240x16xf32, #tpu.memory_space<hbm>> -> memref<10240x16xf32, #tpu.memory_space<hbm>>
    tpu.enqueue_indirect_dma source(%dma_start3A_121 : memref<10240x16xf32, #tpu.memory_space<hbm>>) target(%dma_start3A_115 : memref<128x16xf32, #tpu.memory_space<vmem>>) offsets(%dma_start3A_118 : memref<128xi32, #tpu.memory_space<vmem>>) semaphore(%arg10 : memref<!tpu.dma_semaphore, #tpu.memory_space<semaphore_mem>>)
    %scan3A = arith.constant 0 : i32
    %scan3A_122 = arith.constant 0 : i32
    %scan3A_123 = arith.constant 10 : i32
    %scan3A_124 = arith.addi %scan3A_122, %scan3A_123 : i32
    %scan3A_125 = arith.constant 1 : i32
    scf.for %scan3A_355 = %scan3A_122 to %scan3A_124 step %scan3A_125  : i32 {
      %jit3A = arith.constant 3 : i32
      %eq3A_356 = arith.constant 0 : i32
      %eq3A_357 = arith.cmpi eq, %jit3A, %eq3A_356 : i32
      %jit3A_358 = arith.constant 1 : i32
      %select_n3A = arith.select %eq3A_357, %jit3A_358, %jit3A : i32
      %rem3A = arith.remsi %scan3A_355, %select_n3A : i32
      %ne3A = arith.constant 0 : i32
      %ne3A_359 = arith.cmpi ne, %rem3A, %ne3A : i32
      %lt3A_360 = arith.constant 0 : i32
      %lt3A_361 = arith.cmpi slt, %rem3A, %lt3A_360 : i32
      %lt3A_362 = arith.constant 0 : i32
      %lt3A_363 = arith.cmpi slt, %select_n3A, %lt3A_362 : i32
      %ne3A_364 = arith.xori %lt3A_361, %lt3A_363 : i1
      %and3A = arith.andi %ne3A_364, %ne3A_359 : i1
      %add3A_365 = arith.addi %rem3A, %select_n3A : i32
      %select_n3A_366 = arith.select %and3A, %add3A_365, %rem3A : i32
      %gt3A = arith.constant 1 : i32
      %gt3A_367 = arith.cmpi sgt, %scan3A_355, %gt3A : i32
      %convert_element_type3A_368 = arith.extui %gt3A_367 : i1 to i32
      %cond3A_369 = arith.constant 0 : i32
      %cond3A_370 = arith.cmpi ne, %convert_element_type3A_368, %cond3A_369 : i32
      scf.if %cond3A_370 {
        %sub3A = arith.constant 2 : i32
        %sub3A_634 = arith.subi %scan3A_355, %sub3A : i32
        %sub3A_635 = arith.constant 2 : i32
        %sub3A_636 = arith.subi %scan3A_355, %sub3A_635 : i32
        %jit3A_637 = arith.constant 3 : i32
        %eq3A_638 = arith.constant 0 : i32
        %eq3A_639 = arith.cmpi eq, %jit3A_637, %eq3A_638 : i32
        %jit3A_640 = arith.constant 1 : i32
        %select_n3A_641 = arith.select %eq3A_639, %jit3A_640, %jit3A_637 : i32
        %rem3A_642 = arith.remsi %sub3A_636, %select_n3A_641 : i32
        %ne3A_643 = arith.constant 0 : i32
        %ne3A_644 = arith.cmpi ne, %rem3A_642, %ne3A_643 : i32
        %lt3A_645 = arith.constant 0 : i32
        %lt3A_646 = arith.cmpi slt, %rem3A_642, %lt3A_645 : i32
        %lt3A_647 = arith.constant 0 : i32
        %lt3A_648 = arith.cmpi slt, %select_n3A_641, %lt3A_647 : i32
        %ne3A_649 = arith.xori %lt3A_646, %lt3A_648 : i1
        %and3A_650 = arith.andi %ne3A_649, %ne3A_644 : i1
        %add3A_651 = arith.addi %rem3A_642, %select_n3A_641 : i32
        %select_n3A_652 = arith.select %and3A_650, %add3A_651, %rem3A_642 : i32
        %mul3A_653 = arith.constant 8 : i32
        %mul3A_654 = arith.muli %sub3A_634, %mul3A_653 : i32
        %add3A_655 = arith.constant 0 : i32
        %add3A_656 = arith.addi %mul3A_654, %add3A_655 : i32
        %dma_wait3A_657 = arith.constant 0 : i32
        %dma_wait3A_658 = arith.constant 1 : i32
        %dma_wait3A_659 = arith.constant 0 : i32
        %dma_wait3A_660 = arith.constant 0 : i32
        %dma_wait3A_661 = tpu.memref_slice %arg8[%select_n3A_652, %dma_wait3A_657, %dma_wait3A_659, %dma_wait3A_660] : memref<3x8x128x16xf32, #tpu.memory_space<vmem>> -> memref<1x1x128x16xf32, #tpu.memory_space<vmem>>
        %dma_wait3A_662 = tpu.memref_squeeze %dma_wait3A_661 : memref<1x1x128x16xf32, #tpu.memory_space<vmem>> -> memref<128x16xf32, #tpu.memory_space<vmem>>
        %dma_wait3A_663 = arith.constant 0 : i32
        %dma_wait3A_664 = tpu.memref_slice %arg7[%add3A_656, %dma_wait3A_658, %dma_wait3A_663] : memref<80x2x128xi32, #tpu.memory_space<vmem>> -> memref<1x1x128xi32, #tpu.memory_space<vmem>>
        %dma_wait3A_665 = tpu.memref_squeeze %dma_wait3A_664 : memref<1x1x128xi32, #tpu.memory_space<vmem>> -> memref<128xi32, #tpu.memory_space<vmem>>
        %dma_wait3A_666 = arith.constant 0 : i32
        %dma_wait3A_667 = arith.constant 0 : i32
        %dma_wait3A_668 = tpu.memref_slice %arg9[%dma_wait3A_666, %dma_wait3A_667] : memref<10240x16xf32, #tpu.memory_space<vmem_shared>> -> memref<10240x16xf32, #tpu.memory_space<vmem_shared>>
        tpu.wait_indirect_dma semaphore(%arg11 : memref<!tpu.dma_semaphore, #tpu.memory_space<semaphore_mem>>) src(%dma_wait3A_662 : memref<128x16xf32, #tpu.memory_space<vmem>>) dst(%dma_wait3A_668 : memref<10240x16xf32, #tpu.memory_space<vmem_shared>>)
        %mul3A_669 = arith.constant 8 : i32
        %mul3A_670 = arith.muli %sub3A_634, %mul3A_669 : i32
        %add3A_671 = arith.constant 1 : i32
        %add3A_672 = arith.addi %mul3A_670, %add3A_671 : i32
        %dma_wait3A_673 = arith.constant 1 : i32
        %dma_wait3A_674 = arith.constant 1 : i32
        %dma_wait3A_675 = arith.constant 0 : i32
        %dma_wait3A_676 = arith.constant 0 : i32
        %dma_wait3A_677 = tpu.memref_slice %arg8[%select_n3A_652, %dma_wait3A_673, %dma_wait3A_675, %dma_wait3A_676] : memref<3x8x128x16xf32, #tpu.memory_space<vmem>> -> memref<1x1x128x16xf32, #tpu.memory_space<vmem>>
        %dma_wait3A_678 = tpu.memref_squeeze %dma_wait3A_677 : memref<1x1x128x16xf32, #tpu.memory_space<vmem>> -> memref<128x16xf32, #tpu.memory_space<vmem>>
        %dma_wait3A_679 = arith.constant 0 : i32
        %dma_wait3A_680 = tpu.memref_slice %arg7[%add3A_672, %dma_wait3A_674, %dma_wait3A_679] : memref<80x2x128xi32, #tpu.memory_space<vmem>> -> memref<1x1x128xi32, #tpu.memory_space<vmem>>
        %dma_wait3A_681 = tpu.memref_squeeze %dma_wait3A_680 : memref<1x1x128xi32, #tpu.memory_space<vmem>> -> memref<128xi32, #tpu.memory_space<vmem>>
        %dma_wait3A_682 = arith.constant 0 : i32
        %dma_wait3A_683 = arith.constant 0 : i32
        %dma_wait3A_684 = tpu.memref_slice %arg9[%dma_wait3A_682, %dma_wait3A_683] : memref<10240x16xf32, #tpu.memory_space<vmem_shared>> -> memref<10240x16xf32, #tpu.memory_space<vmem_shared>>
        tpu.wait_indirect_dma semaphore(%arg11 : memref<!tpu.dma_semaphore, #tpu.memory_space<semaphore_mem>>) src(%dma_wait3A_678 : memref<128x16xf32, #tpu.memory_space<vmem>>) dst(%dma_wait3A_684 : memref<10240x16xf32, #tpu.memory_space<vmem_shared>>)
        %mul3A_685 = arith.constant 8 : i32
        %mul3A_686 = arith.muli %sub3A_634, %mul3A_685 : i32
        %add3A_687 = arith.constant 2 : i32
        %add3A_688 = arith.addi %mul3A_686, %add3A_687 : i32
        %dma_wait3A_689 = arith.constant 2 : i32
        %dma_wait3A_690 = arith.constant 1 : i32
        %dma_wait3A_691 = arith.constant 0 : i32
        %dma_wait3A_692 = arith.constant 0 : i32
        %dma_wait3A_693 = tpu.memref_slice %arg8[%select_n3A_652, %dma_wait3A_689, %dma_wait3A_691, %dma_wait3A_692] : memref<3x8x128x16xf32, #tpu.memory_space<vmem>> -> memref<1x1x128x16xf32, #tpu.memory_space<vmem>>
        %dma_wait3A_694 = tpu.memref_squeeze %dma_wait3A_693 : memref<1x1x128x16xf32, #tpu.memory_space<vmem>> -> memref<128x16xf32, #tpu.memory_space<vmem>>
        %dma_wait3A_695 = arith.constant 0 : i32
        %dma_wait3A_696 = tpu.memref_slice %arg7[%add3A_688, %dma_wait3A_690, %dma_wait3A_695] : memref<80x2x128xi32, #tpu.memory_space<vmem>> -> memref<1x1x128xi32, #tpu.memory_space<vmem>>
        %dma_wait3A_697 = tpu.memref_squeeze %dma_wait3A_696 : memref<1x1x128xi32, #tpu.memory_space<vmem>> -> memref<128xi32, #tpu.memory_space<vmem>>
        %dma_wait3A_698 = arith.constant 0 : i32
        %dma_wait3A_699 = arith.constant 0 : i32
        %dma_wait3A_700 = tpu.memref_slice %arg9[%dma_wait3A_698, %dma_wait3A_699] : memref<10240x16xf32, #tpu.memory_space<vmem_shared>> -> memref<10240x16xf32, #tpu.memory_space<vmem_shared>>
        tpu.wait_indirect_dma semaphore(%arg11 : memref<!tpu.dma_semaphore, #tpu.memory_space<semaphore_mem>>) src(%dma_wait3A_694 : memref<128x16xf32, #tpu.memory_space<vmem>>) dst(%dma_wait3A_700 : memref<10240x16xf32, #tpu.memory_space<vmem_shared>>)
        %mul3A_701 = arith.constant 8 : i32
        %mul3A_702 = arith.muli %sub3A_634, %mul3A_701 : i32
        %add3A_703 = arith.constant 3 : i32
        %add3A_704 = arith.addi %mul3A_702, %add3A_703 : i32
        %dma_wait3A_705 = arith.constant 3 : i32
        %dma_wait3A_706 = arith.constant 1 : i32
        %dma_wait3A_707 = arith.constant 0 : i32
        %dma_wait3A_708 = arith.constant 0 : i32
        %dma_wait3A_709 = tpu.memref_slice %arg8[%select_n3A_652, %dma_wait3A_705, %dma_wait3A_707, %dma_wait3A_708] : memref<3x8x128x16xf32, #tpu.memory_space<vmem>> -> memref<1x1x128x16xf32, #tpu.memory_space<vmem>>
        %dma_wait3A_710 = tpu.memref_squeeze %dma_wait3A_709 : memref<1x1x128x16xf32, #tpu.memory_space<vmem>> -> memref<128x16xf32, #tpu.memory_space<vmem>>
        %dma_wait3A_711 = arith.constant 0 : i32
        %dma_wait3A_712 = tpu.memref_slice %arg7[%add3A_704, %dma_wait3A_706, %dma_wait3A_711] : memref<80x2x128xi32, #tpu.memory_space<vmem>> -> memref<1x1x128xi32, #tpu.memory_space<vmem>>
        %dma_wait3A_713 = tpu.memref_squeeze %dma_wait3A_712 : memref<1x1x128xi32, #tpu.memory_space<vmem>> -> memref<128xi32, #tpu.memory_space<vmem>>
        %dma_wait3A_714 = arith.constant 0 : i32
        %dma_wait3A_715 = arith.constant 0 : i32
        %dma_wait3A_716 = tpu.memref_slice %arg9[%dma_wait3A_714, %dma_wait3A_715] : memref<10240x16xf32, #tpu.memory_space<vmem_shared>> -> memref<10240x16xf32, #tpu.memory_space<vmem_shared>>
        tpu.wait_indirect_dma semaphore(%arg11 : memref<!tpu.dma_semaphore, #tpu.memory_space<semaphore_mem>>) src(%dma_wait3A_710 : memref<128x16xf32, #tpu.memory_space<vmem>>) dst(%dma_wait3A_716 : memref<10240x16xf32, #tpu.memory_space<vmem_shared>>)
        %mul3A_717 = arith.constant 8 : i32
        %mul3A_718 = arith.muli %sub3A_634, %mul3A_717 : i32
        %add3A_719 = arith.constant 4 : i32
        %add3A_720 = arith.addi %mul3A_718, %add3A_719 : i32
        %dma_wait3A_721 = arith.constant 4 : i32
        %dma_wait3A_722 = arith.constant 1 : i32
        %dma_wait3A_723 = arith.constant 0 : i32
        %dma_wait3A_724 = arith.constant 0 : i32
        %dma_wait3A_725 = tpu.memref_slice %arg8[%select_n3A_652, %dma_wait3A_721, %dma_wait3A_723, %dma_wait3A_724] : memref<3x8x128x16xf32, #tpu.memory_space<vmem>> -> memref<1x1x128x16xf32, #tpu.memory_space<vmem>>
        %dma_wait3A_726 = tpu.memref_squeeze %dma_wait3A_725 : memref<1x1x128x16xf32, #tpu.memory_space<vmem>> -> memref<128x16xf32, #tpu.memory_space<vmem>>
        %dma_wait3A_727 = arith.constant 0 : i32
        %dma_wait3A_728 = tpu.memref_slice %arg7[%add3A_720, %dma_wait3A_722, %dma_wait3A_727] : memref<80x2x128xi32, #tpu.memory_space<vmem>> -> memref<1x1x128xi32, #tpu.memory_space<vmem>>
        %dma_wait3A_729 = tpu.memref_squeeze %dma_wait3A_728 : memref<1x1x128xi32, #tpu.memory_space<vmem>> -> memref<128xi32, #tpu.memory_space<vmem>>
        %dma_wait3A_730 = arith.constant 0 : i32
        %dma_wait3A_731 = arith.constant 0 : i32
        %dma_wait3A_732 = tpu.memref_slice %arg9[%dma_wait3A_730, %dma_wait3A_731] : memref<10240x16xf32, #tpu.memory_space<vmem_shared>> -> memref<10240x16xf32, #tpu.memory_space<vmem_shared>>
        tpu.wait_indirect_dma semaphore(%arg11 : memref<!tpu.dma_semaphore, #tpu.memory_space<semaphore_mem>>) src(%dma_wait3A_726 : memref<128x16xf32, #tpu.memory_space<vmem>>) dst(%dma_wait3A_732 : memref<10240x16xf32, #tpu.memory_space<vmem_shared>>)
        %mul3A_733 = arith.constant 8 : i32
        %mul3A_734 = arith.muli %sub3A_634, %mul3A_733 : i32
        %add3A_735 = arith.constant 5 : i32
        %add3A_736 = arith.addi %mul3A_734, %add3A_735 : i32
        %dma_wait3A_737 = arith.constant 5 : i32
        %dma_wait3A_738 = arith.constant 1 : i32
        %dma_wait3A_739 = arith.constant 0 : i32
        %dma_wait3A_740 = arith.constant 0 : i32
        %dma_wait3A_741 = tpu.memref_slice %arg8[%select_n3A_652, %dma_wait3A_737, %dma_wait3A_739, %dma_wait3A_740] : memref<3x8x128x16xf32, #tpu.memory_space<vmem>> -> memref<1x1x128x16xf32, #tpu.memory_space<vmem>>
        %dma_wait3A_742 = tpu.memref_squeeze %dma_wait3A_741 : memref<1x1x128x16xf32, #tpu.memory_space<vmem>> -> memref<128x16xf32, #tpu.memory_space<vmem>>
        %dma_wait3A_743 = arith.constant 0 : i32
        %dma_wait3A_744 = tpu.memref_slice %arg7[%add3A_736, %dma_wait3A_738, %dma_wait3A_743] : memref<80x2x128xi32, #tpu.memory_space<vmem>> -> memref<1x1x128xi32, #tpu.memory_space<vmem>>
        %dma_wait3A_745 = tpu.memref_squeeze %dma_wait3A_744 : memref<1x1x128xi32, #tpu.memory_space<vmem>> -> memref<128xi32, #tpu.memory_space<vmem>>
        %dma_wait3A_746 = arith.constant 0 : i32
        %dma_wait3A_747 = arith.constant 0 : i32
        %dma_wait3A_748 = tpu.memref_slice %arg9[%dma_wait3A_746, %dma_wait3A_747] : memref<10240x16xf32, #tpu.memory_space<vmem_shared>> -> memref<10240x16xf32, #tpu.memory_space<vmem_shared>>
        tpu.wait_indirect_dma semaphore(%arg11 : memref<!tpu.dma_semaphore, #tpu.memory_space<semaphore_mem>>) src(%dma_wait3A_742 : memref<128x16xf32, #tpu.memory_space<vmem>>) dst(%dma_wait3A_748 : memref<10240x16xf32, #tpu.memory_space<vmem_shared>>)
        %mul3A_749 = arith.constant 8 : i32
        %mul3A_750 = arith.muli %sub3A_634, %mul3A_749 : i32
        %add3A_751 = arith.constant 6 : i32
        %add3A_752 = arith.addi %mul3A_750, %add3A_751 : i32
        %dma_wait3A_753 = arith.constant 6 : i32
        %dma_wait3A_754 = arith.constant 1 : i32
        %dma_wait3A_755 = arith.constant 0 : i32
        %dma_wait3A_756 = arith.constant 0 : i32
        %dma_wait3A_757 = tpu.memref_slice %arg8[%select_n3A_652, %dma_wait3A_753, %dma_wait3A_755, %dma_wait3A_756] : memref<3x8x128x16xf32, #tpu.memory_space<vmem>> -> memref<1x1x128x16xf32, #tpu.memory_space<vmem>>
        %dma_wait3A_758 = tpu.memref_squeeze %dma_wait3A_757 : memref<1x1x128x16xf32, #tpu.memory_space<vmem>> -> memref<128x16xf32, #tpu.memory_space<vmem>>
        %dma_wait3A_759 = arith.constant 0 : i32
        %dma_wait3A_760 = tpu.memref_slice %arg7[%add3A_752, %dma_wait3A_754, %dma_wait3A_759] : memref<80x2x128xi32, #tpu.memory_space<vmem>> -> memref<1x1x128xi32, #tpu.memory_space<vmem>>
        %dma_wait3A_761 = tpu.memref_squeeze %dma_wait3A_760 : memref<1x1x128xi32, #tpu.memory_space<vmem>> -> memref<128xi32, #tpu.memory_space<vmem>>
        %dma_wait3A_762 = arith.constant 0 : i32
        %dma_wait3A_763 = arith.constant 0 : i32
        %dma_wait3A_764 = tpu.memref_slice %arg9[%dma_wait3A_762, %dma_wait3A_763] : memref<10240x16xf32, #tpu.memory_space<vmem_shared>> -> memref<10240x16xf32, #tpu.memory_space<vmem_shared>>
        tpu.wait_indirect_dma semaphore(%arg11 : memref<!tpu.dma_semaphore, #tpu.memory_space<semaphore_mem>>) src(%dma_wait3A_758 : memref<128x16xf32, #tpu.memory_space<vmem>>) dst(%dma_wait3A_764 : memref<10240x16xf32, #tpu.memory_space<vmem_shared>>)
        %mul3A_765 = arith.constant 8 : i32
        %mul3A_766 = arith.muli %sub3A_634, %mul3A_765 : i32
        %add3A_767 = arith.constant 7 : i32
        %add3A_768 = arith.addi %mul3A_766, %add3A_767 : i32
        %dma_wait3A_769 = arith.constant 7 : i32
        %dma_wait3A_770 = arith.constant 1 : i32
        %dma_wait3A_771 = arith.constant 0 : i32
        %dma_wait3A_772 = arith.constant 0 : i32
        %dma_wait3A_773 = tpu.memref_slice %arg8[%select_n3A_652, %dma_wait3A_769, %dma_wait3A_771, %dma_wait3A_772] : memref<3x8x128x16xf32, #tpu.memory_space<vmem>> -> memref<1x1x128x16xf32, #tpu.memory_space<vmem>>
        %dma_wait3A_774 = tpu.memref_squeeze %dma_wait3A_773 : memref<1x1x128x16xf32, #tpu.memory_space<vmem>> -> memref<128x16xf32, #tpu.memory_space<vmem>>
        %dma_wait3A_775 = arith.constant 0 : i32
        %dma_wait3A_776 = tpu.memref_slice %arg7[%add3A_768, %dma_wait3A_770, %dma_wait3A_775] : memref<80x2x128xi32, #tpu.memory_space<vmem>> -> memref<1x1x128xi32, #tpu.memory_space<vmem>>
        %dma_wait3A_777 = tpu.memref_squeeze %dma_wait3A_776 : memref<1x1x128xi32, #tpu.memory_space<vmem>> -> memref<128xi32, #tpu.memory_space<vmem>>
        %dma_wait3A_778 = arith.constant 0 : i32
        %dma_wait3A_779 = arith.constant 0 : i32
        %dma_wait3A_780 = tpu.memref_slice %arg9[%dma_wait3A_778, %dma_wait3A_779] : memref<10240x16xf32, #tpu.memory_space<vmem_shared>> -> memref<10240x16xf32, #tpu.memory_space<vmem_shared>>
        tpu.wait_indirect_dma semaphore(%arg11 : memref<!tpu.dma_semaphore, #tpu.memory_space<semaphore_mem>>) src(%dma_wait3A_774 : memref<128x16xf32, #tpu.memory_space<vmem>>) dst(%dma_wait3A_780 : memref<10240x16xf32, #tpu.memory_space<vmem_shared>>)
      } else {
      }
      %add3A_371 = arith.constant 1 : i32
      %add3A_372 = arith.addi %scan3A_355, %add3A_371 : i32
      %lt3A_373 = arith.constant 10 : i32
      %lt3A_374 = arith.cmpi slt, %add3A_372, %lt3A_373 : i32
      %convert_element_type3A_375 = arith.extui %lt3A_374 : i1 to i32
      %cond3A_376 = arith.constant 0 : i32
      %cond3A_377 = arith.cmpi ne, %convert_element_type3A_375, %cond3A_376 : i32
      scf.if %cond3A_377 {
        %add3A_634 = arith.constant 1 : i32
        %add3A_635 = arith.addi %scan3A_355, %add3A_634 : i32
        %add3A_636 = arith.constant 1 : i32
        %add3A_637 = arith.addi %scan3A_355, %add3A_636 : i32
        %jit3A_638 = arith.constant 3 : i32
        %eq3A_639 = arith.constant 0 : i32
        %eq3A_640 = arith.cmpi eq, %jit3A_638, %eq3A_639 : i32
        %jit3A_641 = arith.constant 1 : i32
        %select_n3A_642 = arith.select %eq3A_640, %jit3A_641, %jit3A_638 : i32
        %rem3A_643 = arith.remsi %add3A_637, %select_n3A_642 : i32
        %ne3A_644 = arith.constant 0 : i32
        %ne3A_645 = arith.cmpi ne, %rem3A_643, %ne3A_644 : i32
        %lt3A_646 = arith.constant 0 : i32
        %lt3A_647 = arith.cmpi slt, %rem3A_643, %lt3A_646 : i32
        %lt3A_648 = arith.constant 0 : i32
        %lt3A_649 = arith.cmpi slt, %select_n3A_642, %lt3A_648 : i32
        %ne3A_650 = arith.xori %lt3A_647, %lt3A_649 : i1
        %and3A_651 = arith.andi %ne3A_650, %ne3A_645 : i1
        %add3A_652 = arith.addi %rem3A_643, %select_n3A_642 : i32
        %select_n3A_653 = arith.select %and3A_651, %add3A_652, %rem3A_643 : i32
        %mul3A_654 = arith.constant 8 : i32
        %mul3A_655 = arith.muli %add3A_635, %mul3A_654 : i32
        %add3A_656 = arith.constant 0 : i32
        %add3A_657 = arith.addi %mul3A_655, %add3A_656 : i32
        %dma_start3A_658 = arith.constant 0 : i32
        %dma_start3A_659 = arith.constant 0 : i32
        %dma_start3A_660 = arith.constant 0 : i32
        %dma_start3A_661 = arith.constant 0 : i32
        %dma_start3A_662 = tpu.memref_slice %arg8[%select_n3A_653, %dma_start3A_659, %dma_start3A_660, %dma_start3A_661] : memref<3x8x128x16xf32, #tpu.memory_space<vmem>> -> memref<1x1x128x16xf32, #tpu.memory_space<vmem>>
        %dma_start3A_663 = tpu.memref_squeeze %dma_start3A_662 : memref<1x1x128x16xf32, #tpu.memory_space<vmem>> -> memref<128x16xf32, #tpu.memory_space<vmem>>
        %dma_start3A_664 = arith.constant 0 : i32
        %dma_start3A_665 = tpu.memref_slice %arg7[%add3A_657, %dma_start3A_658, %dma_start3A_664] : memref<80x2x128xi32, #tpu.memory_space<vmem>> -> memref<1x1x128xi32, #tpu.memory_space<vmem>>
        %dma_start3A_666 = tpu.memref_squeeze %dma_start3A_665 : memref<1x1x128xi32, #tpu.memory_space<vmem>> -> memref<128xi32, #tpu.memory_space<vmem>>
        %dma_start3A_667 = arith.constant 0 : i32
        %dma_start3A_668 = arith.constant 0 : i32
        %dma_start3A_669 = tpu.memref_slice %arg2[%dma_start3A_667, %dma_start3A_668] : memref<10240x16xf32, #tpu.memory_space<hbm>> -> memref<10240x16xf32, #tpu.memory_space<hbm>>
        tpu.enqueue_indirect_dma source(%dma_start3A_669 : memref<10240x16xf32, #tpu.memory_space<hbm>>) target(%dma_start3A_663 : memref<128x16xf32, #tpu.memory_space<vmem>>) offsets(%dma_start3A_666 : memref<128xi32, #tpu.memory_space<vmem>>) semaphore(%arg10 : memref<!tpu.dma_semaphore, #tpu.memory_space<semaphore_mem>>)
        %mul3A_670 = arith.constant 8 : i32
        %mul3A_671 = arith.muli %add3A_635, %mul3A_670 : i32
        %add3A_672 = arith.constant 1 : i32
        %add3A_673 = arith.addi %mul3A_671, %add3A_672 : i32
        %dma_start3A_674 = arith.constant 0 : i32
        %dma_start3A_675 = arith.constant 1 : i32
        %dma_start3A_676 = arith.constant 0 : i32
        %dma_start3A_677 = arith.constant 0 : i32
        %dma_start3A_678 = tpu.memref_slice %arg8[%select_n3A_653, %dma_start3A_675, %dma_start3A_676, %dma_start3A_677] : memref<3x8x128x16xf32, #tpu.memory_space<vmem>> -> memref<1x1x128x16xf32, #tpu.memory_space<vmem>>
        %dma_start3A_679 = tpu.memref_squeeze %dma_start3A_678 : memref<1x1x128x16xf32, #tpu.memory_space<vmem>> -> memref<128x16xf32, #tpu.memory_space<vmem>>
        %dma_start3A_680 = arith.constant 0 : i32
        %dma_start3A_681 = tpu.memref_slice %arg7[%add3A_673, %dma_start3A_674, %dma_start3A_680] : memref<80x2x128xi32, #tpu.memory_space<vmem>> -> memref<1x1x128xi32, #tpu.memory_space<vmem>>
        %dma_start3A_682 = tpu.memref_squeeze %dma_start3A_681 : memref<1x1x128xi32, #tpu.memory_space<vmem>> -> memref<128xi32, #tpu.memory_space<vmem>>
        %dma_start3A_683 = arith.constant 0 : i32
        %dma_start3A_684 = arith.constant 0 : i32
        %dma_start3A_685 = tpu.memref_slice %arg2[%dma_start3A_683, %dma_start3A_684] : memref<10240x16xf32, #tpu.memory_space<hbm>> -> memref<10240x16xf32, #tpu.memory_space<hbm>>
        tpu.enqueue_indirect_dma source(%dma_start3A_685 : memref<10240x16xf32, #tpu.memory_space<hbm>>) target(%dma_start3A_679 : memref<128x16xf32, #tpu.memory_space<vmem>>) offsets(%dma_start3A_682 : memref<128xi32, #tpu.memory_space<vmem>>) semaphore(%arg10 : memref<!tpu.dma_semaphore, #tpu.memory_space<semaphore_mem>>)
        %mul3A_686 = arith.constant 8 : i32
        %mul3A_687 = arith.muli %add3A_635, %mul3A_686 : i32
        %add3A_688 = arith.constant 2 : i32
        %add3A_689 = arith.addi %mul3A_687, %add3A_688 : i32
        %dma_start3A_690 = arith.constant 0 : i32
        %dma_start3A_691 = arith.constant 2 : i32
        %dma_start3A_692 = arith.constant 0 : i32
        %dma_start3A_693 = arith.constant 0 : i32
        %dma_start3A_694 = tpu.memref_slice %arg8[%select_n3A_653, %dma_start3A_691, %dma_start3A_692, %dma_start3A_693] : memref<3x8x128x16xf32, #tpu.memory_space<vmem>> -> memref<1x1x128x16xf32, #tpu.memory_space<vmem>>
        %dma_start3A_695 = tpu.memref_squeeze %dma_start3A_694 : memref<1x1x128x16xf32, #tpu.memory_space<vmem>> -> memref<128x16xf32, #tpu.memory_space<vmem>>
        %dma_start3A_696 = arith.constant 0 : i32
        %dma_start3A_697 = tpu.memref_slice %arg7[%add3A_689, %dma_start3A_690, %dma_start3A_696] : memref<80x2x128xi32, #tpu.memory_space<vmem>> -> memref<1x1x128xi32, #tpu.memory_space<vmem>>
        %dma_start3A_698 = tpu.memref_squeeze %dma_start3A_697 : memref<1x1x128xi32, #tpu.memory_space<vmem>> -> memref<128xi32, #tpu.memory_space<vmem>>
        %dma_start3A_699 = arith.constant 0 : i32
        %dma_start3A_700 = arith.constant 0 : i32
        %dma_start3A_701 = tpu.memref_slice %arg2[%dma_start3A_699, %dma_start3A_700] : memref<10240x16xf32, #tpu.memory_space<hbm>> -> memref<10240x16xf32, #tpu.memory_space<hbm>>
        tpu.enqueue_indirect_dma source(%dma_start3A_701 : memref<10240x16xf32, #tpu.memory_space<hbm>>) target(%dma_start3A_695 : memref<128x16xf32, #tpu.memory_space<vmem>>) offsets(%dma_start3A_698 : memref<128xi32, #tpu.memory_space<vmem>>) semaphore(%arg10 : memref<!tpu.dma_semaphore, #tpu.memory_space<semaphore_mem>>)
        %mul3A_702 = arith.constant 8 : i32
        %mul3A_703 = arith.muli %add3A_635, %mul3A_702 : i32
        %add3A_704 = arith.constant 3 : i32
        %add3A_705 = arith.addi %mul3A_703, %add3A_704 : i32
        %dma_start3A_706 = arith.constant 0 : i32
        %dma_start3A_707 = arith.constant 3 : i32
        %dma_start3A_708 = arith.constant 0 : i32
        %dma_start3A_709 = arith.constant 0 : i32
        %dma_start3A_710 = tpu.memref_slice %arg8[%select_n3A_653, %dma_start3A_707, %dma_start3A_708, %dma_start3A_709] : memref<3x8x128x16xf32, #tpu.memory_space<vmem>> -> memref<1x1x128x16xf32, #tpu.memory_space<vmem>>
        %dma_start3A_711 = tpu.memref_squeeze %dma_start3A_710 : memref<1x1x128x16xf32, #tpu.memory_space<vmem>> -> memref<128x16xf32, #tpu.memory_space<vmem>>
        %dma_start3A_712 = arith.constant 0 : i32
        %dma_start3A_713 = tpu.memref_slice %arg7[%add3A_705, %dma_start3A_706, %dma_start3A_712] : memref<80x2x128xi32, #tpu.memory_space<vmem>> -> memref<1x1x128xi32, #tpu.memory_space<vmem>>
        %dma_start3A_714 = tpu.memref_squeeze %dma_start3A_713 : memref<1x1x128xi32, #tpu.memory_space<vmem>> -> memref<128xi32, #tpu.memory_space<vmem>>
        %dma_start3A_715 = arith.constant 0 : i32
        %dma_start3A_716 = arith.constant 0 : i32
        %dma_start3A_717 = tpu.memref_slice %arg2[%dma_start3A_715, %dma_start3A_716] : memref<10240x16xf32, #tpu.memory_space<hbm>> -> memref<10240x16xf32, #tpu.memory_space<hbm>>
        tpu.enqueue_indirect_dma source(%dma_start3A_717 : memref<10240x16xf32, #tpu.memory_space<hbm>>) target(%dma_start3A_711 : memref<128x16xf32, #tpu.memory_space<vmem>>) offsets(%dma_start3A_714 : memref<128xi32, #tpu.memory_space<vmem>>) semaphore(%arg10 : memref<!tpu.dma_semaphore, #tpu.memory_space<semaphore_mem>>)
        %mul3A_718 = arith.constant 8 : i32
        %mul3A_719 = arith.muli %add3A_635, %mul3A_718 : i32
        %add3A_720 = arith.constant 4 : i32
        %add3A_721 = arith.addi %mul3A_719, %add3A_720 : i32
        %dma_start3A_722 = arith.constant 0 : i32
        %dma_start3A_723 = arith.constant 4 : i32
        %dma_start3A_724 = arith.constant 0 : i32
        %dma_start3A_725 = arith.constant 0 : i32
        %dma_start3A_726 = tpu.memref_slice %arg8[%select_n3A_653, %dma_start3A_723, %dma_start3A_724, %dma_start3A_725] : memref<3x8x128x16xf32, #tpu.memory_space<vmem>> -> memref<1x1x128x16xf32, #tpu.memory_space<vmem>>
        %dma_start3A_727 = tpu.memref_squeeze %dma_start3A_726 : memref<1x1x128x16xf32, #tpu.memory_space<vmem>> -> memref<128x16xf32, #tpu.memory_space<vmem>>
        %dma_start3A_728 = arith.constant 0 : i32
        %dma_start3A_729 = tpu.memref_slice %arg7[%add3A_721, %dma_start3A_722, %dma_start3A_728] : memref<80x2x128xi32, #tpu.memory_space<vmem>> -> memref<1x1x128xi32, #tpu.memory_space<vmem>>
        %dma_start3A_730 = tpu.memref_squeeze %dma_start3A_729 : memref<1x1x128xi32, #tpu.memory_space<vmem>> -> memref<128xi32, #tpu.memory_space<vmem>>
        %dma_start3A_731 = arith.constant 0 : i32
        %dma_start3A_732 = arith.constant 0 : i32
        %dma_start3A_733 = tpu.memref_slice %arg2[%dma_start3A_731, %dma_start3A_732] : memref<10240x16xf32, #tpu.memory_space<hbm>> -> memref<10240x16xf32, #tpu.memory_space<hbm>>
        tpu.enqueue_indirect_dma source(%dma_start3A_733 : memref<10240x16xf32, #tpu.memory_space<hbm>>) target(%dma_start3A_727 : memref<128x16xf32, #tpu.memory_space<vmem>>) offsets(%dma_start3A_730 : memref<128xi32, #tpu.memory_space<vmem>>) semaphore(%arg10 : memref<!tpu.dma_semaphore, #tpu.memory_space<semaphore_mem>>)
        %mul3A_734 = arith.constant 8 : i32
        %mul3A_735 = arith.muli %add3A_635, %mul3A_734 : i32
        %add3A_736 = arith.constant 5 : i32
        %add3A_737 = arith.addi %mul3A_735, %add3A_736 : i32
        %dma_start3A_738 = arith.constant 0 : i32
        %dma_start3A_739 = arith.constant 5 : i32
        %dma_start3A_740 = arith.constant 0 : i32
        %dma_start3A_741 = arith.constant 0 : i32
        %dma_start3A_742 = tpu.memref_slice %arg8[%select_n3A_653, %dma_start3A_739, %dma_start3A_740, %dma_start3A_741] : memref<3x8x128x16xf32, #tpu.memory_space<vmem>> -> memref<1x1x128x16xf32, #tpu.memory_space<vmem>>
        %dma_start3A_743 = tpu.memref_squeeze %dma_start3A_742 : memref<1x1x128x16xf32, #tpu.memory_space<vmem>> -> memref<128x16xf32, #tpu.memory_space<vmem>>
        %dma_start3A_744 = arith.constant 0 : i32
        %dma_start3A_745 = tpu.memref_slice %arg7[%add3A_737, %dma_start3A_738, %dma_start3A_744] : memref<80x2x128xi32, #tpu.memory_space<vmem>> -> memref<1x1x128xi32, #tpu.memory_space<vmem>>
        %dma_start3A_746 = tpu.memref_squeeze %dma_start3A_745 : memref<1x1x128xi32, #tpu.memory_space<vmem>> -> memref<128xi32, #tpu.memory_space<vmem>>
        %dma_start3A_747 = arith.constant 0 : i32
        %dma_start3A_748 = arith.constant 0 : i32
        %dma_start3A_749 = tpu.memref_slice %arg2[%dma_start3A_747, %dma_start3A_748] : memref<10240x16xf32, #tpu.memory_space<hbm>> -> memref<10240x16xf32, #tpu.memory_space<hbm>>
        tpu.enqueue_indirect_dma source(%dma_start3A_749 : memref<10240x16xf32, #tpu.memory_space<hbm>>) target(%dma_start3A_743 : memref<128x16xf32, #tpu.memory_space<vmem>>) offsets(%dma_start3A_746 : memref<128xi32, #tpu.memory_space<vmem>>) semaphore(%arg10 : memref<!tpu.dma_semaphore, #tpu.memory_space<semaphore_mem>>)
        %mul3A_750 = arith.constant 8 : i32
        %mul3A_751 = arith.muli %add3A_635, %mul3A_750 : i32
        %add3A_752 = arith.constant 6 : i32
        %add3A_753 = arith.addi %mul3A_751, %add3A_752 : i32
        %dma_start3A_754 = arith.constant 0 : i32
        %dma_start3A_755 = arith.constant 6 : i32
        %dma_start3A_756 = arith.constant 0 : i32
        %dma_start3A_757 = arith.constant 0 : i32
        %dma_start3A_758 = tpu.memref_slice %arg8[%select_n3A_653, %dma_start3A_755, %dma_start3A_756, %dma_start3A_757] : memref<3x8x128x16xf32, #tpu.memory_space<vmem>> -> memref<1x1x128x16xf32, #tpu.memory_space<vmem>>
        %dma_start3A_759 = tpu.memref_squeeze %dma_start3A_758 : memref<1x1x128x16xf32, #tpu.memory_space<vmem>> -> memref<128x16xf32, #tpu.memory_space<vmem>>
        %dma_start3A_760 = arith.constant 0 : i32
        %dma_start3A_761 = tpu.memref_slice %arg7[%add3A_753, %dma_start3A_754, %dma_start3A_760] : memref<80x2x128xi32, #tpu.memory_space<vmem>> -> memref<1x1x128xi32, #tpu.memory_space<vmem>>
        %dma_start3A_762 = tpu.memref_squeeze %dma_start3A_761 : memref<1x1x128xi32, #tpu.memory_space<vmem>> -> memref<128xi32, #tpu.memory_space<vmem>>
        %dma_start3A_763 = arith.constant 0 : i32
        %dma_start3A_764 = arith.constant 0 : i32
        %dma_start3A_765 = tpu.memref_slice %arg2[%dma_start3A_763, %dma_start3A_764] : memref<10240x16xf32, #tpu.memory_space<hbm>> -> memref<10240x16xf32, #tpu.memory_space<hbm>>
        tpu.enqueue_indirect_dma source(%dma_start3A_765 : memref<10240x16xf32, #tpu.memory_space<hbm>>) target(%dma_start3A_759 : memref<128x16xf32, #tpu.memory_space<vmem>>) offsets(%dma_start3A_762 : memref<128xi32, #tpu.memory_space<vmem>>) semaphore(%arg10 : memref<!tpu.dma_semaphore, #tpu.memory_space<semaphore_mem>>)
        %mul3A_766 = arith.constant 8 : i32
        %mul3A_767 = arith.muli %add3A_635, %mul3A_766 : i32
        %add3A_768 = arith.constant 7 : i32
        %add3A_769 = arith.addi %mul3A_767, %add3A_768 : i32
        %dma_start3A_770 = arith.constant 0 : i32
        %dma_start3A_771 = arith.constant 7 : i32
        %dma_start3A_772 = arith.constant 0 : i32
        %dma_start3A_773 = arith.constant 0 : i32
        %dma_start3A_774 = tpu.memref_slice %arg8[%select_n3A_653, %dma_start3A_771, %dma_start3A_772, %dma_start3A_773] : memref<3x8x128x16xf32, #tpu.memory_space<vmem>> -> memref<1x1x128x16xf32, #tpu.memory_space<vmem>>
        %dma_start3A_775 = tpu.memref_squeeze %dma_start3A_774 : memref<1x1x128x16xf32, #tpu.memory_space<vmem>> -> memref<128x16xf32, #tpu.memory_space<vmem>>
        %dma_start3A_776 = arith.constant 0 : i32
        %dma_start3A_777 = tpu.memref_slice %arg7[%add3A_769, %dma_start3A_770, %dma_start3A_776] : memref<80x2x128xi32, #tpu.memory_space<vmem>> -> memref<1x1x128xi32, #tpu.memory_space<vmem>>
        %dma_start3A_778 = tpu.memref_squeeze %dma_start3A_777 : memref<1x1x128xi32, #tpu.memory_space<vmem>> -> memref<128xi32, #tpu.memory_space<vmem>>
        %dma_start3A_779 = arith.constant 0 : i32
        %dma_start3A_780 = arith.constant 0 : i32
        %dma_start3A_781 = tpu.memref_slice %arg2[%dma_start3A_779, %dma_start3A_780] : memref<10240x16xf32, #tpu.memory_space<hbm>> -> memref<10240x16xf32, #tpu.memory_space<hbm>>
        tpu.enqueue_indirect_dma source(%dma_start3A_781 : memref<10240x16xf32, #tpu.memory_space<hbm>>) target(%dma_start3A_775 : memref<128x16xf32, #tpu.memory_space<vmem>>) offsets(%dma_start3A_778 : memref<128xi32, #tpu.memory_space<vmem>>) semaphore(%arg10 : memref<!tpu.dma_semaphore, #tpu.memory_space<semaphore_mem>>)
      } else {
      }
      %mul3A_378 = arith.constant 8 : i32
      %mul3A_379 = arith.muli %scan3A_355, %mul3A_378 : i32
      %add3A_380 = arith.constant 0 : i32
      %add3A_381 = arith.addi %mul3A_379, %add3A_380 : i32
      %dma_wait3A_382 = arith.constant 0 : i32
      %dma_wait3A_383 = arith.constant 0 : i32
      %dma_wait3A_384 = arith.constant 0 : i32
      %dma_wait3A_385 = arith.constant 0 : i32
      %dma_wait3A_386 = tpu.memref_slice %arg8[%select_n3A_366, %dma_wait3A_383, %dma_wait3A_384, %dma_wait3A_385] : memref<3x8x128x16xf32, #tpu.memory_space<vmem>> -> memref<1x1x128x16xf32, #tpu.memory_space<vmem>>
      %dma_wait3A_387 = tpu.memref_squeeze %dma_wait3A_386 : memref<1x1x128x16xf32, #tpu.memory_space<vmem>> -> memref<128x16xf32, #tpu.memory_space<vmem>>
      %dma_wait3A_388 = arith.constant 0 : i32
      %dma_wait3A_389 = tpu.memref_slice %arg7[%add3A_381, %dma_wait3A_382, %dma_wait3A_388] : memref<80x2x128xi32, #tpu.memory_space<vmem>> -> memref<1x1x128xi32, #tpu.memory_space<vmem>>
      %dma_wait3A_390 = tpu.memref_squeeze %dma_wait3A_389 : memref<1x1x128xi32, #tpu.memory_space<vmem>> -> memref<128xi32, #tpu.memory_space<vmem>>
      %dma_wait3A_391 = arith.constant 0 : i32
      %dma_wait3A_392 = arith.constant 0 : i32
      %dma_wait3A_393 = tpu.memref_slice %arg2[%dma_wait3A_391, %dma_wait3A_392] : memref<10240x16xf32, #tpu.memory_space<hbm>> -> memref<10240x16xf32, #tpu.memory_space<hbm>>
      tpu.wait_indirect_dma semaphore(%arg10 : memref<!tpu.dma_semaphore, #tpu.memory_space<semaphore_mem>>) src(%dma_wait3A_393 : memref<10240x16xf32, #tpu.memory_space<hbm>>) dst(%dma_wait3A_387 : memref<128x16xf32, #tpu.memory_space<vmem>>)
      %mul3A_394 = arith.constant 8 : i32
      %mul3A_395 = arith.muli %scan3A_355, %mul3A_394 : i32
      %add3A_396 = arith.constant 1 : i32
      %add3A_397 = arith.addi %mul3A_395, %add3A_396 : i32
      %dma_wait3A_398 = arith.constant 0 : i32
      %dma_wait3A_399 = arith.constant 1 : i32
      %dma_wait3A_400 = arith.constant 0 : i32
      %dma_wait3A_401 = arith.constant 0 : i32
      %dma_wait3A_402 = tpu.memref_slice %arg8[%select_n3A_366, %dma_wait3A_399, %dma_wait3A_400, %dma_wait3A_401] : memref<3x8x128x16xf32, #tpu.memory_space<vmem>> -> memref<1x1x128x16xf32, #tpu.memory_space<vmem>>
      %dma_wait3A_403 = tpu.memref_squeeze %dma_wait3A_402 : memref<1x1x128x16xf32, #tpu.memory_space<vmem>> -> memref<128x16xf32, #tpu.memory_space<vmem>>
      %dma_wait3A_404 = arith.constant 0 : i32
      %dma_wait3A_405 = tpu.memref_slice %arg7[%add3A_397, %dma_wait3A_398, %dma_wait3A_404] : memref<80x2x128xi32, #tpu.memory_space<vmem>> -> memref<1x1x128xi32, #tpu.memory_space<vmem>>
      %dma_wait3A_406 = tpu.memref_squeeze %dma_wait3A_405 : memref<1x1x128xi32, #tpu.memory_space<vmem>> -> memref<128xi32, #tpu.memory_space<vmem>>
      %dma_wait3A_407 = arith.constant 0 : i32
      %dma_wait3A_408 = arith.constant 0 : i32
      %dma_wait3A_409 = tpu.memref_slice %arg2[%dma_wait3A_407, %dma_wait3A_408] : memref<10240x16xf32, #tpu.memory_space<hbm>> -> memref<10240x16xf32, #tpu.memory_space<hbm>>
      tpu.wait_indirect_dma semaphore(%arg10 : memref<!tpu.dma_semaphore, #tpu.memory_space<semaphore_mem>>) src(%dma_wait3A_409 : memref<10240x16xf32, #tpu.memory_space<hbm>>) dst(%dma_wait3A_403 : memref<128x16xf32, #tpu.memory_space<vmem>>)
      %mul3A_410 = arith.constant 8 : i32
      %mul3A_411 = arith.muli %scan3A_355, %mul3A_410 : i32
      %add3A_412 = arith.constant 2 : i32
      %add3A_413 = arith.addi %mul3A_411, %add3A_412 : i32
      %dma_wait3A_414 = arith.constant 0 : i32
      %dma_wait3A_415 = arith.constant 2 : i32
      %dma_wait3A_416 = arith.constant 0 : i32
      %dma_wait3A_417 = arith.constant 0 : i32
      %dma_wait3A_418 = tpu.memref_slice %arg8[%select_n3A_366, %dma_wait3A_415, %dma_wait3A_416, %dma_wait3A_417] : memref<3x8x128x16xf32, #tpu.memory_space<vmem>> -> memref<1x1x128x16xf32, #tpu.memory_space<vmem>>
      %dma_wait3A_419 = tpu.memref_squeeze %dma_wait3A_418 : memref<1x1x128x16xf32, #tpu.memory_space<vmem>> -> memref<128x16xf32, #tpu.memory_space<vmem>>
      %dma_wait3A_420 = arith.constant 0 : i32
      %dma_wait3A_421 = tpu.memref_slice %arg7[%add3A_413, %dma_wait3A_414, %dma_wait3A_420] : memref<80x2x128xi32, #tpu.memory_space<vmem>> -> memref<1x1x128xi32, #tpu.memory_space<vmem>>
      %dma_wait3A_422 = tpu.memref_squeeze %dma_wait3A_421 : memref<1x1x128xi32, #tpu.memory_space<vmem>> -> memref<128xi32, #tpu.memory_space<vmem>>
      %dma_wait3A_423 = arith.constant 0 : i32
      %dma_wait3A_424 = arith.constant 0 : i32
      %dma_wait3A_425 = tpu.memref_slice %arg2[%dma_wait3A_423, %dma_wait3A_424] : memref<10240x16xf32, #tpu.memory_space<hbm>> -> memref<10240x16xf32, #tpu.memory_space<hbm>>
      tpu.wait_indirect_dma semaphore(%arg10 : memref<!tpu.dma_semaphore, #tpu.memory_space<semaphore_mem>>) src(%dma_wait3A_425 : memref<10240x16xf32, #tpu.memory_space<hbm>>) dst(%dma_wait3A_419 : memref<128x16xf32, #tpu.memory_space<vmem>>)
      %mul3A_426 = arith.constant 8 : i32
      %mul3A_427 = arith.muli %scan3A_355, %mul3A_426 : i32
      %add3A_428 = arith.constant 3 : i32
      %add3A_429 = arith.addi %mul3A_427, %add3A_428 : i32
      %dma_wait3A_430 = arith.constant 0 : i32
      %dma_wait3A_431 = arith.constant 3 : i32
      %dma_wait3A_432 = arith.constant 0 : i32
      %dma_wait3A_433 = arith.constant 0 : i32
      %dma_wait3A_434 = tpu.memref_slice %arg8[%select_n3A_366, %dma_wait3A_431, %dma_wait3A_432, %dma_wait3A_433] : memref<3x8x128x16xf32, #tpu.memory_space<vmem>> -> memref<1x1x128x16xf32, #tpu.memory_space<vmem>>
      %dma_wait3A_435 = tpu.memref_squeeze %dma_wait3A_434 : memref<1x1x128x16xf32, #tpu.memory_space<vmem>> -> memref<128x16xf32, #tpu.memory_space<vmem>>
      %dma_wait3A_436 = arith.constant 0 : i32
      %dma_wait3A_437 = tpu.memref_slice %arg7[%add3A_429, %dma_wait3A_430, %dma_wait3A_436] : memref<80x2x128xi32, #tpu.memory_space<vmem>> -> memref<1x1x128xi32, #tpu.memory_space<vmem>>
      %dma_wait3A_438 = tpu.memref_squeeze %dma_wait3A_437 : memref<1x1x128xi32, #tpu.memory_space<vmem>> -> memref<128xi32, #tpu.memory_space<vmem>>
      %dma_wait3A_439 = arith.constant 0 : i32
      %dma_wait3A_440 = arith.constant 0 : i32
      %dma_wait3A_441 = tpu.memref_slice %arg2[%dma_wait3A_439, %dma_wait3A_440] : memref<10240x16xf32, #tpu.memory_space<hbm>> -> memref<10240x16xf32, #tpu.memory_space<hbm>>
      tpu.wait_indirect_dma semaphore(%arg10 : memref<!tpu.dma_semaphore, #tpu.memory_space<semaphore_mem>>) src(%dma_wait3A_441 : memref<10240x16xf32, #tpu.memory_space<hbm>>) dst(%dma_wait3A_435 : memref<128x16xf32, #tpu.memory_space<vmem>>)
      %mul3A_442 = arith.constant 8 : i32
      %mul3A_443 = arith.muli %scan3A_355, %mul3A_442 : i32
      %add3A_444 = arith.constant 4 : i32
      %add3A_445 = arith.addi %mul3A_443, %add3A_444 : i32
      %dma_wait3A_446 = arith.constant 0 : i32
      %dma_wait3A_447 = arith.constant 4 : i32
      %dma_wait3A_448 = arith.constant 0 : i32
      %dma_wait3A_449 = arith.constant 0 : i32
      %dma_wait3A_450 = tpu.memref_slice %arg8[%select_n3A_366, %dma_wait3A_447, %dma_wait3A_448, %dma_wait3A_449] : memref<3x8x128x16xf32, #tpu.memory_space<vmem>> -> memref<1x1x128x16xf32, #tpu.memory_space<vmem>>
      %dma_wait3A_451 = tpu.memref_squeeze %dma_wait3A_450 : memref<1x1x128x16xf32, #tpu.memory_space<vmem>> -> memref<128x16xf32, #tpu.memory_space<vmem>>
      %dma_wait3A_452 = arith.constant 0 : i32
      %dma_wait3A_453 = tpu.memref_slice %arg7[%add3A_445, %dma_wait3A_446, %dma_wait3A_452] : memref<80x2x128xi32, #tpu.memory_space<vmem>> -> memref<1x1x128xi32, #tpu.memory_space<vmem>>
      %dma_wait3A_454 = tpu.memref_squeeze %dma_wait3A_453 : memref<1x1x128xi32, #tpu.memory_space<vmem>> -> memref<128xi32, #tpu.memory_space<vmem>>
      %dma_wait3A_455 = arith.constant 0 : i32
      %dma_wait3A_456 = arith.constant 0 : i32
      %dma_wait3A_457 = tpu.memref_slice %arg2[%dma_wait3A_455, %dma_wait3A_456] : memref<10240x16xf32, #tpu.memory_space<hbm>> -> memref<10240x16xf32, #tpu.memory_space<hbm>>
      tpu.wait_indirect_dma semaphore(%arg10 : memref<!tpu.dma_semaphore, #tpu.memory_space<semaphore_mem>>) src(%dma_wait3A_457 : memref<10240x16xf32, #tpu.memory_space<hbm>>) dst(%dma_wait3A_451 : memref<128x16xf32, #tpu.memory_space<vmem>>)
      %mul3A_458 = arith.constant 8 : i32
      %mul3A_459 = arith.muli %scan3A_355, %mul3A_458 : i32
      %add3A_460 = arith.constant 5 : i32
      %add3A_461 = arith.addi %mul3A_459, %add3A_460 : i32
      %dma_wait3A_462 = arith.constant 0 : i32
      %dma_wait3A_463 = arith.constant 5 : i32
      %dma_wait3A_464 = arith.constant 0 : i32
      %dma_wait3A_465 = arith.constant 0 : i32
      %dma_wait3A_466 = tpu.memref_slice %arg8[%select_n3A_366, %dma_wait3A_463, %dma_wait3A_464, %dma_wait3A_465] : memref<3x8x128x16xf32, #tpu.memory_space<vmem>> -> memref<1x1x128x16xf32, #tpu.memory_space<vmem>>
      %dma_wait3A_467 = tpu.memref_squeeze %dma_wait3A_466 : memref<1x1x128x16xf32, #tpu.memory_space<vmem>> -> memref<128x16xf32, #tpu.memory_space<vmem>>
      %dma_wait3A_468 = arith.constant 0 : i32
      %dma_wait3A_469 = tpu.memref_slice %arg7[%add3A_461, %dma_wait3A_462, %dma_wait3A_468] : memref<80x2x128xi32, #tpu.memory_space<vmem>> -> memref<1x1x128xi32, #tpu.memory_space<vmem>>
      %dma_wait3A_470 = tpu.memref_squeeze %dma_wait3A_469 : memref<1x1x128xi32, #tpu.memory_space<vmem>> -> memref<128xi32, #tpu.memory_space<vmem>>
      %dma_wait3A_471 = arith.constant 0 : i32
      %dma_wait3A_472 = arith.constant 0 : i32
      %dma_wait3A_473 = tpu.memref_slice %arg2[%dma_wait3A_471, %dma_wait3A_472] : memref<10240x16xf32, #tpu.memory_space<hbm>> -> memref<10240x16xf32, #tpu.memory_space<hbm>>
      tpu.wait_indirect_dma semaphore(%arg10 : memref<!tpu.dma_semaphore, #tpu.memory_space<semaphore_mem>>) src(%dma_wait3A_473 : memref<10240x16xf32, #tpu.memory_space<hbm>>) dst(%dma_wait3A_467 : memref<128x16xf32, #tpu.memory_space<vmem>>)
      %mul3A_474 = arith.constant 8 : i32
      %mul3A_475 = arith.muli %scan3A_355, %mul3A_474 : i32
      %add3A_476 = arith.constant 6 : i32
      %add3A_477 = arith.addi %mul3A_475, %add3A_476 : i32
      %dma_wait3A_478 = arith.constant 0 : i32
      %dma_wait3A_479 = arith.constant 6 : i32
      %dma_wait3A_480 = arith.constant 0 : i32
      %dma_wait3A_481 = arith.constant 0 : i32
      %dma_wait3A_482 = tpu.memref_slice %arg8[%select_n3A_366, %dma_wait3A_479, %dma_wait3A_480, %dma_wait3A_481] : memref<3x8x128x16xf32, #tpu.memory_space<vmem>> -> memref<1x1x128x16xf32, #tpu.memory_space<vmem>>
      %dma_wait3A_483 = tpu.memref_squeeze %dma_wait3A_482 : memref<1x1x128x16xf32, #tpu.memory_space<vmem>> -> memref<128x16xf32, #tpu.memory_space<vmem>>
      %dma_wait3A_484 = arith.constant 0 : i32
      %dma_wait3A_485 = tpu.memref_slice %arg7[%add3A_477, %dma_wait3A_478, %dma_wait3A_484] : memref<80x2x128xi32, #tpu.memory_space<vmem>> -> memref<1x1x128xi32, #tpu.memory_space<vmem>>
      %dma_wait3A_486 = tpu.memref_squeeze %dma_wait3A_485 : memref<1x1x128xi32, #tpu.memory_space<vmem>> -> memref<128xi32, #tpu.memory_space<vmem>>
      %dma_wait3A_487 = arith.constant 0 : i32
      %dma_wait3A_488 = arith.constant 0 : i32
      %dma_wait3A_489 = tpu.memref_slice %arg2[%dma_wait3A_487, %dma_wait3A_488] : memref<10240x16xf32, #tpu.memory_space<hbm>> -> memref<10240x16xf32, #tpu.memory_space<hbm>>
      tpu.wait_indirect_dma semaphore(%arg10 : memref<!tpu.dma_semaphore, #tpu.memory_space<semaphore_mem>>) src(%dma_wait3A_489 : memref<10240x16xf32, #tpu.memory_space<hbm>>) dst(%dma_wait3A_483 : memref<128x16xf32, #tpu.memory_space<vmem>>)
      %mul3A_490 = arith.constant 8 : i32
      %mul3A_491 = arith.muli %scan3A_355, %mul3A_490 : i32
      %add3A_492 = arith.constant 7 : i32
      %add3A_493 = arith.addi %mul3A_491, %add3A_492 : i32
      %dma_wait3A_494 = arith.constant 0 : i32
      %dma_wait3A_495 = arith.constant 7 : i32
      %dma_wait3A_496 = arith.constant 0 : i32
      %dma_wait3A_497 = arith.constant 0 : i32
      %dma_wait3A_498 = tpu.memref_slice %arg8[%select_n3A_366, %dma_wait3A_495, %dma_wait3A_496, %dma_wait3A_497] : memref<3x8x128x16xf32, #tpu.memory_space<vmem>> -> memref<1x1x128x16xf32, #tpu.memory_space<vmem>>
      %dma_wait3A_499 = tpu.memref_squeeze %dma_wait3A_498 : memref<1x1x128x16xf32, #tpu.memory_space<vmem>> -> memref<128x16xf32, #tpu.memory_space<vmem>>
      %dma_wait3A_500 = arith.constant 0 : i32
      %dma_wait3A_501 = tpu.memref_slice %arg7[%add3A_493, %dma_wait3A_494, %dma_wait3A_500] : memref<80x2x128xi32, #tpu.memory_space<vmem>> -> memref<1x1x128xi32, #tpu.memory_space<vmem>>
      %dma_wait3A_502 = tpu.memref_squeeze %dma_wait3A_501 : memref<1x1x128xi32, #tpu.memory_space<vmem>> -> memref<128xi32, #tpu.memory_space<vmem>>
      %dma_wait3A_503 = arith.constant 0 : i32
      %dma_wait3A_504 = arith.constant 0 : i32
      %dma_wait3A_505 = tpu.memref_slice %arg2[%dma_wait3A_503, %dma_wait3A_504] : memref<10240x16xf32, #tpu.memory_space<hbm>> -> memref<10240x16xf32, #tpu.memory_space<hbm>>
      tpu.wait_indirect_dma semaphore(%arg10 : memref<!tpu.dma_semaphore, #tpu.memory_space<semaphore_mem>>) src(%dma_wait3A_505 : memref<10240x16xf32, #tpu.memory_space<hbm>>) dst(%dma_wait3A_499 : memref<128x16xf32, #tpu.memory_space<vmem>>)
      %mul3A_506 = arith.constant 8 : i32
      %mul3A_507 = arith.muli %scan3A_355, %mul3A_506 : i32
      %add3A_508 = arith.constant 0 : i32
      %add3A_509 = arith.addi %mul3A_507, %add3A_508 : i32
      %dma_start3A_510 = arith.constant 0 : i32
      %dma_start3A_511 = arith.constant 1 : i32
      %dma_start3A_512 = arith.constant 0 : i32
      %dma_start3A_513 = arith.constant 0 : i32
      %dma_start3A_514 = tpu.memref_slice %arg8[%select_n3A_366, %dma_start3A_510, %dma_start3A_512, %dma_start3A_513] : memref<3x8x128x16xf32, #tpu.memory_space<vmem>> -> memref<1x1x128x16xf32, #tpu.memory_space<vmem>>
      %dma_start3A_515 = tpu.memref_squeeze %dma_start3A_514 : memref<1x1x128x16xf32, #tpu.memory_space<vmem>> -> memref<128x16xf32, #tpu.memory_space<vmem>>
      %dma_start3A_516 = arith.constant 0 : i32
      %dma_start3A_517 = tpu.memref_slice %arg7[%add3A_509, %dma_start3A_511, %dma_start3A_516] : memref<80x2x128xi32, #tpu.memory_space<vmem>> -> memref<1x1x128xi32, #tpu.memory_space<vmem>>
      %dma_start3A_518 = tpu.memref_squeeze %dma_start3A_517 : memref<1x1x128xi32, #tpu.memory_space<vmem>> -> memref<128xi32, #tpu.memory_space<vmem>>
      %dma_start3A_519 = arith.constant 0 : i32
      %dma_start3A_520 = arith.constant 0 : i32
      %dma_start3A_521 = tpu.memref_slice %arg9[%dma_start3A_519, %dma_start3A_520] : memref<10240x16xf32, #tpu.memory_space<vmem_shared>> -> memref<10240x16xf32, #tpu.memory_space<vmem_shared>>
      tpu.enqueue_indirect_dma source(%dma_start3A_515 : memref<128x16xf32, #tpu.memory_space<vmem>>) target(%dma_start3A_521 : memref<10240x16xf32, #tpu.memory_space<vmem_shared>>) offsets(%dma_start3A_518 : memref<128xi32, #tpu.memory_space<vmem>>) semaphore(%arg11 : memref<!tpu.dma_semaphore, #tpu.memory_space<semaphore_mem>>) {add = true}
      %mul3A_522 = arith.constant 8 : i32
      %mul3A_523 = arith.muli %scan3A_355, %mul3A_522 : i32
      %add3A_524 = arith.constant 1 : i32
      %add3A_525 = arith.addi %mul3A_523, %add3A_524 : i32
      %dma_start3A_526 = arith.constant 1 : i32
      %dma_start3A_527 = arith.constant 1 : i32
      %dma_start3A_528 = arith.constant 0 : i32
      %dma_start3A_529 = arith.constant 0 : i32
      %dma_start3A_530 = tpu.memref_slice %arg8[%select_n3A_366, %dma_start3A_526, %dma_start3A_528, %dma_start3A_529] : memref<3x8x128x16xf32, #tpu.memory_space<vmem>> -> memref<1x1x128x16xf32, #tpu.memory_space<vmem>>
      %dma_start3A_531 = tpu.memref_squeeze %dma_start3A_530 : memref<1x1x128x16xf32, #tpu.memory_space<vmem>> -> memref<128x16xf32, #tpu.memory_space<vmem>>
      %dma_start3A_532 = arith.constant 0 : i32
      %dma_start3A_533 = tpu.memref_slice %arg7[%add3A_525, %dma_start3A_527, %dma_start3A_532] : memref<80x2x128xi32, #tpu.memory_space<vmem>> -> memref<1x1x128xi32, #tpu.memory_space<vmem>>
      %dma_start3A_534 = tpu.memref_squeeze %dma_start3A_533 : memref<1x1x128xi32, #tpu.memory_space<vmem>> -> memref<128xi32, #tpu.memory_space<vmem>>
      %dma_start3A_535 = arith.constant 0 : i32
      %dma_start3A_536 = arith.constant 0 : i32
      %dma_start3A_537 = tpu.memref_slice %arg9[%dma_start3A_535, %dma_start3A_536] : memref<10240x16xf32, #tpu.memory_space<vmem_shared>> -> memref<10240x16xf32, #tpu.memory_space<vmem_shared>>
      tpu.enqueue_indirect_dma source(%dma_start3A_531 : memref<128x16xf32, #tpu.memory_space<vmem>>) target(%dma_start3A_537 : memref<10240x16xf32, #tpu.memory_space<vmem_shared>>) offsets(%dma_start3A_534 : memref<128xi32, #tpu.memory_space<vmem>>) semaphore(%arg11 : memref<!tpu.dma_semaphore, #tpu.memory_space<semaphore_mem>>) {add = true}
      %mul3A_538 = arith.constant 8 : i32
      %mul3A_539 = arith.muli %scan3A_355, %mul3A_538 : i32
      %add3A_540 = arith.constant 2 : i32
      %add3A_541 = arith.addi %mul3A_539, %add3A_540 : i32
      %dma_start3A_542 = arith.constant 2 : i32
      %dma_start3A_543 = arith.constant 1 : i32
      %dma_start3A_544 = arith.constant 0 : i32
      %dma_start3A_545 = arith.constant 0 : i32
      %dma_start3A_546 = tpu.memref_slice %arg8[%select_n3A_366, %dma_start3A_542, %dma_start3A_544, %dma_start3A_545] : memref<3x8x128x16xf32, #tpu.memory_space<vmem>> -> memref<1x1x128x16xf32, #tpu.memory_space<vmem>>
      %dma_start3A_547 = tpu.memref_squeeze %dma_start3A_546 : memref<1x1x128x16xf32, #tpu.memory_space<vmem>> -> memref<128x16xf32, #tpu.memory_space<vmem>>
      %dma_start3A_548 = arith.constant 0 : i32
      %dma_start3A_549 = tpu.memref_slice %arg7[%add3A_541, %dma_start3A_543, %dma_start3A_548] : memref<80x2x128xi32, #tpu.memory_space<vmem>> -> memref<1x1x128xi32, #tpu.memory_space<vmem>>
      %dma_start3A_550 = tpu.memref_squeeze %dma_start3A_549 : memref<1x1x128xi32, #tpu.memory_space<vmem>> -> memref<128xi32, #tpu.memory_space<vmem>>
      %dma_start3A_551 = arith.constant 0 : i32
      %dma_start3A_552 = arith.constant 0 : i32
      %dma_start3A_553 = tpu.memref_slice %arg9[%dma_start3A_551, %dma_start3A_552] : memref<10240x16xf32, #tpu.memory_space<vmem_shared>> -> memref<10240x16xf32, #tpu.memory_space<vmem_shared>>
      tpu.enqueue_indirect_dma source(%dma_start3A_547 : memref<128x16xf32, #tpu.memory_space<vmem>>) target(%dma_start3A_553 : memref<10240x16xf32, #tpu.memory_space<vmem_shared>>) offsets(%dma_start3A_550 : memref<128xi32, #tpu.memory_space<vmem>>) semaphore(%arg11 : memref<!tpu.dma_semaphore, #tpu.memory_space<semaphore_mem>>) {add = true}
      %mul3A_554 = arith.constant 8 : i32
      %mul3A_555 = arith.muli %scan3A_355, %mul3A_554 : i32
      %add3A_556 = arith.constant 3 : i32
      %add3A_557 = arith.addi %mul3A_555, %add3A_556 : i32
      %dma_start3A_558 = arith.constant 3 : i32
      %dma_start3A_559 = arith.constant 1 : i32
      %dma_start3A_560 = arith.constant 0 : i32
      %dma_start3A_561 = arith.constant 0 : i32
      %dma_start3A_562 = tpu.memref_slice %arg8[%select_n3A_366, %dma_start3A_558, %dma_start3A_560, %dma_start3A_561] : memref<3x8x128x16xf32, #tpu.memory_space<vmem>> -> memref<1x1x128x16xf32, #tpu.memory_space<vmem>>
      %dma_start3A_563 = tpu.memref_squeeze %dma_start3A_562 : memref<1x1x128x16xf32, #tpu.memory_space<vmem>> -> memref<128x16xf32, #tpu.memory_space<vmem>>
      %dma_start3A_564 = arith.constant 0 : i32
      %dma_start3A_565 = tpu.memref_slice %arg7[%add3A_557, %dma_start3A_559, %dma_start3A_564] : memref<80x2x128xi32, #tpu.memory_space<vmem>> -> memref<1x1x128xi32, #tpu.memory_space<vmem>>
      %dma_start3A_566 = tpu.memref_squeeze %dma_start3A_565 : memref<1x1x128xi32, #tpu.memory_space<vmem>> -> memref<128xi32, #tpu.memory_space<vmem>>
      %dma_start3A_567 = arith.constant 0 : i32
      %dma_start3A_568 = arith.constant 0 : i32
      %dma_start3A_569 = tpu.memref_slice %arg9[%dma_start3A_567, %dma_start3A_568] : memref<10240x16xf32, #tpu.memory_space<vmem_shared>> -> memref<10240x16xf32, #tpu.memory_space<vmem_shared>>
      tpu.enqueue_indirect_dma source(%dma_start3A_563 : memref<128x16xf32, #tpu.memory_space<vmem>>) target(%dma_start3A_569 : memref<10240x16xf32, #tpu.memory_space<vmem_shared>>) offsets(%dma_start3A_566 : memref<128xi32, #tpu.memory_space<vmem>>) semaphore(%arg11 : memref<!tpu.dma_semaphore, #tpu.memory_space<semaphore_mem>>) {add = true}
      %mul3A_570 = arith.constant 8 : i32
      %mul3A_571 = arith.muli %scan3A_355, %mul3A_570 : i32
      %add3A_572 = arith.constant 4 : i32
      %add3A_573 = arith.addi %mul3A_571, %add3A_572 : i32
      %dma_start3A_574 = arith.constant 4 : i32
      %dma_start3A_575 = arith.constant 1 : i32
      %dma_start3A_576 = arith.constant 0 : i32
      %dma_start3A_577 = arith.constant 0 : i32
      %dma_start3A_578 = tpu.memref_slice %arg8[%select_n3A_366, %dma_start3A_574, %dma_start3A_576, %dma_start3A_577] : memref<3x8x128x16xf32, #tpu.memory_space<vmem>> -> memref<1x1x128x16xf32, #tpu.memory_space<vmem>>
      %dma_start3A_579 = tpu.memref_squeeze %dma_start3A_578 : memref<1x1x128x16xf32, #tpu.memory_space<vmem>> -> memref<128x16xf32, #tpu.memory_space<vmem>>
      %dma_start3A_580 = arith.constant 0 : i32
      %dma_start3A_581 = tpu.memref_slice %arg7[%add3A_573, %dma_start3A_575, %dma_start3A_580] : memref<80x2x128xi32, #tpu.memory_space<vmem>> -> memref<1x1x128xi32, #tpu.memory_space<vmem>>
      %dma_start3A_582 = tpu.memref_squeeze %dma_start3A_581 : memref<1x1x128xi32, #tpu.memory_space<vmem>> -> memref<128xi32, #tpu.memory_space<vmem>>
      %dma_start3A_583 = arith.constant 0 : i32
      %dma_start3A_584 = arith.constant 0 : i32
      %dma_start3A_585 = tpu.memref_slice %arg9[%dma_start3A_583, %dma_start3A_584] : memref<10240x16xf32, #tpu.memory_space<vmem_shared>> -> memref<10240x16xf32, #tpu.memory_space<vmem_shared>>
      tpu.enqueue_indirect_dma source(%dma_start3A_579 : memref<128x16xf32, #tpu.memory_space<vmem>>) target(%dma_start3A_585 : memref<10240x16xf32, #tpu.memory_space<vmem_shared>>) offsets(%dma_start3A_582 : memref<128xi32, #tpu.memory_space<vmem>>) semaphore(%arg11 : memref<!tpu.dma_semaphore, #tpu.memory_space<semaphore_mem>>) {add = true}
      %mul3A_586 = arith.constant 8 : i32
      %mul3A_587 = arith.muli %scan3A_355, %mul3A_586 : i32
      %add3A_588 = arith.constant 5 : i32
      %add3A_589 = arith.addi %mul3A_587, %add3A_588 : i32
      %dma_start3A_590 = arith.constant 5 : i32
      %dma_start3A_591 = arith.constant 1 : i32
      %dma_start3A_592 = arith.constant 0 : i32
      %dma_start3A_593 = arith.constant 0 : i32
      %dma_start3A_594 = tpu.memref_slice %arg8[%select_n3A_366, %dma_start3A_590, %dma_start3A_592, %dma_start3A_593] : memref<3x8x128x16xf32, #tpu.memory_space<vmem>> -> memref<1x1x128x16xf32, #tpu.memory_space<vmem>>
      %dma_start3A_595 = tpu.memref_squeeze %dma_start3A_594 : memref<1x1x128x16xf32, #tpu.memory_space<vmem>> -> memref<128x16xf32, #tpu.memory_space<vmem>>
      %dma_start3A_596 = arith.constant 0 : i32
      %dma_start3A_597 = tpu.memref_slice %arg7[%add3A_589, %dma_start3A_591, %dma_start3A_596] : memref<80x2x128xi32, #tpu.memory_space<vmem>> -> memref<1x1x128xi32, #tpu.memory_space<vmem>>
      %dma_start3A_598 = tpu.memref_squeeze %dma_start3A_597 : memref<1x1x128xi32, #tpu.memory_space<vmem>> -> memref<128xi32, #tpu.memory_space<vmem>>
      %dma_start3A_599 = arith.constant 0 : i32
      %dma_start3A_600 = arith.constant 0 : i32
      %dma_start3A_601 = tpu.memref_slice %arg9[%dma_start3A_599, %dma_start3A_600] : memref<10240x16xf32, #tpu.memory_space<vmem_shared>> -> memref<10240x16xf32, #tpu.memory_space<vmem_shared>>
      tpu.enqueue_indirect_dma source(%dma_start3A_595 : memref<128x16xf32, #tpu.memory_space<vmem>>) target(%dma_start3A_601 : memref<10240x16xf32, #tpu.memory_space<vmem_shared>>) offsets(%dma_start3A_598 : memref<128xi32, #tpu.memory_space<vmem>>) semaphore(%arg11 : memref<!tpu.dma_semaphore, #tpu.memory_space<semaphore_mem>>) {add = true}
      %mul3A_602 = arith.constant 8 : i32
      %mul3A_603 = arith.muli %scan3A_355, %mul3A_602 : i32
      %add3A_604 = arith.constant 6 : i32
      %add3A_605 = arith.addi %mul3A_603, %add3A_604 : i32
      %dma_start3A_606 = arith.constant 6 : i32
      %dma_start3A_607 = arith.constant 1 : i32
      %dma_start3A_608 = arith.constant 0 : i32
      %dma_start3A_609 = arith.constant 0 : i32
      %dma_start3A_610 = tpu.memref_slice %arg8[%select_n3A_366, %dma_start3A_606, %dma_start3A_608, %dma_start3A_609] : memref<3x8x128x16xf32, #tpu.memory_space<vmem>> -> memref<1x1x128x16xf32, #tpu.memory_space<vmem>>
      %dma_start3A_611 = tpu.memref_squeeze %dma_start3A_610 : memref<1x1x128x16xf32, #tpu.memory_space<vmem>> -> memref<128x16xf32, #tpu.memory_space<vmem>>
      %dma_start3A_612 = arith.constant 0 : i32
      %dma_start3A_613 = tpu.memref_slice %arg7[%add3A_605, %dma_start3A_607, %dma_start3A_612] : memref<80x2x128xi32, #tpu.memory_space<vmem>> -> memref<1x1x128xi32, #tpu.memory_space<vmem>>
      %dma_start3A_614 = tpu.memref_squeeze %dma_start3A_613 : memref<1x1x128xi32, #tpu.memory_space<vmem>> -> memref<128xi32, #tpu.memory_space<vmem>>
      %dma_start3A_615 = arith.constant 0 : i32
      %dma_start3A_616 = arith.constant 0 : i32
      %dma_start3A_617 = tpu.memref_slice %arg9[%dma_start3A_615, %dma_start3A_616] : memref<10240x16xf32, #tpu.memory_space<vmem_shared>> -> memref<10240x16xf32, #tpu.memory_space<vmem_shared>>
      tpu.enqueue_indirect_dma source(%dma_start3A_611 : memref<128x16xf32, #tpu.memory_space<vmem>>) target(%dma_start3A_617 : memref<10240x16xf32, #tpu.memory_space<vmem_shared>>) offsets(%dma_start3A_614 : memref<128xi32, #tpu.memory_space<vmem>>) semaphore(%arg11 : memref<!tpu.dma_semaphore, #tpu.memory_space<semaphore_mem>>) {add = true}
      %mul3A_618 = arith.constant 8 : i32
      %mul3A_619 = arith.muli %scan3A_355, %mul3A_618 : i32
      %add3A_620 = arith.constant 7 : i32
      %add3A_621 = arith.addi %mul3A_619, %add3A_620 : i32
      %dma_start3A_622 = arith.constant 7 : i32
      %dma_start3A_623 = arith.constant 1 : i32
      %dma_start3A_624 = arith.constant 0 : i32
      %dma_start3A_625 = arith.constant 0 : i32
      %dma_start3A_626 = tpu.memref_slice %arg8[%select_n3A_366, %dma_start3A_622, %dma_start3A_624, %dma_start3A_625] : memref<3x8x128x16xf32, #tpu.memory_space<vmem>> -> memref<1x1x128x16xf32, #tpu.memory_space<vmem>>
      %dma_start3A_627 = tpu.memref_squeeze %dma_start3A_626 : memref<1x1x128x16xf32, #tpu.memory_space<vmem>> -> memref<128x16xf32, #tpu.memory_space<vmem>>
      %dma_start3A_628 = arith.constant 0 : i32
      %dma_start3A_629 = tpu.memref_slice %arg7[%add3A_621, %dma_start3A_623, %dma_start3A_628] : memref<80x2x128xi32, #tpu.memory_space<vmem>> -> memref<1x1x128xi32, #tpu.memory_space<vmem>>
      %dma_start3A_630 = tpu.memref_squeeze %dma_start3A_629 : memref<1x1x128xi32, #tpu.memory_space<vmem>> -> memref<128xi32, #tpu.memory_space<vmem>>
      %dma_start3A_631 = arith.constant 0 : i32
      %dma_start3A_632 = arith.constant 0 : i32
      %dma_start3A_633 = tpu.memref_slice %arg9[%dma_start3A_631, %dma_start3A_632] : memref<10240x16xf32, #tpu.memory_space<vmem_shared>> -> memref<10240x16xf32, #tpu.memory_space<vmem_shared>>
      tpu.enqueue_indirect_dma source(%dma_start3A_627 : memref<128x16xf32, #tpu.memory_space<vmem>>) target(%dma_start3A_633 : memref<10240x16xf32, #tpu.memory_space<vmem_shared>>) offsets(%dma_start3A_630 : memref<128xi32, #tpu.memory_space<vmem>>) semaphore(%arg11 : memref<!tpu.dma_semaphore, #tpu.memory_space<semaphore_mem>>) {add = true}
    }
    %scan3A_126 = arith.constant 10 : i32
    %dma_wait3A = arith.constant 2 : i32
    %dma_wait3A_127 = arith.constant 0 : i32
    %dma_wait3A_128 = arith.constant 64 : i32
    %dma_wait3A_129 = arith.constant 1 : i32
    %dma_wait3A_130 = arith.constant 0 : i32
    %dma_wait3A_131 = arith.constant 0 : i32
    %dma_wait3A_132 = tpu.memref_slice %arg8[%dma_wait3A, %dma_wait3A_127, %dma_wait3A_130, %dma_wait3A_131] : memref<3x8x128x16xf32, #tpu.memory_space<vmem>> -> memref<1x1x128x16xf32, #tpu.memory_space<vmem>>
    %dma_wait3A_133 = tpu.memref_squeeze %dma_wait3A_132 : memref<1x1x128x16xf32, #tpu.memory_space<vmem>> -> memref<128x16xf32, #tpu.memory_space<vmem>>
    %dma_wait3A_134 = arith.constant 0 : i32
    %dma_wait3A_135 = tpu.memref_slice %arg7[%dma_wait3A_128, %dma_wait3A_129, %dma_wait3A_134] : memref<80x2x128xi32, #tpu.memory_space<vmem>> -> memref<1x1x128xi32, #tpu.memory_space<vmem>>
    %dma_wait3A_136 = tpu.memref_squeeze %dma_wait3A_135 : memref<1x1x128xi32, #tpu.memory_space<vmem>> -> memref<128xi32, #tpu.memory_space<vmem>>
    %dma_wait3A_137 = arith.constant 0 : i32
    %dma_wait3A_138 = arith.constant 0 : i32
    %dma_wait3A_139 = tpu.memref_slice %arg9[%dma_wait3A_137, %dma_wait3A_138] : memref<10240x16xf32, #tpu.memory_space<vmem_shared>> -> memref<10240x16xf32, #tpu.memory_space<vmem_shared>>
    tpu.wait_indirect_dma semaphore(%arg11 : memref<!tpu.dma_semaphore, #tpu.memory_space<semaphore_mem>>) src(%dma_wait3A_133 : memref<128x16xf32, #tpu.memory_space<vmem>>) dst(%dma_wait3A_139 : memref<10240x16xf32, #tpu.memory_space<vmem_shared>>)
    %dma_wait3A_140 = arith.constant 2 : i32
    %dma_wait3A_141 = arith.constant 1 : i32
    %dma_wait3A_142 = arith.constant 65 : i32
    %dma_wait3A_143 = arith.constant 1 : i32
    %dma_wait3A_144 = arith.constant 0 : i32
    %dma_wait3A_145 = arith.constant 0 : i32
    %dma_wait3A_146 = tpu.memref_slice %arg8[%dma_wait3A_140, %dma_wait3A_141, %dma_wait3A_144, %dma_wait3A_145] : memref<3x8x128x16xf32, #tpu.memory_space<vmem>> -> memref<1x1x128x16xf32, #tpu.memory_space<vmem>>
    %dma_wait3A_147 = tpu.memref_squeeze %dma_wait3A_146 : memref<1x1x128x16xf32, #tpu.memory_space<vmem>> -> memref<128x16xf32, #tpu.memory_space<vmem>>
    %dma_wait3A_148 = arith.constant 0 : i32
    %dma_wait3A_149 = tpu.memref_slice %arg7[%dma_wait3A_142, %dma_wait3A_143, %dma_wait3A_148] : memref<80x2x128xi32, #tpu.memory_space<vmem>> -> memref<1x1x128xi32, #tpu.memory_space<vmem>>
    %dma_wait3A_150 = tpu.memref_squeeze %dma_wait3A_149 : memref<1x1x128xi32, #tpu.memory_space<vmem>> -> memref<128xi32, #tpu.memory_space<vmem>>
    %dma_wait3A_151 = arith.constant 0 : i32
    %dma_wait3A_152 = arith.constant 0 : i32
    %dma_wait3A_153 = tpu.memref_slice %arg9[%dma_wait3A_151, %dma_wait3A_152] : memref<10240x16xf32, #tpu.memory_space<vmem_shared>> -> memref<10240x16xf32, #tpu.memory_space<vmem_shared>>
    tpu.wait_indirect_dma semaphore(%arg11 : memref<!tpu.dma_semaphore, #tpu.memory_space<semaphore_mem>>) src(%dma_wait3A_147 : memref<128x16xf32, #tpu.memory_space<vmem>>) dst(%dma_wait3A_153 : memref<10240x16xf32, #tpu.memory_space<vmem_shared>>)
    %dma_wait3A_154 = arith.constant 2 : i32
    %dma_wait3A_155 = arith.constant 2 : i32
    %dma_wait3A_156 = arith.constant 66 : i32
    %dma_wait3A_157 = arith.constant 1 : i32
    %dma_wait3A_158 = arith.constant 0 : i32
    %dma_wait3A_159 = arith.constant 0 : i32
    %dma_wait3A_160 = tpu.memref_slice %arg8[%dma_wait3A_154, %dma_wait3A_155, %dma_wait3A_158, %dma_wait3A_159] : memref<3x8x128x16xf32, #tpu.memory_space<vmem>> -> memref<1x1x128x16xf32, #tpu.memory_space<vmem>>
    %dma_wait3A_161 = tpu.memref_squeeze %dma_wait3A_160 : memref<1x1x128x16xf32, #tpu.memory_space<vmem>> -> memref<128x16xf32, #tpu.memory_space<vmem>>
    %dma_wait3A_162 = arith.constant 0 : i32
    %dma_wait3A_163 = tpu.memref_slice %arg7[%dma_wait3A_156, %dma_wait3A_157, %dma_wait3A_162] : memref<80x2x128xi32, #tpu.memory_space<vmem>> -> memref<1x1x128xi32, #tpu.memory_space<vmem>>
    %dma_wait3A_164 = tpu.memref_squeeze %dma_wait3A_163 : memref<1x1x128xi32, #tpu.memory_space<vmem>> -> memref<128xi32, #tpu.memory_space<vmem>>
    %dma_wait3A_165 = arith.constant 0 : i32
    %dma_wait3A_166 = arith.constant 0 : i32
    %dma_wait3A_167 = tpu.memref_slice %arg9[%dma_wait3A_165, %dma_wait3A_166] : memref<10240x16xf32, #tpu.memory_space<vmem_shared>> -> memref<10240x16xf32, #tpu.memory_space<vmem_shared>>
    tpu.wait_indirect_dma semaphore(%arg11 : memref<!tpu.dma_semaphore, #tpu.memory_space<semaphore_mem>>) src(%dma_wait3A_161 : memref<128x16xf32, #tpu.memory_space<vmem>>) dst(%dma_wait3A_167 : memref<10240x16xf32, #tpu.memory_space<vmem_shared>>)
    %dma_wait3A_168 = arith.constant 2 : i32
    %dma_wait3A_169 = arith.constant 3 : i32
    %dma_wait3A_170 = arith.constant 67 : i32
    %dma_wait3A_171 = arith.constant 1 : i32
    %dma_wait3A_172 = arith.constant 0 : i32
    %dma_wait3A_173 = arith.constant 0 : i32
    %dma_wait3A_174 = tpu.memref_slice %arg8[%dma_wait3A_168, %dma_wait3A_169, %dma_wait3A_172, %dma_wait3A_173] : memref<3x8x128x16xf32, #tpu.memory_space<vmem>> -> memref<1x1x128x16xf32, #tpu.memory_space<vmem>>
    %dma_wait3A_175 = tpu.memref_squeeze %dma_wait3A_174 : memref<1x1x128x16xf32, #tpu.memory_space<vmem>> -> memref<128x16xf32, #tpu.memory_space<vmem>>
    %dma_wait3A_176 = arith.constant 0 : i32
    %dma_wait3A_177 = tpu.memref_slice %arg7[%dma_wait3A_170, %dma_wait3A_171, %dma_wait3A_176] : memref<80x2x128xi32, #tpu.memory_space<vmem>> -> memref<1x1x128xi32, #tpu.memory_space<vmem>>
    %dma_wait3A_178 = tpu.memref_squeeze %dma_wait3A_177 : memref<1x1x128xi32, #tpu.memory_space<vmem>> -> memref<128xi32, #tpu.memory_space<vmem>>
    %dma_wait3A_179 = arith.constant 0 : i32
    %dma_wait3A_180 = arith.constant 0 : i32
    %dma_wait3A_181 = tpu.memref_slice %arg9[%dma_wait3A_179, %dma_wait3A_180] : memref<10240x16xf32, #tpu.memory_space<vmem_shared>> -> memref<10240x16xf32, #tpu.memory_space<vmem_shared>>
    tpu.wait_indirect_dma semaphore(%arg11 : memref<!tpu.dma_semaphore, #tpu.memory_space<semaphore_mem>>) src(%dma_wait3A_175 : memref<128x16xf32, #tpu.memory_space<vmem>>) dst(%dma_wait3A_181 : memref<10240x16xf32, #tpu.memory_space<vmem_shared>>)
    %dma_wait3A_182 = arith.constant 2 : i32
    %dma_wait3A_183 = arith.constant 4 : i32
    %dma_wait3A_184 = arith.constant 68 : i32
    %dma_wait3A_185 = arith.constant 1 : i32
    %dma_wait3A_186 = arith.constant 0 : i32
    %dma_wait3A_187 = arith.constant 0 : i32
    %dma_wait3A_188 = tpu.memref_slice %arg8[%dma_wait3A_182, %dma_wait3A_183, %dma_wait3A_186, %dma_wait3A_187] : memref<3x8x128x16xf32, #tpu.memory_space<vmem>> -> memref<1x1x128x16xf32, #tpu.memory_space<vmem>>
    %dma_wait3A_189 = tpu.memref_squeeze %dma_wait3A_188 : memref<1x1x128x16xf32, #tpu.memory_space<vmem>> -> memref<128x16xf32, #tpu.memory_space<vmem>>
    %dma_wait3A_190 = arith.constant 0 : i32
    %dma_wait3A_191 = tpu.memref_slice %arg7[%dma_wait3A_184, %dma_wait3A_185, %dma_wait3A_190] : memref<80x2x128xi32, #tpu.memory_space<vmem>> -> memref<1x1x128xi32, #tpu.memory_space<vmem>>
    %dma_wait3A_192 = tpu.memref_squeeze %dma_wait3A_191 : memref<1x1x128xi32, #tpu.memory_space<vmem>> -> memref<128xi32, #tpu.memory_space<vmem>>
    %dma_wait3A_193 = arith.constant 0 : i32
    %dma_wait3A_194 = arith.constant 0 : i32
    %dma_wait3A_195 = tpu.memref_slice %arg9[%dma_wait3A_193, %dma_wait3A_194] : memref<10240x16xf32, #tpu.memory_space<vmem_shared>> -> memref<10240x16xf32, #tpu.memory_space<vmem_shared>>
    tpu.wait_indirect_dma semaphore(%arg11 : memref<!tpu.dma_semaphore, #tpu.memory_space<semaphore_mem>>) src(%dma_wait3A_189 : memref<128x16xf32, #tpu.memory_space<vmem>>) dst(%dma_wait3A_195 : memref<10240x16xf32, #tpu.memory_space<vmem_shared>>)
    %dma_wait3A_196 = arith.constant 2 : i32
    %dma_wait3A_197 = arith.constant 5 : i32
    %dma_wait3A_198 = arith.constant 69 : i32
    %dma_wait3A_199 = arith.constant 1 : i32
    %dma_wait3A_200 = arith.constant 0 : i32
    %dma_wait3A_201 = arith.constant 0 : i32
    %dma_wait3A_202 = tpu.memref_slice %arg8[%dma_wait3A_196, %dma_wait3A_197, %dma_wait3A_200, %dma_wait3A_201] : memref<3x8x128x16xf32, #tpu.memory_space<vmem>> -> memref<1x1x128x16xf32, #tpu.memory_space<vmem>>
    %dma_wait3A_203 = tpu.memref_squeeze %dma_wait3A_202 : memref<1x1x128x16xf32, #tpu.memory_space<vmem>> -> memref<128x16xf32, #tpu.memory_space<vmem>>
    %dma_wait3A_204 = arith.constant 0 : i32
    %dma_wait3A_205 = tpu.memref_slice %arg7[%dma_wait3A_198, %dma_wait3A_199, %dma_wait3A_204] : memref<80x2x128xi32, #tpu.memory_space<vmem>> -> memref<1x1x128xi32, #tpu.memory_space<vmem>>
    %dma_wait3A_206 = tpu.memref_squeeze %dma_wait3A_205 : memref<1x1x128xi32, #tpu.memory_space<vmem>> -> memref<128xi32, #tpu.memory_space<vmem>>
    %dma_wait3A_207 = arith.constant 0 : i32
    %dma_wait3A_208 = arith.constant 0 : i32
    %dma_wait3A_209 = tpu.memref_slice %arg9[%dma_wait3A_207, %dma_wait3A_208] : memref<10240x16xf32, #tpu.memory_space<vmem_shared>> -> memref<10240x16xf32, #tpu.memory_space<vmem_shared>>
    tpu.wait_indirect_dma semaphore(%arg11 : memref<!tpu.dma_semaphore, #tpu.memory_space<semaphore_mem>>) src(%dma_wait3A_203 : memref<128x16xf32, #tpu.memory_space<vmem>>) dst(%dma_wait3A_209 : memref<10240x16xf32, #tpu.memory_space<vmem_shared>>)
    %dma_wait3A_210 = arith.constant 2 : i32
    %dma_wait3A_211 = arith.constant 6 : i32
    %dma_wait3A_212 = arith.constant 70 : i32
    %dma_wait3A_213 = arith.constant 1 : i32
    %dma_wait3A_214 = arith.constant 0 : i32
    %dma_wait3A_215 = arith.constant 0 : i32
    %dma_wait3A_216 = tpu.memref_slice %arg8[%dma_wait3A_210, %dma_wait3A_211, %dma_wait3A_214, %dma_wait3A_215] : memref<3x8x128x16xf32, #tpu.memory_space<vmem>> -> memref<1x1x128x16xf32, #tpu.memory_space<vmem>>
    %dma_wait3A_217 = tpu.memref_squeeze %dma_wait3A_216 : memref<1x1x128x16xf32, #tpu.memory_space<vmem>> -> memref<128x16xf32, #tpu.memory_space<vmem>>
    %dma_wait3A_218 = arith.constant 0 : i32
    %dma_wait3A_219 = tpu.memref_slice %arg7[%dma_wait3A_212, %dma_wait3A_213, %dma_wait3A_218] : memref<80x2x128xi32, #tpu.memory_space<vmem>> -> memref<1x1x128xi32, #tpu.memory_space<vmem>>
    %dma_wait3A_220 = tpu.memref_squeeze %dma_wait3A_219 : memref<1x1x128xi32, #tpu.memory_space<vmem>> -> memref<128xi32, #tpu.memory_space<vmem>>
    %dma_wait3A_221 = arith.constant 0 : i32
    %dma_wait3A_222 = arith.constant 0 : i32
    %dma_wait3A_223 = tpu.memref_slice %arg9[%dma_wait3A_221, %dma_wait3A_222] : memref<10240x16xf32, #tpu.memory_space<vmem_shared>> -> memref<10240x16xf32, #tpu.memory_space<vmem_shared>>
    tpu.wait_indirect_dma semaphore(%arg11 : memref<!tpu.dma_semaphore, #tpu.memory_space<semaphore_mem>>) src(%dma_wait3A_217 : memref<128x16xf32, #tpu.memory_space<vmem>>) dst(%dma_wait3A_223 : memref<10240x16xf32, #tpu.memory_space<vmem_shared>>)
    %dma_wait3A_224 = arith.constant 2 : i32
    %dma_wait3A_225 = arith.constant 7 : i32
    %dma_wait3A_226 = arith.constant 71 : i32
    %dma_wait3A_227 = arith.constant 1 : i32
    %dma_wait3A_228 = arith.constant 0 : i32
    %dma_wait3A_229 = arith.constant 0 : i32
    %dma_wait3A_230 = tpu.memref_slice %arg8[%dma_wait3A_224, %dma_wait3A_225, %dma_wait3A_228, %dma_wait3A_229] : memref<3x8x128x16xf32, #tpu.memory_space<vmem>> -> memref<1x1x128x16xf32, #tpu.memory_space<vmem>>
    %dma_wait3A_231 = tpu.memref_squeeze %dma_wait3A_230 : memref<1x1x128x16xf32, #tpu.memory_space<vmem>> -> memref<128x16xf32, #tpu.memory_space<vmem>>
    %dma_wait3A_232 = arith.constant 0 : i32
    %dma_wait3A_233 = tpu.memref_slice %arg7[%dma_wait3A_226, %dma_wait3A_227, %dma_wait3A_232] : memref<80x2x128xi32, #tpu.memory_space<vmem>> -> memref<1x1x128xi32, #tpu.memory_space<vmem>>
    %dma_wait3A_234 = tpu.memref_squeeze %dma_wait3A_233 : memref<1x1x128xi32, #tpu.memory_space<vmem>> -> memref<128xi32, #tpu.memory_space<vmem>>
    %dma_wait3A_235 = arith.constant 0 : i32
    %dma_wait3A_236 = arith.constant 0 : i32
    %dma_wait3A_237 = tpu.memref_slice %arg9[%dma_wait3A_235, %dma_wait3A_236] : memref<10240x16xf32, #tpu.memory_space<vmem_shared>> -> memref<10240x16xf32, #tpu.memory_space<vmem_shared>>
    tpu.wait_indirect_dma semaphore(%arg11 : memref<!tpu.dma_semaphore, #tpu.memory_space<semaphore_mem>>) src(%dma_wait3A_231 : memref<128x16xf32, #tpu.memory_space<vmem>>) dst(%dma_wait3A_237 : memref<10240x16xf32, #tpu.memory_space<vmem_shared>>)
    %dma_wait3A_238 = arith.constant 0 : i32
    %dma_wait3A_239 = arith.constant 0 : i32
    %dma_wait3A_240 = arith.constant 72 : i32
    %dma_wait3A_241 = arith.constant 1 : i32
    %dma_wait3A_242 = arith.constant 0 : i32
    %dma_wait3A_243 = arith.constant 0 : i32
    %dma_wait3A_244 = tpu.memref_slice %arg8[%dma_wait3A_238, %dma_wait3A_239, %dma_wait3A_242, %dma_wait3A_243] : memref<3x8x128x16xf32, #tpu.memory_space<vmem>> -> memref<1x1x128x16xf32, #tpu.memory_space<vmem>>
    %dma_wait3A_245 = tpu.memref_squeeze %dma_wait3A_244 : memref<1x1x128x16xf32, #tpu.memory_space<vmem>> -> memref<128x16xf32, #tpu.memory_space<vmem>>
    %dma_wait3A_246 = arith.constant 0 : i32
    %dma_wait3A_247 = tpu.memref_slice %arg7[%dma_wait3A_240, %dma_wait3A_241, %dma_wait3A_246] : memref<80x2x128xi32, #tpu.memory_space<vmem>> -> memref<1x1x128xi32, #tpu.memory_space<vmem>>
    %dma_wait3A_248 = tpu.memref_squeeze %dma_wait3A_247 : memref<1x1x128xi32, #tpu.memory_space<vmem>> -> memref<128xi32, #tpu.memory_space<vmem>>
    %dma_wait3A_249 = arith.constant 0 : i32
    %dma_wait3A_250 = arith.constant 0 : i32
    %dma_wait3A_251 = tpu.memref_slice %arg9[%dma_wait3A_249, %dma_wait3A_250] : memref<10240x16xf32, #tpu.memory_space<vmem_shared>> -> memref<10240x16xf32, #tpu.memory_space<vmem_shared>>
    tpu.wait_indirect_dma semaphore(%arg11 : memref<!tpu.dma_semaphore, #tpu.memory_space<semaphore_mem>>) src(%dma_wait3A_245 : memref<128x16xf32, #tpu.memory_space<vmem>>) dst(%dma_wait3A_251 : memref<10240x16xf32, #tpu.memory_space<vmem_shared>>)
    %dma_wait3A_252 = arith.constant 0 : i32
    %dma_wait3A_253 = arith.constant 1 : i32
    %dma_wait3A_254 = arith.constant 73 : i32
    %dma_wait3A_255 = arith.constant 1 : i32
    %dma_wait3A_256 = arith.constant 0 : i32
    %dma_wait3A_257 = arith.constant 0 : i32
    %dma_wait3A_258 = tpu.memref_slice %arg8[%dma_wait3A_252, %dma_wait3A_253, %dma_wait3A_256, %dma_wait3A_257] : memref<3x8x128x16xf32, #tpu.memory_space<vmem>> -> memref<1x1x128x16xf32, #tpu.memory_space<vmem>>
    %dma_wait3A_259 = tpu.memref_squeeze %dma_wait3A_258 : memref<1x1x128x16xf32, #tpu.memory_space<vmem>> -> memref<128x16xf32, #tpu.memory_space<vmem>>
    %dma_wait3A_260 = arith.constant 0 : i32
    %dma_wait3A_261 = tpu.memref_slice %arg7[%dma_wait3A_254, %dma_wait3A_255, %dma_wait3A_260] : memref<80x2x128xi32, #tpu.memory_space<vmem>> -> memref<1x1x128xi32, #tpu.memory_space<vmem>>
    %dma_wait3A_262 = tpu.memref_squeeze %dma_wait3A_261 : memref<1x1x128xi32, #tpu.memory_space<vmem>> -> memref<128xi32, #tpu.memory_space<vmem>>
    %dma_wait3A_263 = arith.constant 0 : i32
    %dma_wait3A_264 = arith.constant 0 : i32
    %dma_wait3A_265 = tpu.memref_slice %arg9[%dma_wait3A_263, %dma_wait3A_264] : memref<10240x16xf32, #tpu.memory_space<vmem_shared>> -> memref<10240x16xf32, #tpu.memory_space<vmem_shared>>
    tpu.wait_indirect_dma semaphore(%arg11 : memref<!tpu.dma_semaphore, #tpu.memory_space<semaphore_mem>>) src(%dma_wait3A_259 : memref<128x16xf32, #tpu.memory_space<vmem>>) dst(%dma_wait3A_265 : memref<10240x16xf32, #tpu.memory_space<vmem_shared>>)
    %dma_wait3A_266 = arith.constant 0 : i32
    %dma_wait3A_267 = arith.constant 2 : i32
    %dma_wait3A_268 = arith.constant 74 : i32
    %dma_wait3A_269 = arith.constant 1 : i32
    %dma_wait3A_270 = arith.constant 0 : i32
    %dma_wait3A_271 = arith.constant 0 : i32
    %dma_wait3A_272 = tpu.memref_slice %arg8[%dma_wait3A_266, %dma_wait3A_267, %dma_wait3A_270, %dma_wait3A_271] : memref<3x8x128x16xf32, #tpu.memory_space<vmem>> -> memref<1x1x128x16xf32, #tpu.memory_space<vmem>>
    %dma_wait3A_273 = tpu.memref_squeeze %dma_wait3A_272 : memref<1x1x128x16xf32, #tpu.memory_space<vmem>> -> memref<128x16xf32, #tpu.memory_space<vmem>>
    %dma_wait3A_274 = arith.constant 0 : i32
    %dma_wait3A_275 = tpu.memref_slice %arg7[%dma_wait3A_268, %dma_wait3A_269, %dma_wait3A_274] : memref<80x2x128xi32, #tpu.memory_space<vmem>> -> memref<1x1x128xi32, #tpu.memory_space<vmem>>
    %dma_wait3A_276 = tpu.memref_squeeze %dma_wait3A_275 : memref<1x1x128xi32, #tpu.memory_space<vmem>> -> memref<128xi32, #tpu.memory_space<vmem>>
    %dma_wait3A_277 = arith.constant 0 : i32
    %dma_wait3A_278 = arith.constant 0 : i32
    %dma_wait3A_279 = tpu.memref_slice %arg9[%dma_wait3A_277, %dma_wait3A_278] : memref<10240x16xf32, #tpu.memory_space<vmem_shared>> -> memref<10240x16xf32, #tpu.memory_space<vmem_shared>>
    tpu.wait_indirect_dma semaphore(%arg11 : memref<!tpu.dma_semaphore, #tpu.memory_space<semaphore_mem>>) src(%dma_wait3A_273 : memref<128x16xf32, #tpu.memory_space<vmem>>) dst(%dma_wait3A_279 : memref<10240x16xf32, #tpu.memory_space<vmem_shared>>)
    %dma_wait3A_280 = arith.constant 0 : i32
    %dma_wait3A_281 = arith.constant 3 : i32
    %dma_wait3A_282 = arith.constant 75 : i32
    %dma_wait3A_283 = arith.constant 1 : i32
    %dma_wait3A_284 = arith.constant 0 : i32
    %dma_wait3A_285 = arith.constant 0 : i32
    %dma_wait3A_286 = tpu.memref_slice %arg8[%dma_wait3A_280, %dma_wait3A_281, %dma_wait3A_284, %dma_wait3A_285] : memref<3x8x128x16xf32, #tpu.memory_space<vmem>> -> memref<1x1x128x16xf32, #tpu.memory_space<vmem>>
    %dma_wait3A_287 = tpu.memref_squeeze %dma_wait3A_286 : memref<1x1x128x16xf32, #tpu.memory_space<vmem>> -> memref<128x16xf32, #tpu.memory_space<vmem>>
    %dma_wait3A_288 = arith.constant 0 : i32
    %dma_wait3A_289 = tpu.memref_slice %arg7[%dma_wait3A_282, %dma_wait3A_283, %dma_wait3A_288] : memref<80x2x128xi32, #tpu.memory_space<vmem>> -> memref<1x1x128xi32, #tpu.memory_space<vmem>>
    %dma_wait3A_290 = tpu.memref_squeeze %dma_wait3A_289 : memref<1x1x128xi32, #tpu.memory_space<vmem>> -> memref<128xi32, #tpu.memory_space<vmem>>
    %dma_wait3A_291 = arith.constant 0 : i32
    %dma_wait3A_292 = arith.constant 0 : i32
    %dma_wait3A_293 = tpu.memref_slice %arg9[%dma_wait3A_291, %dma_wait3A_292] : memref<10240x16xf32, #tpu.memory_space<vmem_shared>> -> memref<10240x16xf32, #tpu.memory_space<vmem_shared>>
    tpu.wait_indirect_dma semaphore(%arg11 : memref<!tpu.dma_semaphore, #tpu.memory_space<semaphore_mem>>) src(%dma_wait3A_287 : memref<128x16xf32, #tpu.memory_space<vmem>>) dst(%dma_wait3A_293 : memref<10240x16xf32, #tpu.memory_space<vmem_shared>>)
    %dma_wait3A_294 = arith.constant 0 : i32
    %dma_wait3A_295 = arith.constant 4 : i32
    %dma_wait3A_296 = arith.constant 76 : i32
    %dma_wait3A_297 = arith.constant 1 : i32
    %dma_wait3A_298 = arith.constant 0 : i32
    %dma_wait3A_299 = arith.constant 0 : i32
    %dma_wait3A_300 = tpu.memref_slice %arg8[%dma_wait3A_294, %dma_wait3A_295, %dma_wait3A_298, %dma_wait3A_299] : memref<3x8x128x16xf32, #tpu.memory_space<vmem>> -> memref<1x1x128x16xf32, #tpu.memory_space<vmem>>
    %dma_wait3A_301 = tpu.memref_squeeze %dma_wait3A_300 : memref<1x1x128x16xf32, #tpu.memory_space<vmem>> -> memref<128x16xf32, #tpu.memory_space<vmem>>
    %dma_wait3A_302 = arith.constant 0 : i32
    %dma_wait3A_303 = tpu.memref_slice %arg7[%dma_wait3A_296, %dma_wait3A_297, %dma_wait3A_302] : memref<80x2x128xi32, #tpu.memory_space<vmem>> -> memref<1x1x128xi32, #tpu.memory_space<vmem>>
    %dma_wait3A_304 = tpu.memref_squeeze %dma_wait3A_303 : memref<1x1x128xi32, #tpu.memory_space<vmem>> -> memref<128xi32, #tpu.memory_space<vmem>>
    %dma_wait3A_305 = arith.constant 0 : i32
    %dma_wait3A_306 = arith.constant 0 : i32
    %dma_wait3A_307 = tpu.memref_slice %arg9[%dma_wait3A_305, %dma_wait3A_306] : memref<10240x16xf32, #tpu.memory_space<vmem_shared>> -> memref<10240x16xf32, #tpu.memory_space<vmem_shared>>
    tpu.wait_indirect_dma semaphore(%arg11 : memref<!tpu.dma_semaphore, #tpu.memory_space<semaphore_mem>>) src(%dma_wait3A_301 : memref<128x16xf32, #tpu.memory_space<vmem>>) dst(%dma_wait3A_307 : memref<10240x16xf32, #tpu.memory_space<vmem_shared>>)
    %dma_wait3A_308 = arith.constant 0 : i32
    %dma_wait3A_309 = arith.constant 5 : i32
    %dma_wait3A_310 = arith.constant 77 : i32
    %dma_wait3A_311 = arith.constant 1 : i32
    %dma_wait3A_312 = arith.constant 0 : i32
    %dma_wait3A_313 = arith.constant 0 : i32
    %dma_wait3A_314 = tpu.memref_slice %arg8[%dma_wait3A_308, %dma_wait3A_309, %dma_wait3A_312, %dma_wait3A_313] : memref<3x8x128x16xf32, #tpu.memory_space<vmem>> -> memref<1x1x128x16xf32, #tpu.memory_space<vmem>>
    %dma_wait3A_315 = tpu.memref_squeeze %dma_wait3A_314 : memref<1x1x128x16xf32, #tpu.memory_space<vmem>> -> memref<128x16xf32, #tpu.memory_space<vmem>>
    %dma_wait3A_316 = arith.constant 0 : i32
    %dma_wait3A_317 = tpu.memref_slice %arg7[%dma_wait3A_310, %dma_wait3A_311, %dma_wait3A_316] : memref<80x2x128xi32, #tpu.memory_space<vmem>> -> memref<1x1x128xi32, #tpu.memory_space<vmem>>
    %dma_wait3A_318 = tpu.memref_squeeze %dma_wait3A_317 : memref<1x1x128xi32, #tpu.memory_space<vmem>> -> memref<128xi32, #tpu.memory_space<vmem>>
    %dma_wait3A_319 = arith.constant 0 : i32
    %dma_wait3A_320 = arith.constant 0 : i32
    %dma_wait3A_321 = tpu.memref_slice %arg9[%dma_wait3A_319, %dma_wait3A_320] : memref<10240x16xf32, #tpu.memory_space<vmem_shared>> -> memref<10240x16xf32, #tpu.memory_space<vmem_shared>>
    tpu.wait_indirect_dma semaphore(%arg11 : memref<!tpu.dma_semaphore, #tpu.memory_space<semaphore_mem>>) src(%dma_wait3A_315 : memref<128x16xf32, #tpu.memory_space<vmem>>) dst(%dma_wait3A_321 : memref<10240x16xf32, #tpu.memory_space<vmem_shared>>)
    %dma_wait3A_322 = arith.constant 0 : i32
    %dma_wait3A_323 = arith.constant 6 : i32
    %dma_wait3A_324 = arith.constant 78 : i32
    %dma_wait3A_325 = arith.constant 1 : i32
    %dma_wait3A_326 = arith.constant 0 : i32
    %dma_wait3A_327 = arith.constant 0 : i32
    %dma_wait3A_328 = tpu.memref_slice %arg8[%dma_wait3A_322, %dma_wait3A_323, %dma_wait3A_326, %dma_wait3A_327] : memref<3x8x128x16xf32, #tpu.memory_space<vmem>> -> memref<1x1x128x16xf32, #tpu.memory_space<vmem>>
    %dma_wait3A_329 = tpu.memref_squeeze %dma_wait3A_328 : memref<1x1x128x16xf32, #tpu.memory_space<vmem>> -> memref<128x16xf32, #tpu.memory_space<vmem>>
    %dma_wait3A_330 = arith.constant 0 : i32
    %dma_wait3A_331 = tpu.memref_slice %arg7[%dma_wait3A_324, %dma_wait3A_325, %dma_wait3A_330] : memref<80x2x128xi32, #tpu.memory_space<vmem>> -> memref<1x1x128xi32, #tpu.memory_space<vmem>>
    %dma_wait3A_332 = tpu.memref_squeeze %dma_wait3A_331 : memref<1x1x128xi32, #tpu.memory_space<vmem>> -> memref<128xi32, #tpu.memory_space<vmem>>
    %dma_wait3A_333 = arith.constant 0 : i32
    %dma_wait3A_334 = arith.constant 0 : i32
    %dma_wait3A_335 = tpu.memref_slice %arg9[%dma_wait3A_333, %dma_wait3A_334] : memref<10240x16xf32, #tpu.memory_space<vmem_shared>> -> memref<10240x16xf32, #tpu.memory_space<vmem_shared>>
    tpu.wait_indirect_dma semaphore(%arg11 : memref<!tpu.dma_semaphore, #tpu.memory_space<semaphore_mem>>) src(%dma_wait3A_329 : memref<128x16xf32, #tpu.memory_space<vmem>>) dst(%dma_wait3A_335 : memref<10240x16xf32, #tpu.memory_space<vmem_shared>>)
    %dma_wait3A_336 = arith.constant 0 : i32
    %dma_wait3A_337 = arith.constant 7 : i32
    %dma_wait3A_338 = arith.constant 79 : i32
    %dma_wait3A_339 = arith.constant 1 : i32
    %dma_wait3A_340 = arith.constant 0 : i32
    %dma_wait3A_341 = arith.constant 0 : i32
    %dma_wait3A_342 = tpu.memref_slice %arg8[%dma_wait3A_336, %dma_wait3A_337, %dma_wait3A_340, %dma_wait3A_341] : memref<3x8x128x16xf32, #tpu.memory_space<vmem>> -> memref<1x1x128x16xf32, #tpu.memory_space<vmem>>
    %dma_wait3A_343 = tpu.memref_squeeze %dma_wait3A_342 : memref<1x1x128x16xf32, #tpu.memory_space<vmem>> -> memref<128x16xf32, #tpu.memory_space<vmem>>
    %dma_wait3A_344 = arith.constant 0 : i32
    %dma_wait3A_345 = tpu.memref_slice %arg7[%dma_wait3A_338, %dma_wait3A_339, %dma_wait3A_344] : memref<80x2x128xi32, #tpu.memory_space<vmem>> -> memref<1x1x128xi32, #tpu.memory_space<vmem>>
    %dma_wait3A_346 = tpu.memref_squeeze %dma_wait3A_345 : memref<1x1x128xi32, #tpu.memory_space<vmem>> -> memref<128xi32, #tpu.memory_space<vmem>>
    %dma_wait3A_347 = arith.constant 0 : i32
    %dma_wait3A_348 = arith.constant 0 : i32
    %dma_wait3A_349 = tpu.memref_slice %arg9[%dma_wait3A_347, %dma_wait3A_348] : memref<10240x16xf32, #tpu.memory_space<vmem_shared>> -> memref<10240x16xf32, #tpu.memory_space<vmem_shared>>
    tpu.wait_indirect_dma semaphore(%arg11 : memref<!tpu.dma_semaphore, #tpu.memory_space<semaphore_mem>>) src(%dma_wait3A_343 : memref<128x16xf32, #tpu.memory_space<vmem>>) dst(%dma_wait3A_349 : memref<10240x16xf32, #tpu.memory_space<vmem_shared>>)
    %barrier3A_350 = arith.constant 0 : index
    tpu.barrier barrier_id(%barrier3A_350)
    %mul3A_351 = arith.constant 640 : i32
    %mul3A_352 = arith.muli %arg1, %mul3A_351 : i32
    %mul3A_353 = arith.constant 640 : i32
    %mul3A_354 = arith.muli %arg1, %mul3A_353 : i32
    "tpu.region"() ({
      %run_scoped3A = tpu.sem_alloc : memref<!tpu.dma_semaphore, #tpu.memory_space<semaphore_mem>>
      %dma_start3A_355 = arith.constant 0 : i32
      %dma_start3A_356 = tpu.memref_slice %arg6[%arg0, %mul3A_354, %dma_start3A_355] : memref<2x10240x16xf32, #tpu.memory_space<hbm>> -> memref<1x640x16xf32, #tpu.memory_space<hbm>>
      %dma_start3A_357 = tpu.memref_squeeze %dma_start3A_356 : memref<1x640x16xf32, #tpu.memory_space<hbm>> -> memref<640x16xf32, #tpu.memory_space<hbm>>
      %dma_start3A_358 = arith.constant 0 : i32
      %dma_start3A_359 = tpu.memref_slice %arg9[%mul3A_352, %dma_start3A_358] : memref<10240x16xf32, #tpu.memory_space<vmem_shared>> -> memref<640x16xf32, #tpu.memory_space<vmem_shared>>
      tpu.enqueue_dma source(%dma_start3A_359 : memref<640x16xf32, #tpu.memory_space<vmem_shared>>) target(%dma_start3A_357 : memref<640x16xf32, #tpu.memory_space<hbm>>) target_semaphore(%run_scoped3A : memref<!tpu.dma_semaphore, #tpu.memory_space<semaphore_mem>>)
      %dma_wait3A_360 = arith.constant 0 : i32
      %dma_wait3A_361 = tpu.memref_slice %arg6[%arg0, %mul3A_354, %dma_wait3A_360] : memref<2x10240x16xf32, #tpu.memory_space<hbm>> -> memref<1x640x16xf32, #tpu.memory_space<hbm>>
      %dma_wait3A_362 = tpu.memref_squeeze %dma_wait3A_361 : memref<1x640x16xf32, #tpu.memory_space<hbm>> -> memref<640x16xf32, #tpu.memory_space<hbm>>
      %dma_wait3A_363 = arith.constant 0 : i32
      %dma_wait3A_364 = tpu.memref_slice %arg9[%mul3A_352, %dma_wait3A_363] : memref<10240x16xf32, #tpu.memory_space<vmem_shared>> -> memref<640x16xf32, #tpu.memory_space<vmem_shared>>
      tpu.wait_dma2 semaphore(%run_scoped3A : memref<!tpu.dma_semaphore, #tpu.memory_space<semaphore_mem>>) src(%dma_wait3A_364 : memref<640x16xf32, #tpu.memory_space<vmem_shared>>) dst(%dma_wait3A_362 : memref<640x16xf32, #tpu.memory_space<hbm>>)
      tpu.yield
    }) : () -> ()
    return
  }
}

#map = affine_map<(d0, d1) -> (0, 0, 0)>
#map1 = affine_map<(d0, d1) -> (0, 0)>
module attributes {stable_mosaic.version = 14 : i64} {
  func.func @_deg_body(%arg0: i32, %arg1: i32, %arg2: memref<2500x2x128xi32, #tpu.memory_space<hbm>>, %arg3: memref<60x2x128xi32, #tpu.memory_space<hbm>>, %arg4: memref<128x16xf32, #tpu.memory_space<hbm>>, %arg5: memref<10240x16xf32, #tpu.memory_space<hbm>>, %arg6: memref<2x10240x16xf32, #tpu.memory_space<hbm>>, %arg7: memref<80x2x128xi32, #tpu.memory_space<vmem>>, %arg8: memref<128x16xf32, #tpu.memory_space<vmem>>, %arg9: memref<10240x16xf32, #tpu.memory_space<vmem_shared>>, %arg10: memref<!tpu.dma_semaphore, #tpu.memory_space<semaphore_mem>>) attributes {dimension_semantics = [#tpu.dimension_semantics<core_parallel>, #tpu.dimension_semantics<subcore_parallel>], iteration_bounds = array<i64: 2, 16>, scalar_prefetch = 0 : i64, scratch_operands = 4 : i64, tpu.core_type = #tpu.core_type<sc_vector_subcore>, window_params = [{transform_indices = #map}, {transform_indices = #map}, {transform_indices = #map1}, {transform_indices = #map1}, {transform_indices = #map}]} {
    %mul3A = arith.constant 2 : i32
    %mul3A_0 = arith.muli %arg1, %mul3A : i32
    %add3A = arith.addi %mul3A_0, %arg0 : i32
    %mul3A_1 = arith.constant 640 : i32
    %mul3A_2 = arith.muli %arg1, %mul3A_1 : i32
    %mul3A_3 = arith.constant 640 : i32
    %mul3A_4 = arith.muli %arg1, %mul3A_3 : i32
    "tpu.region"() ({
      %run_scoped3A = tpu.sem_alloc : memref<!tpu.dma_semaphore, #tpu.memory_space<semaphore_mem>>
      %dma_start3A = arith.constant 0 : i32
      %dma_start3A_27 = tpu.memref_slice %arg9[%mul3A_4, %dma_start3A] : memref<10240x16xf32, #tpu.memory_space<vmem_shared>> -> memref<640x16xf32, #tpu.memory_space<vmem_shared>>
      %dma_start3A_28 = arith.constant 0 : i32
      %dma_start3A_29 = tpu.memref_slice %arg5[%mul3A_2, %dma_start3A_28] : memref<10240x16xf32, #tpu.memory_space<hbm>> -> memref<640x16xf32, #tpu.memory_space<hbm>>
      tpu.enqueue_dma source(%dma_start3A_29 : memref<640x16xf32, #tpu.memory_space<hbm>>) target(%dma_start3A_27 : memref<640x16xf32, #tpu.memory_space<vmem_shared>>) target_semaphore(%run_scoped3A : memref<!tpu.dma_semaphore, #tpu.memory_space<semaphore_mem>>)
      %dma_wait3A = arith.constant 0 : i32
      %dma_wait3A_30 = tpu.memref_slice %arg9[%mul3A_4, %dma_wait3A] : memref<10240x16xf32, #tpu.memory_space<vmem_shared>> -> memref<640x16xf32, #tpu.memory_space<vmem_shared>>
      %dma_wait3A_31 = arith.constant 0 : i32
      %dma_wait3A_32 = tpu.memref_slice %arg5[%mul3A_2, %dma_wait3A_31] : memref<10240x16xf32, #tpu.memory_space<hbm>> -> memref<640x16xf32, #tpu.memory_space<hbm>>
      tpu.wait_dma2 semaphore(%run_scoped3A : memref<!tpu.dma_semaphore, #tpu.memory_space<semaphore_mem>>) src(%dma_wait3A_32 : memref<640x16xf32, #tpu.memory_space<hbm>>) dst(%dma_wait3A_30 : memref<640x16xf32, #tpu.memory_space<vmem_shared>>)
      tpu.yield
    }) : () -> ()
    "tpu.region"() ({
      %run_scoped3A = tpu.sem_alloc : memref<!tpu.dma_semaphore, #tpu.memory_space<semaphore_mem>>
      tpu.enqueue_dma source(%arg4 : memref<128x16xf32, #tpu.memory_space<hbm>>) target(%arg8 : memref<128x16xf32, #tpu.memory_space<vmem>>) target_semaphore(%run_scoped3A : memref<!tpu.dma_semaphore, #tpu.memory_space<semaphore_mem>>)
      tpu.wait_dma2 semaphore(%run_scoped3A : memref<!tpu.dma_semaphore, #tpu.memory_space<semaphore_mem>>) src(%arg4 : memref<128x16xf32, #tpu.memory_space<hbm>>) dst(%arg8 : memref<128x16xf32, #tpu.memory_space<vmem>>)
      tpu.yield
    }) : () -> ()
    %lt3A = arith.constant 31 : i32
    %lt3A_5 = arith.cmpi slt, %add3A, %lt3A : i32
    %convert_element_type3A = arith.extui %lt3A_5 : i1 to i32
    %cond3A = arith.constant 0 : i32
    %cond3A_6 = arith.cmpi ne, %convert_element_type3A, %cond3A : i32
    scf.if %cond3A_6 {
      %mul3A_27 = arith.constant 80 : i32
      %mul3A_28 = arith.muli %add3A, %mul3A_27 : i32
      "tpu.region"() ({
        %run_scoped3A = tpu.sem_alloc : memref<!tpu.dma_semaphore, #tpu.memory_space<semaphore_mem>>
        %dma_start3A = arith.constant 0 : i32
        %dma_start3A_29 = arith.constant 0 : i32
        %dma_start3A_30 = tpu.memref_slice %arg2[%mul3A_28, %dma_start3A, %dma_start3A_29] : memref<2500x2x128xi32, #tpu.memory_space<hbm>> -> memref<80x2x128xi32, #tpu.memory_space<hbm>>
        %dma_start3A_31 = arith.constant 0 : i32
        %dma_start3A_32 = arith.constant 0 : i32
        %dma_start3A_33 = tpu.memref_slice %arg2[%mul3A_28, %dma_start3A_31, %dma_start3A_32] : memref<2500x2x128xi32, #tpu.memory_space<hbm>> -> memref<80x2x128xi32, #tpu.memory_space<hbm>>
        tpu.enqueue_dma source(%dma_start3A_33 : memref<80x2x128xi32, #tpu.memory_space<hbm>>) target(%arg7 : memref<80x2x128xi32, #tpu.memory_space<vmem>>) target_semaphore(%run_scoped3A : memref<!tpu.dma_semaphore, #tpu.memory_space<semaphore_mem>>)
        %dma_wait3A = arith.constant 0 : i32
        %dma_wait3A_34 = arith.constant 0 : i32
        %dma_wait3A_35 = tpu.memref_slice %arg2[%mul3A_28, %dma_wait3A, %dma_wait3A_34] : memref<2500x2x128xi32, #tpu.memory_space<hbm>> -> memref<80x2x128xi32, #tpu.memory_space<hbm>>
        %dma_wait3A_36 = arith.constant 0 : i32
        %dma_wait3A_37 = arith.constant 0 : i32
        %dma_wait3A_38 = tpu.memref_slice %arg2[%mul3A_28, %dma_wait3A_36, %dma_wait3A_37] : memref<2500x2x128xi32, #tpu.memory_space<hbm>> -> memref<80x2x128xi32, #tpu.memory_space<hbm>>
        tpu.wait_dma2 semaphore(%run_scoped3A : memref<!tpu.dma_semaphore, #tpu.memory_space<semaphore_mem>>) src(%dma_wait3A_38 : memref<80x2x128xi32, #tpu.memory_space<hbm>>) dst(%arg7 : memref<80x2x128xi32, #tpu.memory_space<vmem>>)
        tpu.yield
      }) : () -> ()
    } else {
    }
    %eq3A = arith.constant 31 : i32
    %eq3A_7 = arith.cmpi eq, %add3A, %eq3A : i32
    %convert_element_type3A_8 = arith.extui %eq3A_7 : i1 to i32
    %cond3A_9 = arith.constant 0 : i32
    %cond3A_10 = arith.cmpi ne, %convert_element_type3A_8, %cond3A_9 : i32
    scf.if %cond3A_10 {
      "tpu.region"() ({
        %run_scoped3A = tpu.sem_alloc : memref<!tpu.dma_semaphore, #tpu.memory_space<semaphore_mem>>
        %dma_start3A = arith.constant 0 : i32
        %dma_start3A_27 = arith.constant 0 : i32
        %dma_start3A_28 = arith.constant 0 : i32
        %dma_start3A_29 = tpu.memref_slice %arg7[%dma_start3A, %dma_start3A_27, %dma_start3A_28] : memref<80x2x128xi32, #tpu.memory_space<vmem>> -> memref<20x2x128xi32, #tpu.memory_space<vmem>>
        %dma_start3A_30 = arith.constant 2480 : i32
        %dma_start3A_31 = arith.constant 0 : i32
        %dma_start3A_32 = arith.constant 0 : i32
        %dma_start3A_33 = tpu.memref_slice %arg2[%dma_start3A_30, %dma_start3A_31, %dma_start3A_32] : memref<2500x2x128xi32, #tpu.memory_space<hbm>> -> memref<20x2x128xi32, #tpu.memory_space<hbm>>
        %dma_start3A_34 = arith.constant 0 : i32
        %dma_start3A_35 = arith.constant 0 : i32
        %dma_start3A_36 = arith.constant 0 : i32
        %dma_start3A_37 = tpu.memref_slice %arg7[%dma_start3A_34, %dma_start3A_35, %dma_start3A_36] : memref<80x2x128xi32, #tpu.memory_space<vmem>> -> memref<20x2x128xi32, #tpu.memory_space<vmem>>
        %dma_start3A_38 = arith.constant 2480 : i32
        %dma_start3A_39 = arith.constant 0 : i32
        %dma_start3A_40 = arith.constant 0 : i32
        %dma_start3A_41 = tpu.memref_slice %arg2[%dma_start3A_38, %dma_start3A_39, %dma_start3A_40] : memref<2500x2x128xi32, #tpu.memory_space<hbm>> -> memref<20x2x128xi32, #tpu.memory_space<hbm>>
        tpu.enqueue_dma source(%dma_start3A_41 : memref<20x2x128xi32, #tpu.memory_space<hbm>>) target(%dma_start3A_37 : memref<20x2x128xi32, #tpu.memory_space<vmem>>) target_semaphore(%run_scoped3A : memref<!tpu.dma_semaphore, #tpu.memory_space<semaphore_mem>>)
        %dma_wait3A = arith.constant 0 : i32
        %dma_wait3A_42 = arith.constant 0 : i32
        %dma_wait3A_43 = arith.constant 0 : i32
        %dma_wait3A_44 = tpu.memref_slice %arg7[%dma_wait3A, %dma_wait3A_42, %dma_wait3A_43] : memref<80x2x128xi32, #tpu.memory_space<vmem>> -> memref<20x2x128xi32, #tpu.memory_space<vmem>>
        %dma_wait3A_45 = arith.constant 2480 : i32
        %dma_wait3A_46 = arith.constant 0 : i32
        %dma_wait3A_47 = arith.constant 0 : i32
        %dma_wait3A_48 = tpu.memref_slice %arg2[%dma_wait3A_45, %dma_wait3A_46, %dma_wait3A_47] : memref<2500x2x128xi32, #tpu.memory_space<hbm>> -> memref<20x2x128xi32, #tpu.memory_space<hbm>>
        %dma_wait3A_49 = arith.constant 0 : i32
        %dma_wait3A_50 = arith.constant 0 : i32
        %dma_wait3A_51 = arith.constant 0 : i32
        %dma_wait3A_52 = tpu.memref_slice %arg7[%dma_wait3A_49, %dma_wait3A_50, %dma_wait3A_51] : memref<80x2x128xi32, #tpu.memory_space<vmem>> -> memref<20x2x128xi32, #tpu.memory_space<vmem>>
        %dma_wait3A_53 = arith.constant 2480 : i32
        %dma_wait3A_54 = arith.constant 0 : i32
        %dma_wait3A_55 = arith.constant 0 : i32
        %dma_wait3A_56 = tpu.memref_slice %arg2[%dma_wait3A_53, %dma_wait3A_54, %dma_wait3A_55] : memref<2500x2x128xi32, #tpu.memory_space<hbm>> -> memref<20x2x128xi32, #tpu.memory_space<hbm>>
        tpu.wait_dma2 semaphore(%run_scoped3A : memref<!tpu.dma_semaphore, #tpu.memory_space<semaphore_mem>>) src(%dma_wait3A_56 : memref<20x2x128xi32, #tpu.memory_space<hbm>>) dst(%dma_wait3A_52 : memref<20x2x128xi32, #tpu.memory_space<vmem>>)
        tpu.yield
      }) : () -> ()
      "tpu.region"() ({
        %run_scoped3A = tpu.sem_alloc : memref<!tpu.dma_semaphore, #tpu.memory_space<semaphore_mem>>
        %dma_start3A = arith.constant 20 : i32
        %dma_start3A_27 = arith.constant 0 : i32
        %dma_start3A_28 = arith.constant 0 : i32
        %dma_start3A_29 = tpu.memref_slice %arg7[%dma_start3A, %dma_start3A_27, %dma_start3A_28] : memref<80x2x128xi32, #tpu.memory_space<vmem>> -> memref<60x2x128xi32, #tpu.memory_space<vmem>>
        %dma_start3A_30 = arith.constant 20 : i32
        %dma_start3A_31 = arith.constant 0 : i32
        %dma_start3A_32 = arith.constant 0 : i32
        %dma_start3A_33 = tpu.memref_slice %arg7[%dma_start3A_30, %dma_start3A_31, %dma_start3A_32] : memref<80x2x128xi32, #tpu.memory_space<vmem>> -> memref<60x2x128xi32, #tpu.memory_space<vmem>>
        tpu.enqueue_dma source(%arg3 : memref<60x2x128xi32, #tpu.memory_space<hbm>>) target(%dma_start3A_33 : memref<60x2x128xi32, #tpu.memory_space<vmem>>) target_semaphore(%run_scoped3A : memref<!tpu.dma_semaphore, #tpu.memory_space<semaphore_mem>>)
        %dma_wait3A = arith.constant 20 : i32
        %dma_wait3A_34 = arith.constant 0 : i32
        %dma_wait3A_35 = arith.constant 0 : i32
        %dma_wait3A_36 = tpu.memref_slice %arg7[%dma_wait3A, %dma_wait3A_34, %dma_wait3A_35] : memref<80x2x128xi32, #tpu.memory_space<vmem>> -> memref<60x2x128xi32, #tpu.memory_space<vmem>>
        %dma_wait3A_37 = arith.constant 20 : i32
        %dma_wait3A_38 = arith.constant 0 : i32
        %dma_wait3A_39 = arith.constant 0 : i32
        %dma_wait3A_40 = tpu.memref_slice %arg7[%dma_wait3A_37, %dma_wait3A_38, %dma_wait3A_39] : memref<80x2x128xi32, #tpu.memory_space<vmem>> -> memref<60x2x128xi32, #tpu.memory_space<vmem>>
        tpu.wait_dma2 semaphore(%run_scoped3A : memref<!tpu.dma_semaphore, #tpu.memory_space<semaphore_mem>>) src(%arg3 : memref<60x2x128xi32, #tpu.memory_space<hbm>>) dst(%dma_wait3A_40 : memref<60x2x128xi32, #tpu.memory_space<vmem>>)
        tpu.yield
      }) : () -> ()
    } else {
    }
    %barrier3A = arith.constant 0 : index
    tpu.barrier barrier_id(%barrier3A)
    %scan3A = arith.constant 0 : i32
    %scan3A_11 = arith.constant 0 : i32
    %scan3A_12 = arith.constant 80 : i32
    %scan3A_13 = arith.addi %scan3A_11, %scan3A_12 : i32
    %scan3A_14 = arith.constant 1 : i32
    scf.for %scan3A_27 = %scan3A_11 to %scan3A_13 step %scan3A_14  : i32 {
      %dma_start3A = arith.constant 1 : i32
      %dma_start3A_28 = arith.constant 0 : i32
      %dma_start3A_29 = tpu.memref_slice %arg7[%scan3A_27, %dma_start3A, %dma_start3A_28] : memref<80x2x128xi32, #tpu.memory_space<vmem>> -> memref<1x1x128xi32, #tpu.memory_space<vmem>>
      %dma_start3A_30 = tpu.memref_squeeze %dma_start3A_29 : memref<1x1x128xi32, #tpu.memory_space<vmem>> -> memref<128xi32, #tpu.memory_space<vmem>>
      %dma_start3A_31 = arith.constant 0 : i32
      %dma_start3A_32 = arith.constant 0 : i32
      %dma_start3A_33 = tpu.memref_slice %arg9[%dma_start3A_31, %dma_start3A_32] : memref<10240x16xf32, #tpu.memory_space<vmem_shared>> -> memref<10240x16xf32, #tpu.memory_space<vmem_shared>>
      tpu.enqueue_indirect_dma source(%arg8 : memref<128x16xf32, #tpu.memory_space<vmem>>) target(%dma_start3A_33 : memref<10240x16xf32, #tpu.memory_space<vmem_shared>>) offsets(%dma_start3A_30 : memref<128xi32, #tpu.memory_space<vmem>>) semaphore(%arg10 : memref<!tpu.dma_semaphore, #tpu.memory_space<semaphore_mem>>) {add = true}
    }
    %scan3A_15 = arith.constant 80 : i32
    %scan3A_16 = arith.constant 0 : i32
    %scan3A_17 = arith.constant 0 : i32
    %scan3A_18 = arith.constant 80 : i32
    %scan3A_19 = arith.addi %scan3A_17, %scan3A_18 : i32
    %scan3A_20 = arith.constant 1 : i32
    scf.for %scan3A_27 = %scan3A_17 to %scan3A_19 step %scan3A_20  : i32 {
      %dma_wait3A = arith.constant 1 : i32
      %dma_wait3A_28 = arith.constant 0 : i32
      %dma_wait3A_29 = tpu.memref_slice %arg7[%scan3A_27, %dma_wait3A, %dma_wait3A_28] : memref<80x2x128xi32, #tpu.memory_space<vmem>> -> memref<1x1x128xi32, #tpu.memory_space<vmem>>
      %dma_wait3A_30 = tpu.memref_squeeze %dma_wait3A_29 : memref<1x1x128xi32, #tpu.memory_space<vmem>> -> memref<128xi32, #tpu.memory_space<vmem>>
      %dma_wait3A_31 = arith.constant 0 : i32
      %dma_wait3A_32 = arith.constant 0 : i32
      %dma_wait3A_33 = tpu.memref_slice %arg9[%dma_wait3A_31, %dma_wait3A_32] : memref<10240x16xf32, #tpu.memory_space<vmem_shared>> -> memref<10240x16xf32, #tpu.memory_space<vmem_shared>>
      tpu.wait_indirect_dma semaphore(%arg10 : memref<!tpu.dma_semaphore, #tpu.memory_space<semaphore_mem>>) src(%arg8 : memref<128x16xf32, #tpu.memory_space<vmem>>) dst(%dma_wait3A_33 : memref<10240x16xf32, #tpu.memory_space<vmem_shared>>)
    }
    %scan3A_21 = arith.constant 80 : i32
    %barrier3A_22 = arith.constant 0 : index
    tpu.barrier barrier_id(%barrier3A_22)
    %mul3A_23 = arith.constant 640 : i32
    %mul3A_24 = arith.muli %arg1, %mul3A_23 : i32
    %mul3A_25 = arith.constant 640 : i32
    %mul3A_26 = arith.muli %arg1, %mul3A_25 : i32
    "tpu.region"() ({
      %run_scoped3A = tpu.sem_alloc : memref<!tpu.dma_semaphore, #tpu.memory_space<semaphore_mem>>
      %dma_start3A = arith.constant 0 : i32
      %dma_start3A_27 = tpu.memref_slice %arg6[%arg0, %mul3A_26, %dma_start3A] : memref<2x10240x16xf32, #tpu.memory_space<hbm>> -> memref<1x640x16xf32, #tpu.memory_space<hbm>>
      %dma_start3A_28 = tpu.memref_squeeze %dma_start3A_27 : memref<1x640x16xf32, #tpu.memory_space<hbm>> -> memref<640x16xf32, #tpu.memory_space<hbm>>
      %dma_start3A_29 = arith.constant 0 : i32
      %dma_start3A_30 = tpu.memref_slice %arg9[%mul3A_24, %dma_start3A_29] : memref<10240x16xf32, #tpu.memory_space<vmem_shared>> -> memref<640x16xf32, #tpu.memory_space<vmem_shared>>
      tpu.enqueue_dma source(%dma_start3A_30 : memref<640x16xf32, #tpu.memory_space<vmem_shared>>) target(%dma_start3A_28 : memref<640x16xf32, #tpu.memory_space<hbm>>) target_semaphore(%run_scoped3A : memref<!tpu.dma_semaphore, #tpu.memory_space<semaphore_mem>>)
      %dma_wait3A = arith.constant 0 : i32
      %dma_wait3A_31 = tpu.memref_slice %arg6[%arg0, %mul3A_26, %dma_wait3A] : memref<2x10240x16xf32, #tpu.memory_space<hbm>> -> memref<1x640x16xf32, #tpu.memory_space<hbm>>
      %dma_wait3A_32 = tpu.memref_squeeze %dma_wait3A_31 : memref<1x640x16xf32, #tpu.memory_space<hbm>> -> memref<640x16xf32, #tpu.memory_space<hbm>>
      %dma_wait3A_33 = arith.constant 0 : i32
      %dma_wait3A_34 = tpu.memref_slice %arg9[%mul3A_24, %dma_wait3A_33] : memref<10240x16xf32, #tpu.memory_space<vmem_shared>> -> memref<640x16xf32, #tpu.memory_space<vmem_shared>>
      tpu.wait_dma2 semaphore(%run_scoped3A : memref<!tpu.dma_semaphore, #tpu.memory_space<semaphore_mem>>) src(%dma_wait3A_34 : memref<640x16xf32, #tpu.memory_space<vmem_shared>>) dst(%dma_wait3A_32 : memref<640x16xf32, #tpu.memory_space<hbm>>)
      tpu.yield
    }) : () -> ()
    return
  }
}

#map = affine_map<(d0, d1) -> (0, 0)>
#map1 = affine_map<(d0, d1) -> (0, 0, 0)>
module attributes {stable_mosaic.version = 14 : i64} {
  func.func @_agg_body(%arg0: i32, %arg1: i32, %arg2: memref<10240x16xf32, #tpu.memory_space<hbm>>, %arg3: memref<2500x2x128xi32, #tpu.memory_space<hbm>>, %arg4: memref<60x2x128xi32, #tpu.memory_space<hbm>>, %arg5: memref<10240x16xf32, #tpu.memory_space<hbm>>, %arg6: memref<2x10240x16xf32, #tpu.memory_space<hbm>>, %arg7: memref<80x2x128xi32, #tpu.memory_space<vmem>>, %arg8: memref<3x8x128x16xf32, #tpu.memory_space<vmem>>, %arg9: memref<10240x16xf32, #tpu.memory_space<vmem_shared>>, %arg10: memref<!tpu.dma_semaphore, #tpu.memory_space<semaphore_mem>>, %arg11: memref<!tpu.dma_semaphore, #tpu.memory_space<semaphore_mem>>) attributes {dimension_semantics = [#tpu.dimension_semantics<core_parallel>, #tpu.dimension_semantics<subcore_parallel>], iteration_bounds = array<i64: 2, 16>, scalar_prefetch = 0 : i64, scratch_operands = 5 : i64, tpu.core_type = #tpu.core_type<sc_vector_subcore>, window_params = [{transform_indices = #map}, {transform_indices = #map1}, {transform_indices = #map1}, {transform_indices = #map}, {transform_indices = #map1}]} {
    %mul3A = arith.constant 2 : i32
    %mul3A_0 = arith.muli %arg1, %mul3A : i32
    %add3A = arith.addi %mul3A_0, %arg0 : i32
    %mul3A_1 = arith.constant 640 : i32
    %mul3A_2 = arith.muli %arg1, %mul3A_1 : i32
    %mul3A_3 = arith.constant 640 : i32
    %mul3A_4 = arith.muli %arg1, %mul3A_3 : i32
    "tpu.region"() ({
      %run_scoped3A = tpu.sem_alloc : memref<!tpu.dma_semaphore, #tpu.memory_space<semaphore_mem>>
      %dma_start3A_355 = arith.constant 0 : i32
      %dma_start3A_356 = tpu.memref_slice %arg9[%mul3A_4, %dma_start3A_355] : memref<10240x16xf32, #tpu.memory_space<vmem_shared>> -> memref<640x16xf32, #tpu.memory_space<vmem_shared>>
      %dma_start3A_357 = arith.constant 0 : i32
      %dma_start3A_358 = tpu.memref_slice %arg5[%mul3A_2, %dma_start3A_357] : memref<10240x16xf32, #tpu.memory_space<hbm>> -> memref<640x16xf32, #tpu.memory_space<hbm>>
      tpu.enqueue_dma source(%dma_start3A_358 : memref<640x16xf32, #tpu.memory_space<hbm>>) target(%dma_start3A_356 : memref<640x16xf32, #tpu.memory_space<vmem_shared>>) target_semaphore(%run_scoped3A : memref<!tpu.dma_semaphore, #tpu.memory_space<semaphore_mem>>)
      %dma_wait3A_359 = arith.constant 0 : i32
      %dma_wait3A_360 = tpu.memref_slice %arg9[%mul3A_4, %dma_wait3A_359] : memref<10240x16xf32, #tpu.memory_space<vmem_shared>> -> memref<640x16xf32, #tpu.memory_space<vmem_shared>>
      %dma_wait3A_361 = arith.constant 0 : i32
      %dma_wait3A_362 = tpu.memref_slice %arg5[%mul3A_2, %dma_wait3A_361] : memref<10240x16xf32, #tpu.memory_space<hbm>> -> memref<640x16xf32, #tpu.memory_space<hbm>>
      tpu.wait_dma2 semaphore(%run_scoped3A : memref<!tpu.dma_semaphore, #tpu.memory_space<semaphore_mem>>) src(%dma_wait3A_362 : memref<640x16xf32, #tpu.memory_space<hbm>>) dst(%dma_wait3A_360 : memref<640x16xf32, #tpu.memory_space<vmem_shared>>)
      tpu.yield
    }) : () -> ()
    %lt3A = arith.constant 31 : i32
    %lt3A_5 = arith.cmpi slt, %add3A, %lt3A : i32
    %convert_element_type3A = arith.extui %lt3A_5 : i1 to i32
    %cond3A = arith.constant 0 : i32
    %cond3A_6 = arith.cmpi ne, %convert_element_type3A, %cond3A : i32
    scf.if %cond3A_6 {
      %mul3A_355 = arith.constant 80 : i32
      %mul3A_356 = arith.muli %add3A, %mul3A_355 : i32
      "tpu.region"() ({
        %run_scoped3A = tpu.sem_alloc : memref<!tpu.dma_semaphore, #tpu.memory_space<semaphore_mem>>
        %dma_start3A_357 = arith.constant 0 : i32
        %dma_start3A_358 = arith.constant 0 : i32
        %dma_start3A_359 = tpu.memref_slice %arg3[%mul3A_356, %dma_start3A_357, %dma_start3A_358] : memref<2500x2x128xi32, #tpu.memory_space<hbm>> -> memref<80x2x128xi32, #tpu.memory_space<hbm>>
        %dma_start3A_360 = arith.constant 0 : i32
        %dma_start3A_361 = arith.constant 0 : i32
        %dma_start3A_362 = tpu.memref_slice %arg3[%mul3A_356, %dma_start3A_360, %dma_start3A_361] : memref<2500x2x128xi32, #tpu.memory_space<hbm>> -> memref<80x2x128xi32, #tpu.memory_space<hbm>>
        tpu.enqueue_dma source(%dma_start3A_362 : memref<80x2x128xi32, #tpu.memory_space<hbm>>) target(%arg7 : memref<80x2x128xi32, #tpu.memory_space<vmem>>) target_semaphore(%run_scoped3A : memref<!tpu.dma_semaphore, #tpu.memory_space<semaphore_mem>>)
        %dma_wait3A_363 = arith.constant 0 : i32
        %dma_wait3A_364 = arith.constant 0 : i32
        %dma_wait3A_365 = tpu.memref_slice %arg3[%mul3A_356, %dma_wait3A_363, %dma_wait3A_364] : memref<2500x2x128xi32, #tpu.memory_space<hbm>> -> memref<80x2x128xi32, #tpu.memory_space<hbm>>
        %dma_wait3A_366 = arith.constant 0 : i32
        %dma_wait3A_367 = arith.constant 0 : i32
        %dma_wait3A_368 = tpu.memref_slice %arg3[%mul3A_356, %dma_wait3A_366, %dma_wait3A_367] : memref<2500x2x128xi32, #tpu.memory_space<hbm>> -> memref<80x2x128xi32, #tpu.memory_space<hbm>>
        tpu.wait_dma2 semaphore(%run_scoped3A : memref<!tpu.dma_semaphore, #tpu.memory_space<semaphore_mem>>) src(%dma_wait3A_368 : memref<80x2x128xi32, #tpu.memory_space<hbm>>) dst(%arg7 : memref<80x2x128xi32, #tpu.memory_space<vmem>>)
        tpu.yield
      }) : () -> ()
    } else {
    }
    %eq3A = arith.constant 31 : i32
    %eq3A_7 = arith.cmpi eq, %add3A, %eq3A : i32
    %convert_element_type3A_8 = arith.extui %eq3A_7 : i1 to i32
    %cond3A_9 = arith.constant 0 : i32
    %cond3A_10 = arith.cmpi ne, %convert_element_type3A_8, %cond3A_9 : i32
    scf.if %cond3A_10 {
      "tpu.region"() ({
        %run_scoped3A = tpu.sem_alloc : memref<!tpu.dma_semaphore, #tpu.memory_space<semaphore_mem>>
        %dma_start3A_355 = arith.constant 0 : i32
        %dma_start3A_356 = arith.constant 0 : i32
        %dma_start3A_357 = arith.constant 0 : i32
        %dma_start3A_358 = tpu.memref_slice %arg7[%dma_start3A_355, %dma_start3A_356, %dma_start3A_357] : memref<80x2x128xi32, #tpu.memory_space<vmem>> -> memref<20x2x128xi32, #tpu.memory_space<vmem>>
        %dma_start3A_359 = arith.constant 2480 : i32
        %dma_start3A_360 = arith.constant 0 : i32
        %dma_start3A_361 = arith.constant 0 : i32
        %dma_start3A_362 = tpu.memref_slice %arg3[%dma_start3A_359, %dma_start3A_360, %dma_start3A_361] : memref<2500x2x128xi32, #tpu.memory_space<hbm>> -> memref<20x2x128xi32, #tpu.memory_space<hbm>>
        %dma_start3A_363 = arith.constant 0 : i32
        %dma_start3A_364 = arith.constant 0 : i32
        %dma_start3A_365 = arith.constant 0 : i32
        %dma_start3A_366 = tpu.memref_slice %arg7[%dma_start3A_363, %dma_start3A_364, %dma_start3A_365] : memref<80x2x128xi32, #tpu.memory_space<vmem>> -> memref<20x2x128xi32, #tpu.memory_space<vmem>>
        %dma_start3A_367 = arith.constant 2480 : i32
        %dma_start3A_368 = arith.constant 0 : i32
        %dma_start3A_369 = arith.constant 0 : i32
        %dma_start3A_370 = tpu.memref_slice %arg3[%dma_start3A_367, %dma_start3A_368, %dma_start3A_369] : memref<2500x2x128xi32, #tpu.memory_space<hbm>> -> memref<20x2x128xi32, #tpu.memory_space<hbm>>
        tpu.enqueue_dma source(%dma_start3A_370 : memref<20x2x128xi32, #tpu.memory_space<hbm>>) target(%dma_start3A_366 : memref<20x2x128xi32, #tpu.memory_space<vmem>>) target_semaphore(%run_scoped3A : memref<!tpu.dma_semaphore, #tpu.memory_space<semaphore_mem>>)
        %dma_wait3A_371 = arith.constant 0 : i32
        %dma_wait3A_372 = arith.constant 0 : i32
        %dma_wait3A_373 = arith.constant 0 : i32
        %dma_wait3A_374 = tpu.memref_slice %arg7[%dma_wait3A_371, %dma_wait3A_372, %dma_wait3A_373] : memref<80x2x128xi32, #tpu.memory_space<vmem>> -> memref<20x2x128xi32, #tpu.memory_space<vmem>>
        %dma_wait3A_375 = arith.constant 2480 : i32
        %dma_wait3A_376 = arith.constant 0 : i32
        %dma_wait3A_377 = arith.constant 0 : i32
        %dma_wait3A_378 = tpu.memref_slice %arg3[%dma_wait3A_375, %dma_wait3A_376, %dma_wait3A_377] : memref<2500x2x128xi32, #tpu.memory_space<hbm>> -> memref<20x2x128xi32, #tpu.memory_space<hbm>>
        %dma_wait3A_379 = arith.constant 0 : i32
        %dma_wait3A_380 = arith.constant 0 : i32
        %dma_wait3A_381 = arith.constant 0 : i32
        %dma_wait3A_382 = tpu.memref_slice %arg7[%dma_wait3A_379, %dma_wait3A_380, %dma_wait3A_381] : memref<80x2x128xi32, #tpu.memory_space<vmem>> -> memref<20x2x128xi32, #tpu.memory_space<vmem>>
        %dma_wait3A_383 = arith.constant 2480 : i32
        %dma_wait3A_384 = arith.constant 0 : i32
        %dma_wait3A_385 = arith.constant 0 : i32
        %dma_wait3A_386 = tpu.memref_slice %arg3[%dma_wait3A_383, %dma_wait3A_384, %dma_wait3A_385] : memref<2500x2x128xi32, #tpu.memory_space<hbm>> -> memref<20x2x128xi32, #tpu.memory_space<hbm>>
        tpu.wait_dma2 semaphore(%run_scoped3A : memref<!tpu.dma_semaphore, #tpu.memory_space<semaphore_mem>>) src(%dma_wait3A_386 : memref<20x2x128xi32, #tpu.memory_space<hbm>>) dst(%dma_wait3A_382 : memref<20x2x128xi32, #tpu.memory_space<vmem>>)
        tpu.yield
      }) : () -> ()
      "tpu.region"() ({
        %run_scoped3A = tpu.sem_alloc : memref<!tpu.dma_semaphore, #tpu.memory_space<semaphore_mem>>
        %dma_start3A_355 = arith.constant 20 : i32
        %dma_start3A_356 = arith.constant 0 : i32
        %dma_start3A_357 = arith.constant 0 : i32
        %dma_start3A_358 = tpu.memref_slice %arg7[%dma_start3A_355, %dma_start3A_356, %dma_start3A_357] : memref<80x2x128xi32, #tpu.memory_space<vmem>> -> memref<60x2x128xi32, #tpu.memory_space<vmem>>
        %dma_start3A_359 = arith.constant 20 : i32
        %dma_start3A_360 = arith.constant 0 : i32
        %dma_start3A_361 = arith.constant 0 : i32
        %dma_start3A_362 = tpu.memref_slice %arg7[%dma_start3A_359, %dma_start3A_360, %dma_start3A_361] : memref<80x2x128xi32, #tpu.memory_space<vmem>> -> memref<60x2x128xi32, #tpu.memory_space<vmem>>
        tpu.enqueue_dma source(%arg4 : memref<60x2x128xi32, #tpu.memory_space<hbm>>) target(%dma_start3A_362 : memref<60x2x128xi32, #tpu.memory_space<vmem>>) target_semaphore(%run_scoped3A : memref<!tpu.dma_semaphore, #tpu.memory_space<semaphore_mem>>)
        %dma_wait3A_363 = arith.constant 20 : i32
        %dma_wait3A_364 = arith.constant 0 : i32
        %dma_wait3A_365 = arith.constant 0 : i32
        %dma_wait3A_366 = tpu.memref_slice %arg7[%dma_wait3A_363, %dma_wait3A_364, %dma_wait3A_365] : memref<80x2x128xi32, #tpu.memory_space<vmem>> -> memref<60x2x128xi32, #tpu.memory_space<vmem>>
        %dma_wait3A_367 = arith.constant 20 : i32
        %dma_wait3A_368 = arith.constant 0 : i32
        %dma_wait3A_369 = arith.constant 0 : i32
        %dma_wait3A_370 = tpu.memref_slice %arg7[%dma_wait3A_367, %dma_wait3A_368, %dma_wait3A_369] : memref<80x2x128xi32, #tpu.memory_space<vmem>> -> memref<60x2x128xi32, #tpu.memory_space<vmem>>
        tpu.wait_dma2 semaphore(%run_scoped3A : memref<!tpu.dma_semaphore, #tpu.memory_space<semaphore_mem>>) src(%arg4 : memref<60x2x128xi32, #tpu.memory_space<hbm>>) dst(%dma_wait3A_370 : memref<60x2x128xi32, #tpu.memory_space<vmem>>)
        tpu.yield
      }) : () -> ()
    } else {
    }
    %barrier3A = arith.constant 0 : index
    tpu.barrier barrier_id(%barrier3A)
    %dma_start3A = arith.constant 0 : i32
    %dma_start3A_11 = arith.constant 0 : i32
    %dma_start3A_12 = arith.constant 0 : i32
    %dma_start3A_13 = arith.constant 0 : i32
    %dma_start3A_14 = arith.constant 0 : i32
    %dma_start3A_15 = arith.constant 0 : i32
    %dma_start3A_16 = tpu.memref_slice %arg8[%dma_start3A_12, %dma_start3A_13, %dma_start3A_14, %dma_start3A_15] : memref<3x8x128x16xf32, #tpu.memory_space<vmem>> -> memref<1x1x128x16xf32, #tpu.memory_space<vmem>>
    %dma_start3A_17 = tpu.memref_squeeze %dma_start3A_16 : memref<1x1x128x16xf32, #tpu.memory_space<vmem>> -> memref<128x16xf32, #tpu.memory_space<vmem>>
    %dma_start3A_18 = arith.constant 0 : i32
    %dma_start3A_19 = tpu.memref_slice %arg7[%dma_start3A, %dma_start3A_11, %dma_start3A_18] : memref<80x2x128xi32, #tpu.memory_space<vmem>> -> memref<1x1x128xi32, #tpu.memory_space<vmem>>
    %dma_start3A_20 = tpu.memref_squeeze %dma_start3A_19 : memref<1x1x128xi32, #tpu.memory_space<vmem>> -> memref<128xi32, #tpu.memory_space<vmem>>
    %dma_start3A_21 = arith.constant 0 : i32
    %dma_start3A_22 = arith.constant 0 : i32
    %dma_start3A_23 = tpu.memref_slice %arg2[%dma_start3A_21, %dma_start3A_22] : memref<10240x16xf32, #tpu.memory_space<hbm>> -> memref<10240x16xf32, #tpu.memory_space<hbm>>
    tpu.enqueue_indirect_dma source(%dma_start3A_23 : memref<10240x16xf32, #tpu.memory_space<hbm>>) target(%dma_start3A_17 : memref<128x16xf32, #tpu.memory_space<vmem>>) offsets(%dma_start3A_20 : memref<128xi32, #tpu.memory_space<vmem>>) semaphore(%arg10 : memref<!tpu.dma_semaphore, #tpu.memory_space<semaphore_mem>>)
    %dma_start3A_24 = arith.constant 1 : i32
    %dma_start3A_25 = arith.constant 0 : i32
    %dma_start3A_26 = arith.constant 0 : i32
    %dma_start3A_27 = arith.constant 1 : i32
    %dma_start3A_28 = arith.constant 0 : i32
    %dma_start3A_29 = arith.constant 0 : i32
    %dma_start3A_30 = tpu.memref_slice %arg8[%dma_start3A_26, %dma_start3A_27, %dma_start3A_28, %dma_start3A_29] : memref<3x8x128x16xf32, #tpu.memory_space<vmem>> -> memref<1x1x128x16xf32, #tpu.memory_space<vmem>>
    %dma_start3A_31 = tpu.memref_squeeze %dma_start3A_30 : memref<1x1x128x16xf32, #tpu.memory_space<vmem>> -> memref<128x16xf32, #tpu.memory_space<vmem>>
    %dma_start3A_32 = arith.constant 0 : i32
    %dma_start3A_33 = tpu.memref_slice %arg7[%dma_start3A_24, %dma_start3A_25, %dma_start3A_32] : memref<80x2x128xi32, #tpu.memory_space<vmem>> -> memref<1x1x128xi32, #tpu.memory_space<vmem>>
    %dma_start3A_34 = tpu.memref_squeeze %dma_start3A_33 : memref<1x1x128xi32, #tpu.memory_space<vmem>> -> memref<128xi32, #tpu.memory_space<vmem>>
    %dma_start3A_35 = arith.constant 0 : i32
    %dma_start3A_36 = arith.constant 0 : i32
    %dma_start3A_37 = tpu.memref_slice %arg2[%dma_start3A_35, %dma_start3A_36] : memref<10240x16xf32, #tpu.memory_space<hbm>> -> memref<10240x16xf32, #tpu.memory_space<hbm>>
    tpu.enqueue_indirect_dma source(%dma_start3A_37 : memref<10240x16xf32, #tpu.memory_space<hbm>>) target(%dma_start3A_31 : memref<128x16xf32, #tpu.memory_space<vmem>>) offsets(%dma_start3A_34 : memref<128xi32, #tpu.memory_space<vmem>>) semaphore(%arg10 : memref<!tpu.dma_semaphore, #tpu.memory_space<semaphore_mem>>)
    %dma_start3A_38 = arith.constant 2 : i32
    %dma_start3A_39 = arith.constant 0 : i32
    %dma_start3A_40 = arith.constant 0 : i32
    %dma_start3A_41 = arith.constant 2 : i32
    %dma_start3A_42 = arith.constant 0 : i32
    %dma_start3A_43 = arith.constant 0 : i32
    %dma_start3A_44 = tpu.memref_slice %arg8[%dma_start3A_40, %dma_start3A_41, %dma_start3A_42, %dma_start3A_43] : memref<3x8x128x16xf32, #tpu.memory_space<vmem>> -> memref<1x1x128x16xf32, #tpu.memory_space<vmem>>
    %dma_start3A_45 = tpu.memref_squeeze %dma_start3A_44 : memref<1x1x128x16xf32, #tpu.memory_space<vmem>> -> memref<128x16xf32, #tpu.memory_space<vmem>>
    %dma_start3A_46 = arith.constant 0 : i32
    %dma_start3A_47 = tpu.memref_slice %arg7[%dma_start3A_38, %dma_start3A_39, %dma_start3A_46] : memref<80x2x128xi32, #tpu.memory_space<vmem>> -> memref<1x1x128xi32, #tpu.memory_space<vmem>>
    %dma_start3A_48 = tpu.memref_squeeze %dma_start3A_47 : memref<1x1x128xi32, #tpu.memory_space<vmem>> -> memref<128xi32, #tpu.memory_space<vmem>>
    %dma_start3A_49 = arith.constant 0 : i32
    %dma_start3A_50 = arith.constant 0 : i32
    %dma_start3A_51 = tpu.memref_slice %arg2[%dma_start3A_49, %dma_start3A_50] : memref<10240x16xf32, #tpu.memory_space<hbm>> -> memref<10240x16xf32, #tpu.memory_space<hbm>>
    tpu.enqueue_indirect_dma source(%dma_start3A_51 : memref<10240x16xf32, #tpu.memory_space<hbm>>) target(%dma_start3A_45 : memref<128x16xf32, #tpu.memory_space<vmem>>) offsets(%dma_start3A_48 : memref<128xi32, #tpu.memory_space<vmem>>) semaphore(%arg10 : memref<!tpu.dma_semaphore, #tpu.memory_space<semaphore_mem>>)
    %dma_start3A_52 = arith.constant 3 : i32
    %dma_start3A_53 = arith.constant 0 : i32
    %dma_start3A_54 = arith.constant 0 : i32
    %dma_start3A_55 = arith.constant 3 : i32
    %dma_start3A_56 = arith.constant 0 : i32
    %dma_start3A_57 = arith.constant 0 : i32
    %dma_start3A_58 = tpu.memref_slice %arg8[%dma_start3A_54, %dma_start3A_55, %dma_start3A_56, %dma_start3A_57] : memref<3x8x128x16xf32, #tpu.memory_space<vmem>> -> memref<1x1x128x16xf32, #tpu.memory_space<vmem>>
    %dma_start3A_59 = tpu.memref_squeeze %dma_start3A_58 : memref<1x1x128x16xf32, #tpu.memory_space<vmem>> -> memref<128x16xf32, #tpu.memory_space<vmem>>
    %dma_start3A_60 = arith.constant 0 : i32
    %dma_start3A_61 = tpu.memref_slice %arg7[%dma_start3A_52, %dma_start3A_53, %dma_start3A_60] : memref<80x2x128xi32, #tpu.memory_space<vmem>> -> memref<1x1x128xi32, #tpu.memory_space<vmem>>
    %dma_start3A_62 = tpu.memref_squeeze %dma_start3A_61 : memref<1x1x128xi32, #tpu.memory_space<vmem>> -> memref<128xi32, #tpu.memory_space<vmem>>
    %dma_start3A_63 = arith.constant 0 : i32
    %dma_start3A_64 = arith.constant 0 : i32
    %dma_start3A_65 = tpu.memref_slice %arg2[%dma_start3A_63, %dma_start3A_64] : memref<10240x16xf32, #tpu.memory_space<hbm>> -> memref<10240x16xf32, #tpu.memory_space<hbm>>
    tpu.enqueue_indirect_dma source(%dma_start3A_65 : memref<10240x16xf32, #tpu.memory_space<hbm>>) target(%dma_start3A_59 : memref<128x16xf32, #tpu.memory_space<vmem>>) offsets(%dma_start3A_62 : memref<128xi32, #tpu.memory_space<vmem>>) semaphore(%arg10 : memref<!tpu.dma_semaphore, #tpu.memory_space<semaphore_mem>>)
    %dma_start3A_66 = arith.constant 4 : i32
    %dma_start3A_67 = arith.constant 0 : i32
    %dma_start3A_68 = arith.constant 0 : i32
    %dma_start3A_69 = arith.constant 4 : i32
    %dma_start3A_70 = arith.constant 0 : i32
    %dma_start3A_71 = arith.constant 0 : i32
    %dma_start3A_72 = tpu.memref_slice %arg8[%dma_start3A_68, %dma_start3A_69, %dma_start3A_70, %dma_start3A_71] : memref<3x8x128x16xf32, #tpu.memory_space<vmem>> -> memref<1x1x128x16xf32, #tpu.memory_space<vmem>>
    %dma_start3A_73 = tpu.memref_squeeze %dma_start3A_72 : memref<1x1x128x16xf32, #tpu.memory_space<vmem>> -> memref<128x16xf32, #tpu.memory_space<vmem>>
    %dma_start3A_74 = arith.constant 0 : i32
    %dma_start3A_75 = tpu.memref_slice %arg7[%dma_start3A_66, %dma_start3A_67, %dma_start3A_74] : memref<80x2x128xi32, #tpu.memory_space<vmem>> -> memref<1x1x128xi32, #tpu.memory_space<vmem>>
    %dma_start3A_76 = tpu.memref_squeeze %dma_start3A_75 : memref<1x1x128xi32, #tpu.memory_space<vmem>> -> memref<128xi32, #tpu.memory_space<vmem>>
    %dma_start3A_77 = arith.constant 0 : i32
    %dma_start3A_78 = arith.constant 0 : i32
    %dma_start3A_79 = tpu.memref_slice %arg2[%dma_start3A_77, %dma_start3A_78] : memref<10240x16xf32, #tpu.memory_space<hbm>> -> memref<10240x16xf32, #tpu.memory_space<hbm>>
    tpu.enqueue_indirect_dma source(%dma_start3A_79 : memref<10240x16xf32, #tpu.memory_space<hbm>>) target(%dma_start3A_73 : memref<128x16xf32, #tpu.memory_space<vmem>>) offsets(%dma_start3A_76 : memref<128xi32, #tpu.memory_space<vmem>>) semaphore(%arg10 : memref<!tpu.dma_semaphore, #tpu.memory_space<semaphore_mem>>)
    %dma_start3A_80 = arith.constant 5 : i32
    %dma_start3A_81 = arith.constant 0 : i32
    %dma_start3A_82 = arith.constant 0 : i32
    %dma_start3A_83 = arith.constant 5 : i32
    %dma_start3A_84 = arith.constant 0 : i32
    %dma_start3A_85 = arith.constant 0 : i32
    %dma_start3A_86 = tpu.memref_slice %arg8[%dma_start3A_82, %dma_start3A_83, %dma_start3A_84, %dma_start3A_85] : memref<3x8x128x16xf32, #tpu.memory_space<vmem>> -> memref<1x1x128x16xf32, #tpu.memory_space<vmem>>
    %dma_start3A_87 = tpu.memref_squeeze %dma_start3A_86 : memref<1x1x128x16xf32, #tpu.memory_space<vmem>> -> memref<128x16xf32, #tpu.memory_space<vmem>>
    %dma_start3A_88 = arith.constant 0 : i32
    %dma_start3A_89 = tpu.memref_slice %arg7[%dma_start3A_80, %dma_start3A_81, %dma_start3A_88] : memref<80x2x128xi32, #tpu.memory_space<vmem>> -> memref<1x1x128xi32, #tpu.memory_space<vmem>>
    %dma_start3A_90 = tpu.memref_squeeze %dma_start3A_89 : memref<1x1x128xi32, #tpu.memory_space<vmem>> -> memref<128xi32, #tpu.memory_space<vmem>>
    %dma_start3A_91 = arith.constant 0 : i32
    %dma_start3A_92 = arith.constant 0 : i32
    %dma_start3A_93 = tpu.memref_slice %arg2[%dma_start3A_91, %dma_start3A_92] : memref<10240x16xf32, #tpu.memory_space<hbm>> -> memref<10240x16xf32, #tpu.memory_space<hbm>>
    tpu.enqueue_indirect_dma source(%dma_start3A_93 : memref<10240x16xf32, #tpu.memory_space<hbm>>) target(%dma_start3A_87 : memref<128x16xf32, #tpu.memory_space<vmem>>) offsets(%dma_start3A_90 : memref<128xi32, #tpu.memory_space<vmem>>) semaphore(%arg10 : memref<!tpu.dma_semaphore, #tpu.memory_space<semaphore_mem>>)
    %dma_start3A_94 = arith.constant 6 : i32
    %dma_start3A_95 = arith.constant 0 : i32
    %dma_start3A_96 = arith.constant 0 : i32
    %dma_start3A_97 = arith.constant 6 : i32
    %dma_start3A_98 = arith.constant 0 : i32
    %dma_start3A_99 = arith.constant 0 : i32
    %dma_start3A_100 = tpu.memref_slice %arg8[%dma_start3A_96, %dma_start3A_97, %dma_start3A_98, %dma_start3A_99] : memref<3x8x128x16xf32, #tpu.memory_space<vmem>> -> memref<1x1x128x16xf32, #tpu.memory_space<vmem>>
    %dma_start3A_101 = tpu.memref_squeeze %dma_start3A_100 : memref<1x1x128x16xf32, #tpu.memory_space<vmem>> -> memref<128x16xf32, #tpu.memory_space<vmem>>
    %dma_start3A_102 = arith.constant 0 : i32
    %dma_start3A_103 = tpu.memref_slice %arg7[%dma_start3A_94, %dma_start3A_95, %dma_start3A_102] : memref<80x2x128xi32, #tpu.memory_space<vmem>> -> memref<1x1x128xi32, #tpu.memory_space<vmem>>
    %dma_start3A_104 = tpu.memref_squeeze %dma_start3A_103 : memref<1x1x128xi32, #tpu.memory_space<vmem>> -> memref<128xi32, #tpu.memory_space<vmem>>
    %dma_start3A_105 = arith.constant 0 : i32
    %dma_start3A_106 = arith.constant 0 : i32
    %dma_start3A_107 = tpu.memref_slice %arg2[%dma_start3A_105, %dma_start3A_106] : memref<10240x16xf32, #tpu.memory_space<hbm>> -> memref<10240x16xf32, #tpu.memory_space<hbm>>
    tpu.enqueue_indirect_dma source(%dma_start3A_107 : memref<10240x16xf32, #tpu.memory_space<hbm>>) target(%dma_start3A_101 : memref<128x16xf32, #tpu.memory_space<vmem>>) offsets(%dma_start3A_104 : memref<128xi32, #tpu.memory_space<vmem>>) semaphore(%arg10 : memref<!tpu.dma_semaphore, #tpu.memory_space<semaphore_mem>>)
    %dma_start3A_108 = arith.constant 7 : i32
    %dma_start3A_109 = arith.constant 0 : i32
    %dma_start3A_110 = arith.constant 0 : i32
    %dma_start3A_111 = arith.constant 7 : i32
    %dma_start3A_112 = arith.constant 0 : i32
    %dma_start3A_113 = arith.constant 0 : i32
    %dma_start3A_114 = tpu.memref_slice %arg8[%dma_start3A_110, %dma_start3A_111, %dma_start3A_112, %dma_start3A_113] : memref<3x8x128x16xf32, #tpu.memory_space<vmem>> -> memref<1x1x128x16xf32, #tpu.memory_space<vmem>>
    %dma_start3A_115 = tpu.memref_squeeze %dma_start3A_114 : memref<1x1x128x16xf32, #tpu.memory_space<vmem>> -> memref<128x16xf32, #tpu.memory_space<vmem>>
    %dma_start3A_116 = arith.constant 0 : i32
    %dma_start3A_117 = tpu.memref_slice %arg7[%dma_start3A_108, %dma_start3A_109, %dma_start3A_116] : memref<80x2x128xi32, #tpu.memory_space<vmem>> -> memref<1x1x128xi32, #tpu.memory_space<vmem>>
    %dma_start3A_118 = tpu.memref_squeeze %dma_start3A_117 : memref<1x1x128xi32, #tpu.memory_space<vmem>> -> memref<128xi32, #tpu.memory_space<vmem>>
    %dma_start3A_119 = arith.constant 0 : i32
    %dma_start3A_120 = arith.constant 0 : i32
    %dma_start3A_121 = tpu.memref_slice %arg2[%dma_start3A_119, %dma_start3A_120] : memref<10240x16xf32, #tpu.memory_space<hbm>> -> memref<10240x16xf32, #tpu.memory_space<hbm>>
    tpu.enqueue_indirect_dma source(%dma_start3A_121 : memref<10240x16xf32, #tpu.memory_space<hbm>>) target(%dma_start3A_115 : memref<128x16xf32, #tpu.memory_space<vmem>>) offsets(%dma_start3A_118 : memref<128xi32, #tpu.memory_space<vmem>>) semaphore(%arg10 : memref<!tpu.dma_semaphore, #tpu.memory_space<semaphore_mem>>)
    %scan3A = arith.constant 0 : i32
    %scan3A_122 = arith.constant 0 : i32
    %scan3A_123 = arith.constant 10 : i32
    %scan3A_124 = arith.addi %scan3A_122, %scan3A_123 : i32
    %scan3A_125 = arith.constant 1 : i32
    scf.for %scan3A_355 = %scan3A_122 to %scan3A_124 step %scan3A_125  : i32 {
      %jit3A = arith.constant 3 : i32
      %eq3A_356 = arith.constant 0 : i32
      %eq3A_357 = arith.cmpi eq, %jit3A, %eq3A_356 : i32
      %jit3A_358 = arith.constant 1 : i32
      %select_n3A = arith.select %eq3A_357, %jit3A_358, %jit3A : i32
      %rem3A = arith.remsi %scan3A_355, %select_n3A : i32
      %ne3A = arith.constant 0 : i32
      %ne3A_359 = arith.cmpi ne, %rem3A, %ne3A : i32
      %lt3A_360 = arith.constant 0 : i32
      %lt3A_361 = arith.cmpi slt, %rem3A, %lt3A_360 : i32
      %lt3A_362 = arith.constant 0 : i32
      %lt3A_363 = arith.cmpi slt, %select_n3A, %lt3A_362 : i32
      %ne3A_364 = arith.xori %lt3A_361, %lt3A_363 : i1
      %and3A = arith.andi %ne3A_364, %ne3A_359 : i1
      %add3A_365 = arith.addi %rem3A, %select_n3A : i32
      %select_n3A_366 = arith.select %and3A, %add3A_365, %rem3A : i32
      %gt3A = arith.constant 1 : i32
      %gt3A_367 = arith.cmpi sgt, %scan3A_355, %gt3A : i32
      %convert_element_type3A_368 = arith.extui %gt3A_367 : i1 to i32
      %cond3A_369 = arith.constant 0 : i32
      %cond3A_370 = arith.cmpi ne, %convert_element_type3A_368, %cond3A_369 : i32
      scf.if %cond3A_370 {
        %sub3A = arith.constant 2 : i32
        %sub3A_634 = arith.subi %scan3A_355, %sub3A : i32
        %sub3A_635 = arith.constant 2 : i32
        %sub3A_636 = arith.subi %scan3A_355, %sub3A_635 : i32
        %jit3A_637 = arith.constant 3 : i32
        %eq3A_638 = arith.constant 0 : i32
        %eq3A_639 = arith.cmpi eq, %jit3A_637, %eq3A_638 : i32
        %jit3A_640 = arith.constant 1 : i32
        %select_n3A_641 = arith.select %eq3A_639, %jit3A_640, %jit3A_637 : i32
        %rem3A_642 = arith.remsi %sub3A_636, %select_n3A_641 : i32
        %ne3A_643 = arith.constant 0 : i32
        %ne3A_644 = arith.cmpi ne, %rem3A_642, %ne3A_643 : i32
        %lt3A_645 = arith.constant 0 : i32
        %lt3A_646 = arith.cmpi slt, %rem3A_642, %lt3A_645 : i32
        %lt3A_647 = arith.constant 0 : i32
        %lt3A_648 = arith.cmpi slt, %select_n3A_641, %lt3A_647 : i32
        %ne3A_649 = arith.xori %lt3A_646, %lt3A_648 : i1
        %and3A_650 = arith.andi %ne3A_649, %ne3A_644 : i1
        %add3A_651 = arith.addi %rem3A_642, %select_n3A_641 : i32
        %select_n3A_652 = arith.select %and3A_650, %add3A_651, %rem3A_642 : i32
        %mul3A_653 = arith.constant 8 : i32
        %mul3A_654 = arith.muli %sub3A_634, %mul3A_653 : i32
        %add3A_655 = arith.constant 0 : i32
        %add3A_656 = arith.addi %mul3A_654, %add3A_655 : i32
        %dma_wait3A_657 = arith.constant 0 : i32
        %dma_wait3A_658 = arith.constant 1 : i32
        %dma_wait3A_659 = arith.constant 0 : i32
        %dma_wait3A_660 = arith.constant 0 : i32
        %dma_wait3A_661 = tpu.memref_slice %arg8[%select_n3A_652, %dma_wait3A_657, %dma_wait3A_659, %dma_wait3A_660] : memref<3x8x128x16xf32, #tpu.memory_space<vmem>> -> memref<1x1x128x16xf32, #tpu.memory_space<vmem>>
        %dma_wait3A_662 = tpu.memref_squeeze %dma_wait3A_661 : memref<1x1x128x16xf32, #tpu.memory_space<vmem>> -> memref<128x16xf32, #tpu.memory_space<vmem>>
        %dma_wait3A_663 = arith.constant 0 : i32
        %dma_wait3A_664 = tpu.memref_slice %arg7[%add3A_656, %dma_wait3A_658, %dma_wait3A_663] : memref<80x2x128xi32, #tpu.memory_space<vmem>> -> memref<1x1x128xi32, #tpu.memory_space<vmem>>
        %dma_wait3A_665 = tpu.memref_squeeze %dma_wait3A_664 : memref<1x1x128xi32, #tpu.memory_space<vmem>> -> memref<128xi32, #tpu.memory_space<vmem>>
        %dma_wait3A_666 = arith.constant 0 : i32
        %dma_wait3A_667 = arith.constant 0 : i32
        %dma_wait3A_668 = tpu.memref_slice %arg9[%dma_wait3A_666, %dma_wait3A_667] : memref<10240x16xf32, #tpu.memory_space<vmem_shared>> -> memref<10240x16xf32, #tpu.memory_space<vmem_shared>>
        tpu.wait_indirect_dma semaphore(%arg11 : memref<!tpu.dma_semaphore, #tpu.memory_space<semaphore_mem>>) src(%dma_wait3A_662 : memref<128x16xf32, #tpu.memory_space<vmem>>) dst(%dma_wait3A_668 : memref<10240x16xf32, #tpu.memory_space<vmem_shared>>)
        %mul3A_669 = arith.constant 8 : i32
        %mul3A_670 = arith.muli %sub3A_634, %mul3A_669 : i32
        %add3A_671 = arith.constant 1 : i32
        %add3A_672 = arith.addi %mul3A_670, %add3A_671 : i32
        %dma_wait3A_673 = arith.constant 1 : i32
        %dma_wait3A_674 = arith.constant 1 : i32
        %dma_wait3A_675 = arith.constant 0 : i32
        %dma_wait3A_676 = arith.constant 0 : i32
        %dma_wait3A_677 = tpu.memref_slice %arg8[%select_n3A_652, %dma_wait3A_673, %dma_wait3A_675, %dma_wait3A_676] : memref<3x8x128x16xf32, #tpu.memory_space<vmem>> -> memref<1x1x128x16xf32, #tpu.memory_space<vmem>>
        %dma_wait3A_678 = tpu.memref_squeeze %dma_wait3A_677 : memref<1x1x128x16xf32, #tpu.memory_space<vmem>> -> memref<128x16xf32, #tpu.memory_space<vmem>>
        %dma_wait3A_679 = arith.constant 0 : i32
        %dma_wait3A_680 = tpu.memref_slice %arg7[%add3A_672, %dma_wait3A_674, %dma_wait3A_679] : memref<80x2x128xi32, #tpu.memory_space<vmem>> -> memref<1x1x128xi32, #tpu.memory_space<vmem>>
        %dma_wait3A_681 = tpu.memref_squeeze %dma_wait3A_680 : memref<1x1x128xi32, #tpu.memory_space<vmem>> -> memref<128xi32, #tpu.memory_space<vmem>>
        %dma_wait3A_682 = arith.constant 0 : i32
        %dma_wait3A_683 = arith.constant 0 : i32
        %dma_wait3A_684 = tpu.memref_slice %arg9[%dma_wait3A_682, %dma_wait3A_683] : memref<10240x16xf32, #tpu.memory_space<vmem_shared>> -> memref<10240x16xf32, #tpu.memory_space<vmem_shared>>
        tpu.wait_indirect_dma semaphore(%arg11 : memref<!tpu.dma_semaphore, #tpu.memory_space<semaphore_mem>>) src(%dma_wait3A_678 : memref<128x16xf32, #tpu.memory_space<vmem>>) dst(%dma_wait3A_684 : memref<10240x16xf32, #tpu.memory_space<vmem_shared>>)
        %mul3A_685 = arith.constant 8 : i32
        %mul3A_686 = arith.muli %sub3A_634, %mul3A_685 : i32
        %add3A_687 = arith.constant 2 : i32
        %add3A_688 = arith.addi %mul3A_686, %add3A_687 : i32
        %dma_wait3A_689 = arith.constant 2 : i32
        %dma_wait3A_690 = arith.constant 1 : i32
        %dma_wait3A_691 = arith.constant 0 : i32
        %dma_wait3A_692 = arith.constant 0 : i32
        %dma_wait3A_693 = tpu.memref_slice %arg8[%select_n3A_652, %dma_wait3A_689, %dma_wait3A_691, %dma_wait3A_692] : memref<3x8x128x16xf32, #tpu.memory_space<vmem>> -> memref<1x1x128x16xf32, #tpu.memory_space<vmem>>
        %dma_wait3A_694 = tpu.memref_squeeze %dma_wait3A_693 : memref<1x1x128x16xf32, #tpu.memory_space<vmem>> -> memref<128x16xf32, #tpu.memory_space<vmem>>
        %dma_wait3A_695 = arith.constant 0 : i32
        %dma_wait3A_696 = tpu.memref_slice %arg7[%add3A_688, %dma_wait3A_690, %dma_wait3A_695] : memref<80x2x128xi32, #tpu.memory_space<vmem>> -> memref<1x1x128xi32, #tpu.memory_space<vmem>>
        %dma_wait3A_697 = tpu.memref_squeeze %dma_wait3A_696 : memref<1x1x128xi32, #tpu.memory_space<vmem>> -> memref<128xi32, #tpu.memory_space<vmem>>
        %dma_wait3A_698 = arith.constant 0 : i32
        %dma_wait3A_699 = arith.constant 0 : i32
        %dma_wait3A_700 = tpu.memref_slice %arg9[%dma_wait3A_698, %dma_wait3A_699] : memref<10240x16xf32, #tpu.memory_space<vmem_shared>> -> memref<10240x16xf32, #tpu.memory_space<vmem_shared>>
        tpu.wait_indirect_dma semaphore(%arg11 : memref<!tpu.dma_semaphore, #tpu.memory_space<semaphore_mem>>) src(%dma_wait3A_694 : memref<128x16xf32, #tpu.memory_space<vmem>>) dst(%dma_wait3A_700 : memref<10240x16xf32, #tpu.memory_space<vmem_shared>>)
        %mul3A_701 = arith.constant 8 : i32
        %mul3A_702 = arith.muli %sub3A_634, %mul3A_701 : i32
        %add3A_703 = arith.constant 3 : i32
        %add3A_704 = arith.addi %mul3A_702, %add3A_703 : i32
        %dma_wait3A_705 = arith.constant 3 : i32
        %dma_wait3A_706 = arith.constant 1 : i32
        %dma_wait3A_707 = arith.constant 0 : i32
        %dma_wait3A_708 = arith.constant 0 : i32
        %dma_wait3A_709 = tpu.memref_slice %arg8[%select_n3A_652, %dma_wait3A_705, %dma_wait3A_707, %dma_wait3A_708] : memref<3x8x128x16xf32, #tpu.memory_space<vmem>> -> memref<1x1x128x16xf32, #tpu.memory_space<vmem>>
        %dma_wait3A_710 = tpu.memref_squeeze %dma_wait3A_709 : memref<1x1x128x16xf32, #tpu.memory_space<vmem>> -> memref<128x16xf32, #tpu.memory_space<vmem>>
        %dma_wait3A_711 = arith.constant 0 : i32
        %dma_wait3A_712 = tpu.memref_slice %arg7[%add3A_704, %dma_wait3A_706, %dma_wait3A_711] : memref<80x2x128xi32, #tpu.memory_space<vmem>> -> memref<1x1x128xi32, #tpu.memory_space<vmem>>
        %dma_wait3A_713 = tpu.memref_squeeze %dma_wait3A_712 : memref<1x1x128xi32, #tpu.memory_space<vmem>> -> memref<128xi32, #tpu.memory_space<vmem>>
        %dma_wait3A_714 = arith.constant 0 : i32
        %dma_wait3A_715 = arith.constant 0 : i32
        %dma_wait3A_716 = tpu.memref_slice %arg9[%dma_wait3A_714, %dma_wait3A_715] : memref<10240x16xf32, #tpu.memory_space<vmem_shared>> -> memref<10240x16xf32, #tpu.memory_space<vmem_shared>>
        tpu.wait_indirect_dma semaphore(%arg11 : memref<!tpu.dma_semaphore, #tpu.memory_space<semaphore_mem>>) src(%dma_wait3A_710 : memref<128x16xf32, #tpu.memory_space<vmem>>) dst(%dma_wait3A_716 : memref<10240x16xf32, #tpu.memory_space<vmem_shared>>)
        %mul3A_717 = arith.constant 8 : i32
        %mul3A_718 = arith.muli %sub3A_634, %mul3A_717 : i32
        %add3A_719 = arith.constant 4 : i32
        %add3A_720 = arith.addi %mul3A_718, %add3A_719 : i32
        %dma_wait3A_721 = arith.constant 4 : i32
        %dma_wait3A_722 = arith.constant 1 : i32
        %dma_wait3A_723 = arith.constant 0 : i32
        %dma_wait3A_724 = arith.constant 0 : i32
        %dma_wait3A_725 = tpu.memref_slice %arg8[%select_n3A_652, %dma_wait3A_721, %dma_wait3A_723, %dma_wait3A_724] : memref<3x8x128x16xf32, #tpu.memory_space<vmem>> -> memref<1x1x128x16xf32, #tpu.memory_space<vmem>>
        %dma_wait3A_726 = tpu.memref_squeeze %dma_wait3A_725 : memref<1x1x128x16xf32, #tpu.memory_space<vmem>> -> memref<128x16xf32, #tpu.memory_space<vmem>>
        %dma_wait3A_727 = arith.constant 0 : i32
        %dma_wait3A_728 = tpu.memref_slice %arg7[%add3A_720, %dma_wait3A_722, %dma_wait3A_727] : memref<80x2x128xi32, #tpu.memory_space<vmem>> -> memref<1x1x128xi32, #tpu.memory_space<vmem>>
        %dma_wait3A_729 = tpu.memref_squeeze %dma_wait3A_728 : memref<1x1x128xi32, #tpu.memory_space<vmem>> -> memref<128xi32, #tpu.memory_space<vmem>>
        %dma_wait3A_730 = arith.constant 0 : i32
        %dma_wait3A_731 = arith.constant 0 : i32
        %dma_wait3A_732 = tpu.memref_slice %arg9[%dma_wait3A_730, %dma_wait3A_731] : memref<10240x16xf32, #tpu.memory_space<vmem_shared>> -> memref<10240x16xf32, #tpu.memory_space<vmem_shared>>
        tpu.wait_indirect_dma semaphore(%arg11 : memref<!tpu.dma_semaphore, #tpu.memory_space<semaphore_mem>>) src(%dma_wait3A_726 : memref<128x16xf32, #tpu.memory_space<vmem>>) dst(%dma_wait3A_732 : memref<10240x16xf32, #tpu.memory_space<vmem_shared>>)
        %mul3A_733 = arith.constant 8 : i32
        %mul3A_734 = arith.muli %sub3A_634, %mul3A_733 : i32
        %add3A_735 = arith.constant 5 : i32
        %add3A_736 = arith.addi %mul3A_734, %add3A_735 : i32
        %dma_wait3A_737 = arith.constant 5 : i32
        %dma_wait3A_738 = arith.constant 1 : i32
        %dma_wait3A_739 = arith.constant 0 : i32
        %dma_wait3A_740 = arith.constant 0 : i32
        %dma_wait3A_741 = tpu.memref_slice %arg8[%select_n3A_652, %dma_wait3A_737, %dma_wait3A_739, %dma_wait3A_740] : memref<3x8x128x16xf32, #tpu.memory_space<vmem>> -> memref<1x1x128x16xf32, #tpu.memory_space<vmem>>
        %dma_wait3A_742 = tpu.memref_squeeze %dma_wait3A_741 : memref<1x1x128x16xf32, #tpu.memory_space<vmem>> -> memref<128x16xf32, #tpu.memory_space<vmem>>
        %dma_wait3A_743 = arith.constant 0 : i32
        %dma_wait3A_744 = tpu.memref_slice %arg7[%add3A_736, %dma_wait3A_738, %dma_wait3A_743] : memref<80x2x128xi32, #tpu.memory_space<vmem>> -> memref<1x1x128xi32, #tpu.memory_space<vmem>>
        %dma_wait3A_745 = tpu.memref_squeeze %dma_wait3A_744 : memref<1x1x128xi32, #tpu.memory_space<vmem>> -> memref<128xi32, #tpu.memory_space<vmem>>
        %dma_wait3A_746 = arith.constant 0 : i32
        %dma_wait3A_747 = arith.constant 0 : i32
        %dma_wait3A_748 = tpu.memref_slice %arg9[%dma_wait3A_746, %dma_wait3A_747] : memref<10240x16xf32, #tpu.memory_space<vmem_shared>> -> memref<10240x16xf32, #tpu.memory_space<vmem_shared>>
        tpu.wait_indirect_dma semaphore(%arg11 : memref<!tpu.dma_semaphore, #tpu.memory_space<semaphore_mem>>) src(%dma_wait3A_742 : memref<128x16xf32, #tpu.memory_space<vmem>>) dst(%dma_wait3A_748 : memref<10240x16xf32, #tpu.memory_space<vmem_shared>>)
        %mul3A_749 = arith.constant 8 : i32
        %mul3A_750 = arith.muli %sub3A_634, %mul3A_749 : i32
        %add3A_751 = arith.constant 6 : i32
        %add3A_752 = arith.addi %mul3A_750, %add3A_751 : i32
        %dma_wait3A_753 = arith.constant 6 : i32
        %dma_wait3A_754 = arith.constant 1 : i32
        %dma_wait3A_755 = arith.constant 0 : i32
        %dma_wait3A_756 = arith.constant 0 : i32
        %dma_wait3A_757 = tpu.memref_slice %arg8[%select_n3A_652, %dma_wait3A_753, %dma_wait3A_755, %dma_wait3A_756] : memref<3x8x128x16xf32, #tpu.memory_space<vmem>> -> memref<1x1x128x16xf32, #tpu.memory_space<vmem>>
        %dma_wait3A_758 = tpu.memref_squeeze %dma_wait3A_757 : memref<1x1x128x16xf32, #tpu.memory_space<vmem>> -> memref<128x16xf32, #tpu.memory_space<vmem>>
        %dma_wait3A_759 = arith.constant 0 : i32
        %dma_wait3A_760 = tpu.memref_slice %arg7[%add3A_752, %dma_wait3A_754, %dma_wait3A_759] : memref<80x2x128xi32, #tpu.memory_space<vmem>> -> memref<1x1x128xi32, #tpu.memory_space<vmem>>
        %dma_wait3A_761 = tpu.memref_squeeze %dma_wait3A_760 : memref<1x1x128xi32, #tpu.memory_space<vmem>> -> memref<128xi32, #tpu.memory_space<vmem>>
        %dma_wait3A_762 = arith.constant 0 : i32
        %dma_wait3A_763 = arith.constant 0 : i32
        %dma_wait3A_764 = tpu.memref_slice %arg9[%dma_wait3A_762, %dma_wait3A_763] : memref<10240x16xf32, #tpu.memory_space<vmem_shared>> -> memref<10240x16xf32, #tpu.memory_space<vmem_shared>>
        tpu.wait_indirect_dma semaphore(%arg11 : memref<!tpu.dma_semaphore, #tpu.memory_space<semaphore_mem>>) src(%dma_wait3A_758 : memref<128x16xf32, #tpu.memory_space<vmem>>) dst(%dma_wait3A_764 : memref<10240x16xf32, #tpu.memory_space<vmem_shared>>)
        %mul3A_765 = arith.constant 8 : i32
        %mul3A_766 = arith.muli %sub3A_634, %mul3A_765 : i32
        %add3A_767 = arith.constant 7 : i32
        %add3A_768 = arith.addi %mul3A_766, %add3A_767 : i32
        %dma_wait3A_769 = arith.constant 7 : i32
        %dma_wait3A_770 = arith.constant 1 : i32
        %dma_wait3A_771 = arith.constant 0 : i32
        %dma_wait3A_772 = arith.constant 0 : i32
        %dma_wait3A_773 = tpu.memref_slice %arg8[%select_n3A_652, %dma_wait3A_769, %dma_wait3A_771, %dma_wait3A_772] : memref<3x8x128x16xf32, #tpu.memory_space<vmem>> -> memref<1x1x128x16xf32, #tpu.memory_space<vmem>>
        %dma_wait3A_774 = tpu.memref_squeeze %dma_wait3A_773 : memref<1x1x128x16xf32, #tpu.memory_space<vmem>> -> memref<128x16xf32, #tpu.memory_space<vmem>>
        %dma_wait3A_775 = arith.constant 0 : i32
        %dma_wait3A_776 = tpu.memref_slice %arg7[%add3A_768, %dma_wait3A_770, %dma_wait3A_775] : memref<80x2x128xi32, #tpu.memory_space<vmem>> -> memref<1x1x128xi32, #tpu.memory_space<vmem>>
        %dma_wait3A_777 = tpu.memref_squeeze %dma_wait3A_776 : memref<1x1x128xi32, #tpu.memory_space<vmem>> -> memref<128xi32, #tpu.memory_space<vmem>>
        %dma_wait3A_778 = arith.constant 0 : i32
        %dma_wait3A_779 = arith.constant 0 : i32
        %dma_wait3A_780 = tpu.memref_slice %arg9[%dma_wait3A_778, %dma_wait3A_779] : memref<10240x16xf32, #tpu.memory_space<vmem_shared>> -> memref<10240x16xf32, #tpu.memory_space<vmem_shared>>
        tpu.wait_indirect_dma semaphore(%arg11 : memref<!tpu.dma_semaphore, #tpu.memory_space<semaphore_mem>>) src(%dma_wait3A_774 : memref<128x16xf32, #tpu.memory_space<vmem>>) dst(%dma_wait3A_780 : memref<10240x16xf32, #tpu.memory_space<vmem_shared>>)
      } else {
      }
      %add3A_371 = arith.constant 1 : i32
      %add3A_372 = arith.addi %scan3A_355, %add3A_371 : i32
      %lt3A_373 = arith.constant 10 : i32
      %lt3A_374 = arith.cmpi slt, %add3A_372, %lt3A_373 : i32
      %convert_element_type3A_375 = arith.extui %lt3A_374 : i1 to i32
      %cond3A_376 = arith.constant 0 : i32
      %cond3A_377 = arith.cmpi ne, %convert_element_type3A_375, %cond3A_376 : i32
      scf.if %cond3A_377 {
        %add3A_634 = arith.constant 1 : i32
        %add3A_635 = arith.addi %scan3A_355, %add3A_634 : i32
        %add3A_636 = arith.constant 1 : i32
        %add3A_637 = arith.addi %scan3A_355, %add3A_636 : i32
        %jit3A_638 = arith.constant 3 : i32
        %eq3A_639 = arith.constant 0 : i32
        %eq3A_640 = arith.cmpi eq, %jit3A_638, %eq3A_639 : i32
        %jit3A_641 = arith.constant 1 : i32
        %select_n3A_642 = arith.select %eq3A_640, %jit3A_641, %jit3A_638 : i32
        %rem3A_643 = arith.remsi %add3A_637, %select_n3A_642 : i32
        %ne3A_644 = arith.constant 0 : i32
        %ne3A_645 = arith.cmpi ne, %rem3A_643, %ne3A_644 : i32
        %lt3A_646 = arith.constant 0 : i32
        %lt3A_647 = arith.cmpi slt, %rem3A_643, %lt3A_646 : i32
        %lt3A_648 = arith.constant 0 : i32
        %lt3A_649 = arith.cmpi slt, %select_n3A_642, %lt3A_648 : i32
        %ne3A_650 = arith.xori %lt3A_647, %lt3A_649 : i1
        %and3A_651 = arith.andi %ne3A_650, %ne3A_645 : i1
        %add3A_652 = arith.addi %rem3A_643, %select_n3A_642 : i32
        %select_n3A_653 = arith.select %and3A_651, %add3A_652, %rem3A_643 : i32
        %mul3A_654 = arith.constant 8 : i32
        %mul3A_655 = arith.muli %add3A_635, %mul3A_654 : i32
        %add3A_656 = arith.constant 0 : i32
        %add3A_657 = arith.addi %mul3A_655, %add3A_656 : i32
        %dma_start3A_658 = arith.constant 0 : i32
        %dma_start3A_659 = arith.constant 0 : i32
        %dma_start3A_660 = arith.constant 0 : i32
        %dma_start3A_661 = arith.constant 0 : i32
        %dma_start3A_662 = tpu.memref_slice %arg8[%select_n3A_653, %dma_start3A_659, %dma_start3A_660, %dma_start3A_661] : memref<3x8x128x16xf32, #tpu.memory_space<vmem>> -> memref<1x1x128x16xf32, #tpu.memory_space<vmem>>
        %dma_start3A_663 = tpu.memref_squeeze %dma_start3A_662 : memref<1x1x128x16xf32, #tpu.memory_space<vmem>> -> memref<128x16xf32, #tpu.memory_space<vmem>>
        %dma_start3A_664 = arith.constant 0 : i32
        %dma_start3A_665 = tpu.memref_slice %arg7[%add3A_657, %dma_start3A_658, %dma_start3A_664] : memref<80x2x128xi32, #tpu.memory_space<vmem>> -> memref<1x1x128xi32, #tpu.memory_space<vmem>>
        %dma_start3A_666 = tpu.memref_squeeze %dma_start3A_665 : memref<1x1x128xi32, #tpu.memory_space<vmem>> -> memref<128xi32, #tpu.memory_space<vmem>>
        %dma_start3A_667 = arith.constant 0 : i32
        %dma_start3A_668 = arith.constant 0 : i32
        %dma_start3A_669 = tpu.memref_slice %arg2[%dma_start3A_667, %dma_start3A_668] : memref<10240x16xf32, #tpu.memory_space<hbm>> -> memref<10240x16xf32, #tpu.memory_space<hbm>>
        tpu.enqueue_indirect_dma source(%dma_start3A_669 : memref<10240x16xf32, #tpu.memory_space<hbm>>) target(%dma_start3A_663 : memref<128x16xf32, #tpu.memory_space<vmem>>) offsets(%dma_start3A_666 : memref<128xi32, #tpu.memory_space<vmem>>) semaphore(%arg10 : memref<!tpu.dma_semaphore, #tpu.memory_space<semaphore_mem>>)
        %mul3A_670 = arith.constant 8 : i32
        %mul3A_671 = arith.muli %add3A_635, %mul3A_670 : i32
        %add3A_672 = arith.constant 1 : i32
        %add3A_673 = arith.addi %mul3A_671, %add3A_672 : i32
        %dma_start3A_674 = arith.constant 0 : i32
        %dma_start3A_675 = arith.constant 1 : i32
        %dma_start3A_676 = arith.constant 0 : i32
        %dma_start3A_677 = arith.constant 0 : i32
        %dma_start3A_678 = tpu.memref_slice %arg8[%select_n3A_653, %dma_start3A_675, %dma_start3A_676, %dma_start3A_677] : memref<3x8x128x16xf32, #tpu.memory_space<vmem>> -> memref<1x1x128x16xf32, #tpu.memory_space<vmem>>
        %dma_start3A_679 = tpu.memref_squeeze %dma_start3A_678 : memref<1x1x128x16xf32, #tpu.memory_space<vmem>> -> memref<128x16xf32, #tpu.memory_space<vmem>>
        %dma_start3A_680 = arith.constant 0 : i32
        %dma_start3A_681 = tpu.memref_slice %arg7[%add3A_673, %dma_start3A_674, %dma_start3A_680] : memref<80x2x128xi32, #tpu.memory_space<vmem>> -> memref<1x1x128xi32, #tpu.memory_space<vmem>>
        %dma_start3A_682 = tpu.memref_squeeze %dma_start3A_681 : memref<1x1x128xi32, #tpu.memory_space<vmem>> -> memref<128xi32, #tpu.memory_space<vmem>>
        %dma_start3A_683 = arith.constant 0 : i32
        %dma_start3A_684 = arith.constant 0 : i32
        %dma_start3A_685 = tpu.memref_slice %arg2[%dma_start3A_683, %dma_start3A_684] : memref<10240x16xf32, #tpu.memory_space<hbm>> -> memref<10240x16xf32, #tpu.memory_space<hbm>>
        tpu.enqueue_indirect_dma source(%dma_start3A_685 : memref<10240x16xf32, #tpu.memory_space<hbm>>) target(%dma_start3A_679 : memref<128x16xf32, #tpu.memory_space<vmem>>) offsets(%dma_start3A_682 : memref<128xi32, #tpu.memory_space<vmem>>) semaphore(%arg10 : memref<!tpu.dma_semaphore, #tpu.memory_space<semaphore_mem>>)
        %mul3A_686 = arith.constant 8 : i32
        %mul3A_687 = arith.muli %add3A_635, %mul3A_686 : i32
        %add3A_688 = arith.constant 2 : i32
        %add3A_689 = arith.addi %mul3A_687, %add3A_688 : i32
        %dma_start3A_690 = arith.constant 0 : i32
        %dma_start3A_691 = arith.constant 2 : i32
        %dma_start3A_692 = arith.constant 0 : i32
        %dma_start3A_693 = arith.constant 0 : i32
        %dma_start3A_694 = tpu.memref_slice %arg8[%select_n3A_653, %dma_start3A_691, %dma_start3A_692, %dma_start3A_693] : memref<3x8x128x16xf32, #tpu.memory_space<vmem>> -> memref<1x1x128x16xf32, #tpu.memory_space<vmem>>
        %dma_start3A_695 = tpu.memref_squeeze %dma_start3A_694 : memref<1x1x128x16xf32, #tpu.memory_space<vmem>> -> memref<128x16xf32, #tpu.memory_space<vmem>>
        %dma_start3A_696 = arith.constant 0 : i32
        %dma_start3A_697 = tpu.memref_slice %arg7[%add3A_689, %dma_start3A_690, %dma_start3A_696] : memref<80x2x128xi32, #tpu.memory_space<vmem>> -> memref<1x1x128xi32, #tpu.memory_space<vmem>>
        %dma_start3A_698 = tpu.memref_squeeze %dma_start3A_697 : memref<1x1x128xi32, #tpu.memory_space<vmem>> -> memref<128xi32, #tpu.memory_space<vmem>>
        %dma_start3A_699 = arith.constant 0 : i32
        %dma_start3A_700 = arith.constant 0 : i32
        %dma_start3A_701 = tpu.memref_slice %arg2[%dma_start3A_699, %dma_start3A_700] : memref<10240x16xf32, #tpu.memory_space<hbm>> -> memref<10240x16xf32, #tpu.memory_space<hbm>>
        tpu.enqueue_indirect_dma source(%dma_start3A_701 : memref<10240x16xf32, #tpu.memory_space<hbm>>) target(%dma_start3A_695 : memref<128x16xf32, #tpu.memory_space<vmem>>) offsets(%dma_start3A_698 : memref<128xi32, #tpu.memory_space<vmem>>) semaphore(%arg10 : memref<!tpu.dma_semaphore, #tpu.memory_space<semaphore_mem>>)
        %mul3A_702 = arith.constant 8 : i32
        %mul3A_703 = arith.muli %add3A_635, %mul3A_702 : i32
        %add3A_704 = arith.constant 3 : i32
        %add3A_705 = arith.addi %mul3A_703, %add3A_704 : i32
        %dma_start3A_706 = arith.constant 0 : i32
        %dma_start3A_707 = arith.constant 3 : i32
        %dma_start3A_708 = arith.constant 0 : i32
        %dma_start3A_709 = arith.constant 0 : i32
        %dma_start3A_710 = tpu.memref_slice %arg8[%select_n3A_653, %dma_start3A_707, %dma_start3A_708, %dma_start3A_709] : memref<3x8x128x16xf32, #tpu.memory_space<vmem>> -> memref<1x1x128x16xf32, #tpu.memory_space<vmem>>
        %dma_start3A_711 = tpu.memref_squeeze %dma_start3A_710 : memref<1x1x128x16xf32, #tpu.memory_space<vmem>> -> memref<128x16xf32, #tpu.memory_space<vmem>>
        %dma_start3A_712 = arith.constant 0 : i32
        %dma_start3A_713 = tpu.memref_slice %arg7[%add3A_705, %dma_start3A_706, %dma_start3A_712] : memref<80x2x128xi32, #tpu.memory_space<vmem>> -> memref<1x1x128xi32, #tpu.memory_space<vmem>>
        %dma_start3A_714 = tpu.memref_squeeze %dma_start3A_713 : memref<1x1x128xi32, #tpu.memory_space<vmem>> -> memref<128xi32, #tpu.memory_space<vmem>>
        %dma_start3A_715 = arith.constant 0 : i32
        %dma_start3A_716 = arith.constant 0 : i32
        %dma_start3A_717 = tpu.memref_slice %arg2[%dma_start3A_715, %dma_start3A_716] : memref<10240x16xf32, #tpu.memory_space<hbm>> -> memref<10240x16xf32, #tpu.memory_space<hbm>>
        tpu.enqueue_indirect_dma source(%dma_start3A_717 : memref<10240x16xf32, #tpu.memory_space<hbm>>) target(%dma_start3A_711 : memref<128x16xf32, #tpu.memory_space<vmem>>) offsets(%dma_start3A_714 : memref<128xi32, #tpu.memory_space<vmem>>) semaphore(%arg10 : memref<!tpu.dma_semaphore, #tpu.memory_space<semaphore_mem>>)
        %mul3A_718 = arith.constant 8 : i32
        %mul3A_719 = arith.muli %add3A_635, %mul3A_718 : i32
        %add3A_720 = arith.constant 4 : i32
        %add3A_721 = arith.addi %mul3A_719, %add3A_720 : i32
        %dma_start3A_722 = arith.constant 0 : i32
        %dma_start3A_723 = arith.constant 4 : i32
        %dma_start3A_724 = arith.constant 0 : i32
        %dma_start3A_725 = arith.constant 0 : i32
        %dma_start3A_726 = tpu.memref_slice %arg8[%select_n3A_653, %dma_start3A_723, %dma_start3A_724, %dma_start3A_725] : memref<3x8x128x16xf32, #tpu.memory_space<vmem>> -> memref<1x1x128x16xf32, #tpu.memory_space<vmem>>
        %dma_start3A_727 = tpu.memref_squeeze %dma_start3A_726 : memref<1x1x128x16xf32, #tpu.memory_space<vmem>> -> memref<128x16xf32, #tpu.memory_space<vmem>>
        %dma_start3A_728 = arith.constant 0 : i32
        %dma_start3A_729 = tpu.memref_slice %arg7[%add3A_721, %dma_start3A_722, %dma_start3A_728] : memref<80x2x128xi32, #tpu.memory_space<vmem>> -> memref<1x1x128xi32, #tpu.memory_space<vmem>>
        %dma_start3A_730 = tpu.memref_squeeze %dma_start3A_729 : memref<1x1x128xi32, #tpu.memory_space<vmem>> -> memref<128xi32, #tpu.memory_space<vmem>>
        %dma_start3A_731 = arith.constant 0 : i32
        %dma_start3A_732 = arith.constant 0 : i32
        %dma_start3A_733 = tpu.memref_slice %arg2[%dma_start3A_731, %dma_start3A_732] : memref<10240x16xf32, #tpu.memory_space<hbm>> -> memref<10240x16xf32, #tpu.memory_space<hbm>>
        tpu.enqueue_indirect_dma source(%dma_start3A_733 : memref<10240x16xf32, #tpu.memory_space<hbm>>) target(%dma_start3A_727 : memref<128x16xf32, #tpu.memory_space<vmem>>) offsets(%dma_start3A_730 : memref<128xi32, #tpu.memory_space<vmem>>) semaphore(%arg10 : memref<!tpu.dma_semaphore, #tpu.memory_space<semaphore_mem>>)
        %mul3A_734 = arith.constant 8 : i32
        %mul3A_735 = arith.muli %add3A_635, %mul3A_734 : i32
        %add3A_736 = arith.constant 5 : i32
        %add3A_737 = arith.addi %mul3A_735, %add3A_736 : i32
        %dma_start3A_738 = arith.constant 0 : i32
        %dma_start3A_739 = arith.constant 5 : i32
        %dma_start3A_740 = arith.constant 0 : i32
        %dma_start3A_741 = arith.constant 0 : i32
        %dma_start3A_742 = tpu.memref_slice %arg8[%select_n3A_653, %dma_start3A_739, %dma_start3A_740, %dma_start3A_741] : memref<3x8x128x16xf32, #tpu.memory_space<vmem>> -> memref<1x1x128x16xf32, #tpu.memory_space<vmem>>
        %dma_start3A_743 = tpu.memref_squeeze %dma_start3A_742 : memref<1x1x128x16xf32, #tpu.memory_space<vmem>> -> memref<128x16xf32, #tpu.memory_space<vmem>>
        %dma_start3A_744 = arith.constant 0 : i32
        %dma_start3A_745 = tpu.memref_slice %arg7[%add3A_737, %dma_start3A_738, %dma_start3A_744] : memref<80x2x128xi32, #tpu.memory_space<vmem>> -> memref<1x1x128xi32, #tpu.memory_space<vmem>>
        %dma_start3A_746 = tpu.memref_squeeze %dma_start3A_745 : memref<1x1x128xi32, #tpu.memory_space<vmem>> -> memref<128xi32, #tpu.memory_space<vmem>>
        %dma_start3A_747 = arith.constant 0 : i32
        %dma_start3A_748 = arith.constant 0 : i32
        %dma_start3A_749 = tpu.memref_slice %arg2[%dma_start3A_747, %dma_start3A_748] : memref<10240x16xf32, #tpu.memory_space<hbm>> -> memref<10240x16xf32, #tpu.memory_space<hbm>>
        tpu.enqueue_indirect_dma source(%dma_start3A_749 : memref<10240x16xf32, #tpu.memory_space<hbm>>) target(%dma_start3A_743 : memref<128x16xf32, #tpu.memory_space<vmem>>) offsets(%dma_start3A_746 : memref<128xi32, #tpu.memory_space<vmem>>) semaphore(%arg10 : memref<!tpu.dma_semaphore, #tpu.memory_space<semaphore_mem>>)
        %mul3A_750 = arith.constant 8 : i32
        %mul3A_751 = arith.muli %add3A_635, %mul3A_750 : i32
        %add3A_752 = arith.constant 6 : i32
        %add3A_753 = arith.addi %mul3A_751, %add3A_752 : i32
        %dma_start3A_754 = arith.constant 0 : i32
        %dma_start3A_755 = arith.constant 6 : i32
        %dma_start3A_756 = arith.constant 0 : i32
        %dma_start3A_757 = arith.constant 0 : i32
        %dma_start3A_758 = tpu.memref_slice %arg8[%select_n3A_653, %dma_start3A_755, %dma_start3A_756, %dma_start3A_757] : memref<3x8x128x16xf32, #tpu.memory_space<vmem>> -> memref<1x1x128x16xf32, #tpu.memory_space<vmem>>
        %dma_start3A_759 = tpu.memref_squeeze %dma_start3A_758 : memref<1x1x128x16xf32, #tpu.memory_space<vmem>> -> memref<128x16xf32, #tpu.memory_space<vmem>>
        %dma_start3A_760 = arith.constant 0 : i32
        %dma_start3A_761 = tpu.memref_slice %arg7[%add3A_753, %dma_start3A_754, %dma_start3A_760] : memref<80x2x128xi32, #tpu.memory_space<vmem>> -> memref<1x1x128xi32, #tpu.memory_space<vmem>>
        %dma_start3A_762 = tpu.memref_squeeze %dma_start3A_761 : memref<1x1x128xi32, #tpu.memory_space<vmem>> -> memref<128xi32, #tpu.memory_space<vmem>>
        %dma_start3A_763 = arith.constant 0 : i32
        %dma_start3A_764 = arith.constant 0 : i32
        %dma_start3A_765 = tpu.memref_slice %arg2[%dma_start3A_763, %dma_start3A_764] : memref<10240x16xf32, #tpu.memory_space<hbm>> -> memref<10240x16xf32, #tpu.memory_space<hbm>>
        tpu.enqueue_indirect_dma source(%dma_start3A_765 : memref<10240x16xf32, #tpu.memory_space<hbm>>) target(%dma_start3A_759 : memref<128x16xf32, #tpu.memory_space<vmem>>) offsets(%dma_start3A_762 : memref<128xi32, #tpu.memory_space<vmem>>) semaphore(%arg10 : memref<!tpu.dma_semaphore, #tpu.memory_space<semaphore_mem>>)
        %mul3A_766 = arith.constant 8 : i32
        %mul3A_767 = arith.muli %add3A_635, %mul3A_766 : i32
        %add3A_768 = arith.constant 7 : i32
        %add3A_769 = arith.addi %mul3A_767, %add3A_768 : i32
        %dma_start3A_770 = arith.constant 0 : i32
        %dma_start3A_771 = arith.constant 7 : i32
        %dma_start3A_772 = arith.constant 0 : i32
        %dma_start3A_773 = arith.constant 0 : i32
        %dma_start3A_774 = tpu.memref_slice %arg8[%select_n3A_653, %dma_start3A_771, %dma_start3A_772, %dma_start3A_773] : memref<3x8x128x16xf32, #tpu.memory_space<vmem>> -> memref<1x1x128x16xf32, #tpu.memory_space<vmem>>
        %dma_start3A_775 = tpu.memref_squeeze %dma_start3A_774 : memref<1x1x128x16xf32, #tpu.memory_space<vmem>> -> memref<128x16xf32, #tpu.memory_space<vmem>>
        %dma_start3A_776 = arith.constant 0 : i32
        %dma_start3A_777 = tpu.memref_slice %arg7[%add3A_769, %dma_start3A_770, %dma_start3A_776] : memref<80x2x128xi32, #tpu.memory_space<vmem>> -> memref<1x1x128xi32, #tpu.memory_space<vmem>>
        %dma_start3A_778 = tpu.memref_squeeze %dma_start3A_777 : memref<1x1x128xi32, #tpu.memory_space<vmem>> -> memref<128xi32, #tpu.memory_space<vmem>>
        %dma_start3A_779 = arith.constant 0 : i32
        %dma_start3A_780 = arith.constant 0 : i32
        %dma_start3A_781 = tpu.memref_slice %arg2[%dma_start3A_779, %dma_start3A_780] : memref<10240x16xf32, #tpu.memory_space<hbm>> -> memref<10240x16xf32, #tpu.memory_space<hbm>>
        tpu.enqueue_indirect_dma source(%dma_start3A_781 : memref<10240x16xf32, #tpu.memory_space<hbm>>) target(%dma_start3A_775 : memref<128x16xf32, #tpu.memory_space<vmem>>) offsets(%dma_start3A_778 : memref<128xi32, #tpu.memory_space<vmem>>) semaphore(%arg10 : memref<!tpu.dma_semaphore, #tpu.memory_space<semaphore_mem>>)
      } else {
      }
      %mul3A_378 = arith.constant 8 : i32
      %mul3A_379 = arith.muli %scan3A_355, %mul3A_378 : i32
      %add3A_380 = arith.constant 0 : i32
      %add3A_381 = arith.addi %mul3A_379, %add3A_380 : i32
      %dma_wait3A_382 = arith.constant 0 : i32
      %dma_wait3A_383 = arith.constant 0 : i32
      %dma_wait3A_384 = arith.constant 0 : i32
      %dma_wait3A_385 = arith.constant 0 : i32
      %dma_wait3A_386 = tpu.memref_slice %arg8[%select_n3A_366, %dma_wait3A_383, %dma_wait3A_384, %dma_wait3A_385] : memref<3x8x128x16xf32, #tpu.memory_space<vmem>> -> memref<1x1x128x16xf32, #tpu.memory_space<vmem>>
      %dma_wait3A_387 = tpu.memref_squeeze %dma_wait3A_386 : memref<1x1x128x16xf32, #tpu.memory_space<vmem>> -> memref<128x16xf32, #tpu.memory_space<vmem>>
      %dma_wait3A_388 = arith.constant 0 : i32
      %dma_wait3A_389 = tpu.memref_slice %arg7[%add3A_381, %dma_wait3A_382, %dma_wait3A_388] : memref<80x2x128xi32, #tpu.memory_space<vmem>> -> memref<1x1x128xi32, #tpu.memory_space<vmem>>
      %dma_wait3A_390 = tpu.memref_squeeze %dma_wait3A_389 : memref<1x1x128xi32, #tpu.memory_space<vmem>> -> memref<128xi32, #tpu.memory_space<vmem>>
      %dma_wait3A_391 = arith.constant 0 : i32
      %dma_wait3A_392 = arith.constant 0 : i32
      %dma_wait3A_393 = tpu.memref_slice %arg2[%dma_wait3A_391, %dma_wait3A_392] : memref<10240x16xf32, #tpu.memory_space<hbm>> -> memref<10240x16xf32, #tpu.memory_space<hbm>>
      tpu.wait_indirect_dma semaphore(%arg10 : memref<!tpu.dma_semaphore, #tpu.memory_space<semaphore_mem>>) src(%dma_wait3A_393 : memref<10240x16xf32, #tpu.memory_space<hbm>>) dst(%dma_wait3A_387 : memref<128x16xf32, #tpu.memory_space<vmem>>)
      %mul3A_394 = arith.constant 8 : i32
      %mul3A_395 = arith.muli %scan3A_355, %mul3A_394 : i32
      %add3A_396 = arith.constant 1 : i32
      %add3A_397 = arith.addi %mul3A_395, %add3A_396 : i32
      %dma_wait3A_398 = arith.constant 0 : i32
      %dma_wait3A_399 = arith.constant 1 : i32
      %dma_wait3A_400 = arith.constant 0 : i32
      %dma_wait3A_401 = arith.constant 0 : i32
      %dma_wait3A_402 = tpu.memref_slice %arg8[%select_n3A_366, %dma_wait3A_399, %dma_wait3A_400, %dma_wait3A_401] : memref<3x8x128x16xf32, #tpu.memory_space<vmem>> -> memref<1x1x128x16xf32, #tpu.memory_space<vmem>>
      %dma_wait3A_403 = tpu.memref_squeeze %dma_wait3A_402 : memref<1x1x128x16xf32, #tpu.memory_space<vmem>> -> memref<128x16xf32, #tpu.memory_space<vmem>>
      %dma_wait3A_404 = arith.constant 0 : i32
      %dma_wait3A_405 = tpu.memref_slice %arg7[%add3A_397, %dma_wait3A_398, %dma_wait3A_404] : memref<80x2x128xi32, #tpu.memory_space<vmem>> -> memref<1x1x128xi32, #tpu.memory_space<vmem>>
      %dma_wait3A_406 = tpu.memref_squeeze %dma_wait3A_405 : memref<1x1x128xi32, #tpu.memory_space<vmem>> -> memref<128xi32, #tpu.memory_space<vmem>>
      %dma_wait3A_407 = arith.constant 0 : i32
      %dma_wait3A_408 = arith.constant 0 : i32
      %dma_wait3A_409 = tpu.memref_slice %arg2[%dma_wait3A_407, %dma_wait3A_408] : memref<10240x16xf32, #tpu.memory_space<hbm>> -> memref<10240x16xf32, #tpu.memory_space<hbm>>
      tpu.wait_indirect_dma semaphore(%arg10 : memref<!tpu.dma_semaphore, #tpu.memory_space<semaphore_mem>>) src(%dma_wait3A_409 : memref<10240x16xf32, #tpu.memory_space<hbm>>) dst(%dma_wait3A_403 : memref<128x16xf32, #tpu.memory_space<vmem>>)
      %mul3A_410 = arith.constant 8 : i32
      %mul3A_411 = arith.muli %scan3A_355, %mul3A_410 : i32
      %add3A_412 = arith.constant 2 : i32
      %add3A_413 = arith.addi %mul3A_411, %add3A_412 : i32
      %dma_wait3A_414 = arith.constant 0 : i32
      %dma_wait3A_415 = arith.constant 2 : i32
      %dma_wait3A_416 = arith.constant 0 : i32
      %dma_wait3A_417 = arith.constant 0 : i32
      %dma_wait3A_418 = tpu.memref_slice %arg8[%select_n3A_366, %dma_wait3A_415, %dma_wait3A_416, %dma_wait3A_417] : memref<3x8x128x16xf32, #tpu.memory_space<vmem>> -> memref<1x1x128x16xf32, #tpu.memory_space<vmem>>
      %dma_wait3A_419 = tpu.memref_squeeze %dma_wait3A_418 : memref<1x1x128x16xf32, #tpu.memory_space<vmem>> -> memref<128x16xf32, #tpu.memory_space<vmem>>
      %dma_wait3A_420 = arith.constant 0 : i32
      %dma_wait3A_421 = tpu.memref_slice %arg7[%add3A_413, %dma_wait3A_414, %dma_wait3A_420] : memref<80x2x128xi32, #tpu.memory_space<vmem>> -> memref<1x1x128xi32, #tpu.memory_space<vmem>>
      %dma_wait3A_422 = tpu.memref_squeeze %dma_wait3A_421 : memref<1x1x128xi32, #tpu.memory_space<vmem>> -> memref<128xi32, #tpu.memory_space<vmem>>
      %dma_wait3A_423 = arith.constant 0 : i32
      %dma_wait3A_424 = arith.constant 0 : i32
      %dma_wait3A_425 = tpu.memref_slice %arg2[%dma_wait3A_423, %dma_wait3A_424] : memref<10240x16xf32, #tpu.memory_space<hbm>> -> memref<10240x16xf32, #tpu.memory_space<hbm>>
      tpu.wait_indirect_dma semaphore(%arg10 : memref<!tpu.dma_semaphore, #tpu.memory_space<semaphore_mem>>) src(%dma_wait3A_425 : memref<10240x16xf32, #tpu.memory_space<hbm>>) dst(%dma_wait3A_419 : memref<128x16xf32, #tpu.memory_space<vmem>>)
      %mul3A_426 = arith.constant 8 : i32
      %mul3A_427 = arith.muli %scan3A_355, %mul3A_426 : i32
      %add3A_428 = arith.constant 3 : i32
      %add3A_429 = arith.addi %mul3A_427, %add3A_428 : i32
      %dma_wait3A_430 = arith.constant 0 : i32
      %dma_wait3A_431 = arith.constant 3 : i32
      %dma_wait3A_432 = arith.constant 0 : i32
      %dma_wait3A_433 = arith.constant 0 : i32
      %dma_wait3A_434 = tpu.memref_slice %arg8[%select_n3A_366, %dma_wait3A_431, %dma_wait3A_432, %dma_wait3A_433] : memref<3x8x128x16xf32, #tpu.memory_space<vmem>> -> memref<1x1x128x16xf32, #tpu.memory_space<vmem>>
      %dma_wait3A_435 = tpu.memref_squeeze %dma_wait3A_434 : memref<1x1x128x16xf32, #tpu.memory_space<vmem>> -> memref<128x16xf32, #tpu.memory_space<vmem>>
      %dma_wait3A_436 = arith.constant 0 : i32
      %dma_wait3A_437 = tpu.memref_slice %arg7[%add3A_429, %dma_wait3A_430, %dma_wait3A_436] : memref<80x2x128xi32, #tpu.memory_space<vmem>> -> memref<1x1x128xi32, #tpu.memory_space<vmem>>
      %dma_wait3A_438 = tpu.memref_squeeze %dma_wait3A_437 : memref<1x1x128xi32, #tpu.memory_space<vmem>> -> memref<128xi32, #tpu.memory_space<vmem>>
      %dma_wait3A_439 = arith.constant 0 : i32
      %dma_wait3A_440 = arith.constant 0 : i32
      %dma_wait3A_441 = tpu.memref_slice %arg2[%dma_wait3A_439, %dma_wait3A_440] : memref<10240x16xf32, #tpu.memory_space<hbm>> -> memref<10240x16xf32, #tpu.memory_space<hbm>>
      tpu.wait_indirect_dma semaphore(%arg10 : memref<!tpu.dma_semaphore, #tpu.memory_space<semaphore_mem>>) src(%dma_wait3A_441 : memref<10240x16xf32, #tpu.memory_space<hbm>>) dst(%dma_wait3A_435 : memref<128x16xf32, #tpu.memory_space<vmem>>)
      %mul3A_442 = arith.constant 8 : i32
      %mul3A_443 = arith.muli %scan3A_355, %mul3A_442 : i32
      %add3A_444 = arith.constant 4 : i32
      %add3A_445 = arith.addi %mul3A_443, %add3A_444 : i32
      %dma_wait3A_446 = arith.constant 0 : i32
      %dma_wait3A_447 = arith.constant 4 : i32
      %dma_wait3A_448 = arith.constant 0 : i32
      %dma_wait3A_449 = arith.constant 0 : i32
      %dma_wait3A_450 = tpu.memref_slice %arg8[%select_n3A_366, %dma_wait3A_447, %dma_wait3A_448, %dma_wait3A_449] : memref<3x8x128x16xf32, #tpu.memory_space<vmem>> -> memref<1x1x128x16xf32, #tpu.memory_space<vmem>>
      %dma_wait3A_451 = tpu.memref_squeeze %dma_wait3A_450 : memref<1x1x128x16xf32, #tpu.memory_space<vmem>> -> memref<128x16xf32, #tpu.memory_space<vmem>>
      %dma_wait3A_452 = arith.constant 0 : i32
      %dma_wait3A_453 = tpu.memref_slice %arg7[%add3A_445, %dma_wait3A_446, %dma_wait3A_452] : memref<80x2x128xi32, #tpu.memory_space<vmem>> -> memref<1x1x128xi32, #tpu.memory_space<vmem>>
      %dma_wait3A_454 = tpu.memref_squeeze %dma_wait3A_453 : memref<1x1x128xi32, #tpu.memory_space<vmem>> -> memref<128xi32, #tpu.memory_space<vmem>>
      %dma_wait3A_455 = arith.constant 0 : i32
      %dma_wait3A_456 = arith.constant 0 : i32
      %dma_wait3A_457 = tpu.memref_slice %arg2[%dma_wait3A_455, %dma_wait3A_456] : memref<10240x16xf32, #tpu.memory_space<hbm>> -> memref<10240x16xf32, #tpu.memory_space<hbm>>
      tpu.wait_indirect_dma semaphore(%arg10 : memref<!tpu.dma_semaphore, #tpu.memory_space<semaphore_mem>>) src(%dma_wait3A_457 : memref<10240x16xf32, #tpu.memory_space<hbm>>) dst(%dma_wait3A_451 : memref<128x16xf32, #tpu.memory_space<vmem>>)
      %mul3A_458 = arith.constant 8 : i32
      %mul3A_459 = arith.muli %scan3A_355, %mul3A_458 : i32
      %add3A_460 = arith.constant 5 : i32
      %add3A_461 = arith.addi %mul3A_459, %add3A_460 : i32
      %dma_wait3A_462 = arith.constant 0 : i32
      %dma_wait3A_463 = arith.constant 5 : i32
      %dma_wait3A_464 = arith.constant 0 : i32
      %dma_wait3A_465 = arith.constant 0 : i32
      %dma_wait3A_466 = tpu.memref_slice %arg8[%select_n3A_366, %dma_wait3A_463, %dma_wait3A_464, %dma_wait3A_465] : memref<3x8x128x16xf32, #tpu.memory_space<vmem>> -> memref<1x1x128x16xf32, #tpu.memory_space<vmem>>
      %dma_wait3A_467 = tpu.memref_squeeze %dma_wait3A_466 : memref<1x1x128x16xf32, #tpu.memory_space<vmem>> -> memref<128x16xf32, #tpu.memory_space<vmem>>
      %dma_wait3A_468 = arith.constant 0 : i32
      %dma_wait3A_469 = tpu.memref_slice %arg7[%add3A_461, %dma_wait3A_462, %dma_wait3A_468] : memref<80x2x128xi32, #tpu.memory_space<vmem>> -> memref<1x1x128xi32, #tpu.memory_space<vmem>>
      %dma_wait3A_470 = tpu.memref_squeeze %dma_wait3A_469 : memref<1x1x128xi32, #tpu.memory_space<vmem>> -> memref<128xi32, #tpu.memory_space<vmem>>
      %dma_wait3A_471 = arith.constant 0 : i32
      %dma_wait3A_472 = arith.constant 0 : i32
      %dma_wait3A_473 = tpu.memref_slice %arg2[%dma_wait3A_471, %dma_wait3A_472] : memref<10240x16xf32, #tpu.memory_space<hbm>> -> memref<10240x16xf32, #tpu.memory_space<hbm>>
      tpu.wait_indirect_dma semaphore(%arg10 : memref<!tpu.dma_semaphore, #tpu.memory_space<semaphore_mem>>) src(%dma_wait3A_473 : memref<10240x16xf32, #tpu.memory_space<hbm>>) dst(%dma_wait3A_467 : memref<128x16xf32, #tpu.memory_space<vmem>>)
      %mul3A_474 = arith.constant 8 : i32
      %mul3A_475 = arith.muli %scan3A_355, %mul3A_474 : i32
      %add3A_476 = arith.constant 6 : i32
      %add3A_477 = arith.addi %mul3A_475, %add3A_476 : i32
      %dma_wait3A_478 = arith.constant 0 : i32
      %dma_wait3A_479 = arith.constant 6 : i32
      %dma_wait3A_480 = arith.constant 0 : i32
      %dma_wait3A_481 = arith.constant 0 : i32
      %dma_wait3A_482 = tpu.memref_slice %arg8[%select_n3A_366, %dma_wait3A_479, %dma_wait3A_480, %dma_wait3A_481] : memref<3x8x128x16xf32, #tpu.memory_space<vmem>> -> memref<1x1x128x16xf32, #tpu.memory_space<vmem>>
      %dma_wait3A_483 = tpu.memref_squeeze %dma_wait3A_482 : memref<1x1x128x16xf32, #tpu.memory_space<vmem>> -> memref<128x16xf32, #tpu.memory_space<vmem>>
      %dma_wait3A_484 = arith.constant 0 : i32
      %dma_wait3A_485 = tpu.memref_slice %arg7[%add3A_477, %dma_wait3A_478, %dma_wait3A_484] : memref<80x2x128xi32, #tpu.memory_space<vmem>> -> memref<1x1x128xi32, #tpu.memory_space<vmem>>
      %dma_wait3A_486 = tpu.memref_squeeze %dma_wait3A_485 : memref<1x1x128xi32, #tpu.memory_space<vmem>> -> memref<128xi32, #tpu.memory_space<vmem>>
      %dma_wait3A_487 = arith.constant 0 : i32
      %dma_wait3A_488 = arith.constant 0 : i32
      %dma_wait3A_489 = tpu.memref_slice %arg2[%dma_wait3A_487, %dma_wait3A_488] : memref<10240x16xf32, #tpu.memory_space<hbm>> -> memref<10240x16xf32, #tpu.memory_space<hbm>>
      tpu.wait_indirect_dma semaphore(%arg10 : memref<!tpu.dma_semaphore, #tpu.memory_space<semaphore_mem>>) src(%dma_wait3A_489 : memref<10240x16xf32, #tpu.memory_space<hbm>>) dst(%dma_wait3A_483 : memref<128x16xf32, #tpu.memory_space<vmem>>)
      %mul3A_490 = arith.constant 8 : i32
      %mul3A_491 = arith.muli %scan3A_355, %mul3A_490 : i32
      %add3A_492 = arith.constant 7 : i32
      %add3A_493 = arith.addi %mul3A_491, %add3A_492 : i32
      %dma_wait3A_494 = arith.constant 0 : i32
      %dma_wait3A_495 = arith.constant 7 : i32
      %dma_wait3A_496 = arith.constant 0 : i32
      %dma_wait3A_497 = arith.constant 0 : i32
      %dma_wait3A_498 = tpu.memref_slice %arg8[%select_n3A_366, %dma_wait3A_495, %dma_wait3A_496, %dma_wait3A_497] : memref<3x8x128x16xf32, #tpu.memory_space<vmem>> -> memref<1x1x128x16xf32, #tpu.memory_space<vmem>>
      %dma_wait3A_499 = tpu.memref_squeeze %dma_wait3A_498 : memref<1x1x128x16xf32, #tpu.memory_space<vmem>> -> memref<128x16xf32, #tpu.memory_space<vmem>>
      %dma_wait3A_500 = arith.constant 0 : i32
      %dma_wait3A_501 = tpu.memref_slice %arg7[%add3A_493, %dma_wait3A_494, %dma_wait3A_500] : memref<80x2x128xi32, #tpu.memory_space<vmem>> -> memref<1x1x128xi32, #tpu.memory_space<vmem>>
      %dma_wait3A_502 = tpu.memref_squeeze %dma_wait3A_501 : memref<1x1x128xi32, #tpu.memory_space<vmem>> -> memref<128xi32, #tpu.memory_space<vmem>>
      %dma_wait3A_503 = arith.constant 0 : i32
      %dma_wait3A_504 = arith.constant 0 : i32
      %dma_wait3A_505 = tpu.memref_slice %arg2[%dma_wait3A_503, %dma_wait3A_504] : memref<10240x16xf32, #tpu.memory_space<hbm>> -> memref<10240x16xf32, #tpu.memory_space<hbm>>
      tpu.wait_indirect_dma semaphore(%arg10 : memref<!tpu.dma_semaphore, #tpu.memory_space<semaphore_mem>>) src(%dma_wait3A_505 : memref<10240x16xf32, #tpu.memory_space<hbm>>) dst(%dma_wait3A_499 : memref<128x16xf32, #tpu.memory_space<vmem>>)
      %mul3A_506 = arith.constant 8 : i32
      %mul3A_507 = arith.muli %scan3A_355, %mul3A_506 : i32
      %add3A_508 = arith.constant 0 : i32
      %add3A_509 = arith.addi %mul3A_507, %add3A_508 : i32
      %dma_start3A_510 = arith.constant 0 : i32
      %dma_start3A_511 = arith.constant 1 : i32
      %dma_start3A_512 = arith.constant 0 : i32
      %dma_start3A_513 = arith.constant 0 : i32
      %dma_start3A_514 = tpu.memref_slice %arg8[%select_n3A_366, %dma_start3A_510, %dma_start3A_512, %dma_start3A_513] : memref<3x8x128x16xf32, #tpu.memory_space<vmem>> -> memref<1x1x128x16xf32, #tpu.memory_space<vmem>>
      %dma_start3A_515 = tpu.memref_squeeze %dma_start3A_514 : memref<1x1x128x16xf32, #tpu.memory_space<vmem>> -> memref<128x16xf32, #tpu.memory_space<vmem>>
      %dma_start3A_516 = arith.constant 0 : i32
      %dma_start3A_517 = tpu.memref_slice %arg7[%add3A_509, %dma_start3A_511, %dma_start3A_516] : memref<80x2x128xi32, #tpu.memory_space<vmem>> -> memref<1x1x128xi32, #tpu.memory_space<vmem>>
      %dma_start3A_518 = tpu.memref_squeeze %dma_start3A_517 : memref<1x1x128xi32, #tpu.memory_space<vmem>> -> memref<128xi32, #tpu.memory_space<vmem>>
      %dma_start3A_519 = arith.constant 0 : i32
      %dma_start3A_520 = arith.constant 0 : i32
      %dma_start3A_521 = tpu.memref_slice %arg9[%dma_start3A_519, %dma_start3A_520] : memref<10240x16xf32, #tpu.memory_space<vmem_shared>> -> memref<10240x16xf32, #tpu.memory_space<vmem_shared>>
      tpu.enqueue_indirect_dma source(%dma_start3A_515 : memref<128x16xf32, #tpu.memory_space<vmem>>) target(%dma_start3A_521 : memref<10240x16xf32, #tpu.memory_space<vmem_shared>>) offsets(%dma_start3A_518 : memref<128xi32, #tpu.memory_space<vmem>>) semaphore(%arg11 : memref<!tpu.dma_semaphore, #tpu.memory_space<semaphore_mem>>) {add = true}
      %mul3A_522 = arith.constant 8 : i32
      %mul3A_523 = arith.muli %scan3A_355, %mul3A_522 : i32
      %add3A_524 = arith.constant 1 : i32
      %add3A_525 = arith.addi %mul3A_523, %add3A_524 : i32
      %dma_start3A_526 = arith.constant 1 : i32
      %dma_start3A_527 = arith.constant 1 : i32
      %dma_start3A_528 = arith.constant 0 : i32
      %dma_start3A_529 = arith.constant 0 : i32
      %dma_start3A_530 = tpu.memref_slice %arg8[%select_n3A_366, %dma_start3A_526, %dma_start3A_528, %dma_start3A_529] : memref<3x8x128x16xf32, #tpu.memory_space<vmem>> -> memref<1x1x128x16xf32, #tpu.memory_space<vmem>>
      %dma_start3A_531 = tpu.memref_squeeze %dma_start3A_530 : memref<1x1x128x16xf32, #tpu.memory_space<vmem>> -> memref<128x16xf32, #tpu.memory_space<vmem>>
      %dma_start3A_532 = arith.constant 0 : i32
      %dma_start3A_533 = tpu.memref_slice %arg7[%add3A_525, %dma_start3A_527, %dma_start3A_532] : memref<80x2x128xi32, #tpu.memory_space<vmem>> -> memref<1x1x128xi32, #tpu.memory_space<vmem>>
      %dma_start3A_534 = tpu.memref_squeeze %dma_start3A_533 : memref<1x1x128xi32, #tpu.memory_space<vmem>> -> memref<128xi32, #tpu.memory_space<vmem>>
      %dma_start3A_535 = arith.constant 0 : i32
      %dma_start3A_536 = arith.constant 0 : i32
      %dma_start3A_537 = tpu.memref_slice %arg9[%dma_start3A_535, %dma_start3A_536] : memref<10240x16xf32, #tpu.memory_space<vmem_shared>> -> memref<10240x16xf32, #tpu.memory_space<vmem_shared>>
      tpu.enqueue_indirect_dma source(%dma_start3A_531 : memref<128x16xf32, #tpu.memory_space<vmem>>) target(%dma_start3A_537 : memref<10240x16xf32, #tpu.memory_space<vmem_shared>>) offsets(%dma_start3A_534 : memref<128xi32, #tpu.memory_space<vmem>>) semaphore(%arg11 : memref<!tpu.dma_semaphore, #tpu.memory_space<semaphore_mem>>) {add = true}
      %mul3A_538 = arith.constant 8 : i32
      %mul3A_539 = arith.muli %scan3A_355, %mul3A_538 : i32
      %add3A_540 = arith.constant 2 : i32
      %add3A_541 = arith.addi %mul3A_539, %add3A_540 : i32
      %dma_start3A_542 = arith.constant 2 : i32
      %dma_start3A_543 = arith.constant 1 : i32
      %dma_start3A_544 = arith.constant 0 : i32
      %dma_start3A_545 = arith.constant 0 : i32
      %dma_start3A_546 = tpu.memref_slice %arg8[%select_n3A_366, %dma_start3A_542, %dma_start3A_544, %dma_start3A_545] : memref<3x8x128x16xf32, #tpu.memory_space<vmem>> -> memref<1x1x128x16xf32, #tpu.memory_space<vmem>>
      %dma_start3A_547 = tpu.memref_squeeze %dma_start3A_546 : memref<1x1x128x16xf32, #tpu.memory_space<vmem>> -> memref<128x16xf32, #tpu.memory_space<vmem>>
      %dma_start3A_548 = arith.constant 0 : i32
      %dma_start3A_549 = tpu.memref_slice %arg7[%add3A_541, %dma_start3A_543, %dma_start3A_548] : memref<80x2x128xi32, #tpu.memory_space<vmem>> -> memref<1x1x128xi32, #tpu.memory_space<vmem>>
      %dma_start3A_550 = tpu.memref_squeeze %dma_start3A_549 : memref<1x1x128xi32, #tpu.memory_space<vmem>> -> memref<128xi32, #tpu.memory_space<vmem>>
      %dma_start3A_551 = arith.constant 0 : i32
      %dma_start3A_552 = arith.constant 0 : i32
      %dma_start3A_553 = tpu.memref_slice %arg9[%dma_start3A_551, %dma_start3A_552] : memref<10240x16xf32, #tpu.memory_space<vmem_shared>> -> memref<10240x16xf32, #tpu.memory_space<vmem_shared>>
      tpu.enqueue_indirect_dma source(%dma_start3A_547 : memref<128x16xf32, #tpu.memory_space<vmem>>) target(%dma_start3A_553 : memref<10240x16xf32, #tpu.memory_space<vmem_shared>>) offsets(%dma_start3A_550 : memref<128xi32, #tpu.memory_space<vmem>>) semaphore(%arg11 : memref<!tpu.dma_semaphore, #tpu.memory_space<semaphore_mem>>) {add = true}
      %mul3A_554 = arith.constant 8 : i32
      %mul3A_555 = arith.muli %scan3A_355, %mul3A_554 : i32
      %add3A_556 = arith.constant 3 : i32
      %add3A_557 = arith.addi %mul3A_555, %add3A_556 : i32
      %dma_start3A_558 = arith.constant 3 : i32
      %dma_start3A_559 = arith.constant 1 : i32
      %dma_start3A_560 = arith.constant 0 : i32
      %dma_start3A_561 = arith.constant 0 : i32
      %dma_start3A_562 = tpu.memref_slice %arg8[%select_n3A_366, %dma_start3A_558, %dma_start3A_560, %dma_start3A_561] : memref<3x8x128x16xf32, #tpu.memory_space<vmem>> -> memref<1x1x128x16xf32, #tpu.memory_space<vmem>>
      %dma_start3A_563 = tpu.memref_squeeze %dma_start3A_562 : memref<1x1x128x16xf32, #tpu.memory_space<vmem>> -> memref<128x16xf32, #tpu.memory_space<vmem>>
      %dma_start3A_564 = arith.constant 0 : i32
      %dma_start3A_565 = tpu.memref_slice %arg7[%add3A_557, %dma_start3A_559, %dma_start3A_564] : memref<80x2x128xi32, #tpu.memory_space<vmem>> -> memref<1x1x128xi32, #tpu.memory_space<vmem>>
      %dma_start3A_566 = tpu.memref_squeeze %dma_start3A_565 : memref<1x1x128xi32, #tpu.memory_space<vmem>> -> memref<128xi32, #tpu.memory_space<vmem>>
      %dma_start3A_567 = arith.constant 0 : i32
      %dma_start3A_568 = arith.constant 0 : i32
      %dma_start3A_569 = tpu.memref_slice %arg9[%dma_start3A_567, %dma_start3A_568] : memref<10240x16xf32, #tpu.memory_space<vmem_shared>> -> memref<10240x16xf32, #tpu.memory_space<vmem_shared>>
      tpu.enqueue_indirect_dma source(%dma_start3A_563 : memref<128x16xf32, #tpu.memory_space<vmem>>) target(%dma_start3A_569 : memref<10240x16xf32, #tpu.memory_space<vmem_shared>>) offsets(%dma_start3A_566 : memref<128xi32, #tpu.memory_space<vmem>>) semaphore(%arg11 : memref<!tpu.dma_semaphore, #tpu.memory_space<semaphore_mem>>) {add = true}
      %mul3A_570 = arith.constant 8 : i32
      %mul3A_571 = arith.muli %scan3A_355, %mul3A_570 : i32
      %add3A_572 = arith.constant 4 : i32
      %add3A_573 = arith.addi %mul3A_571, %add3A_572 : i32
      %dma_start3A_574 = arith.constant 4 : i32
      %dma_start3A_575 = arith.constant 1 : i32
      %dma_start3A_576 = arith.constant 0 : i32
      %dma_start3A_577 = arith.constant 0 : i32
      %dma_start3A_578 = tpu.memref_slice %arg8[%select_n3A_366, %dma_start3A_574, %dma_start3A_576, %dma_start3A_577] : memref<3x8x128x16xf32, #tpu.memory_space<vmem>> -> memref<1x1x128x16xf32, #tpu.memory_space<vmem>>
      %dma_start3A_579 = tpu.memref_squeeze %dma_start3A_578 : memref<1x1x128x16xf32, #tpu.memory_space<vmem>> -> memref<128x16xf32, #tpu.memory_space<vmem>>
      %dma_start3A_580 = arith.constant 0 : i32
      %dma_start3A_581 = tpu.memref_slice %arg7[%add3A_573, %dma_start3A_575, %dma_start3A_580] : memref<80x2x128xi32, #tpu.memory_space<vmem>> -> memref<1x1x128xi32, #tpu.memory_space<vmem>>
      %dma_start3A_582 = tpu.memref_squeeze %dma_start3A_581 : memref<1x1x128xi32, #tpu.memory_space<vmem>> -> memref<128xi32, #tpu.memory_space<vmem>>
      %dma_start3A_583 = arith.constant 0 : i32
      %dma_start3A_584 = arith.constant 0 : i32
      %dma_start3A_585 = tpu.memref_slice %arg9[%dma_start3A_583, %dma_start3A_584] : memref<10240x16xf32, #tpu.memory_space<vmem_shared>> -> memref<10240x16xf32, #tpu.memory_space<vmem_shared>>
      tpu.enqueue_indirect_dma source(%dma_start3A_579 : memref<128x16xf32, #tpu.memory_space<vmem>>) target(%dma_start3A_585 : memref<10240x16xf32, #tpu.memory_space<vmem_shared>>) offsets(%dma_start3A_582 : memref<128xi32, #tpu.memory_space<vmem>>) semaphore(%arg11 : memref<!tpu.dma_semaphore, #tpu.memory_space<semaphore_mem>>) {add = true}
      %mul3A_586 = arith.constant 8 : i32
      %mul3A_587 = arith.muli %scan3A_355, %mul3A_586 : i32
      %add3A_588 = arith.constant 5 : i32
      %add3A_589 = arith.addi %mul3A_587, %add3A_588 : i32
      %dma_start3A_590 = arith.constant 5 : i32
      %dma_start3A_591 = arith.constant 1 : i32
      %dma_start3A_592 = arith.constant 0 : i32
      %dma_start3A_593 = arith.constant 0 : i32
      %dma_start3A_594 = tpu.memref_slice %arg8[%select_n3A_366, %dma_start3A_590, %dma_start3A_592, %dma_start3A_593] : memref<3x8x128x16xf32, #tpu.memory_space<vmem>> -> memref<1x1x128x16xf32, #tpu.memory_space<vmem>>
      %dma_start3A_595 = tpu.memref_squeeze %dma_start3A_594 : memref<1x1x128x16xf32, #tpu.memory_space<vmem>> -> memref<128x16xf32, #tpu.memory_space<vmem>>
      %dma_start3A_596 = arith.constant 0 : i32
      %dma_start3A_597 = tpu.memref_slice %arg7[%add3A_589, %dma_start3A_591, %dma_start3A_596] : memref<80x2x128xi32, #tpu.memory_space<vmem>> -> memref<1x1x128xi32, #tpu.memory_space<vmem>>
      %dma_start3A_598 = tpu.memref_squeeze %dma_start3A_597 : memref<1x1x128xi32, #tpu.memory_space<vmem>> -> memref<128xi32, #tpu.memory_space<vmem>>
      %dma_start3A_599 = arith.constant 0 : i32
      %dma_start3A_600 = arith.constant 0 : i32
      %dma_start3A_601 = tpu.memref_slice %arg9[%dma_start3A_599, %dma_start3A_600] : memref<10240x16xf32, #tpu.memory_space<vmem_shared>> -> memref<10240x16xf32, #tpu.memory_space<vmem_shared>>
      tpu.enqueue_indirect_dma source(%dma_start3A_595 : memref<128x16xf32, #tpu.memory_space<vmem>>) target(%dma_start3A_601 : memref<10240x16xf32, #tpu.memory_space<vmem_shared>>) offsets(%dma_start3A_598 : memref<128xi32, #tpu.memory_space<vmem>>) semaphore(%arg11 : memref<!tpu.dma_semaphore, #tpu.memory_space<semaphore_mem>>) {add = true}
      %mul3A_602 = arith.constant 8 : i32
      %mul3A_603 = arith.muli %scan3A_355, %mul3A_602 : i32
      %add3A_604 = arith.constant 6 : i32
      %add3A_605 = arith.addi %mul3A_603, %add3A_604 : i32
      %dma_start3A_606 = arith.constant 6 : i32
      %dma_start3A_607 = arith.constant 1 : i32
      %dma_start3A_608 = arith.constant 0 : i32
      %dma_start3A_609 = arith.constant 0 : i32
      %dma_start3A_610 = tpu.memref_slice %arg8[%select_n3A_366, %dma_start3A_606, %dma_start3A_608, %dma_start3A_609] : memref<3x8x128x16xf32, #tpu.memory_space<vmem>> -> memref<1x1x128x16xf32, #tpu.memory_space<vmem>>
      %dma_start3A_611 = tpu.memref_squeeze %dma_start3A_610 : memref<1x1x128x16xf32, #tpu.memory_space<vmem>> -> memref<128x16xf32, #tpu.memory_space<vmem>>
      %dma_start3A_612 = arith.constant 0 : i32
      %dma_start3A_613 = tpu.memref_slice %arg7[%add3A_605, %dma_start3A_607, %dma_start3A_612] : memref<80x2x128xi32, #tpu.memory_space<vmem>> -> memref<1x1x128xi32, #tpu.memory_space<vmem>>
      %dma_start3A_614 = tpu.memref_squeeze %dma_start3A_613 : memref<1x1x128xi32, #tpu.memory_space<vmem>> -> memref<128xi32, #tpu.memory_space<vmem>>
      %dma_start3A_615 = arith.constant 0 : i32
      %dma_start3A_616 = arith.constant 0 : i32
      %dma_start3A_617 = tpu.memref_slice %arg9[%dma_start3A_615, %dma_start3A_616] : memref<10240x16xf32, #tpu.memory_space<vmem_shared>> -> memref<10240x16xf32, #tpu.memory_space<vmem_shared>>
      tpu.enqueue_indirect_dma source(%dma_start3A_611 : memref<128x16xf32, #tpu.memory_space<vmem>>) target(%dma_start3A_617 : memref<10240x16xf32, #tpu.memory_space<vmem_shared>>) offsets(%dma_start3A_614 : memref<128xi32, #tpu.memory_space<vmem>>) semaphore(%arg11 : memref<!tpu.dma_semaphore, #tpu.memory_space<semaphore_mem>>) {add = true}
      %mul3A_618 = arith.constant 8 : i32
      %mul3A_619 = arith.muli %scan3A_355, %mul3A_618 : i32
      %add3A_620 = arith.constant 7 : i32
      %add3A_621 = arith.addi %mul3A_619, %add3A_620 : i32
      %dma_start3A_622 = arith.constant 7 : i32
      %dma_start3A_623 = arith.constant 1 : i32
      %dma_start3A_624 = arith.constant 0 : i32
      %dma_start3A_625 = arith.constant 0 : i32
      %dma_start3A_626 = tpu.memref_slice %arg8[%select_n3A_366, %dma_start3A_622, %dma_start3A_624, %dma_start3A_625] : memref<3x8x128x16xf32, #tpu.memory_space<vmem>> -> memref<1x1x128x16xf32, #tpu.memory_space<vmem>>
      %dma_start3A_627 = tpu.memref_squeeze %dma_start3A_626 : memref<1x1x128x16xf32, #tpu.memory_space<vmem>> -> memref<128x16xf32, #tpu.memory_space<vmem>>
      %dma_start3A_628 = arith.constant 0 : i32
      %dma_start3A_629 = tpu.memref_slice %arg7[%add3A_621, %dma_start3A_623, %dma_start3A_628] : memref<80x2x128xi32, #tpu.memory_space<vmem>> -> memref<1x1x128xi32, #tpu.memory_space<vmem>>
      %dma_start3A_630 = tpu.memref_squeeze %dma_start3A_629 : memref<1x1x128xi32, #tpu.memory_space<vmem>> -> memref<128xi32, #tpu.memory_space<vmem>>
      %dma_start3A_631 = arith.constant 0 : i32
      %dma_start3A_632 = arith.constant 0 : i32
      %dma_start3A_633 = tpu.memref_slice %arg9[%dma_start3A_631, %dma_start3A_632] : memref<10240x16xf32, #tpu.memory_space<vmem_shared>> -> memref<10240x16xf32, #tpu.memory_space<vmem_shared>>
      tpu.enqueue_indirect_dma source(%dma_start3A_627 : memref<128x16xf32, #tpu.memory_space<vmem>>) target(%dma_start3A_633 : memref<10240x16xf32, #tpu.memory_space<vmem_shared>>) offsets(%dma_start3A_630 : memref<128xi32, #tpu.memory_space<vmem>>) semaphore(%arg11 : memref<!tpu.dma_semaphore, #tpu.memory_space<semaphore_mem>>) {add = true}
    }
    %scan3A_126 = arith.constant 10 : i32
    %dma_wait3A = arith.constant 2 : i32
    %dma_wait3A_127 = arith.constant 0 : i32
    %dma_wait3A_128 = arith.constant 64 : i32
    %dma_wait3A_129 = arith.constant 1 : i32
    %dma_wait3A_130 = arith.constant 0 : i32
    %dma_wait3A_131 = arith.constant 0 : i32
    %dma_wait3A_132 = tpu.memref_slice %arg8[%dma_wait3A, %dma_wait3A_127, %dma_wait3A_130, %dma_wait3A_131] : memref<3x8x128x16xf32, #tpu.memory_space<vmem>> -> memref<1x1x128x16xf32, #tpu.memory_space<vmem>>
    %dma_wait3A_133 = tpu.memref_squeeze %dma_wait3A_132 : memref<1x1x128x16xf32, #tpu.memory_space<vmem>> -> memref<128x16xf32, #tpu.memory_space<vmem>>
    %dma_wait3A_134 = arith.constant 0 : i32
    %dma_wait3A_135 = tpu.memref_slice %arg7[%dma_wait3A_128, %dma_wait3A_129, %dma_wait3A_134] : memref<80x2x128xi32, #tpu.memory_space<vmem>> -> memref<1x1x128xi32, #tpu.memory_space<vmem>>
    %dma_wait3A_136 = tpu.memref_squeeze %dma_wait3A_135 : memref<1x1x128xi32, #tpu.memory_space<vmem>> -> memref<128xi32, #tpu.memory_space<vmem>>
    %dma_wait3A_137 = arith.constant 0 : i32
    %dma_wait3A_138 = arith.constant 0 : i32
    %dma_wait3A_139 = tpu.memref_slice %arg9[%dma_wait3A_137, %dma_wait3A_138] : memref<10240x16xf32, #tpu.memory_space<vmem_shared>> -> memref<10240x16xf32, #tpu.memory_space<vmem_shared>>
    tpu.wait_indirect_dma semaphore(%arg11 : memref<!tpu.dma_semaphore, #tpu.memory_space<semaphore_mem>>) src(%dma_wait3A_133 : memref<128x16xf32, #tpu.memory_space<vmem>>) dst(%dma_wait3A_139 : memref<10240x16xf32, #tpu.memory_space<vmem_shared>>)
    %dma_wait3A_140 = arith.constant 2 : i32
    %dma_wait3A_141 = arith.constant 1 : i32
    %dma_wait3A_142 = arith.constant 65 : i32
    %dma_wait3A_143 = arith.constant 1 : i32
    %dma_wait3A_144 = arith.constant 0 : i32
    %dma_wait3A_145 = arith.constant 0 : i32
    %dma_wait3A_146 = tpu.memref_slice %arg8[%dma_wait3A_140, %dma_wait3A_141, %dma_wait3A_144, %dma_wait3A_145] : memref<3x8x128x16xf32, #tpu.memory_space<vmem>> -> memref<1x1x128x16xf32, #tpu.memory_space<vmem>>
    %dma_wait3A_147 = tpu.memref_squeeze %dma_wait3A_146 : memref<1x1x128x16xf32, #tpu.memory_space<vmem>> -> memref<128x16xf32, #tpu.memory_space<vmem>>
    %dma_wait3A_148 = arith.constant 0 : i32
    %dma_wait3A_149 = tpu.memref_slice %arg7[%dma_wait3A_142, %dma_wait3A_143, %dma_wait3A_148] : memref<80x2x128xi32, #tpu.memory_space<vmem>> -> memref<1x1x128xi32, #tpu.memory_space<vmem>>
    %dma_wait3A_150 = tpu.memref_squeeze %dma_wait3A_149 : memref<1x1x128xi32, #tpu.memory_space<vmem>> -> memref<128xi32, #tpu.memory_space<vmem>>
    %dma_wait3A_151 = arith.constant 0 : i32
    %dma_wait3A_152 = arith.constant 0 : i32
    %dma_wait3A_153 = tpu.memref_slice %arg9[%dma_wait3A_151, %dma_wait3A_152] : memref<10240x16xf32, #tpu.memory_space<vmem_shared>> -> memref<10240x16xf32, #tpu.memory_space<vmem_shared>>
    tpu.wait_indirect_dma semaphore(%arg11 : memref<!tpu.dma_semaphore, #tpu.memory_space<semaphore_mem>>) src(%dma_wait3A_147 : memref<128x16xf32, #tpu.memory_space<vmem>>) dst(%dma_wait3A_153 : memref<10240x16xf32, #tpu.memory_space<vmem_shared>>)
    %dma_wait3A_154 = arith.constant 2 : i32
    %dma_wait3A_155 = arith.constant 2 : i32
    %dma_wait3A_156 = arith.constant 66 : i32
    %dma_wait3A_157 = arith.constant 1 : i32
    %dma_wait3A_158 = arith.constant 0 : i32
    %dma_wait3A_159 = arith.constant 0 : i32
    %dma_wait3A_160 = tpu.memref_slice %arg8[%dma_wait3A_154, %dma_wait3A_155, %dma_wait3A_158, %dma_wait3A_159] : memref<3x8x128x16xf32, #tpu.memory_space<vmem>> -> memref<1x1x128x16xf32, #tpu.memory_space<vmem>>
    %dma_wait3A_161 = tpu.memref_squeeze %dma_wait3A_160 : memref<1x1x128x16xf32, #tpu.memory_space<vmem>> -> memref<128x16xf32, #tpu.memory_space<vmem>>
    %dma_wait3A_162 = arith.constant 0 : i32
    %dma_wait3A_163 = tpu.memref_slice %arg7[%dma_wait3A_156, %dma_wait3A_157, %dma_wait3A_162] : memref<80x2x128xi32, #tpu.memory_space<vmem>> -> memref<1x1x128xi32, #tpu.memory_space<vmem>>
    %dma_wait3A_164 = tpu.memref_squeeze %dma_wait3A_163 : memref<1x1x128xi32, #tpu.memory_space<vmem>> -> memref<128xi32, #tpu.memory_space<vmem>>
    %dma_wait3A_165 = arith.constant 0 : i32
    %dma_wait3A_166 = arith.constant 0 : i32
    %dma_wait3A_167 = tpu.memref_slice %arg9[%dma_wait3A_165, %dma_wait3A_166] : memref<10240x16xf32, #tpu.memory_space<vmem_shared>> -> memref<10240x16xf32, #tpu.memory_space<vmem_shared>>
    tpu.wait_indirect_dma semaphore(%arg11 : memref<!tpu.dma_semaphore, #tpu.memory_space<semaphore_mem>>) src(%dma_wait3A_161 : memref<128x16xf32, #tpu.memory_space<vmem>>) dst(%dma_wait3A_167 : memref<10240x16xf32, #tpu.memory_space<vmem_shared>>)
    %dma_wait3A_168 = arith.constant 2 : i32
    %dma_wait3A_169 = arith.constant 3 : i32
    %dma_wait3A_170 = arith.constant 67 : i32
    %dma_wait3A_171 = arith.constant 1 : i32
    %dma_wait3A_172 = arith.constant 0 : i32
    %dma_wait3A_173 = arith.constant 0 : i32
    %dma_wait3A_174 = tpu.memref_slice %arg8[%dma_wait3A_168, %dma_wait3A_169, %dma_wait3A_172, %dma_wait3A_173] : memref<3x8x128x16xf32, #tpu.memory_space<vmem>> -> memref<1x1x128x16xf32, #tpu.memory_space<vmem>>
    %dma_wait3A_175 = tpu.memref_squeeze %dma_wait3A_174 : memref<1x1x128x16xf32, #tpu.memory_space<vmem>> -> memref<128x16xf32, #tpu.memory_space<vmem>>
    %dma_wait3A_176 = arith.constant 0 : i32
    %dma_wait3A_177 = tpu.memref_slice %arg7[%dma_wait3A_170, %dma_wait3A_171, %dma_wait3A_176] : memref<80x2x128xi32, #tpu.memory_space<vmem>> -> memref<1x1x128xi32, #tpu.memory_space<vmem>>
    %dma_wait3A_178 = tpu.memref_squeeze %dma_wait3A_177 : memref<1x1x128xi32, #tpu.memory_space<vmem>> -> memref<128xi32, #tpu.memory_space<vmem>>
    %dma_wait3A_179 = arith.constant 0 : i32
    %dma_wait3A_180 = arith.constant 0 : i32
    %dma_wait3A_181 = tpu.memref_slice %arg9[%dma_wait3A_179, %dma_wait3A_180] : memref<10240x16xf32, #tpu.memory_space<vmem_shared>> -> memref<10240x16xf32, #tpu.memory_space<vmem_shared>>
    tpu.wait_indirect_dma semaphore(%arg11 : memref<!tpu.dma_semaphore, #tpu.memory_space<semaphore_mem>>) src(%dma_wait3A_175 : memref<128x16xf32, #tpu.memory_space<vmem>>) dst(%dma_wait3A_181 : memref<10240x16xf32, #tpu.memory_space<vmem_shared>>)
    %dma_wait3A_182 = arith.constant 2 : i32
    %dma_wait3A_183 = arith.constant 4 : i32
    %dma_wait3A_184 = arith.constant 68 : i32
    %dma_wait3A_185 = arith.constant 1 : i32
    %dma_wait3A_186 = arith.constant 0 : i32
    %dma_wait3A_187 = arith.constant 0 : i32
    %dma_wait3A_188 = tpu.memref_slice %arg8[%dma_wait3A_182, %dma_wait3A_183, %dma_wait3A_186, %dma_wait3A_187] : memref<3x8x128x16xf32, #tpu.memory_space<vmem>> -> memref<1x1x128x16xf32, #tpu.memory_space<vmem>>
    %dma_wait3A_189 = tpu.memref_squeeze %dma_wait3A_188 : memref<1x1x128x16xf32, #tpu.memory_space<vmem>> -> memref<128x16xf32, #tpu.memory_space<vmem>>
    %dma_wait3A_190 = arith.constant 0 : i32
    %dma_wait3A_191 = tpu.memref_slice %arg7[%dma_wait3A_184, %dma_wait3A_185, %dma_wait3A_190] : memref<80x2x128xi32, #tpu.memory_space<vmem>> -> memref<1x1x128xi32, #tpu.memory_space<vmem>>
    %dma_wait3A_192 = tpu.memref_squeeze %dma_wait3A_191 : memref<1x1x128xi32, #tpu.memory_space<vmem>> -> memref<128xi32, #tpu.memory_space<vmem>>
    %dma_wait3A_193 = arith.constant 0 : i32
    %dma_wait3A_194 = arith.constant 0 : i32
    %dma_wait3A_195 = tpu.memref_slice %arg9[%dma_wait3A_193, %dma_wait3A_194] : memref<10240x16xf32, #tpu.memory_space<vmem_shared>> -> memref<10240x16xf32, #tpu.memory_space<vmem_shared>>
    tpu.wait_indirect_dma semaphore(%arg11 : memref<!tpu.dma_semaphore, #tpu.memory_space<semaphore_mem>>) src(%dma_wait3A_189 : memref<128x16xf32, #tpu.memory_space<vmem>>) dst(%dma_wait3A_195 : memref<10240x16xf32, #tpu.memory_space<vmem_shared>>)
    %dma_wait3A_196 = arith.constant 2 : i32
    %dma_wait3A_197 = arith.constant 5 : i32
    %dma_wait3A_198 = arith.constant 69 : i32
    %dma_wait3A_199 = arith.constant 1 : i32
    %dma_wait3A_200 = arith.constant 0 : i32
    %dma_wait3A_201 = arith.constant 0 : i32
    %dma_wait3A_202 = tpu.memref_slice %arg8[%dma_wait3A_196, %dma_wait3A_197, %dma_wait3A_200, %dma_wait3A_201] : memref<3x8x128x16xf32, #tpu.memory_space<vmem>> -> memref<1x1x128x16xf32, #tpu.memory_space<vmem>>
    %dma_wait3A_203 = tpu.memref_squeeze %dma_wait3A_202 : memref<1x1x128x16xf32, #tpu.memory_space<vmem>> -> memref<128x16xf32, #tpu.memory_space<vmem>>
    %dma_wait3A_204 = arith.constant 0 : i32
    %dma_wait3A_205 = tpu.memref_slice %arg7[%dma_wait3A_198, %dma_wait3A_199, %dma_wait3A_204] : memref<80x2x128xi32, #tpu.memory_space<vmem>> -> memref<1x1x128xi32, #tpu.memory_space<vmem>>
    %dma_wait3A_206 = tpu.memref_squeeze %dma_wait3A_205 : memref<1x1x128xi32, #tpu.memory_space<vmem>> -> memref<128xi32, #tpu.memory_space<vmem>>
    %dma_wait3A_207 = arith.constant 0 : i32
    %dma_wait3A_208 = arith.constant 0 : i32
    %dma_wait3A_209 = tpu.memref_slice %arg9[%dma_wait3A_207, %dma_wait3A_208] : memref<10240x16xf32, #tpu.memory_space<vmem_shared>> -> memref<10240x16xf32, #tpu.memory_space<vmem_shared>>
    tpu.wait_indirect_dma semaphore(%arg11 : memref<!tpu.dma_semaphore, #tpu.memory_space<semaphore_mem>>) src(%dma_wait3A_203 : memref<128x16xf32, #tpu.memory_space<vmem>>) dst(%dma_wait3A_209 : memref<10240x16xf32, #tpu.memory_space<vmem_shared>>)
    %dma_wait3A_210 = arith.constant 2 : i32
    %dma_wait3A_211 = arith.constant 6 : i32
    %dma_wait3A_212 = arith.constant 70 : i32
    %dma_wait3A_213 = arith.constant 1 : i32
    %dma_wait3A_214 = arith.constant 0 : i32
    %dma_wait3A_215 = arith.constant 0 : i32
    %dma_wait3A_216 = tpu.memref_slice %arg8[%dma_wait3A_210, %dma_wait3A_211, %dma_wait3A_214, %dma_wait3A_215] : memref<3x8x128x16xf32, #tpu.memory_space<vmem>> -> memref<1x1x128x16xf32, #tpu.memory_space<vmem>>
    %dma_wait3A_217 = tpu.memref_squeeze %dma_wait3A_216 : memref<1x1x128x16xf32, #tpu.memory_space<vmem>> -> memref<128x16xf32, #tpu.memory_space<vmem>>
    %dma_wait3A_218 = arith.constant 0 : i32
    %dma_wait3A_219 = tpu.memref_slice %arg7[%dma_wait3A_212, %dma_wait3A_213, %dma_wait3A_218] : memref<80x2x128xi32, #tpu.memory_space<vmem>> -> memref<1x1x128xi32, #tpu.memory_space<vmem>>
    %dma_wait3A_220 = tpu.memref_squeeze %dma_wait3A_219 : memref<1x1x128xi32, #tpu.memory_space<vmem>> -> memref<128xi32, #tpu.memory_space<vmem>>
    %dma_wait3A_221 = arith.constant 0 : i32
    %dma_wait3A_222 = arith.constant 0 : i32
    %dma_wait3A_223 = tpu.memref_slice %arg9[%dma_wait3A_221, %dma_wait3A_222] : memref<10240x16xf32, #tpu.memory_space<vmem_shared>> -> memref<10240x16xf32, #tpu.memory_space<vmem_shared>>
    tpu.wait_indirect_dma semaphore(%arg11 : memref<!tpu.dma_semaphore, #tpu.memory_space<semaphore_mem>>) src(%dma_wait3A_217 : memref<128x16xf32, #tpu.memory_space<vmem>>) dst(%dma_wait3A_223 : memref<10240x16xf32, #tpu.memory_space<vmem_shared>>)
    %dma_wait3A_224 = arith.constant 2 : i32
    %dma_wait3A_225 = arith.constant 7 : i32
    %dma_wait3A_226 = arith.constant 71 : i32
    %dma_wait3A_227 = arith.constant 1 : i32
    %dma_wait3A_228 = arith.constant 0 : i32
    %dma_wait3A_229 = arith.constant 0 : i32
    %dma_wait3A_230 = tpu.memref_slice %arg8[%dma_wait3A_224, %dma_wait3A_225, %dma_wait3A_228, %dma_wait3A_229] : memref<3x8x128x16xf32, #tpu.memory_space<vmem>> -> memref<1x1x128x16xf32, #tpu.memory_space<vmem>>
    %dma_wait3A_231 = tpu.memref_squeeze %dma_wait3A_230 : memref<1x1x128x16xf32, #tpu.memory_space<vmem>> -> memref<128x16xf32, #tpu.memory_space<vmem>>
    %dma_wait3A_232 = arith.constant 0 : i32
    %dma_wait3A_233 = tpu.memref_slice %arg7[%dma_wait3A_226, %dma_wait3A_227, %dma_wait3A_232] : memref<80x2x128xi32, #tpu.memory_space<vmem>> -> memref<1x1x128xi32, #tpu.memory_space<vmem>>
    %dma_wait3A_234 = tpu.memref_squeeze %dma_wait3A_233 : memref<1x1x128xi32, #tpu.memory_space<vmem>> -> memref<128xi32, #tpu.memory_space<vmem>>
    %dma_wait3A_235 = arith.constant 0 : i32
    %dma_wait3A_236 = arith.constant 0 : i32
    %dma_wait3A_237 = tpu.memref_slice %arg9[%dma_wait3A_235, %dma_wait3A_236] : memref<10240x16xf32, #tpu.memory_space<vmem_shared>> -> memref<10240x16xf32, #tpu.memory_space<vmem_shared>>
    tpu.wait_indirect_dma semaphore(%arg11 : memref<!tpu.dma_semaphore, #tpu.memory_space<semaphore_mem>>) src(%dma_wait3A_231 : memref<128x16xf32, #tpu.memory_space<vmem>>) dst(%dma_wait3A_237 : memref<10240x16xf32, #tpu.memory_space<vmem_shared>>)
    %dma_wait3A_238 = arith.constant 0 : i32
    %dma_wait3A_239 = arith.constant 0 : i32
    %dma_wait3A_240 = arith.constant 72 : i32
    %dma_wait3A_241 = arith.constant 1 : i32
    %dma_wait3A_242 = arith.constant 0 : i32
    %dma_wait3A_243 = arith.constant 0 : i32
    %dma_wait3A_244 = tpu.memref_slice %arg8[%dma_wait3A_238, %dma_wait3A_239, %dma_wait3A_242, %dma_wait3A_243] : memref<3x8x128x16xf32, #tpu.memory_space<vmem>> -> memref<1x1x128x16xf32, #tpu.memory_space<vmem>>
    %dma_wait3A_245 = tpu.memref_squeeze %dma_wait3A_244 : memref<1x1x128x16xf32, #tpu.memory_space<vmem>> -> memref<128x16xf32, #tpu.memory_space<vmem>>
    %dma_wait3A_246 = arith.constant 0 : i32
    %dma_wait3A_247 = tpu.memref_slice %arg7[%dma_wait3A_240, %dma_wait3A_241, %dma_wait3A_246] : memref<80x2x128xi32, #tpu.memory_space<vmem>> -> memref<1x1x128xi32, #tpu.memory_space<vmem>>
    %dma_wait3A_248 = tpu.memref_squeeze %dma_wait3A_247 : memref<1x1x128xi32, #tpu.memory_space<vmem>> -> memref<128xi32, #tpu.memory_space<vmem>>
    %dma_wait3A_249 = arith.constant 0 : i32
    %dma_wait3A_250 = arith.constant 0 : i32
    %dma_wait3A_251 = tpu.memref_slice %arg9[%dma_wait3A_249, %dma_wait3A_250] : memref<10240x16xf32, #tpu.memory_space<vmem_shared>> -> memref<10240x16xf32, #tpu.memory_space<vmem_shared>>
    tpu.wait_indirect_dma semaphore(%arg11 : memref<!tpu.dma_semaphore, #tpu.memory_space<semaphore_mem>>) src(%dma_wait3A_245 : memref<128x16xf32, #tpu.memory_space<vmem>>) dst(%dma_wait3A_251 : memref<10240x16xf32, #tpu.memory_space<vmem_shared>>)
    %dma_wait3A_252 = arith.constant 0 : i32
    %dma_wait3A_253 = arith.constant 1 : i32
    %dma_wait3A_254 = arith.constant 73 : i32
    %dma_wait3A_255 = arith.constant 1 : i32
    %dma_wait3A_256 = arith.constant 0 : i32
    %dma_wait3A_257 = arith.constant 0 : i32
    %dma_wait3A_258 = tpu.memref_slice %arg8[%dma_wait3A_252, %dma_wait3A_253, %dma_wait3A_256, %dma_wait3A_257] : memref<3x8x128x16xf32, #tpu.memory_space<vmem>> -> memref<1x1x128x16xf32, #tpu.memory_space<vmem>>
    %dma_wait3A_259 = tpu.memref_squeeze %dma_wait3A_258 : memref<1x1x128x16xf32, #tpu.memory_space<vmem>> -> memref<128x16xf32, #tpu.memory_space<vmem>>
    %dma_wait3A_260 = arith.constant 0 : i32
    %dma_wait3A_261 = tpu.memref_slice %arg7[%dma_wait3A_254, %dma_wait3A_255, %dma_wait3A_260] : memref<80x2x128xi32, #tpu.memory_space<vmem>> -> memref<1x1x128xi32, #tpu.memory_space<vmem>>
    %dma_wait3A_262 = tpu.memref_squeeze %dma_wait3A_261 : memref<1x1x128xi32, #tpu.memory_space<vmem>> -> memref<128xi32, #tpu.memory_space<vmem>>
    %dma_wait3A_263 = arith.constant 0 : i32
    %dma_wait3A_264 = arith.constant 0 : i32
    %dma_wait3A_265 = tpu.memref_slice %arg9[%dma_wait3A_263, %dma_wait3A_264] : memref<10240x16xf32, #tpu.memory_space<vmem_shared>> -> memref<10240x16xf32, #tpu.memory_space<vmem_shared>>
    tpu.wait_indirect_dma semaphore(%arg11 : memref<!tpu.dma_semaphore, #tpu.memory_space<semaphore_mem>>) src(%dma_wait3A_259 : memref<128x16xf32, #tpu.memory_space<vmem>>) dst(%dma_wait3A_265 : memref<10240x16xf32, #tpu.memory_space<vmem_shared>>)
    %dma_wait3A_266 = arith.constant 0 : i32
    %dma_wait3A_267 = arith.constant 2 : i32
    %dma_wait3A_268 = arith.constant 74 : i32
    %dma_wait3A_269 = arith.constant 1 : i32
    %dma_wait3A_270 = arith.constant 0 : i32
    %dma_wait3A_271 = arith.constant 0 : i32
    %dma_wait3A_272 = tpu.memref_slice %arg8[%dma_wait3A_266, %dma_wait3A_267, %dma_wait3A_270, %dma_wait3A_271] : memref<3x8x128x16xf32, #tpu.memory_space<vmem>> -> memref<1x1x128x16xf32, #tpu.memory_space<vmem>>
    %dma_wait3A_273 = tpu.memref_squeeze %dma_wait3A_272 : memref<1x1x128x16xf32, #tpu.memory_space<vmem>> -> memref<128x16xf32, #tpu.memory_space<vmem>>
    %dma_wait3A_274 = arith.constant 0 : i32
    %dma_wait3A_275 = tpu.memref_slice %arg7[%dma_wait3A_268, %dma_wait3A_269, %dma_wait3A_274] : memref<80x2x128xi32, #tpu.memory_space<vmem>> -> memref<1x1x128xi32, #tpu.memory_space<vmem>>
    %dma_wait3A_276 = tpu.memref_squeeze %dma_wait3A_275 : memref<1x1x128xi32, #tpu.memory_space<vmem>> -> memref<128xi32, #tpu.memory_space<vmem>>
    %dma_wait3A_277 = arith.constant 0 : i32
    %dma_wait3A_278 = arith.constant 0 : i32
    %dma_wait3A_279 = tpu.memref_slice %arg9[%dma_wait3A_277, %dma_wait3A_278] : memref<10240x16xf32, #tpu.memory_space<vmem_shared>> -> memref<10240x16xf32, #tpu.memory_space<vmem_shared>>
    tpu.wait_indirect_dma semaphore(%arg11 : memref<!tpu.dma_semaphore, #tpu.memory_space<semaphore_mem>>) src(%dma_wait3A_273 : memref<128x16xf32, #tpu.memory_space<vmem>>) dst(%dma_wait3A_279 : memref<10240x16xf32, #tpu.memory_space<vmem_shared>>)
    %dma_wait3A_280 = arith.constant 0 : i32
    %dma_wait3A_281 = arith.constant 3 : i32
    %dma_wait3A_282 = arith.constant 75 : i32
    %dma_wait3A_283 = arith.constant 1 : i32
    %dma_wait3A_284 = arith.constant 0 : i32
    %dma_wait3A_285 = arith.constant 0 : i32
    %dma_wait3A_286 = tpu.memref_slice %arg8[%dma_wait3A_280, %dma_wait3A_281, %dma_wait3A_284, %dma_wait3A_285] : memref<3x8x128x16xf32, #tpu.memory_space<vmem>> -> memref<1x1x128x16xf32, #tpu.memory_space<vmem>>
    %dma_wait3A_287 = tpu.memref_squeeze %dma_wait3A_286 : memref<1x1x128x16xf32, #tpu.memory_space<vmem>> -> memref<128x16xf32, #tpu.memory_space<vmem>>
    %dma_wait3A_288 = arith.constant 0 : i32
    %dma_wait3A_289 = tpu.memref_slice %arg7[%dma_wait3A_282, %dma_wait3A_283, %dma_wait3A_288] : memref<80x2x128xi32, #tpu.memory_space<vmem>> -> memref<1x1x128xi32, #tpu.memory_space<vmem>>
    %dma_wait3A_290 = tpu.memref_squeeze %dma_wait3A_289 : memref<1x1x128xi32, #tpu.memory_space<vmem>> -> memref<128xi32, #tpu.memory_space<vmem>>
    %dma_wait3A_291 = arith.constant 0 : i32
    %dma_wait3A_292 = arith.constant 0 : i32
    %dma_wait3A_293 = tpu.memref_slice %arg9[%dma_wait3A_291, %dma_wait3A_292] : memref<10240x16xf32, #tpu.memory_space<vmem_shared>> -> memref<10240x16xf32, #tpu.memory_space<vmem_shared>>
    tpu.wait_indirect_dma semaphore(%arg11 : memref<!tpu.dma_semaphore, #tpu.memory_space<semaphore_mem>>) src(%dma_wait3A_287 : memref<128x16xf32, #tpu.memory_space<vmem>>) dst(%dma_wait3A_293 : memref<10240x16xf32, #tpu.memory_space<vmem_shared>>)
    %dma_wait3A_294 = arith.constant 0 : i32
    %dma_wait3A_295 = arith.constant 4 : i32
    %dma_wait3A_296 = arith.constant 76 : i32
    %dma_wait3A_297 = arith.constant 1 : i32
    %dma_wait3A_298 = arith.constant 0 : i32
    %dma_wait3A_299 = arith.constant 0 : i32
    %dma_wait3A_300 = tpu.memref_slice %arg8[%dma_wait3A_294, %dma_wait3A_295, %dma_wait3A_298, %dma_wait3A_299] : memref<3x8x128x16xf32, #tpu.memory_space<vmem>> -> memref<1x1x128x16xf32, #tpu.memory_space<vmem>>
    %dma_wait3A_301 = tpu.memref_squeeze %dma_wait3A_300 : memref<1x1x128x16xf32, #tpu.memory_space<vmem>> -> memref<128x16xf32, #tpu.memory_space<vmem>>
    %dma_wait3A_302 = arith.constant 0 : i32
    %dma_wait3A_303 = tpu.memref_slice %arg7[%dma_wait3A_296, %dma_wait3A_297, %dma_wait3A_302] : memref<80x2x128xi32, #tpu.memory_space<vmem>> -> memref<1x1x128xi32, #tpu.memory_space<vmem>>
    %dma_wait3A_304 = tpu.memref_squeeze %dma_wait3A_303 : memref<1x1x128xi32, #tpu.memory_space<vmem>> -> memref<128xi32, #tpu.memory_space<vmem>>
    %dma_wait3A_305 = arith.constant 0 : i32
    %dma_wait3A_306 = arith.constant 0 : i32
    %dma_wait3A_307 = tpu.memref_slice %arg9[%dma_wait3A_305, %dma_wait3A_306] : memref<10240x16xf32, #tpu.memory_space<vmem_shared>> -> memref<10240x16xf32, #tpu.memory_space<vmem_shared>>
    tpu.wait_indirect_dma semaphore(%arg11 : memref<!tpu.dma_semaphore, #tpu.memory_space<semaphore_mem>>) src(%dma_wait3A_301 : memref<128x16xf32, #tpu.memory_space<vmem>>) dst(%dma_wait3A_307 : memref<10240x16xf32, #tpu.memory_space<vmem_shared>>)
    %dma_wait3A_308 = arith.constant 0 : i32
    %dma_wait3A_309 = arith.constant 5 : i32
    %dma_wait3A_310 = arith.constant 77 : i32
    %dma_wait3A_311 = arith.constant 1 : i32
    %dma_wait3A_312 = arith.constant 0 : i32
    %dma_wait3A_313 = arith.constant 0 : i32
    %dma_wait3A_314 = tpu.memref_slice %arg8[%dma_wait3A_308, %dma_wait3A_309, %dma_wait3A_312, %dma_wait3A_313] : memref<3x8x128x16xf32, #tpu.memory_space<vmem>> -> memref<1x1x128x16xf32, #tpu.memory_space<vmem>>
    %dma_wait3A_315 = tpu.memref_squeeze %dma_wait3A_314 : memref<1x1x128x16xf32, #tpu.memory_space<vmem>> -> memref<128x16xf32, #tpu.memory_space<vmem>>
    %dma_wait3A_316 = arith.constant 0 : i32
    %dma_wait3A_317 = tpu.memref_slice %arg7[%dma_wait3A_310, %dma_wait3A_311, %dma_wait3A_316] : memref<80x2x128xi32, #tpu.memory_space<vmem>> -> memref<1x1x128xi32, #tpu.memory_space<vmem>>
    %dma_wait3A_318 = tpu.memref_squeeze %dma_wait3A_317 : memref<1x1x128xi32, #tpu.memory_space<vmem>> -> memref<128xi32, #tpu.memory_space<vmem>>
    %dma_wait3A_319 = arith.constant 0 : i32
    %dma_wait3A_320 = arith.constant 0 : i32
    %dma_wait3A_321 = tpu.memref_slice %arg9[%dma_wait3A_319, %dma_wait3A_320] : memref<10240x16xf32, #tpu.memory_space<vmem_shared>> -> memref<10240x16xf32, #tpu.memory_space<vmem_shared>>
    tpu.wait_indirect_dma semaphore(%arg11 : memref<!tpu.dma_semaphore, #tpu.memory_space<semaphore_mem>>) src(%dma_wait3A_315 : memref<128x16xf32, #tpu.memory_space<vmem>>) dst(%dma_wait3A_321 : memref<10240x16xf32, #tpu.memory_space<vmem_shared>>)
    %dma_wait3A_322 = arith.constant 0 : i32
    %dma_wait3A_323 = arith.constant 6 : i32
    %dma_wait3A_324 = arith.constant 78 : i32
    %dma_wait3A_325 = arith.constant 1 : i32
    %dma_wait3A_326 = arith.constant 0 : i32
    %dma_wait3A_327 = arith.constant 0 : i32
    %dma_wait3A_328 = tpu.memref_slice %arg8[%dma_wait3A_322, %dma_wait3A_323, %dma_wait3A_326, %dma_wait3A_327] : memref<3x8x128x16xf32, #tpu.memory_space<vmem>> -> memref<1x1x128x16xf32, #tpu.memory_space<vmem>>
    %dma_wait3A_329 = tpu.memref_squeeze %dma_wait3A_328 : memref<1x1x128x16xf32, #tpu.memory_space<vmem>> -> memref<128x16xf32, #tpu.memory_space<vmem>>
    %dma_wait3A_330 = arith.constant 0 : i32
    %dma_wait3A_331 = tpu.memref_slice %arg7[%dma_wait3A_324, %dma_wait3A_325, %dma_wait3A_330] : memref<80x2x128xi32, #tpu.memory_space<vmem>> -> memref<1x1x128xi32, #tpu.memory_space<vmem>>
    %dma_wait3A_332 = tpu.memref_squeeze %dma_wait3A_331 : memref<1x1x128xi32, #tpu.memory_space<vmem>> -> memref<128xi32, #tpu.memory_space<vmem>>
    %dma_wait3A_333 = arith.constant 0 : i32
    %dma_wait3A_334 = arith.constant 0 : i32
    %dma_wait3A_335 = tpu.memref_slice %arg9[%dma_wait3A_333, %dma_wait3A_334] : memref<10240x16xf32, #tpu.memory_space<vmem_shared>> -> memref<10240x16xf32, #tpu.memory_space<vmem_shared>>
    tpu.wait_indirect_dma semaphore(%arg11 : memref<!tpu.dma_semaphore, #tpu.memory_space<semaphore_mem>>) src(%dma_wait3A_329 : memref<128x16xf32, #tpu.memory_space<vmem>>) dst(%dma_wait3A_335 : memref<10240x16xf32, #tpu.memory_space<vmem_shared>>)
    %dma_wait3A_336 = arith.constant 0 : i32
    %dma_wait3A_337 = arith.constant 7 : i32
    %dma_wait3A_338 = arith.constant 79 : i32
    %dma_wait3A_339 = arith.constant 1 : i32
    %dma_wait3A_340 = arith.constant 0 : i32
    %dma_wait3A_341 = arith.constant 0 : i32
    %dma_wait3A_342 = tpu.memref_slice %arg8[%dma_wait3A_336, %dma_wait3A_337, %dma_wait3A_340, %dma_wait3A_341] : memref<3x8x128x16xf32, #tpu.memory_space<vmem>> -> memref<1x1x128x16xf32, #tpu.memory_space<vmem>>
    %dma_wait3A_343 = tpu.memref_squeeze %dma_wait3A_342 : memref<1x1x128x16xf32, #tpu.memory_space<vmem>> -> memref<128x16xf32, #tpu.memory_space<vmem>>
    %dma_wait3A_344 = arith.constant 0 : i32
    %dma_wait3A_345 = tpu.memref_slice %arg7[%dma_wait3A_338, %dma_wait3A_339, %dma_wait3A_344] : memref<80x2x128xi32, #tpu.memory_space<vmem>> -> memref<1x1x128xi32, #tpu.memory_space<vmem>>
    %dma_wait3A_346 = tpu.memref_squeeze %dma_wait3A_345 : memref<1x1x128xi32, #tpu.memory_space<vmem>> -> memref<128xi32, #tpu.memory_space<vmem>>
    %dma_wait3A_347 = arith.constant 0 : i32
    %dma_wait3A_348 = arith.constant 0 : i32
    %dma_wait3A_349 = tpu.memref_slice %arg9[%dma_wait3A_347, %dma_wait3A_348] : memref<10240x16xf32, #tpu.memory_space<vmem_shared>> -> memref<10240x16xf32, #tpu.memory_space<vmem_shared>>
    tpu.wait_indirect_dma semaphore(%arg11 : memref<!tpu.dma_semaphore, #tpu.memory_space<semaphore_mem>>) src(%dma_wait3A_343 : memref<128x16xf32, #tpu.memory_space<vmem>>) dst(%dma_wait3A_349 : memref<10240x16xf32, #tpu.memory_space<vmem_shared>>)
    %barrier3A_350 = arith.constant 0 : index
    tpu.barrier barrier_id(%barrier3A_350)
    %mul3A_351 = arith.constant 640 : i32
    %mul3A_352 = arith.muli %arg1, %mul3A_351 : i32
    %mul3A_353 = arith.constant 640 : i32
    %mul3A_354 = arith.muli %arg1, %mul3A_353 : i32
    "tpu.region"() ({
      %run_scoped3A = tpu.sem_alloc : memref<!tpu.dma_semaphore, #tpu.memory_space<semaphore_mem>>
      %dma_start3A_355 = arith.constant 0 : i32
      %dma_start3A_356 = tpu.memref_slice %arg6[%arg0, %mul3A_354, %dma_start3A_355] : memref<2x10240x16xf32, #tpu.memory_space<hbm>> -> memref<1x640x16xf32, #tpu.memory_space<hbm>>
      %dma_start3A_357 = tpu.memref_squeeze %dma_start3A_356 : memref<1x640x16xf32, #tpu.memory_space<hbm>> -> memref<640x16xf32, #tpu.memory_space<hbm>>
      %dma_start3A_358 = arith.constant 0 : i32
      %dma_start3A_359 = tpu.memref_slice %arg9[%mul3A_352, %dma_start3A_358] : memref<10240x16xf32, #tpu.memory_space<vmem_shared>> -> memref<640x16xf32, #tpu.memory_space<vmem_shared>>
      tpu.enqueue_dma source(%dma_start3A_359 : memref<640x16xf32, #tpu.memory_space<vmem_shared>>) target(%dma_start3A_357 : memref<640x16xf32, #tpu.memory_space<hbm>>) target_semaphore(%run_scoped3A : memref<!tpu.dma_semaphore, #tpu.memory_space<semaphore_mem>>)
      %dma_wait3A_360 = arith.constant 0 : i32
      %dma_wait3A_361 = tpu.memref_slice %arg6[%arg0, %mul3A_354, %dma_wait3A_360] : memref<2x10240x16xf32, #tpu.memory_space<hbm>> -> memref<1x640x16xf32, #tpu.memory_space<hbm>>
      %dma_wait3A_362 = tpu.memref_squeeze %dma_wait3A_361 : memref<1x640x16xf32, #tpu.memory_space<hbm>> -> memref<640x16xf32, #tpu.memory_space<hbm>>
      %dma_wait3A_363 = arith.constant 0 : i32
      %dma_wait3A_364 = tpu.memref_slice %arg9[%mul3A_352, %dma_wait3A_363] : memref<10240x16xf32, #tpu.memory_space<vmem_shared>> -> memref<640x16xf32, #tpu.memory_space<vmem_shared>>
      tpu.wait_dma2 semaphore(%run_scoped3A : memref<!tpu.dma_semaphore, #tpu.memory_space<semaphore_mem>>) src(%dma_wait3A_364 : memref<640x16xf32, #tpu.memory_space<vmem_shared>>) dst(%dma_wait3A_362 : memref<640x16xf32, #tpu.memory_space<hbm>>)
      tpu.yield
    }) : () -> ()
    return
  }
}

module attributes {stable_mosaic.version = 14 : i64} {
  func.func @_tc1_body(%arg0: memref<1280x1024xf32, #tpu.memory_space<vmem>>, %arg1: memref<1024x128xf32, #tpu.memory_space<vmem>>, %arg2: memref<2x1280x128xf32, #tpu.memory_space<vmem>>, %arg3: memref<1280x128xf32, #tpu.memory_space<vmem>>, %arg4: memref<1280x128xf32, #tpu.memory_space<vmem>>) attributes {dimension_semantics = [], scalar_prefetch = 0 : i64, scratch_operands = 0 : i64, tpu.core_type = #tpu.core_type<tc>} {
    %get3A = arith.constant 0 : index
    %get3A_0 = arith.constant 0 : index
    %get3A_1 = arith.constant 0 : index
    %get3A_2 = vector.load %arg2[%get3A, %get3A_0, %get3A_1] : memref<2x1280x128xf32, #tpu.memory_space<vmem>>, vector<1x1280x128xf32>
    %get3A_3 = vector.shape_cast %get3A_2 : vector<1x1280x128xf32> to vector<1280x128xf32>
    %get3A_4 = arith.constant 1 : index
    %get3A_5 = arith.constant 0 : index
    %get3A_6 = arith.constant 0 : index
    %get3A_7 = vector.load %arg2[%get3A_4, %get3A_5, %get3A_6] : memref<2x1280x128xf32, #tpu.memory_space<vmem>>, vector<1x1280x128xf32>
    %get3A_8 = vector.shape_cast %get3A_7 : vector<1x1280x128xf32> to vector<1280x128xf32>
    %add3A = arith.addf %get3A_3, %get3A_8 : vector<1280x128xf32>
    %add3A_9 = arith.constant 1.000000e+00 : f32
    %add3A_10 = vector.broadcast %add3A_9 : f32 to vector<1280x128xf32>
    %add3A_11 = arith.addf %add3A, %add3A_10 : vector<1280x128xf32>
    %rsqrt3A = math.rsqrt %add3A_11 : vector<1280x128xf32>
    %get3A_12 = arith.constant 0 : index
    %get3A_13 = arith.constant 0 : index
    %get3A_14 = vector.load %arg0[%get3A_12, %get3A_13] : memref<1280x1024xf32, #tpu.memory_space<vmem>>, vector<1280x1024xf32>
    %get3A_15 = arith.constant 0 : index
    %get3A_16 = arith.constant 0 : index
    %get3A_17 = vector.load %arg1[%get3A_15, %get3A_16] : memref<1024x128xf32, #tpu.memory_space<vmem>>, vector<1024x128xf32>
    %dot_general3A = arith.constant dense<0.000000e+00> : vector<1280x128xf32>
    %dot_general3A_18 = tpu.matmul %get3A_14, %get3A_17, %dot_general3A {dimension_numbers = #tpu.dot_dimension_numbers<[1], [0], [0], [1], [0, 0, 1, 1], [], []>, transpose_lhs_hint = false} : vector<1280x1024xf32>, vector<1024x128xf32>, vector<1280x128xf32> -> vector<1280x128xf32>
    %mul3A = arith.mulf %rsqrt3A, %dot_general3A_18 : vector<1280x128xf32>
    %swap3A = arith.constant 0 : index
    %swap3A_19 = arith.constant 0 : index
    %swap3A_20 = vector.load %arg3[%swap3A, %swap3A_19] : memref<1280x128xf32, #tpu.memory_space<vmem>>, vector<1280x128xf32>
    tpu.vector_store %arg3[%swap3A, %swap3A_19], %mul3A {strides = array<i32>} : memref<1280x128xf32, #tpu.memory_space<vmem>>, vector<1280x128xf32>,
    %swap3A_21 = arith.constant 0 : index
    %swap3A_22 = arith.constant 0 : index
    %swap3A_23 = vector.load %arg4[%swap3A_21, %swap3A_22] : memref<1280x128xf32, #tpu.memory_space<vmem>>, vector<1280x128xf32>
    tpu.vector_store %arg4[%swap3A_21, %swap3A_22], %rsqrt3A {strides = array<i32>} : memref<1280x128xf32, #tpu.memory_space<vmem>>, vector<1280x128xf32>,
    return
  }
}

module attributes {stable_mosaic.version = 14 : i64} {
  func.func @_tc2_body(%arg0: memref<2x1280x128xf32, #tpu.memory_space<vmem>>, %arg1: memref<1280x128xf32, #tpu.memory_space<vmem>>, %arg2: memref<1280x128xf32, #tpu.memory_space<vmem>>, %arg3: memref<128x128xf32, #tpu.memory_space<vmem>>, %arg4: memref<1x128xf32, #tpu.memory_space<vmem>>, %arg5: memref<1280x128xf32, #tpu.memory_space<vmem>>) attributes {dimension_semantics = [], scalar_prefetch = 0 : i64, scratch_operands = 0 : i64, tpu.core_type = #tpu.core_type<tc>} {
    %get3A = arith.constant 0 : index
    %get3A_0 = arith.constant 0 : index
    %get3A_1 = vector.load %arg2[%get3A, %get3A_0] : memref<1280x128xf32, #tpu.memory_space<vmem>>, vector<1280x128xf32>
    %get3A_2 = arith.constant 0 : index
    %get3A_3 = arith.constant 0 : index
    %get3A_4 = arith.constant 0 : index
    %get3A_5 = vector.load %arg0[%get3A_2, %get3A_3, %get3A_4] : memref<2x1280x128xf32, #tpu.memory_space<vmem>>, vector<1x1280x128xf32>
    %get3A_6 = vector.shape_cast %get3A_5 : vector<1x1280x128xf32> to vector<1280x128xf32>
    %get3A_7 = arith.constant 1 : index
    %get3A_8 = arith.constant 0 : index
    %get3A_9 = arith.constant 0 : index
    %get3A_10 = vector.load %arg0[%get3A_7, %get3A_8, %get3A_9] : memref<2x1280x128xf32, #tpu.memory_space<vmem>>, vector<1x1280x128xf32>
    %get3A_11 = vector.shape_cast %get3A_10 : vector<1x1280x128xf32> to vector<1280x128xf32>
    %add3A = arith.addf %get3A_6, %get3A_11 : vector<1280x128xf32>
    %get3A_12 = arith.constant 0 : index
    %get3A_13 = arith.constant 0 : index
    %get3A_14 = vector.load %arg1[%get3A_12, %get3A_13] : memref<1280x128xf32, #tpu.memory_space<vmem>>, vector<1280x128xf32>
    %add3A_15 = arith.addf %add3A, %get3A_14 : vector<1280x128xf32>
    %mul3A = arith.mulf %get3A_1, %add3A_15 : vector<1280x128xf32>
    %get3A_16 = arith.constant 0 : index
    %get3A_17 = arith.constant 0 : index
    %get3A_18 = vector.load %arg4[%get3A_16, %get3A_17] : memref<1x128xf32, #tpu.memory_space<vmem>>, vector<1x128xf32>
    %add3A_19 = vector.broadcast %get3A_18 : vector<1x128xf32> to vector<1280x128xf32>
    %add3A_20 = arith.addf %mul3A, %add3A_19 : vector<1280x128xf32>
    %max3A = arith.constant 0.000000e+00 : f32
    %max3A_21 = vector.broadcast %max3A : f32 to vector<1280x128xf32>
    %max3A_22 = arith.maximumf %add3A_20, %max3A_21 : vector<1280x128xf32>
    %get3A_23 = arith.constant 0 : index
    %get3A_24 = arith.constant 0 : index
    %get3A_25 = vector.load %arg3[%get3A_23, %get3A_24] : memref<128x128xf32, #tpu.memory_space<vmem>>, vector<128x128xf32>
    %dot_general3A = arith.constant dense<0.000000e+00> : vector<1280x128xf32>
    %dot_general3A_26 = tpu.matmul %max3A_22, %get3A_25, %dot_general3A {dimension_numbers = #tpu.dot_dimension_numbers<[1], [0], [0], [1], [0, 0, 1, 1], [], []>, transpose_lhs_hint = false} : vector<1280x128xf32>, vector<128x128xf32>, vector<1280x128xf32> -> vector<1280x128xf32>
    %mul3A_27 = arith.mulf %get3A_1, %dot_general3A_26 : vector<1280x128xf32>
    %swap3A = arith.constant 0 : index
    %swap3A_28 = arith.constant 0 : index
    %swap3A_29 = vector.load %arg5[%swap3A, %swap3A_28] : memref<1280x128xf32, #tpu.memory_space<vmem>>, vector<1280x128xf32>
    tpu.vector_store %arg5[%swap3A, %swap3A_28], %mul3A_27 {strides = array<i32>} : memref<1280x128xf32, #tpu.memory_space<vmem>>, vector<1280x128xf32>,
    return
  }
}

module attributes {stable_mosaic.version = 14 : i64} {
  func.func @_tc3_body(%arg0: memref<2x1280x128xf32, #tpu.memory_space<vmem>>, %arg1: memref<1280x128xf32, #tpu.memory_space<vmem>>, %arg2: memref<1280x128xf32, #tpu.memory_space<vmem>>, %arg3: memref<1x128xf32, #tpu.memory_space<vmem>>, %arg4: memref<128x128xf32, #tpu.memory_space<vmem>>, %arg5: memref<128x128xf32, #tpu.memory_space<vmem>>, %arg6: memref<1280x128xf32, #tpu.memory_space<vmem>>) attributes {dimension_semantics = [], scalar_prefetch = 0 : i64, scratch_operands = 0 : i64, tpu.core_type = #tpu.core_type<tc>} {
    %get3A = arith.constant 0 : index
    %get3A_0 = arith.constant 0 : index
    %get3A_1 = vector.load %arg2[%get3A, %get3A_0] : memref<1280x128xf32, #tpu.memory_space<vmem>>, vector<1280x128xf32>
    %get3A_2 = arith.constant 0 : index
    %get3A_3 = arith.constant 0 : index
    %get3A_4 = arith.constant 0 : index
    %get3A_5 = vector.load %arg0[%get3A_2, %get3A_3, %get3A_4] : memref<2x1280x128xf32, #tpu.memory_space<vmem>>, vector<1x1280x128xf32>
    %get3A_6 = vector.shape_cast %get3A_5 : vector<1x1280x128xf32> to vector<1280x128xf32>
    %get3A_7 = arith.constant 1 : index
    %get3A_8 = arith.constant 0 : index
    %get3A_9 = arith.constant 0 : index
    %get3A_10 = vector.load %arg0[%get3A_7, %get3A_8, %get3A_9] : memref<2x1280x128xf32, #tpu.memory_space<vmem>>, vector<1x1280x128xf32>
    %get3A_11 = vector.shape_cast %get3A_10 : vector<1x1280x128xf32> to vector<1280x128xf32>
    %add3A = arith.addf %get3A_6, %get3A_11 : vector<1280x128xf32>
    %get3A_12 = arith.constant 0 : index
    %get3A_13 = arith.constant 0 : index
    %get3A_14 = vector.load %arg1[%get3A_12, %get3A_13] : memref<1280x128xf32, #tpu.memory_space<vmem>>, vector<1280x128xf32>
    %add3A_15 = arith.addf %add3A, %get3A_14 : vector<1280x128xf32>
    %mul3A = arith.mulf %get3A_1, %add3A_15 : vector<1280x128xf32>
    %get3A_16 = arith.constant 0 : index
    %get3A_17 = arith.constant 0 : index
    %get3A_18 = vector.load %arg3[%get3A_16, %get3A_17] : memref<1x128xf32, #tpu.memory_space<vmem>>, vector<1x128xf32>
    %add3A_19 = vector.broadcast %get3A_18 : vector<1x128xf32> to vector<1280x128xf32>
    %add3A_20 = arith.addf %mul3A, %add3A_19 : vector<1280x128xf32>
    %iota3A = tpu.iota {dimensions = array<i32: 1>} : vector<1280x128xi32>
    %jit3A = arith.constant 16 : i32
    %eq3A = arith.constant 0 : i32
    %eq3A_21 = arith.cmpi eq, %jit3A, %eq3A : i32
    %jit3A_22 = arith.constant 1 : i32
    %select_n3A = arith.select %eq3A_21, %jit3A_22, %jit3A : i32
    %rem3A = vector.broadcast %select_n3A : i32 to vector<1280x128xi32>
    %rem3A_23 = arith.remsi %iota3A, %rem3A : vector<1280x128xi32>
    %ne3A = arith.constant 0 : i32
    %ne3A_24 = vector.broadcast %ne3A : i32 to vector<1280x128xi32>
    %ne3A_25 = arith.cmpi ne, %rem3A_23, %ne3A_24 : vector<1280x128xi32>
    %lt3A = arith.constant 0 : i32
    %lt3A_26 = vector.broadcast %lt3A : i32 to vector<1280x128xi32>
    %lt3A_27 = arith.cmpi slt, %rem3A_23, %lt3A_26 : vector<1280x128xi32>
    %lt3A_28 = arith.constant 0 : i32
    %lt3A_29 = arith.cmpi slt, %select_n3A, %lt3A_28 : i32
    %ne3A_30 = vector.broadcast %lt3A_29 : i1 to vector<1280x128xi1>
    %ne3A_31 = vector.broadcast %ne3A_30 : vector<1280x128xi1> to vector<1280x128xi1>
    %ne3A_32 = arith.xori %lt3A_27, %ne3A_31 : vector<1280x128xi1>
    %and3A = arith.andi %ne3A_32, %ne3A_25 : vector<1280x128xi1>
    %add3A_33 = vector.broadcast %select_n3A : i32 to vector<1280x128xi32>
    %add3A_34 = arith.addi %rem3A_23, %add3A_33 : vector<1280x128xi32>
    %select_n3A_35 = arith.select %and3A, %add3A_34, %rem3A_23 : vector<1280x128xi1>, vector<1280x128xi32>
    %lt3A_36 = arith.constant 7 : i32
    %lt3A_37 = vector.broadcast %lt3A_36 : i32 to vector<1280x128xi32>
    %lt3A_38 = arith.cmpi slt, %select_n3A_35, %lt3A_37 : vector<1280x128xi32>
    %jit3A_39 = arith.constant -1.000000e+30 : f32
    %broadcast_in_dim3A = vector.broadcast %jit3A_39 : f32 to vector<1280x128xf32>
    %select_n3A_40 = arith.select %lt3A_38, %add3A_20, %broadcast_in_dim3A : vector<1280x128xi1>, vector<1280x128xf32>
    %slice3A = vector.extract_strided_slice %select_n3A_40 {offsets = [0, 1], sizes = [1280, 127], strides = [1, 1]} : vector<1280x128xf32> to vector<1280x127xf32>
    %slice3A_41 = vector.extract_strided_slice %select_n3A_40 {offsets = [0, 0], sizes = [1280, 1], strides = [1, 1]} : vector<1280x128xf32> to vector<1280x1xf32>
    %concatenate3A = tpu.concatenate %slice3A, %slice3A_41 in 1 : vector<1280x127xf32>, vector<1280x1xf32> -> vector<1280x128xf32>
    %max3A = arith.maximumf %select_n3A_40, %concatenate3A : vector<1280x128xf32>
    %slice3A_42 = vector.extract_strided_slice %max3A {offsets = [0, 2], sizes = [1280, 126], strides = [1, 1]} : vector<1280x128xf32> to vector<1280x126xf32>
    %slice3A_43 = vector.extract_strided_slice %max3A {offsets = [0, 0], sizes = [1280, 2], strides = [1, 1]} : vector<1280x128xf32> to vector<1280x2xf32>
    %concatenate3A_44 = tpu.concatenate %slice3A_42, %slice3A_43 in 1 : vector<1280x126xf32>, vector<1280x2xf32> -> vector<1280x128xf32>
    %max3A_45 = arith.maximumf %max3A, %concatenate3A_44 : vector<1280x128xf32>
    %slice3A_46 = vector.extract_strided_slice %max3A_45 {offsets = [0, 4], sizes = [1280, 124], strides = [1, 1]} : vector<1280x128xf32> to vector<1280x124xf32>
    %slice3A_47 = vector.extract_strided_slice %max3A_45 {offsets = [0, 0], sizes = [1280, 4], strides = [1, 1]} : vector<1280x128xf32> to vector<1280x4xf32>
    %concatenate3A_48 = tpu.concatenate %slice3A_46, %slice3A_47 in 1 : vector<1280x124xf32>, vector<1280x4xf32> -> vector<1280x128xf32>
    %max3A_49 = arith.maximumf %max3A_45, %concatenate3A_48 : vector<1280x128xf32>
    %slice3A_50 = vector.extract_strided_slice %max3A_49 {offsets = [0, 8], sizes = [1280, 120], strides = [1, 1]} : vector<1280x128xf32> to vector<1280x120xf32>
    %slice3A_51 = vector.extract_strided_slice %max3A_49 {offsets = [0, 0], sizes = [1280, 8], strides = [1, 1]} : vector<1280x128xf32> to vector<1280x8xf32>
    %concatenate3A_52 = tpu.concatenate %slice3A_50, %slice3A_51 in 1 : vector<1280x120xf32>, vector<1280x8xf32> -> vector<1280x128xf32>
    %max3A_53 = arith.maximumf %max3A_49, %concatenate3A_52 : vector<1280x128xf32>
    %get3A_54 = arith.constant 0 : index
    %get3A_55 = arith.constant 0 : index
    %get3A_56 = vector.load %arg4[%get3A_54, %get3A_55] : memref<128x128xf32, #tpu.memory_space<vmem>>, vector<128x128xf32>
    %dot_general3A = arith.constant dense<0.000000e+00> : vector<1280x128xf32>
    %dot_general3A_57 = tpu.matmul %max3A_53, %get3A_56, %dot_general3A {dimension_numbers = #tpu.dot_dimension_numbers<[1], [0], [0], [1], [0, 0, 1, 1], [], []>, transpose_lhs_hint = false} : vector<1280x128xf32>, vector<128x128xf32>, vector<1280x128xf32> -> vector<1280x128xf32>
    %sub3A = arith.subf %add3A_20, %dot_general3A_57 : vector<1280x128xf32>
    %exp3A = math.exp %sub3A : vector<1280x128xf32>
    %jit3A_58 = arith.constant 0.000000e+00 : f32
    %broadcast_in_dim3A_59 = vector.broadcast %jit3A_58 : f32 to vector<1280x128xf32>
    %select_n3A_60 = arith.select %lt3A_38, %exp3A, %broadcast_in_dim3A_59 : vector<1280x128xi1>, vector<1280x128xf32>
    %get3A_61 = arith.constant 0 : index
    %get3A_62 = arith.constant 0 : index
    %get3A_63 = vector.load %arg5[%get3A_61, %get3A_62] : memref<128x128xf32, #tpu.memory_space<vmem>>, vector<128x128xf32>
    %dot_general3A_64 = arith.constant dense<0.000000e+00> : vector<1280x128xf32>
    %dot_general3A_65 = tpu.matmul %select_n3A_60, %get3A_63, %dot_general3A_64 {dimension_numbers = #tpu.dot_dimension_numbers<[1], [0], [0], [1], [0, 0, 1, 1], [], []>, transpose_lhs_hint = false} : vector<1280x128xf32>, vector<128x128xf32>, vector<1280x128xf32> -> vector<1280x128xf32>
    %log3A = math.log %dot_general3A_65 : vector<1280x128xf32>
    %sub3A_66 = arith.subf %sub3A, %log3A : vector<1280x128xf32>
    %swap3A = arith.constant 0 : index
    %swap3A_67 = arith.constant 0 : index
    %swap3A_68 = vector.load %arg6[%swap3A, %swap3A_67] : memref<1280x128xf32, #tpu.memory_space<vmem>>, vector<1280x128xf32>
    tpu.vector_store %arg6[%swap3A, %swap3A_67], %sub3A_66 {strides = array<i32>} : memref<1280x128xf32, #tpu.memory_space<vmem>>, vector<1280x128xf32>,
    return
  }
}

</mosaic_0001>

<sc_bundles>
// kernel: kernel.11.cloned.1.call-start
scs
__scs_entry_jumppad:
0x0: {  	(pc) =	sbr.rel $0x88, $3  }
0x1: {  	(tag) =	ssettag $0x0;
	lr =	simm.s32 $0x1  }
0x2: {  	[smem:$0x3F9B] =	sst lr;
	_ =	strace $0xD0000000  }
0x3: {  	_ = 	snop  }
0x4: {  	_ = 	snop  }
0x5: {  	_ = 	snop  }
0x6: {  	_ = 	snop  }
0x7: {  	_ = 	snop  }
__scs_overlays_trampoline_lowered:
0x8: {  	[smem:$0x3FAA] =	sst s0  }
0x9: {  	[smem:$0x3FAB] =	sst s1  }
0xa: {  	[smem:$0x3FAC] =	sst s2  }
0xb: {  	[smem:$0x3FAD] =	sst s3  }
0xc: {  	[smem:$0x3FAE] =	sst s4  }
0xd: {  	[smem:$0x3FAF] =	sst s5  }
0xe: {  	[smem:$0x3FB0] =	sst s6  }
0xf: {  	[smem:$0x3FB1] =	sst s7  }
0x10: {  	[smem:$0x3FB2] =	sst s8  }
0x11: {  	[smem:$0x3FB3] =	sst s9;
	s0 =	simm.s32 @!p0 $0x0  }
0x12: {  	s1 =	sld [smem:$0x3F99];
	s0 =	simm.s32 @p0 $0x1  }
0x13: {  	[smem:$0x3FB4] =	sst s0;
	s0 =	simm.s32 @!p1 $0x0  }
0x14: {  	s2 =	sld [smem:$0x3F98];
	s0 =	simm.s32 @p1 $0x1  }
0x15: {  	[smem:$0x3FB5] =	sst s0;
	s0 =	simm.s32 @!p2 $0x0  }
0x16: {  	s3 =	sld [smem:$0x3FDB];
	s0 =	simm.s32 @p2 $0x1  }
0x17: {  	s4 =	simm.s32 $0x1BF5;
	[smem:$0x3FB7] =	sst s0  }
0x18: {  	s0 =	sld [smem:$0x3F9A];
	_ =	swait.ge [sflag:s4], $0x0  }
0x19: {  	s7 =	sld [smem:$0x3F9B]  }
0x1a: {  	s8 =	sadd.s32 $0xFFFFE003, lr  }
0x1b: {  	s9 =	sadd.s32 $0xFFFFFEF7, lr;
	s5 =	simm.s32 $0xFFFFFFFF;
	p2 =	slt.u32 s8, $0xFFFFF086  }
0x1c: {  	p1 =	slt.u32 s9, $0xF7A;
	s5 =	simm.s32 @!p2 $0x0  }
0x1d: {  	s5 =	simm.s32 @p1 $0x1;
	p0 =	seq.s32 s7, s2  }
0x1e: {  	s7 =	smul.u32 @!p0 $0xF7A, s2;
	p2 =	seq.s32 @!p0 s5, $0x0  }
0x1f: {  	s9 =	smul.u32 $0xF7A, s1;
	s8 =	simm.s32 @!p0 $0x1BF5;
	p2 =	por !p2, p0  }
0x20: {  	[sflag:s8] =	ssyncset.s32 @!p0 $0xFFFFF086;
	s6 =	sadd.s32 @!p0 s3, s7;
	s7 =	simm.s32 @!p0 $0x108  }
0x21: {  	s3 =	sadd.s32 s3, s9;
	s6 =	sadd.s32 @!p0 $0x88, s6;
	s7 =	simm.s32 @p2 $0x1082  }
0x22: {  	[simem:s7], [sflag:s8] =	dma.local @!p0 [hbm:s6], $0xF7A  }
0x23: {  	s9 =	sor.u32 $0xD0000000, s2;
	s6 =	simm.s32 $0x108;
	_ =	swait.ge @!p0 [sflag:s8], $0x0  }
0x24: {  	s3 =	sadd.s32 $0x88, s3;
	s6 =	simm.s32 @!p1 $0x1082;
	[sflag:s4] =	ssyncset.s32 $0xFFFFF086  }
0x25: {  	[simem:s6], [sflag:s4] =	dma.local [hbm:s3], $0xF7A  }
0x26: {  	[smem:$0x3F9B] =	sst s1;
	(tag) =	ssettag s2;
	_ =	strace s9  }
0x27: {  	s1 =	sld [smem:$0x3FAB]  }
0x28: {  	s2 =	sld [smem:$0x3FAC]  }
0x29: {  	s4 =	sld [smem:$0x3FAE]  }
0x2a: {  	p0 =	seq.s32 s5, $0x0;
	s5 =	sld [smem:$0x3FAF]  }
0x2b: {  	s6 =	sld [smem:$0x3FB0]  }
0x2c: {  	s7 =	sld [smem:$0x3FB1]  }
0x2d: {  	s3 =	simm.s32 $0x108;
	s8 =	sld [smem:$0x3FB2]  }
0x2e: {  	s3 =	simm.s32 @!p0 $0x1082;
	s9 =	sld [smem:$0x3FB3]  }
0x2f: {  	lr =	sadd.s32 s0, s3;
	s0 =	sld [smem:$0x3FAA]  }
0x30: {  	s3 =	sld [smem:$0x3FAD]  }
0x31: {  	[smem:$0x3FB6] =	sst s10  }
0x32: {  	s10 =	sld [smem:$0x3FB4];
	_ =	sdelay $0x3  }
0x33: {  	p0 =	seq.s32 s10, $0x1;
	s10 =	sld [smem:$0x3FB6];
	_ =	sdelay $0x3  }
0x34: {  	[smem:$0x3FB6] =	sst s10  }
0x35: {  	s10 =	sld [smem:$0x3FB5];
	_ =	sdelay $0x3  }
0x36: {  	p1 =	seq.s32 s10, $0x1;
	s10 =	sld [smem:$0x3FB6];
	_ =	sdelay $0x3  }
0x37: {  	[smem:$0x3FB6] =	sst s10  }
0x38: {  	s10 =	sld [smem:$0x3FB7]  }
0x39: {  	_ = 	snop;
	(pc) =	sbr.ind lr, $3  }
0x3a: {  	_ = 	snop  }
0x3b: {  	_ = 	snop  }
0x3c: {  	p2 =	seq.s32 s10, $0x1;
	s10 =	sld [smem:$0x3FB6]  }
0x3d: {  	_ =	shalt  }
0x3e: {  	_ =	shalt  }
0x3f: {  	_ =	shalt  }
0x40: {  	_ =	shalt  }
0x41: {  	_ =	shalt  }
0x42: {  	_ =	shalt  }
0x43: {  	_ =	shalt  }
0x44: {  	_ =	shalt  }
0x45: {  	_ =	shalt  }
0x46: {  	_ =	shalt  }
0x47: {  	_ =	shalt  }
0x48: {  	_ =	shalt  }
0x49: {  	_ =	shalt  }
0x4a: {  	_ =	shalt  }
0x4b: {  	_ =	shalt  }
0x4c: {  	_ =	shalt  }
0x4d: {  	_ =	shalt  }
0x4e: {  	_ =	shalt  }
0x4f: {  	_ =	shalt  }
0x50: {  	_ =	shalt  }
0x51: {  	_ =	shalt  }
0x52: {  	_ =	shalt  }
0x53: {  	_ =	shalt  }
0x54: {  	_ =	shalt  }
0x55: {  	_ =	shalt  }
0x56: {  	_ =	shalt  }
0x57: {  	_ =	shalt  }
0x58: {  	_ =	shalt  }
0x59: {  	_ =	shalt  }
0x5a: {  	_ =	shalt  }
0x5b: {  	_ =	shalt  }
0x5c: {  	_ =	shalt  }
0x5d: {  	_ =	shalt  }
0x5e: {  	_ =	shalt  }
0x5f: {  	_ =	shalt  }
0x60: {  	_ =	shalt  }
0x61: {  	_ =	shalt  }
0x62: {  	_ =	shalt  }
0x63: {  	_ =	shalt  }
0x64: {  	_ =	shalt  }
0x65: {  	_ =	shalt  }
0x66: {  	_ =	shalt  }
0x67: {  	_ =	shalt  }
0x68: {  	_ =	shalt  }
0x69: {  	_ =	shalt  }
0x6a: {  	_ =	shalt  }
0x6b: {  	_ =	shalt  }
0x6c: {  	_ =	shalt  }
0x6d: {  	_ =	shalt  }
0x6e: {  	_ =	shalt  }
0x6f: {  	_ =	shalt  }
0x70: {  	_ =	shalt  }
0x71: {  	_ =	shalt  }
0x72: {  	_ =	shalt  }
0x73: {  	_ =	shalt  }
0x74: {  	_ =	shalt  }
0x75: {  	_ =	shalt  }
0x76: {  	_ =	shalt  }
0x77: {  	_ =	shalt  }
0x78: {  	_ =	shalt  }
0x79: {  	_ =	shalt  }
0x7a: {  	_ =	shalt  }
0x7b: {  	_ =	shalt  }
0x7c: {  	_ =	shalt  }
0x7d: {  	_ =	shalt  }
0x7e: {  	_ =	shalt  }
0x7f: {  	_ =	shalt  }
0x80: {  	_ =	shalt  }
0x81: {  	_ =	shalt  }
0x82: {  	_ =	shalt  }
0x83: {  	_ =	shalt  }
0x84: {  	_ =	shalt  }
0x85: {  	_ =	shalt  }
0x86: {  	_ =	shalt  }
0x87: {  	_ =	shalt  }
.Lfunc_end0:
.L_simem_size_0:
called_computation.1_lowered:
.L_overlay_start_0:
0x88: {  	s2 =	sld [smem:$0x3FD9]  }
0x89: {  	s3 =	sld [smem:$0x3FFE];
	_ =	sdelay $0x1  }
0x8a: {  	s1 =	srdreg.scid  }
0x8b: {  	s0 =	sand.u32 $0x1, s1  }
0x8c: {  	s17 =	sshll.u32 s0, $0xA;
	s2 =	sadd.s32 s3, s2  }
0x8d: {  	s2 =	sadd.s32 s2, s17  }
0x8e: {  	[smem:$0x3FC2] =	sst s2  }
0x8f: {  	_ = 	snop  }
0x90: {  	s2 =	sld [smem:$0x3FC8]  }
0x91: {  	s18 =	sld [smem:$0x3FD0];
	(tm) =	ssettm $0x1  }
0x92: {  	s4 =	sld [smem:$0x3FFB];
	_ =	sdelay $0x3  }
0x93: {  	_ =	strace s4  }
0x94: {  	s4 =	sld [smem:$0x3FFC];
	_ =	sdelay $0x3  }
0x95: {  	_ =	strace s4  }
0x96: {  	s4 =	sld [smem:$0x3FFD];
	_ =	sdelay $0x3  }
0x97: {  	_ =	strace s4  }
0x98: {  	_ =	strace $0x8FFFFFFF  }
0x99: {  	s19 =	sld [smem:$0x3FDB];
	_ =	sdelay $0x1  }
0x9a: {  	s5 =	simm.s32 $_scs_section_size  }
0x9b: {  	s6 =	simm.s32 $_size__tile_overlayer_lowered;
	s7 =	simm.s32 $_tile_overlayer_lowered  }
0x9c: {  	s22 =	simm.s32 $0x1BFF;
	s21 =	sshll.u32 s7, $0x1;
	s4 =	sadd.s32 s5, s19  }
0x9d: {  	s8 =	simm.s32 $0x0;
	s20 =	sshll.u32 s6, $0x1;
	s6 =	sadd.s32 s21, s4  }
0x9e: {  	[timem:s8], [sflag:s22] =	dma.local [hbm:s6], s20  }
0x9f: {  	_ =	swait.ge [sflag:s22], s20  }
0xa0: {  	s5 =	ssub.s32 $0x0, s20;
	[sflag:s22] =	ssyncset.done $0x0  }
0xa1: {  	[sflag:s22] =	ssyncadd.s32 s5;
	_ =	sdelay $0x1  }
0xa2: {  	s23 =	simm.s32 $0x1B8B  }
0xa3: {  	_ =	swait.ge [sflag:s23], $0x1  }
0xa4: {  	[sflag:s23] =	ssyncset.done $0x0  }
0xa5: {  	s25 =	simm.s32 $0x1B8E;
	s24 =	sld [smem:$0x3FFE];
	[sflag:s23] =	ssyncadd.s32 $0xFFFFFFFF  }
0xa6: {  	s26 =	simm.s32 $execute0_lowered;
	[smem:$0x3FD2] =	sst s25  }
0xa7: {  	s6 =	sshll.u32 s26, $0x1;
	_ =	strace $0x80000049;
	[dreg:$0x1] =	wrdreg $0xFFFFFFFF  }
0xa8: {  	s28 =	simm.s32 $_size_execute0_lowered;
	s4 =	sadd.s32 s4, s6;
	[dreg:$0x0] =	wrdreg $0x0  }
0xa9: {  	s6 =	sshll.u32 s28, $0x1;
	[dreg:$0x2] =	wrdreg s4  }
0xaa: {  	[dreg:$0x3] =	wrdreg s6  }
0xab: {  	[dreg:$0x4] =	wrdreg $0xC0  }
0xac: {  	_ =	task [dreg:s8], $0x5FFFF  }
0xad: {  	[dreg:$0x1] =	wrdreg $0xFFFFFFFF  }
0xae: {  	[dreg:$0x0] =	wrdreg $0x60  }
0xaf: {  	[dreg:$0x2] =	wrdreg s24  }
0xb0: {  	[dreg:$0x3] =	wrdreg s2  }
0xb1: {  	[dreg:$0x4] =	wrdreg s18  }
0xb2: {  	[dreg:$0x5] =	wrdreg $0x110000  }
0xb3: {  	[dreg:$0x6] =	wrdreg $0x9  }
0xb4: {  	_ =	task.clear_ibuf [dreg:s8], $0x7FFFF;
	_ =	strace $0x90000049  }
0xb5: {  	s29 =	simm.s32 $0x9;
	_ =	strace $0x8000004B  }
0xb6: {  	_ =	swait.ge [sflag:s29], $0x1  }
0xb7: {  	[sflag:s29] =	ssyncadd.s32 $0xFFFFFFFF  }
0xb8: {  	_ =	strace $0x9000004B  }
0xb9: {  	_ =	sfence  }
0xba: {  	s30 =	sld [smem:$0x0];
	_ =	sdelay $0x2  }
0xbb: {  	s31 =	sshll.u32 s1, $0xD;
	s1 =	sshrl.u32 s1, $0x2  }
0xbc: {  	s3 =	sand.u32 $0x4000, s31;
	s1 =	sadd.s32 s1, s30  }
0xbd: {  	s0 =	sor.u32 s3, s0;
	s1 =	sshll.u32 s1, $0x11  }
0xbe: {  	s0 =	sor.u32 s1, s0  }
0xbf: {  	s0 =	sadd.s32 $0x8F2B, s0  }
0xc0: {  	[sflag:s0] =	ssyncadd.remote.s32 $0x1  }
0xc1: {  	_ =	sfence.sel $0xFFFF  }
0xc2: {  	[dreg:$0x0] =	wrdreg $0xFFFFFFFF;
	(pc) =	sbr.abs _section_cstart, $3  }
0xc3: {  	[dreg:$0x1] =	wrdreg $0xFFFFFFFF  }
0xc4: {  	_ =	task.clear_ibuf [dreg:s8], $0x2FFFF;
	_ =	strace $0x9FFFFFFF  }
0xc5: {  	(tm) =	ssettm $0x7FFFFFFF  }
tec
execute0_lowered:
.L_overlay_start_1:
0x0: {  	(tag) =	ssettag $0x1  }
0x1: {  	s0 =	rddreg [dreg:$0x0]  }
0x2: {  	s1 =	rddreg [dreg:$0x1]  }
0x3: {  	s3 =	rddreg [dreg:$0x3];
	s12 =	stileid.u32  }
0x4: {  	s4 =	srdreg.scid;
	s5 =	simm.s32 $0x0;
	s13 =	simm.s32 $0x3  }
0x5: {  	s14 =	simm.s32 $0x80;
	s19 =	simm.s32 $0x6000;
	s20 =	simm.s32 $0x300  }
0x6: {  	s21 =	simm.s32 $0x6800;
	s22 =	simm.s32 $0x400;
	s23 =	simm.s32 $0x7000  }
0x7: {  	s24 =	simm.s32 $0x500;
	s28 =	simm.s32 $0x8000;
	s29 =	simm.s32 $0x700  }
0x8: {  	s30 =	simm.s32 $0x8800;
	s31 =	simm.s32 $0x1;
	s2 =	smul.u32 $0x2800, s12  }
0x9: {  	s4 =	sand.u32 $0x1, s4;
	[smem:$0x7FF] =	sst s5;
	s5 =	sadd.s32 $0x8000, s0  }
0xa: {  	s9 =	sshll.u32 s12, $0x1;
	s26 =	sshll.u32 s12, $0x6;
	s7 =	smul.u32 $0x28000, s4  }
0xb: {  	_ =	strace $0x8000004A;
	s8 =	ssub.s32 $0x2, s4;
	s4 =	sor.u32 s4, s9  }
0xc: {  	s9 =	sadd.s32 $0x13600, s1;
	s6 =	sshrl.u32 s2, $0x3;
	s10 =	sshrl.u32 s8, $0x1  }
0xd: {  	s25 =	smul.u32 $0xA00, s4;
	p0 =	seq.s32 s4, $0x1F;
	s6 =	sadd.s32 s6, s0  }
0xe: {  	s7 =	sadd.s32 s2, s7;
	s11 =	ssub.s32 s8, s10;
	s2 =	sadd.s32 s2, s3  }
0xf: {  	s7 =	sshrl.u32 s7, $0x3;
	s6 =	sadd.s32 $0x3000, s6;
	s8 =	sadd.s32 s1, s25  }
0x10: {  	s11 =	smax.u32 s11, $0x1;
	s12 =	sshrl.u32 s2, $0x3;
	s25 =	simm.s32 $0x7800  }
0x11: {  	s1 =	simm.s32 $0x2;
	s0 =	sadd.s32 s7, s0;
	s7 =	sor.u32 $0x1C03, s26  }
0x12: {  	s26 =	simm.s32 $0x600;
	s10 =	sadd.s32 $0xD000, s0;
	s0 =	simm.s32 $0x0  }
.LBB2_1:
0x13: {  	[spmem:s12], [sflag:s7] =	dma.local [hbm:s6], $0x500  }
0x14: {  	_ =	swait.ge [sflag:s13], $0x500  }
0x15: {  	[sflag:s13] =	ssyncset.done $0x0  }
0x16: {  	s2 =	simm.s32 @p0 $0x0;
	s4 =	simm.s32 @p0 $0x3;
	[sflag:s13] =	ssyncadd.s32 $0xFFFFFB00  }
0x17: {  	[tilespmem:s2], [sflag:$0x3] =	stream.linear.gather @p0 [hbm4b:s9+s2], $0x1400, $0x38;
	[tilespmem:$0x13800] =	vst v63  }
0x18: {  	_ =	swait.ge @p0 [sflag:s4], $0x1400  }
0x19: {  	[sflag:s4] =	ssyncset.done @p0 $0x0  }
0x1a: {  	[sflag:s4] =	ssyncadd.s32 @p0 $0xFFFFEC00  }
0x1b: {  	s15 =	simm.s32 @p0 $0x1400;
	s16 =	rddreg [dreg:$0x2]  }
0x1c: {  	[tilespmem:s15], [sflag:$0x3] =	stream.linear.gather @p0 [hbm4b:s16+s2], $0x3C00, $0x38;
	[tilespmem:$0x13800] =	vst v63  }
0x1d: {  	_ =	swait.ge @p0 [sflag:s4], $0x3C00  }
0x1e: {  	[sflag:s4] =	ssyncset.done @p0 $0x0  }
0x1f: {  	s2 =	simm.s32 @!p0 $0x0;
	[sflag:s4] =	ssyncadd.s32 @p0 $0xFFFFC400  }
0x20: {  	[tilespmem:s2], [sflag:$0x3] =	stream.linear.gather @!p0 [hbm4b:s8+s2], $0x5000, $0x38;
	[tilespmem:$0x13800] =	vst v63  }
0x21: {  	s2 =	simm.s32 @!p0 $0x3  }
0x22: {  	_ =	swait.ge @!p0 [sflag:s2], $0x5000  }
0x23: {  	[sflag:s2] =	ssyncset.done @!p0 $0x0  }
0x24: {  	[sflag:s2] =	ssyncadd.s32 @!p0 $0xFFFFB000  }
0x25: {  	s15 =	simm.s32 $0x5000;
	s4 =	simm.s32 $0x0;
	[bflag:$0x0] =	sbarrier.arrive $0xFFFF  }
0x26: {  	[tilespmem:s15], [sflag:$0x1] =	stream.indirect.gather [hbm4b:s5+s14], $0x10, s4, s14, $0xb8;
	[tilespmem:$0x13800] =	vst v63  }
0x27: {  	s17 =	simm.s32 $0x5800;
	s16 =	simm.s32 $0x100  }
0x28: {  	[tilespmem:s17], [sflag:$0x1] =	stream.indirect.gather [hbm4b:s5+s14], $0x10, s16, s14, $0xb8;
	[tilespmem:$0x13800] =	vst v63  }
0x29: {  	s18 =	simm.s32 $0x200  }
0x2a: {  	[tilespmem:s19], [sflag:$0x1] =	stream.indirect.gather [hbm4b:s5+s14], $0x10, s18, s14, $0xb8;
	[tilespmem:$0x13800] =	vst v63  }
0x2b: {  	_ = 	snop  }
0x2c: {  	[tilespmem:s21], [sflag:$0x1] =	stream.indirect.gather [hbm4b:s5+s14], $0x10, s20, s14, $0xb8;
	[tilespmem:$0x13800] =	vst v63  }
0x2d: {  	_ = 	snop  }
0x2e: {  	[tilespmem:s23], [sflag:$0x1] =	stream.indirect.gather [hbm4b:s5+s14], $0x10, s22, s14, $0xb8;
	[tilespmem:$0x13800] =	vst v63  }
0x2f: {  	_ = 	snop  }
0x30: {  	[tilespmem:s25], [sflag:$0x1] =	stream.indirect.gather [hbm4b:s5+s14], $0x10, s24, s14, $0xb8;
	[tilespmem:$0x13800] =	vst v63  }
0x31: {  	_ = 	snop  }
0x32: {  	[tilespmem:s28], [sflag:$0x1] =	stream.indirect.gather [hbm4b:s5+s14], $0x10, s26, s14, $0xb8;
	[tilespmem:$0x13800] =	vst v63  }
0x33: {  	s2 =	simm.s32 $0x0  }
0x34: {  	[tilespmem:s30], [sflag:$0x1] =	stream.indirect.gather [hbm4b:s5+s14], $0x10, s29, s14, $0xb8;
	[tilespmem:$0x13800] =	vst v63  }
.LBB2_2:
0x35: {  	p1 =	slt.u32 s2, $0x2  }
0x36: {  	s4 =	simm.s32 @!p1 $0x2  }
0x37: {  	_ =	swait.ge @!p1 [sflag:s4], $0x800  }
0x38: {  	[sflag:s4] =	ssyncset.done @!p1 $0x0  }
0x39: {  	[sflag:s4] =	ssyncadd.s32 @!p1 $0xFFFFF800  }
0x3a: {  	_ =	swait.ge @!p1 [sflag:s4], $0x800  }
0x3b: {  	[sflag:s4] =	ssyncset.done @!p1 $0x0  }
0x3c: {  	[sflag:s4] =	ssyncadd.s32 @!p1 $0xFFFFF800  }
0x3d: {  	_ =	swait.ge @!p1 [sflag:s4], $0x800  }
0x3e: {  	[sflag:s4] =	ssyncset.done @!p1 $0x0  }
0x3f: {  	[sflag:s4] =	ssyncadd.s32 @!p1 $0xFFFFF800  }
0x40: {  	_ =	swait.ge @!p1 [sflag:s4], $0x800  }
0x41: {  	[sflag:s4] =	ssyncset.done @!p1 $0x0  }
0x42: {  	[sflag:s4] =	ssyncadd.s32 @!p1 $0xFFFFF800  }
0x43: {  	_ =	swait.ge @!p1 [sflag:s4], $0x800  }
0x44: {  	[sflag:s4] =	ssyncset.done @!p1 $0x0  }
0x45: {  	[sflag:s4] =	ssyncadd.s32 @!p1 $0xFFFFF800  }
0x46: {  	_ =	swait.ge @!p1 [sflag:s4], $0x800  }
0x47: {  	[sflag:s4] =	ssyncset.done @!p1 $0x0  }
0x48: {  	[sflag:s4] =	ssyncadd.s32 @!p1 $0xFFFFF800  }
0x49: {  	_ =	swait.ge @!p1 [sflag:s4], $0x800  }
0x4a: {  	[sflag:s4] =	ssyncset.done @!p1 $0x0  }
0x4b: {  	[sflag:s4] =	ssyncadd.s32 @!p1 $0xFFFFF800  }
0x4c: {  	_ =	swait.ge @!p1 [sflag:s4], $0x800  }
0x4d: {  	p2 =	seq.s32 @!p1 s2, $0x9;
	[sflag:s4] =	ssyncset.done @!p1 $0x0  }
0x4e: {  	p2 =	por p1, !p2;
	[sflag:s4] =	ssyncadd.s32 @!p1 $0xFFFFF800;
	s4 =	simm.s32 @!p1 $0xA  }
0x4f: {  	s4 =	sadd.s32 @p2 $0x1, s2  }
0x50: {  	s15 =	smul.u32 @p2 $0xAB, s4;
	_ =	sdelay $0x1  }
0x51: {  	s15 =	sshrl.u32 @p2 s15, $0x9  }
0x52: {  	s15 =	sand.u32 @p2 $0x7F, s15  }
0x53: {  	s15 =	smul.u32 @p2 $0x3, s15;
	_ =	sdelay $0x1  }
0x54: {  	s15 =	ssub.s32 @p2 s4, s15  }
0x55: {  	s15 =	sand.u32 @p2 $0xFF, s15  }
0x56: {  	s16 =	sshll.u32 @p2 s4, $0xB;
	s15 =	sshll.u32 @p2 s15, $0xE  }
0x57: {  	s16 =	sand.u32 @p2 $0x3FFFF800, s16;
	s17 =	sadd.s32 @p2 $0x5000, s15  }
0x58: {  	[tilespmem:s17], [sflag:$0x1] =	stream.indirect.gather @p2 [hbm4b:s5+s14], $0x10, s16, s14, $0xb8;
	[tilespmem:$0x13800] =	vst v63  }
0x59: {  	s18 =	sor.u32 @p2 $0x100, s16;
	s17 =	sadd.s32 @p2 $0x5800, s15  }
0x5a: {  	[tilespmem:s17], [sflag:$0x1] =	stream.indirect.gather @p2 [hbm4b:s5+s14], $0x10, s18, s14, $0xb8;
	[tilespmem:$0x13800] =	vst v63  }
0x5b: {  	s17 =	sadd.s32 @p2 $0x6000, s15;
	s18 =	sor.u32 @p2 $0x200, s16  }
0x5c: {  	[tilespmem:s17], [sflag:$0x1] =	stream.indirect.gather @p2 [hbm4b:s5+s14], $0x10, s18, s14, $0xb8;
	[tilespmem:$0x13800] =	vst v63  }
0x5d: {  	s17 =	sadd.s32 @p2 $0x6800, s15;
	s18 =	sor.u32 @p2 $0x300, s16  }
0x5e: {  	[tilespmem:s17], [sflag:$0x1] =	stream.indirect.gather @p2 [hbm4b:s5+s14], $0x10, s18, s14, $0xb8;
	[tilespmem:$0x13800] =	vst v63  }
0x5f: {  	s17 =	sadd.s32 @p2 $0x7000, s15;
	s18 =	sor.u32 @p2 $0x400, s16  }
0x60: {  	[tilespmem:s17], [sflag:$0x1] =	stream.indirect.gather @p2 [hbm4b:s5+s14], $0x10, s18, s14, $0xb8;
	[tilespmem:$0x13800] =	vst v63  }
0x61: {  	s17 =	sadd.s32 @p2 $0x7800, s15;
	s18 =	sor.u32 @p2 $0x500, s16  }
0x62: {  	[tilespmem:s17], [sflag:$0x1] =	stream.indirect.gather @p2 [hbm4b:s5+s14], $0x10, s18, s14, $0xb8;
	[tilespmem:$0x13800] =	vst v63  }
0x63: {  	s17 =	sadd.s32 @p2 $0x8000, s15;
	s18 =	sor.u32 @p2 $0x600, s16  }
0x64: {  	[tilespmem:s17], [sflag:$0x1] =	stream.indirect.gather @p2 [hbm4b:s5+s14], $0x10, s18, s14, $0xb8;
	[tilespmem:$0x13800] =	vst v63  }
0x65: {  	s15 =	sadd.s32 @p2 $0x8800, s15;
	s16 =	sor.u32 @p2 $0x700, s16  }
0x66: {  	[tilespmem:s15], [sflag:$0x1] =	stream.indirect.gather @p2 [hbm4b:s5+s14], $0x10, s16, s14, $0xb8;
	[tilespmem:$0x13800] =	vst v63  }
0x67: {  	_ =	swait.ge [sflag:s31], $0x800  }
0x68: {  	[sflag:s31] =	ssyncset.done $0x0  }
0x69: {  	[sflag:s31] =	ssyncadd.s32 $0xFFFFF800  }
0x6a: {  	_ =	swait.ge [sflag:s31], $0x800  }
0x6b: {  	[sflag:s31] =	ssyncset.done $0x0  }
0x6c: {  	[sflag:s31] =	ssyncadd.s32 $0xFFFFF800  }
0x6d: {  	_ =	swait.ge [sflag:s31], $0x800  }
0x6e: {  	[sflag:s31] =	ssyncset.done $0x0  }
0x6f: {  	[sflag:s31] =	ssyncadd.s32 $0xFFFFF800  }
0x70: {  	_ =	swait.ge [sflag:s31], $0x800  }
0x71: {  	[sflag:s31] =	ssyncset.done $0x0  }
0x72: {  	[sflag:s31] =	ssyncadd.s32 $0xFFFFF800  }
0x73: {  	_ =	swait.ge [sflag:s31], $0x800  }
0x74: {  	[sflag:s31] =	ssyncset.done $0x0  }
0x75: {  	s18 =	smul.u32 $0xAB, s2;
	[sflag:s31] =	ssyncadd.s32 $0xFFFFF800  }
0x76: {  	_ =	swait.ge [sflag:s31], $0x800  }
0x77: {  	s15 =	sshrl.u32 s18, $0x9;
	[sflag:s31] =	ssyncset.done $0x0  }
0x78: {  	s15 =	sand.u32 $0x7F, s15;
	[sflag:s31] =	ssyncadd.s32 $0xFFFFF800  }
0x79: {  	s15 =	smul.u32 $0x3, s15;
	_ =	swait.ge [sflag:s31], $0x800  }
0x7a: {  	[sflag:s31] =	ssyncset.done $0x0  }
0x7b: {  	s15 =	ssub.s32 s2, s15;
	[sflag:s31] =	ssyncadd.s32 $0xFFFFF800  }
0x7c: {  	s16 =	sshll.u32 s2, $0xB;
	s15 =	sand.u32 $0xFF, s15;
	_ =	swait.ge [sflag:s31], $0x800  }
0x7d: {  	s2 =	sand.u32 $0x3FFFF800, s16;
	s15 =	sshll.u32 s15, $0xE;
	[sflag:s31] =	ssyncset.done $0x0  }
0x7e: {  	s18 =	sor.u32 $0x80, s2;
	s17 =	sadd.s32 $0x5000, s15;
	[sflag:s31] =	ssyncadd.s32 $0xFFFFF800  }
0x7f: {  	[spmem:s3] =	stream.indirect.scatter.add.f32 [tilespmem:s17], [sflag:$0x2], $0x10, s18, s14, $0xb8;
	[tilespmem:$0x13800] =	vst v63  }
0x80: {  	s17 =	sadd.s32 $0x5800, s15;
	s18 =	sor.u32 $0x180, s2  }
0x81: {  	[spmem:s3] =	stream.indirect.scatter.add.f32 [tilespmem:s17], [sflag:$0x2], $0x10, s18, s14, $0xb8;
	[tilespmem:$0x13800] =	vst v63  }
0x82: {  	s17 =	sadd.s32 $0x6000, s15;
	s18 =	sor.u32 $0x280, s2  }
0x83: {  	[spmem:s3] =	stream.indirect.scatter.add.f32 [tilespmem:s17], [sflag:$0x2], $0x10, s18, s14, $0xb8;
	[tilespmem:$0x13800] =	vst v63  }
0x84: {  	s17 =	sadd.s32 $0x6800, s15;
	s18 =	sor.u32 $0x380, s2  }
0x85: {  	[spmem:s3] =	stream.indirect.scatter.add.f32 [tilespmem:s17], [sflag:$0x2], $0x10, s18, s14, $0xb8;
	[tilespmem:$0x13800] =	vst v63  }
0x86: {  	s17 =	sadd.s32 $0x7000, s15;
	s18 =	sor.u32 $0x480, s2  }
0x87: {  	[spmem:s3] =	stream.indirect.scatter.add.f32 [tilespmem:s17], [sflag:$0x2], $0x10, s18, s14, $0xb8;
	[tilespmem:$0x13800] =	vst v63  }
0x88: {  	p1 =	slt.u32 s4, $0xA;
	s17 =	sadd.s32 $0x7800, s15;
	s18 =	sor.u32 $0x580, s2  }
0x89: {  	[spmem:s3] =	stream.indirect.scatter.add.f32 [tilespmem:s17], [sflag:$0x2], $0x10, s18, s14, $0xb8;
	[tilespmem:$0x13800] =	vst v63  }
.Ltmp0:
0x8a: {  	s17 =	sadd.s32 $0x8000, s15;
	s18 =	sor.u32 $0x680, s2;
	(pc) =	sbr.rel @p1 .LBB2_2-.Ltmp0, $4  }
0x8b: {  	[spmem:s3] =	stream.indirect.scatter.add.f32 [tilespmem:s17], [sflag:$0x2], $0x10, s18, s14, $0xb8;
	[tilespmem:$0x13800] =	vst v63  }
0x8c: {  	s15 =	sadd.s32 $0x8800, s15;
	s2 =	sor.u32 $0x780, s2  }
0x8d: {  	[spmem:s3] =	stream.indirect.scatter.add.f32 [tilespmem:s15], [sflag:$0x2], $0x10, s2, s14, $0xb8;
	[tilespmem:$0x13800] =	vst v63  }
0x8e: {  	s2 =	smov.u32 s4  }
0x8f: {  	_ =	swait.ge [sflag:s1], $0x800  }
0x90: {  	[sflag:s1] =	ssyncset.done $0x0  }
0x91: {  	[sflag:s1] =	ssyncadd.s32 $0xFFFFF800  }
0x92: {  	_ =	swait.ge [sflag:s1], $0x800  }
0x93: {  	[sflag:s1] =	ssyncset.done $0x0  }
0x94: {  	[sflag:s1] =	ssyncadd.s32 $0xFFFFF800  }
0x95: {  	_ =	swait.ge [sflag:s1], $0x800  }
0x96: {  	[sflag:s1] =	ssyncset.done $0x0  }
0x97: {  	[sflag:s1] =	ssyncadd.s32 $0xFFFFF800  }
0x98: {  	_ =	swait.ge [sflag:s1], $0x800  }
0x99: {  	[sflag:s1] =	ssyncset.done $0x0  }
0x9a: {  	[sflag:s1] =	ssyncadd.s32 $0xFFFFF800  }
0x9b: {  	_ =	swait.ge [sflag:s1], $0x800  }
0x9c: {  	[sflag:s1] =	ssyncset.done $0x0  }
0x9d: {  	[sflag:s1] =	ssyncadd.s32 $0xFFFFF800  }
0x9e: {  	_ =	swait.ge [sflag:s1], $0x800  }
0x9f: {  	[sflag:s1] =	ssyncset.done $0x0  }
0xa0: {  	[sflag:s1] =	ssyncadd.s32 $0xFFFFF800  }
0xa1: {  	_ =	swait.ge [sflag:s1], $0x800  }
0xa2: {  	[sflag:s1] =	ssyncset.done $0x0  }
0xa3: {  	[sflag:s1] =	ssyncadd.s32 $0xFFFFF800  }
0xa4: {  	_ =	swait.ge [sflag:s1], $0x800  }
0xa5: {  	[sflag:s1] =	ssyncset.done $0x0  }
0xa6: {  	[sflag:s1] =	ssyncadd.s32 $0xFFFFF800  }
0xa7: {  	_ =	swait.ge [sflag:s1], $0x800  }
0xa8: {  	[sflag:s1] =	ssyncset.done $0x0  }
0xa9: {  	[sflag:s1] =	ssyncadd.s32 $0xFFFFF800  }
0xaa: {  	_ =	swait.ge [sflag:s1], $0x800  }
0xab: {  	[sflag:s1] =	ssyncset.done $0x0  }
0xac: {  	[sflag:s1] =	ssyncadd.s32 $0xFFFFF800  }
0xad: {  	_ =	swait.ge [sflag:s1], $0x800  }
0xae: {  	[sflag:s1] =	ssyncset.done $0x0  }
0xaf: {  	[sflag:s1] =	ssyncadd.s32 $0xFFFFF800  }
0xb0: {  	_ =	swait.ge [sflag:s1], $0x800  }
0xb1: {  	[sflag:s1] =	ssyncset.done $0x0  }
0xb2: {  	[sflag:s1] =	ssyncadd.s32 $0xFFFFF800  }
0xb3: {  	_ =	swait.ge [sflag:s1], $0x800  }
0xb4: {  	[sflag:s1] =	ssyncset.done $0x0  }
0xb5: {  	[sflag:s1] =	ssyncadd.s32 $0xFFFFF800  }
0xb6: {  	_ =	swait.ge [sflag:s1], $0x800  }
0xb7: {  	[sflag:s1] =	ssyncset.done $0x0  }
0xb8: {  	[sflag:s1] =	ssyncadd.s32 $0xFFFFF800  }
0xb9: {  	_ =	swait.ge [sflag:s1], $0x800  }
0xba: {  	[sflag:s1] =	ssyncset.done $0x0  }
0xbb: {  	[sflag:s1] =	ssyncadd.s32 $0xFFFFF800  }
0xbc: {  	_ =	swait.ge [sflag:s1], $0x800  }
0xbd: {  	s0 =	sadd.s32 $0x1, s0;
	[sflag:s1] =	ssyncset.done $0x0  }
0xbe: {  	p1 =	sne.s32 s0, s11;
	[sflag:s1] =	ssyncadd.s32 $0xFFFFF800  }
.Ltmp1:
0xbf: {  	[bflag:$0x0] =	sbarrier.arrive $0xFFFF;
	(pc) =	sbr.rel @p1 .LBB2_1-.Ltmp1, $4  }
0xc0: {  	[hbm:s10], [sflag:s7] =	dma.local [spmem:s12], $0x500  }
0xc1: {  	_ =	swait.ge [sflag:s13], $0x500  }
0xc2: {  	[sflag:s13] =	ssyncset.done $0x0  }
0xc3: {  	[sflag:s13] =	ssyncadd.s32 $0xFFFFFB00  }
0xc4: {  	_ =	sfence.sel $0x180000  }
0xc5: {  	[bflag:$0x0] =	sbarrier.arrive $0xFFFF  }
0xc6: {  	_ =	strace $0x9000004A  }
0xc7: {  	s0 =	stileid.u32;
	[bflag:$0x2] =	sbarrier.arrive $0xFFFF  }
0xc8: {  	p0 =	sne.s32 s0, $0x0;
	s0 =	rddreg [dreg:$0x4]  }
0xc9: {  	s0 =	sadd.s32 @!p0 $0x100000, s0  }
0xca: {  	[sflag:s0] =	ssyncadd.tile.s32 @!p0 $0x1;
	_ =	shalt  }
.Lfunc_end2:
_tile_overlayer_lowered:
.L_overlay_start_2:
0xcb: {  	(tag) =	ssettag $0x2  }
0xcc: {  	s0 =	rddreg [dreg:$0x0];
	s2 =	stileid.u32  }
0xcd: {  	s1 =	rddreg [dreg:$0x1];
	p0 =	sne.s32 s2, $0x0  }
0xce: {  	s3 =	rddreg [dreg:$0x2];
	[bflag:$0x3] =	sbarrier.arrive $0xFFFF;
	s2 =	simm.s32 @!p0 $0x1C03  }
0xcf: {  	[timem:s3], [sflag:s2] =	dma.local @!p0 [hbm:s0], s1  }
0xd0: {  	s0 =	simm.s32 @!p0 $0x3  }
0xd1: {  	_ =	swait.ge @!p0 [sflag:s0], s1  }
0xd2: {  	s1 =	ssub.s32 @!p0 $0x0, s1;
	[sflag:s0] =	ssyncset.done @!p0 $0x0  }
0xd3: {  	[sflag:s0] =	ssyncadd.s32 @!p0 s1  }
0xd4: {  	[bflag:$0x3] =	sbarrier.arrive $0xFFFF  }
0xd5: {  	_ =	shalt  }

// kernel: kernel.14.cloned.1.call-start
scs
__scs_entry_jumppad:
0x0: {  	(pc) =	sbr.rel $0x88, $3  }
0x1: {  	(tag) =	ssettag $0x0;
	lr =	simm.s32 $0x1  }
0x2: {  	[smem:$0x3F9B] =	sst lr;
	_ =	strace $0xD0000000  }
0x3: {  	_ = 	snop  }
0x4: {  	_ = 	snop  }
0x5: {  	_ = 	snop  }
0x6: {  	_ = 	snop  }
0x7: {  	_ = 	snop  }
__scs_overlays_trampoline_lowered:
0x8: {  	[smem:$0x3FAA] =	sst s0  }
0x9: {  	[smem:$0x3FAB] =	sst s1  }
0xa: {  	[smem:$0x3FAC] =	sst s2  }
0xb: {  	[smem:$0x3FAD] =	sst s3  }
0xc: {  	[smem:$0x3FAE] =	sst s4  }
0xd: {  	[smem:$0x3FAF] =	sst s5  }
0xe: {  	[smem:$0x3FB0] =	sst s6  }
0xf: {  	[smem:$0x3FB1] =	sst s7  }
0x10: {  	[smem:$0x3FB2] =	sst s8  }
0x11: {  	[smem:$0x3FB3] =	sst s9;
	s0 =	simm.s32 @!p0 $0x0  }
0x12: {  	s1 =	sld [smem:$0x3F99];
	s0 =	simm.s32 @p0 $0x1  }
0x13: {  	[smem:$0x3FB4] =	sst s0;
	s0 =	simm.s32 @!p1 $0x0  }
0x14: {  	s2 =	sld [smem:$0x3F98];
	s0 =	simm.s32 @p1 $0x1  }
0x15: {  	[smem:$0x3FB5] =	sst s0;
	s0 =	simm.s32 @!p2 $0x0  }
0x16: {  	s3 =	sld [smem:$0x3FDB];
	s0 =	simm.s32 @p2 $0x1  }
0x17: {  	s4 =	simm.s32 $0x1BF5;
	[smem:$0x3FB7] =	sst s0  }
0x18: {  	s0 =	sld [smem:$0x3F9A];
	_ =	swait.ge [sflag:s4], $0x0  }
0x19: {  	s7 =	sld [smem:$0x3F9B]  }
0x1a: {  	s8 =	sadd.s32 $0xFFFFE003, lr  }
0x1b: {  	s9 =	sadd.s32 $0xFFFFFEF7, lr;
	s5 =	simm.s32 $0xFFFFFFFF;
	p2 =	slt.u32 s8, $0xFFFFF086  }
0x1c: {  	p1 =	slt.u32 s9, $0xF7A;
	s5 =	simm.s32 @!p2 $0x0  }
0x1d: {  	s5 =	simm.s32 @p1 $0x1;
	p0 =	seq.s32 s7, s2  }
0x1e: {  	s7 =	smul.u32 @!p0 $0xF7A, s2;
	p2 =	seq.s32 @!p0 s5, $0x0  }
0x1f: {  	s9 =	smul.u32 $0xF7A, s1;
	s8 =	simm.s32 @!p0 $0x1BF5;
	p2 =	por !p2, p0  }
0x20: {  	[sflag:s8] =	ssyncset.s32 @!p0 $0xFFFFF086;
	s6 =	sadd.s32 @!p0 s3, s7;
	s7 =	simm.s32 @!p0 $0x108  }
0x21: {  	s3 =	sadd.s32 s3, s9;
	s6 =	sadd.s32 @!p0 $0x88, s6;
	s7 =	simm.s32 @p2 $0x1082  }
0x22: {  	[simem:s7], [sflag:s8] =	dma.local @!p0 [hbm:s6], $0xF7A  }
0x23: {  	s9 =	sor.u32 $0xD0000000, s2;
	s6 =	simm.s32 $0x108;
	_ =	swait.ge @!p0 [sflag:s8], $0x0  }
0x24: {  	s3 =	sadd.s32 $0x88, s3;
	s6 =	simm.s32 @!p1 $0x1082;
	[sflag:s4] =	ssyncset.s32 $0xFFFFF086  }
0x25: {  	[simem:s6], [sflag:s4] =	dma.local [hbm:s3], $0xF7A  }
0x26: {  	[smem:$0x3F9B] =	sst s1;
	(tag) =	ssettag s2;
	_ =	strace s9  }
0x27: {  	s1 =	sld [smem:$0x3FAB]  }
0x28: {  	s2 =	sld [smem:$0x3FAC]  }
0x29: {  	s4 =	sld [smem:$0x3FAE]  }
0x2a: {  	p0 =	seq.s32 s5, $0x0;
	s5 =	sld [smem:$0x3FAF]  }
0x2b: {  	s6 =	sld [smem:$0x3FB0]  }
0x2c: {  	s7 =	sld [smem:$0x3FB1]  }
0x2d: {  	s3 =	simm.s32 $0x108;
	s8 =	sld [smem:$0x3FB2]  }
0x2e: {  	s3 =	simm.s32 @!p0 $0x1082;
	s9 =	sld [smem:$0x3FB3]  }
0x2f: {  	lr =	sadd.s32 s0, s3;
	s0 =	sld [smem:$0x3FAA]  }
0x30: {  	s3 =	sld [smem:$0x3FAD]  }
0x31: {  	[smem:$0x3FB6] =	sst s10  }
0x32: {  	s10 =	sld [smem:$0x3FB4];
	_ =	sdelay $0x3  }
0x33: {  	p0 =	seq.s32 s10, $0x1;
	s10 =	sld [smem:$0x3FB6];
	_ =	sdelay $0x3  }
0x34: {  	[smem:$0x3FB6] =	sst s10  }
0x35: {  	s10 =	sld [smem:$0x3FB5];
	_ =	sdelay $0x3  }
0x36: {  	p1 =	seq.s32 s10, $0x1;
	s10 =	sld [smem:$0x3FB6];
	_ =	sdelay $0x3  }
0x37: {  	[smem:$0x3FB6] =	sst s10  }
0x38: {  	s10 =	sld [smem:$0x3FB7]  }
0x39: {  	_ = 	snop;
	(pc) =	sbr.ind lr, $3  }
0x3a: {  	_ = 	snop  }
0x3b: {  	_ = 	snop  }
0x3c: {  	p2 =	seq.s32 s10, $0x1;
	s10 =	sld [smem:$0x3FB6]  }
0x3d: {  	_ =	shalt  }
0x3e: {  	_ =	shalt  }
0x3f: {  	_ =	shalt  }
0x40: {  	_ =	shalt  }
0x41: {  	_ =	shalt  }
0x42: {  	_ =	shalt  }
0x43: {  	_ =	shalt  }
0x44: {  	_ =	shalt  }
0x45: {  	_ =	shalt  }
0x46: {  	_ =	shalt  }
0x47: {  	_ =	shalt  }
0x48: {  	_ =	shalt  }
0x49: {  	_ =	shalt  }
0x4a: {  	_ =	shalt  }
0x4b: {  	_ =	shalt  }
0x4c: {  	_ =	shalt  }
0x4d: {  	_ =	shalt  }
0x4e: {  	_ =	shalt  }
0x4f: {  	_ =	shalt  }
0x50: {  	_ =	shalt  }
0x51: {  	_ =	shalt  }
0x52: {  	_ =	shalt  }
0x53: {  	_ =	shalt  }
0x54: {  	_ =	shalt  }
0x55: {  	_ =	shalt  }
0x56: {  	_ =	shalt  }
0x57: {  	_ =	shalt  }
0x58: {  	_ =	shalt  }
0x59: {  	_ =	shalt  }
0x5a: {  	_ =	shalt  }
0x5b: {  	_ =	shalt  }
0x5c: {  	_ =	shalt  }
0x5d: {  	_ =	shalt  }
0x5e: {  	_ =	shalt  }
0x5f: {  	_ =	shalt  }
0x60: {  	_ =	shalt  }
0x61: {  	_ =	shalt  }
0x62: {  	_ =	shalt  }
0x63: {  	_ =	shalt  }
0x64: {  	_ =	shalt  }
0x65: {  	_ =	shalt  }
0x66: {  	_ =	shalt  }
0x67: {  	_ =	shalt  }
0x68: {  	_ =	shalt  }
0x69: {  	_ =	shalt  }
0x6a: {  	_ =	shalt  }
0x6b: {  	_ =	shalt  }
0x6c: {  	_ =	shalt  }
0x6d: {  	_ =	shalt  }
0x6e: {  	_ =	shalt  }
0x6f: {  	_ =	shalt  }
0x70: {  	_ =	shalt  }
0x71: {  	_ =	shalt  }
0x72: {  	_ =	shalt  }
0x73: {  	_ =	shalt  }
0x74: {  	_ =	shalt  }
0x75: {  	_ =	shalt  }
0x76: {  	_ =	shalt  }
0x77: {  	_ =	shalt  }
0x78: {  	_ =	shalt  }
0x79: {  	_ =	shalt  }
0x7a: {  	_ =	shalt  }
0x7b: {  	_ =	shalt  }
0x7c: {  	_ =	shalt  }
0x7d: {  	_ =	shalt  }
0x7e: {  	_ =	shalt  }
0x7f: {  	_ =	shalt  }
0x80: {  	_ =	shalt  }
0x81: {  	_ =	shalt  }
0x82: {  	_ =	shalt  }
0x83: {  	_ =	shalt  }
0x84: {  	_ =	shalt  }
0x85: {  	_ =	shalt  }
0x86: {  	_ =	shalt  }
0x87: {  	_ =	shalt  }
.Lfunc_end0:
.L_simem_size_0:
called_computation.2_lowered:
.L_overlay_start_0:
0x88: {  	s2 =	sld [smem:$0x3FD9]  }
0x89: {  	s3 =	sld [smem:$0x3FFE];
	_ =	sdelay $0x1  }
0x8a: {  	s1 =	srdreg.scid  }
0x8b: {  	s0 =	sand.u32 $0x1, s1  }
0x8c: {  	s17 =	sshll.u32 s0, $0xA;
	s2 =	sadd.s32 s3, s2  }
0x8d: {  	s2 =	sadd.s32 s2, s17  }
0x8e: {  	[smem:$0x3FC2] =	sst s2  }
0x8f: {  	_ = 	snop  }
0x90: {  	s2 =	sld [smem:$0x3FC8]  }
0x91: {  	s18 =	sld [smem:$0x3FD0];
	(tm) =	ssettm $0x1  }
0x92: {  	s4 =	sld [smem:$0x3FFB];
	_ =	sdelay $0x3  }
0x93: {  	_ =	strace s4  }
0x94: {  	s4 =	sld [smem:$0x3FFC];
	_ =	sdelay $0x3  }
0x95: {  	_ =	strace s4  }
0x96: {  	s4 =	sld [smem:$0x3FFD];
	_ =	sdelay $0x3  }
0x97: {  	_ =	strace s4  }
0x98: {  	_ =	strace $0x8FFFFFFF  }
0x99: {  	s19 =	sld [smem:$0x3FDB];
	_ =	sdelay $0x1  }
0x9a: {  	s5 =	simm.s32 $_scs_section_size  }
0x9b: {  	s6 =	simm.s32 $_size__tile_overlayer_lowered;
	s7 =	simm.s32 $_tile_overlayer_lowered  }
0x9c: {  	s22 =	simm.s32 $0x1BFF;
	s21 =	sshll.u32 s7, $0x1;
	s4 =	sadd.s32 s5, s19  }
0x9d: {  	s8 =	simm.s32 $0x0;
	s20 =	sshll.u32 s6, $0x1;
	s6 =	sadd.s32 s21, s4  }
0x9e: {  	[timem:s8], [sflag:s22] =	dma.local [hbm:s6], s20  }
0x9f: {  	_ =	swait.ge [sflag:s22], s20  }
0xa0: {  	s5 =	ssub.s32 $0x0, s20;
	[sflag:s22] =	ssyncset.done $0x0  }
0xa1: {  	[sflag:s22] =	ssyncadd.s32 s5;
	_ =	sdelay $0x1  }
0xa2: {  	s23 =	simm.s32 $0x1B8B  }
0xa3: {  	_ =	swait.ge [sflag:s23], $0x1  }
0xa4: {  	[sflag:s23] =	ssyncset.done $0x0  }
0xa5: {  	s25 =	simm.s32 $0x1B8E;
	s24 =	sld [smem:$0x3FFE];
	[sflag:s23] =	ssyncadd.s32 $0xFFFFFFFF  }
0xa6: {  	s26 =	simm.s32 $execute0_lowered;
	[smem:$0x3FD2] =	sst s25  }
0xa7: {  	s6 =	sshll.u32 s26, $0x1;
	_ =	strace $0x8000004C;
	[dreg:$0x1] =	wrdreg $0xFFFFFFFF  }
0xa8: {  	s28 =	simm.s32 $_size_execute0_lowered;
	s4 =	sadd.s32 s4, s6;
	[dreg:$0x0] =	wrdreg $0x0  }
0xa9: {  	s6 =	sshll.u32 s28, $0x1;
	[dreg:$0x2] =	wrdreg s4  }
0xaa: {  	[dreg:$0x3] =	wrdreg s6  }
0xab: {  	[dreg:$0x4] =	wrdreg $0xC0  }
0xac: {  	_ =	task [dreg:s8], $0x5FFFF  }
0xad: {  	[dreg:$0x1] =	wrdreg $0xFFFFFFFF  }
0xae: {  	[dreg:$0x0] =	wrdreg $0x60  }
0xaf: {  	[dreg:$0x2] =	wrdreg s24  }
0xb0: {  	[dreg:$0x3] =	wrdreg s2  }
0xb1: {  	[dreg:$0x4] =	wrdreg s18  }
0xb2: {  	[dreg:$0x5] =	wrdreg $0x110000  }
0xb3: {  	[dreg:$0x6] =	wrdreg $0x9  }
0xb4: {  	_ =	task.clear_ibuf [dreg:s8], $0x7FFFF;
	_ =	strace $0x9000004C  }
0xb5: {  	s29 =	simm.s32 $0x9;
	_ =	strace $0x8000004E  }
0xb6: {  	_ =	swait.ge [sflag:s29], $0x1  }
0xb7: {  	[sflag:s29] =	ssyncadd.s32 $0xFFFFFFFF  }
0xb8: {  	_ =	strace $0x9000004E  }
0xb9: {  	_ =	sfence  }
0xba: {  	s30 =	sld [smem:$0x0];
	_ =	sdelay $0x2  }
0xbb: {  	s31 =	sshll.u32 s1, $0xD;
	s1 =	sshrl.u32 s1, $0x2  }
0xbc: {  	s3 =	sand.u32 $0x4000, s31;
	s1 =	sadd.s32 s1, s30  }
0xbd: {  	s0 =	sor.u32 s3, s0;
	s1 =	sshll.u32 s1, $0x11  }
0xbe: {  	s0 =	sor.u32 s1, s0  }
0xbf: {  	s0 =	sadd.s32 $0x8F2B, s0  }
0xc0: {  	[sflag:s0] =	ssyncadd.remote.s32 $0x1  }
0xc1: {  	_ =	sfence.sel $0xFFFF  }
0xc2: {  	[dreg:$0x0] =	wrdreg $0xFFFFFFFF;
	(pc) =	sbr.abs _section_cstart, $3  }
0xc3: {  	[dreg:$0x1] =	wrdreg $0xFFFFFFFF  }
0xc4: {  	_ =	task.clear_ibuf [dreg:s8], $0x2FFFF;
	_ =	strace $0x9FFFFFFF  }
0xc5: {  	(tm) =	ssettm $0x7FFFFFFF  }
tec
execute0_lowered:
.L_overlay_start_1:
0x0: {  	(tag) =	ssettag $0x1  }
0x1: {  	s0 =	rddreg [dreg:$0x0]  }
0x2: {  	s1 =	rddreg [dreg:$0x1]  }
0x3: {  	s3 =	rddreg [dreg:$0x3];
	s12 =	stileid.u32  }
0x4: {  	s4 =	srdreg.scid;
	s5 =	simm.s32 $0x0;
	s13 =	simm.s32 $0x3  }
0x5: {  	s14 =	simm.s32 $0x80;
	s19 =	simm.s32 $0x6000;
	s20 =	simm.s32 $0x300  }
0x6: {  	s21 =	simm.s32 $0x6800;
	s22 =	simm.s32 $0x400;
	s23 =	simm.s32 $0x7000  }
0x7: {  	s24 =	simm.s32 $0x500;
	s28 =	simm.s32 $0x8000;
	s29 =	simm.s32 $0x700  }
0x8: {  	s30 =	simm.s32 $0x8800;
	s31 =	simm.s32 $0x1;
	s2 =	smul.u32 $0x2800, s12  }
0x9: {  	s4 =	sand.u32 $0x1, s4;
	[smem:$0x7FF] =	sst s5;
	s5 =	sadd.s32 $0x8000, s0  }
0xa: {  	s9 =	sshll.u32 s12, $0x1;
	s26 =	sshll.u32 s12, $0x6;
	s7 =	smul.u32 $0x28000, s4  }
0xb: {  	_ =	strace $0x8000004D;
	s8 =	ssub.s32 $0x2, s4;
	s4 =	sor.u32 s4, s9  }
0xc: {  	s9 =	sadd.s32 $0x13600, s1;
	s6 =	sshrl.u32 s2, $0x3;
	s10 =	sshrl.u32 s8, $0x1  }
0xd: {  	s25 =	smul.u32 $0xA00, s4;
	p0 =	seq.s32 s4, $0x1F;
	s6 =	sadd.s32 s6, s0  }
0xe: {  	s7 =	sadd.s32 s2, s7;
	s11 =	ssub.s32 s8, s10;
	s2 =	sadd.s32 s2, s3  }
0xf: {  	s7 =	sshrl.u32 s7, $0x3;
	s6 =	sadd.s32 $0x3000, s6;
	s8 =	sadd.s32 s1, s25  }
0x10: {  	s11 =	smax.u32 s11, $0x1;
	s12 =	sshrl.u32 s2, $0x3;
	s25 =	simm.s32 $0x7800  }
0x11: {  	s1 =	simm.s32 $0x2;
	s0 =	sadd.s32 s7, s0;
	s7 =	sor.u32 $0x1C03, s26  }
0x12: {  	s26 =	simm.s32 $0x600;
	s10 =	sadd.s32 $0xD000, s0;
	s0 =	simm.s32 $0x0  }
.LBB2_1:
0x13: {  	[spmem:s12], [sflag:s7] =	dma.local [hbm:s6], $0x500  }
0x14: {  	_ =	swait.ge [sflag:s13], $0x500  }
0x15: {  	[sflag:s13] =	ssyncset.done $0x0  }
0x16: {  	s2 =	simm.s32 @p0 $0x0;
	s4 =	simm.s32 @p0 $0x3;
	[sflag:s13] =	ssyncadd.s32 $0xFFFFFB00  }
0x17: {  	[tilespmem:s2], [sflag:$0x3] =	stream.linear.gather @p0 [hbm4b:s9+s2], $0x1400, $0x38;
	[tilespmem:$0x13800] =	vst v63  }
0x18: {  	_ =	swait.ge @p0 [sflag:s4], $0x1400  }
0x19: {  	[sflag:s4] =	ssyncset.done @p0 $0x0  }
0x1a: {  	[sflag:s4] =	ssyncadd.s32 @p0 $0xFFFFEC00  }
0x1b: {  	s15 =	simm.s32 @p0 $0x1400;
	s16 =	rddreg [dreg:$0x2]  }
0x1c: {  	[tilespmem:s15], [sflag:$0x3] =	stream.linear.gather @p0 [hbm4b:s16+s2], $0x3C00, $0x38;
	[tilespmem:$0x13800] =	vst v63  }
0x1d: {  	_ =	swait.ge @p0 [sflag:s4], $0x3C00  }
0x1e: {  	[sflag:s4] =	ssyncset.done @p0 $0x0  }
0x1f: {  	s2 =	simm.s32 @!p0 $0x0;
	[sflag:s4] =	ssyncadd.s32 @p0 $0xFFFFC400  }
0x20: {  	[tilespmem:s2], [sflag:$0x3] =	stream.linear.gather @!p0 [hbm4b:s8+s2], $0x5000, $0x38;
	[tilespmem:$0x13800] =	vst v63  }
0x21: {  	s2 =	simm.s32 @!p0 $0x3  }
0x22: {  	_ =	swait.ge @!p0 [sflag:s2], $0x5000  }
0x23: {  	[sflag:s2] =	ssyncset.done @!p0 $0x0  }
0x24: {  	[sflag:s2] =	ssyncadd.s32 @!p0 $0xFFFFB000  }
0x25: {  	s15 =	simm.s32 $0x5000;
	s4 =	simm.s32 $0x0;
	[bflag:$0x0] =	sbarrier.arrive $0xFFFF  }
0x26: {  	[tilespmem:s15], [sflag:$0x1] =	stream.indirect.gather [hbm4b:s5+s14], $0x10, s4, s14, $0xb8;
	[tilespmem:$0x13800] =	vst v63  }
0x27: {  	s17 =	simm.s32 $0x5800;
	s16 =	simm.s32 $0x100  }
0x28: {  	[tilespmem:s17], [sflag:$0x1] =	stream.indirect.gather [hbm4b:s5+s14], $0x10, s16, s14, $0xb8;
	[tilespmem:$0x13800] =	vst v63  }
0x29: {  	s18 =	simm.s32 $0x200  }
0x2a: {  	[tilespmem:s19], [sflag:$0x1] =	stream.indirect.gather [hbm4b:s5+s14], $0x10, s18, s14, $0xb8;
	[tilespmem:$0x13800] =	vst v63  }
0x2b: {  	_ = 	snop  }
0x2c: {  	[tilespmem:s21], [sflag:$0x1] =	stream.indirect.gather [hbm4b:s5+s14], $0x10, s20, s14, $0xb8;
	[tilespmem:$0x13800] =	vst v63  }
0x2d: {  	_ = 	snop  }
0x2e: {  	[tilespmem:s23], [sflag:$0x1] =	stream.indirect.gather [hbm4b:s5+s14], $0x10, s22, s14, $0xb8;
	[tilespmem:$0x13800] =	vst v63  }
0x2f: {  	_ = 	snop  }
0x30: {  	[tilespmem:s25], [sflag:$0x1] =	stream.indirect.gather [hbm4b:s5+s14], $0x10, s24, s14, $0xb8;
	[tilespmem:$0x13800] =	vst v63  }
0x31: {  	_ = 	snop  }
0x32: {  	[tilespmem:s28], [sflag:$0x1] =	stream.indirect.gather [hbm4b:s5+s14], $0x10, s26, s14, $0xb8;
	[tilespmem:$0x13800] =	vst v63  }
0x33: {  	s2 =	simm.s32 $0x0  }
0x34: {  	[tilespmem:s30], [sflag:$0x1] =	stream.indirect.gather [hbm4b:s5+s14], $0x10, s29, s14, $0xb8;
	[tilespmem:$0x13800] =	vst v63  }
.LBB2_2:
0x35: {  	p1 =	slt.u32 s2, $0x2  }
0x36: {  	s4 =	simm.s32 @!p1 $0x2  }
0x37: {  	_ =	swait.ge @!p1 [sflag:s4], $0x800  }
0x38: {  	[sflag:s4] =	ssyncset.done @!p1 $0x0  }
0x39: {  	[sflag:s4] =	ssyncadd.s32 @!p1 $0xFFFFF800  }
0x3a: {  	_ =	swait.ge @!p1 [sflag:s4], $0x800  }
0x3b: {  	[sflag:s4] =	ssyncset.done @!p1 $0x0  }
0x3c: {  	[sflag:s4] =	ssyncadd.s32 @!p1 $0xFFFFF800  }
0x3d: {  	_ =	swait.ge @!p1 [sflag:s4], $0x800  }
0x3e: {  	[sflag:s4] =	ssyncset.done @!p1 $0x0  }
0x3f: {  	[sflag:s4] =	ssyncadd.s32 @!p1 $0xFFFFF800  }
0x40: {  	_ =	swait.ge @!p1 [sflag:s4], $0x800  }
0x41: {  	[sflag:s4] =	ssyncset.done @!p1 $0x0  }
0x42: {  	[sflag:s4] =	ssyncadd.s32 @!p1 $0xFFFFF800  }
0x43: {  	_ =	swait.ge @!p1 [sflag:s4], $0x800  }
0x44: {  	[sflag:s4] =	ssyncset.done @!p1 $0x0  }
0x45: {  	[sflag:s4] =	ssyncadd.s32 @!p1 $0xFFFFF800  }
0x46: {  	_ =	swait.ge @!p1 [sflag:s4], $0x800  }
0x47: {  	[sflag:s4] =	ssyncset.done @!p1 $0x0  }
0x48: {  	[sflag:s4] =	ssyncadd.s32 @!p1 $0xFFFFF800  }
0x49: {  	_ =	swait.ge @!p1 [sflag:s4], $0x800  }
0x4a: {  	[sflag:s4] =	ssyncset.done @!p1 $0x0  }
0x4b: {  	[sflag:s4] =	ssyncadd.s32 @!p1 $0xFFFFF800  }
0x4c: {  	_ =	swait.ge @!p1 [sflag:s4], $0x800  }
0x4d: {  	p2 =	seq.s32 @!p1 s2, $0x9;
	[sflag:s4] =	ssyncset.done @!p1 $0x0  }
0x4e: {  	p2 =	por p1, !p2;
	[sflag:s4] =	ssyncadd.s32 @!p1 $0xFFFFF800;
	s4 =	simm.s32 @!p1 $0xA  }
0x4f: {  	s4 =	sadd.s32 @p2 $0x1, s2  }
0x50: {  	s15 =	smul.u32 @p2 $0xAB, s4;
	_ =	sdelay $0x1  }
0x51: {  	s15 =	sshrl.u32 @p2 s15, $0x9  }
0x52: {  	s15 =	sand.u32 @p2 $0x7F, s15  }
0x53: {  	s15 =	smul.u32 @p2 $0x3, s15;
	_ =	sdelay $0x1  }
0x54: {  	s15 =	ssub.s32 @p2 s4, s15  }
0x55: {  	s15 =	sand.u32 @p2 $0xFF, s15  }
0x56: {  	s16 =	sshll.u32 @p2 s4, $0xB;
	s15 =	sshll.u32 @p2 s15, $0xE  }
0x57: {  	s16 =	sand.u32 @p2 $0x3FFFF800, s16;
	s17 =	sadd.s32 @p2 $0x5000, s15  }
0x58: {  	[tilespmem:s17], [sflag:$0x1] =	stream.indirect.gather @p2 [hbm4b:s5+s14], $0x10, s16, s14, $0xb8;
	[tilespmem:$0x13800] =	vst v63  }
0x59: {  	s18 =	sor.u32 @p2 $0x100, s16;
	s17 =	sadd.s32 @p2 $0x5800, s15  }
0x5a: {  	[tilespmem:s17], [sflag:$0x1] =	stream.indirect.gather @p2 [hbm4b:s5+s14], $0x10, s18, s14, $0xb8;
	[tilespmem:$0x13800] =	vst v63  }
0x5b: {  	s17 =	sadd.s32 @p2 $0x6000, s15;
	s18 =	sor.u32 @p2 $0x200, s16  }
0x5c: {  	[tilespmem:s17], [sflag:$0x1] =	stream.indirect.gather @p2 [hbm4b:s5+s14], $0x10, s18, s14, $0xb8;
	[tilespmem:$0x13800] =	vst v63  }
0x5d: {  	s17 =	sadd.s32 @p2 $0x6800, s15;
	s18 =	sor.u32 @p2 $0x300, s16  }
0x5e: {  	[tilespmem:s17], [sflag:$0x1] =	stream.indirect.gather @p2 [hbm4b:s5+s14], $0x10, s18, s14, $0xb8;
	[tilespmem:$0x13800] =	vst v63  }
0x5f: {  	s17 =	sadd.s32 @p2 $0x7000, s15;
	s18 =	sor.u32 @p2 $0x400, s16  }
0x60: {  	[tilespmem:s17], [sflag:$0x1] =	stream.indirect.gather @p2 [hbm4b:s5+s14], $0x10, s18, s14, $0xb8;
	[tilespmem:$0x13800] =	vst v63  }
0x61: {  	s17 =	sadd.s32 @p2 $0x7800, s15;
	s18 =	sor.u32 @p2 $0x500, s16  }
0x62: {  	[tilespmem:s17], [sflag:$0x1] =	stream.indirect.gather @p2 [hbm4b:s5+s14], $0x10, s18, s14, $0xb8;
	[tilespmem:$0x13800] =	vst v63  }
0x63: {  	s17 =	sadd.s32 @p2 $0x8000, s15;
	s18 =	sor.u32 @p2 $0x600, s16  }
0x64: {  	[tilespmem:s17], [sflag:$0x1] =	stream.indirect.gather @p2 [hbm4b:s5+s14], $0x10, s18, s14, $0xb8;
	[tilespmem:$0x13800] =	vst v63  }
0x65: {  	s15 =	sadd.s32 @p2 $0x8800, s15;
	s16 =	sor.u32 @p2 $0x700, s16  }
0x66: {  	[tilespmem:s15], [sflag:$0x1] =	stream.indirect.gather @p2 [hbm4b:s5+s14], $0x10, s16, s14, $0xb8;
	[tilespmem:$0x13800] =	vst v63  }
0x67: {  	_ =	swait.ge [sflag:s31], $0x800  }
0x68: {  	[sflag:s31] =	ssyncset.done $0x0  }
0x69: {  	[sflag:s31] =	ssyncadd.s32 $0xFFFFF800  }
0x6a: {  	_ =	swait.ge [sflag:s31], $0x800  }
0x6b: {  	[sflag:s31] =	ssyncset.done $0x0  }
0x6c: {  	[sflag:s31] =	ssyncadd.s32 $0xFFFFF800  }
0x6d: {  	_ =	swait.ge [sflag:s31], $0x800  }
0x6e: {  	[sflag:s31] =	ssyncset.done $0x0  }
0x6f: {  	[sflag:s31] =	ssyncadd.s32 $0xFFFFF800  }
0x70: {  	_ =	swait.ge [sflag:s31], $0x800  }
0x71: {  	[sflag:s31] =	ssyncset.done $0x0  }
0x72: {  	[sflag:s31] =	ssyncadd.s32 $0xFFFFF800  }
0x73: {  	_ =	swait.ge [sflag:s31], $0x800  }
0x74: {  	[sflag:s31] =	ssyncset.done $0x0  }
0x75: {  	s18 =	smul.u32 $0xAB, s2;
	[sflag:s31] =	ssyncadd.s32 $0xFFFFF800  }
0x76: {  	_ =	swait.ge [sflag:s31], $0x800  }
0x77: {  	s15 =	sshrl.u32 s18, $0x9;
	[sflag:s31] =	ssyncset.done $0x0  }
0x78: {  	s15 =	sand.u32 $0x7F, s15;
	[sflag:s31] =	ssyncadd.s32 $0xFFFFF800  }
0x79: {  	s15 =	smul.u32 $0x3, s15;
	_ =	swait.ge [sflag:s31], $0x800  }
0x7a: {  	[sflag:s31] =	ssyncset.done $0x0  }
0x7b: {  	s15 =	ssub.s32 s2, s15;
	[sflag:s31] =	ssyncadd.s32 $0xFFFFF800  }
0x7c: {  	s16 =	sshll.u32 s2, $0xB;
	s15 =	sand.u32 $0xFF, s15;
	_ =	swait.ge [sflag:s31], $0x800  }
0x7d: {  	s2 =	sand.u32 $0x3FFFF800, s16;
	s15 =	sshll.u32 s15, $0xE;
	[sflag:s31] =	ssyncset.done $0x0  }
0x7e: {  	s18 =	sor.u32 $0x80, s2;
	s17 =	sadd.s32 $0x5000, s15;
	[sflag:s31] =	ssyncadd.s32 $0xFFFFF800  }
0x7f: {  	[spmem:s3] =	stream.indirect.scatter.add.f32 [tilespmem:s17], [sflag:$0x2], $0x10, s18, s14, $0xb8;
	[tilespmem:$0x13800] =	vst v63  }
0x80: {  	s17 =	sadd.s32 $0x5800, s15;
	s18 =	sor.u32 $0x180, s2  }
0x81: {  	[spmem:s3] =	stream.indirect.scatter.add.f32 [tilespmem:s17], [sflag:$0x2], $0x10, s18, s14, $0xb8;
	[tilespmem:$0x13800] =	vst v63  }
0x82: {  	s17 =	sadd.s32 $0x6000, s15;
	s18 =	sor.u32 $0x280, s2  }
0x83: {  	[spmem:s3] =	stream.indirect.scatter.add.f32 [tilespmem:s17], [sflag:$0x2], $0x10, s18, s14, $0xb8;
	[tilespmem:$0x13800] =	vst v63  }
0x84: {  	s17 =	sadd.s32 $0x6800, s15;
	s18 =	sor.u32 $0x380, s2  }
0x85: {  	[spmem:s3] =	stream.indirect.scatter.add.f32 [tilespmem:s17], [sflag:$0x2], $0x10, s18, s14, $0xb8;
	[tilespmem:$0x13800] =	vst v63  }
0x86: {  	s17 =	sadd.s32 $0x7000, s15;
	s18 =	sor.u32 $0x480, s2  }
0x87: {  	[spmem:s3] =	stream.indirect.scatter.add.f32 [tilespmem:s17], [sflag:$0x2], $0x10, s18, s14, $0xb8;
	[tilespmem:$0x13800] =	vst v63  }
0x88: {  	p1 =	slt.u32 s4, $0xA;
	s17 =	sadd.s32 $0x7800, s15;
	s18 =	sor.u32 $0x580, s2  }
0x89: {  	[spmem:s3] =	stream.indirect.scatter.add.f32 [tilespmem:s17], [sflag:$0x2], $0x10, s18, s14, $0xb8;
	[tilespmem:$0x13800] =	vst v63  }
.Ltmp0:
0x8a: {  	s17 =	sadd.s32 $0x8000, s15;
	s18 =	sor.u32 $0x680, s2;
	(pc) =	sbr.rel @p1 .LBB2_2-.Ltmp0, $4  }
0x8b: {  	[spmem:s3] =	stream.indirect.scatter.add.f32 [tilespmem:s17], [sflag:$0x2], $0x10, s18, s14, $0xb8;
	[tilespmem:$0x13800] =	vst v63  }
0x8c: {  	s15 =	sadd.s32 $0x8800, s15;
	s2 =	sor.u32 $0x780, s2  }
0x8d: {  	[spmem:s3] =	stream.indirect.scatter.add.f32 [tilespmem:s15], [sflag:$0x2], $0x10, s2, s14, $0xb8;
	[tilespmem:$0x13800] =	vst v63  }
0x8e: {  	s2 =	smov.u32 s4  }
0x8f: {  	_ =	swait.ge [sflag:s1], $0x800  }
0x90: {  	[sflag:s1] =	ssyncset.done $0x0  }
0x91: {  	[sflag:s1] =	ssyncadd.s32 $0xFFFFF800  }
0x92: {  	_ =	swait.ge [sflag:s1], $0x800  }
0x93: {  	[sflag:s1] =	ssyncset.done $0x0  }
0x94: {  	[sflag:s1] =	ssyncadd.s32 $0xFFFFF800  }
0x95: {  	_ =	swait.ge [sflag:s1], $0x800  }
0x96: {  	[sflag:s1] =	ssyncset.done $0x0  }
0x97: {  	[sflag:s1] =	ssyncadd.s32 $0xFFFFF800  }
0x98: {  	_ =	swait.ge [sflag:s1], $0x800  }
0x99: {  	[sflag:s1] =	ssyncset.done $0x0  }
0x9a: {  	[sflag:s1] =	ssyncadd.s32 $0xFFFFF800  }
0x9b: {  	_ =	swait.ge [sflag:s1], $0x800  }
0x9c: {  	[sflag:s1] =	ssyncset.done $0x0  }
0x9d: {  	[sflag:s1] =	ssyncadd.s32 $0xFFFFF800  }
0x9e: {  	_ =	swait.ge [sflag:s1], $0x800  }
0x9f: {  	[sflag:s1] =	ssyncset.done $0x0  }
0xa0: {  	[sflag:s1] =	ssyncadd.s32 $0xFFFFF800  }
0xa1: {  	_ =	swait.ge [sflag:s1], $0x800  }
0xa2: {  	[sflag:s1] =	ssyncset.done $0x0  }
0xa3: {  	[sflag:s1] =	ssyncadd.s32 $0xFFFFF800  }
0xa4: {  	_ =	swait.ge [sflag:s1], $0x800  }
0xa5: {  	[sflag:s1] =	ssyncset.done $0x0  }
0xa6: {  	[sflag:s1] =	ssyncadd.s32 $0xFFFFF800  }
0xa7: {  	_ =	swait.ge [sflag:s1], $0x800  }
0xa8: {  	[sflag:s1] =	ssyncset.done $0x0  }
0xa9: {  	[sflag:s1] =	ssyncadd.s32 $0xFFFFF800  }
0xaa: {  	_ =	swait.ge [sflag:s1], $0x800  }
0xab: {  	[sflag:s1] =	ssyncset.done $0x0  }
0xac: {  	[sflag:s1] =	ssyncadd.s32 $0xFFFFF800  }
0xad: {  	_ =	swait.ge [sflag:s1], $0x800  }
0xae: {  	[sflag:s1] =	ssyncset.done $0x0  }
0xaf: {  	[sflag:s1] =	ssyncadd.s32 $0xFFFFF800  }
0xb0: {  	_ =	swait.ge [sflag:s1], $0x800  }
0xb1: {  	[sflag:s1] =	ssyncset.done $0x0  }
0xb2: {  	[sflag:s1] =	ssyncadd.s32 $0xFFFFF800  }
0xb3: {  	_ =	swait.ge [sflag:s1], $0x800  }
0xb4: {  	[sflag:s1] =	ssyncset.done $0x0  }
0xb5: {  	[sflag:s1] =	ssyncadd.s32 $0xFFFFF800  }
0xb6: {  	_ =	swait.ge [sflag:s1], $0x800  }
0xb7: {  	[sflag:s1] =	ssyncset.done $0x0  }
0xb8: {  	[sflag:s1] =	ssyncadd.s32 $0xFFFFF800  }
0xb9: {  	_ =	swait.ge [sflag:s1], $0x800  }
0xba: {  	[sflag:s1] =	ssyncset.done $0x0  }
0xbb: {  	[sflag:s1] =	ssyncadd.s32 $0xFFFFF800  }
0xbc: {  	_ =	swait.ge [sflag:s1], $0x800  }
0xbd: {  	s0 =	sadd.s32 $0x1, s0;
	[sflag:s1] =	ssyncset.done $0x0  }
0xbe: {  	p1 =	sne.s32 s0, s11;
	[sflag:s1] =	ssyncadd.s32 $0xFFFFF800  }
.Ltmp1:
0xbf: {  	[bflag:$0x0] =	sbarrier.arrive $0xFFFF;
	(pc) =	sbr.rel @p1 .LBB2_1-.Ltmp1, $4  }
0xc0: {  	[hbm:s10], [sflag:s7] =	dma.local [spmem:s12], $0x500  }
0xc1: {  	_ =	swait.ge [sflag:s13], $0x500  }
0xc2: {  	[sflag:s13] =	ssyncset.done $0x0  }
0xc3: {  	[sflag:s13] =	ssyncadd.s32 $0xFFFFFB00  }
0xc4: {  	_ =	sfence.sel $0x180000  }
0xc5: {  	[bflag:$0x0] =	sbarrier.arrive $0xFFFF  }
0xc6: {  	_ =	strace $0x9000004D  }
0xc7: {  	s0 =	stileid.u32;
	[bflag:$0x2] =	sbarrier.arrive $0xFFFF  }
0xc8: {  	p0 =	sne.s32 s0, $0x0;
	s0 =	rddreg [dreg:$0x4]  }
0xc9: {  	s0 =	sadd.s32 @!p0 $0x100000, s0  }
0xca: {  	[sflag:s0] =	ssyncadd.tile.s32 @!p0 $0x1;
	_ =	shalt  }
.Lfunc_end2:
_tile_overlayer_lowered:
.L_overlay_start_2:
0xcb: {  	(tag) =	ssettag $0x2  }
0xcc: {  	s0 =	rddreg [dreg:$0x0];
	s2 =	stileid.u32  }
0xcd: {  	s1 =	rddreg [dreg:$0x1];
	p0 =	sne.s32 s2, $0x0  }
0xce: {  	s3 =	rddreg [dreg:$0x2];
	[bflag:$0x3] =	sbarrier.arrive $0xFFFF;
	s2 =	simm.s32 @!p0 $0x1C03  }
0xcf: {  	[timem:s3], [sflag:s2] =	dma.local @!p0 [hbm:s0], s1  }
0xd0: {  	s0 =	simm.s32 @!p0 $0x3  }
0xd1: {  	_ =	swait.ge @!p0 [sflag:s0], s1  }
0xd2: {  	s1 =	ssub.s32 @!p0 $0x0, s1;
	[sflag:s0] =	ssyncset.done @!p0 $0x0  }
0xd3: {  	[sflag:s0] =	ssyncadd.s32 @!p0 s1  }
0xd4: {  	[bflag:$0x3] =	sbarrier.arrive $0xFFFF  }
0xd5: {  	_ =	shalt  }

// kernel: kernel.8.cloned.1.call-start
scs
__scs_entry_jumppad:
0x0: {  	(pc) =	sbr.rel $0x88, $3  }
0x1: {  	(tag) =	ssettag $0x0;
	lr =	simm.s32 $0x1  }
0x2: {  	[smem:$0x3F9B] =	sst lr;
	_ =	strace $0xD0000000  }
0x3: {  	_ = 	snop  }
0x4: {  	_ = 	snop  }
0x5: {  	_ = 	snop  }
0x6: {  	_ = 	snop  }
0x7: {  	_ = 	snop  }
__scs_overlays_trampoline_lowered:
0x8: {  	[smem:$0x3FAA] =	sst s0  }
0x9: {  	[smem:$0x3FAB] =	sst s1  }
0xa: {  	[smem:$0x3FAC] =	sst s2  }
0xb: {  	[smem:$0x3FAD] =	sst s3  }
0xc: {  	[smem:$0x3FAE] =	sst s4  }
0xd: {  	[smem:$0x3FAF] =	sst s5  }
0xe: {  	[smem:$0x3FB0] =	sst s6  }
0xf: {  	[smem:$0x3FB1] =	sst s7  }
0x10: {  	[smem:$0x3FB2] =	sst s8  }
0x11: {  	[smem:$0x3FB3] =	sst s9;
	s0 =	simm.s32 @!p0 $0x0  }
0x12: {  	s1 =	sld [smem:$0x3F99];
	s0 =	simm.s32 @p0 $0x1  }
0x13: {  	[smem:$0x3FB4] =	sst s0;
	s0 =	simm.s32 @!p1 $0x0  }
0x14: {  	s2 =	sld [smem:$0x3F98];
	s0 =	simm.s32 @p1 $0x1  }
0x15: {  	[smem:$0x3FB5] =	sst s0;
	s0 =	simm.s32 @!p2 $0x0  }
0x16: {  	s3 =	sld [smem:$0x3FDB];
	s0 =	simm.s32 @p2 $0x1  }
0x17: {  	s4 =	simm.s32 $0x1BF5;
	[smem:$0x3FB7] =	sst s0  }
0x18: {  	s0 =	sld [smem:$0x3F9A];
	_ =	swait.ge [sflag:s4], $0x0  }
0x19: {  	s7 =	sld [smem:$0x3F9B]  }
0x1a: {  	s8 =	sadd.s32 $0xFFFFE003, lr  }
0x1b: {  	s9 =	sadd.s32 $0xFFFFFEF7, lr;
	s5 =	simm.s32 $0xFFFFFFFF;
	p2 =	slt.u32 s8, $0xFFFFF086  }
0x1c: {  	p1 =	slt.u32 s9, $0xF7A;
	s5 =	simm.s32 @!p2 $0x0  }
0x1d: {  	s5 =	simm.s32 @p1 $0x1;
	p0 =	seq.s32 s7, s2  }
0x1e: {  	s7 =	smul.u32 @!p0 $0xF7A, s2;
	p2 =	seq.s32 @!p0 s5, $0x0  }
0x1f: {  	s9 =	smul.u32 $0xF7A, s1;
	s8 =	simm.s32 @!p0 $0x1BF5;
	p2 =	por !p2, p0  }
0x20: {  	[sflag:s8] =	ssyncset.s32 @!p0 $0xFFFFF086;
	s6 =	sadd.s32 @!p0 s3, s7;
	s7 =	simm.s32 @!p0 $0x108  }
0x21: {  	s3 =	sadd.s32 s3, s9;
	s6 =	sadd.s32 @!p0 $0x88, s6;
	s7 =	simm.s32 @p2 $0x1082  }
0x22: {  	[simem:s7], [sflag:s8] =	dma.local @!p0 [hbm:s6], $0xF7A  }
0x23: {  	s9 =	sor.u32 $0xD0000000, s2;
	s6 =	simm.s32 $0x108;
	_ =	swait.ge @!p0 [sflag:s8], $0x0  }
0x24: {  	s3 =	sadd.s32 $0x88, s3;
	s6 =	simm.s32 @!p1 $0x1082;
	[sflag:s4] =	ssyncset.s32 $0xFFFFF086  }
0x25: {  	[simem:s6], [sflag:s4] =	dma.local [hbm:s3], $0xF7A  }
0x26: {  	[smem:$0x3F9B] =	sst s1;
	(tag) =	ssettag s2;
	_ =	strace s9  }
0x27: {  	s1 =	sld [smem:$0x3FAB]  }
0x28: {  	s2 =	sld [smem:$0x3FAC]  }
0x29: {  	s4 =	sld [smem:$0x3FAE]  }
0x2a: {  	p0 =	seq.s32 s5, $0x0;
	s5 =	sld [smem:$0x3FAF]  }
0x2b: {  	s6 =	sld [smem:$0x3FB0]  }
0x2c: {  	s7 =	sld [smem:$0x3FB1]  }
0x2d: {  	s3 =	simm.s32 $0x108;
	s8 =	sld [smem:$0x3FB2]  }
0x2e: {  	s3 =	simm.s32 @!p0 $0x1082;
	s9 =	sld [smem:$0x3FB3]  }
0x2f: {  	lr =	sadd.s32 s0, s3;
	s0 =	sld [smem:$0x3FAA]  }
0x30: {  	s3 =	sld [smem:$0x3FAD]  }
0x31: {  	[smem:$0x3FB6] =	sst s10  }
0x32: {  	s10 =	sld [smem:$0x3FB4];
	_ =	sdelay $0x3  }
0x33: {  	p0 =	seq.s32 s10, $0x1;
	s10 =	sld [smem:$0x3FB6];
	_ =	sdelay $0x3  }
0x34: {  	[smem:$0x3FB6] =	sst s10  }
0x35: {  	s10 =	sld [smem:$0x3FB5];
	_ =	sdelay $0x3  }
0x36: {  	p1 =	seq.s32 s10, $0x1;
	s10 =	sld [smem:$0x3FB6];
	_ =	sdelay $0x3  }
0x37: {  	[smem:$0x3FB6] =	sst s10  }
0x38: {  	s10 =	sld [smem:$0x3FB7]  }
0x39: {  	_ = 	snop;
	(pc) =	sbr.ind lr, $3  }
0x3a: {  	_ = 	snop  }
0x3b: {  	_ = 	snop  }
0x3c: {  	p2 =	seq.s32 s10, $0x1;
	s10 =	sld [smem:$0x3FB6]  }
0x3d: {  	_ =	shalt  }
0x3e: {  	_ =	shalt  }
0x3f: {  	_ =	shalt  }
0x40: {  	_ =	shalt  }
0x41: {  	_ =	shalt  }
0x42: {  	_ =	shalt  }
0x43: {  	_ =	shalt  }
0x44: {  	_ =	shalt  }
0x45: {  	_ =	shalt  }
0x46: {  	_ =	shalt  }
0x47: {  	_ =	shalt  }
0x48: {  	_ =	shalt  }
0x49: {  	_ =	shalt  }
0x4a: {  	_ =	shalt  }
0x4b: {  	_ =	shalt  }
0x4c: {  	_ =	shalt  }
0x4d: {  	_ =	shalt  }
0x4e: {  	_ =	shalt  }
0x4f: {  	_ =	shalt  }
0x50: {  	_ =	shalt  }
0x51: {  	_ =	shalt  }
0x52: {  	_ =	shalt  }
0x53: {  	_ =	shalt  }
0x54: {  	_ =	shalt  }
0x55: {  	_ =	shalt  }
0x56: {  	_ =	shalt  }
0x57: {  	_ =	shalt  }
0x58: {  	_ =	shalt  }
0x59: {  	_ =	shalt  }
0x5a: {  	_ =	shalt  }
0x5b: {  	_ =	shalt  }
0x5c: {  	_ =	shalt  }
0x5d: {  	_ =	shalt  }
0x5e: {  	_ =	shalt  }
0x5f: {  	_ =	shalt  }
0x60: {  	_ =	shalt  }
0x61: {  	_ =	shalt  }
0x62: {  	_ =	shalt  }
0x63: {  	_ =	shalt  }
0x64: {  	_ =	shalt  }
0x65: {  	_ =	shalt  }
0x66: {  	_ =	shalt  }
0x67: {  	_ =	shalt  }
0x68: {  	_ =	shalt  }
0x69: {  	_ =	shalt  }
0x6a: {  	_ =	shalt  }
0x6b: {  	_ =	shalt  }
0x6c: {  	_ =	shalt  }
0x6d: {  	_ =	shalt  }
0x6e: {  	_ =	shalt  }
0x6f: {  	_ =	shalt  }
0x70: {  	_ =	shalt  }
0x71: {  	_ =	shalt  }
0x72: {  	_ =	shalt  }
0x73: {  	_ =	shalt  }
0x74: {  	_ =	shalt  }
0x75: {  	_ =	shalt  }
0x76: {  	_ =	shalt  }
0x77: {  	_ =	shalt  }
0x78: {  	_ =	shalt  }
0x79: {  	_ =	shalt  }
0x7a: {  	_ =	shalt  }
0x7b: {  	_ =	shalt  }
0x7c: {  	_ =	shalt  }
0x7d: {  	_ =	shalt  }
0x7e: {  	_ =	shalt  }
0x7f: {  	_ =	shalt  }
0x80: {  	_ =	shalt  }
0x81: {  	_ =	shalt  }
0x82: {  	_ =	shalt  }
0x83: {  	_ =	shalt  }
0x84: {  	_ =	shalt  }
0x85: {  	_ =	shalt  }
0x86: {  	_ =	shalt  }
0x87: {  	_ =	shalt  }
.Lfunc_end0:
.L_simem_size_0:
called_computation_lowered:
.L_overlay_start_0:
0x88: {  	s2 =	sld [smem:$0x3FD9]  }
0x89: {  	s3 =	sld [smem:$0x3FFE];
	_ =	sdelay $0x1  }
0x8a: {  	s1 =	srdreg.scid  }
0x8b: {  	s0 =	sand.u32 $0x1, s1  }
0x8c: {  	s17 =	sshll.u32 s0, $0xA;
	s2 =	sadd.s32 s3, s2  }
0x8d: {  	s2 =	sadd.s32 s2, s17  }
0x8e: {  	[smem:$0x3FC2] =	sst s2  }
0x8f: {  	_ = 	snop  }
0x90: {  	s2 =	sld [smem:$0x3FC8]  }
0x91: {  	s18 =	sld [smem:$0x3FD0];
	(tm) =	ssettm $0x1  }
0x92: {  	s4 =	sld [smem:$0x3FFB];
	_ =	sdelay $0x3  }
0x93: {  	_ =	strace s4  }
0x94: {  	s4 =	sld [smem:$0x3FFC];
	_ =	sdelay $0x3  }
0x95: {  	_ =	strace s4  }
0x96: {  	s4 =	sld [smem:$0x3FFD];
	_ =	sdelay $0x3  }
0x97: {  	_ =	strace s4  }
0x98: {  	_ =	strace $0x8FFFFFFF  }
0x99: {  	s19 =	sld [smem:$0x3FDB];
	_ =	sdelay $0x1  }
0x9a: {  	s5 =	simm.s32 $_scs_section_size  }
0x9b: {  	s6 =	simm.s32 $_size__tile_overlayer_lowered;
	s7 =	simm.s32 $_tile_overlayer_lowered  }
0x9c: {  	s22 =	simm.s32 $0x1BFF;
	s21 =	sshll.u32 s7, $0x1;
	s4 =	sadd.s32 s5, s19  }
0x9d: {  	s8 =	simm.s32 $0x0;
	s20 =	sshll.u32 s6, $0x1;
	s6 =	sadd.s32 s21, s4  }
0x9e: {  	[timem:s8], [sflag:s22] =	dma.local [hbm:s6], s20  }
0x9f: {  	_ =	swait.ge [sflag:s22], s20  }
0xa0: {  	s5 =	ssub.s32 $0x0, s20;
	[sflag:s22] =	ssyncset.done $0x0  }
0xa1: {  	[sflag:s22] =	ssyncadd.s32 s5;
	_ =	sdelay $0x1  }
0xa2: {  	s23 =	simm.s32 $0x1B8B  }
0xa3: {  	_ =	swait.ge [sflag:s23], $0x1  }
0xa4: {  	[sflag:s23] =	ssyncset.done $0x0  }
0xa5: {  	s25 =	simm.s32 $0x1B8E;
	s24 =	sld [smem:$0x3FFE];
	[sflag:s23] =	ssyncadd.s32 $0xFFFFFFFF  }
0xa6: {  	s26 =	simm.s32 $execute0_lowered;
	[smem:$0x3FD2] =	sst s25  }
0xa7: {  	s6 =	sshll.u32 s26, $0x1;
	_ =	strace $0x80000046;
	[dreg:$0x1] =	wrdreg $0xFFFFFFFF  }
0xa8: {  	s28 =	simm.s32 $_size_execute0_lowered;
	s4 =	sadd.s32 s4, s6;
	[dreg:$0x0] =	wrdreg $0x0  }
0xa9: {  	s6 =	sshll.u32 s28, $0x1;
	[dreg:$0x2] =	wrdreg s4  }
0xaa: {  	[dreg:$0x3] =	wrdreg s6  }
0xab: {  	[dreg:$0x4] =	wrdreg $0xC0  }
0xac: {  	_ =	task [dreg:s8], $0x5FFFF  }
0xad: {  	[dreg:$0x1] =	wrdreg $0xFFFFFFFF  }
0xae: {  	[dreg:$0x0] =	wrdreg $0x60  }
0xaf: {  	[dreg:$0x2] =	wrdreg s2  }
0xb0: {  	[dreg:$0x3] =	wrdreg s18  }
0xb1: {  	[dreg:$0x4] =	wrdreg s24  }
0xb2: {  	[dreg:$0x5] =	wrdreg $0x58000  }
0xb3: {  	[dreg:$0x6] =	wrdreg $0x9  }
0xb4: {  	_ =	task.clear_ibuf [dreg:s8], $0x7FFFF;
	_ =	strace $0x90000046  }
0xb5: {  	s29 =	simm.s32 $0x9;
	_ =	strace $0x80000048  }
0xb6: {  	_ =	swait.ge [sflag:s29], $0x1  }
0xb7: {  	[sflag:s29] =	ssyncadd.s32 $0xFFFFFFFF  }
0xb8: {  	_ =	strace $0x90000048  }
0xb9: {  	_ =	sfence  }
0xba: {  	s30 =	sld [smem:$0x0];
	_ =	sdelay $0x2  }
0xbb: {  	s31 =	sshll.u32 s1, $0xD;
	s1 =	sshrl.u32 s1, $0x2  }
0xbc: {  	s3 =	sand.u32 $0x4000, s31;
	s1 =	sadd.s32 s1, s30  }
0xbd: {  	s0 =	sor.u32 s3, s0;
	s1 =	sshll.u32 s1, $0x11  }
0xbe: {  	s0 =	sor.u32 s1, s0  }
0xbf: {  	s0 =	sadd.s32 $0x8F2B, s0  }
0xc0: {  	[sflag:s0] =	ssyncadd.remote.s32 $0x1  }
0xc1: {  	_ =	sfence.sel $0xFFFF  }
0xc2: {  	[dreg:$0x0] =	wrdreg $0xFFFFFFFF;
	(pc) =	sbr.abs _section_cstart, $3  }
0xc3: {  	[dreg:$0x1] =	wrdreg $0xFFFFFFFF  }
0xc4: {  	_ =	task.clear_ibuf [dreg:s8], $0x2FFFF;
	_ =	strace $0x9FFFFFFF  }
0xc5: {  	(tm) =	ssettm $0x7FFFFFFF  }
tec
execute0_lowered:
.L_overlay_start_1:
0x0: {  	(tag) =	ssettag $0x1  }
0x1: {  	s9 =	rddreg [dreg:$0x0]  }
0x2: {  	s2 =	rddreg [dreg:$0x1]  }
0x3: {  	s6 =	rddreg [dreg:$0x2]  }
0x4: {  	s3 =	rddreg [dreg:$0x3];
	s0 =	stileid.u32  }
0x5: {  	s5 =	srdreg.scid;
	s1 =	rddreg [dreg:$0x4]  }
0x6: {  	s4 =	simm.s32 $0x0;
	s15 =	simm.s32 $0x80;
	s16 =	simm.s32 $0x1  }
0x7: {  	s17 =	simm.s32 $0x0;
	s7 =	smul.u32 $0x2800, s0;
	s8 =	sand.u32 $0x1, s5  }
0x8: {  	[smem:$0x7FF] =	sst s4;
	s5 =	sadd.s32 $0x2E00, s6;
	s13 =	sshll.u32 s0, $0x1  }
0x9: {  	s31 =	sshll.u32 s0, $0x6;
	s11 =	smul.u32 $0x28000, s8;
	_ =	strace $0x80000047  }
0xa: {  	s12 =	ssub.s32 $0x2, s8;
	s13 =	sor.u32 s8, s13;
	s10 =	sshrl.u32 s7, $0x3  }
0xb: {  	s14 =	sshrl.u32 s12, $0x1;
	s8 =	smul.u32 $0xA00, s13;
	s30 =	sadd.s32 s7, s3  }
0xc: {  	p0 =	seq.s32 s13, $0x1F;
	s13 =	simm.s32 $0x2;
	s10 =	sadd.s32 s10, s6  }
0xd: {  	s11 =	sadd.s32 s7, s11;
	s12 =	ssub.s32 s12, s14;
	s7 =	sor.u32 $0x1C02, s31  }
0xe: {  	s14 =	simm.s32 $0x5000;
	s11 =	sshrl.u32 s11, $0x3;
	s8 =	sadd.s32 s9, s8  }
0xf: {  	s9 =	sadd.s32 $0x13600, s9;
	s11 =	sadd.s32 s11, s6;
	s6 =	sadd.s32 $0x3000, s10  }
0x10: {  	s10 =	sadd.s32 $0x8000, s11;
	s11 =	smax.u32 s12, $0x1;
	s12 =	sshrl.u32 s30, $0x3  }
.LBB2_1:
0x11: {  	[spmem:s12], [sflag:s7] =	dma.local [hbm:s6], $0x500  }
0x12: {  	_ =	swait.ge [sflag:s13], $0x500  }
0x13: {  	[sflag:s13] =	ssyncset.done $0x0  }
0x14: {  	[sflag:s13] =	ssyncadd.s32 $0xFFFFFB00  }
0x15: {  	[tilespmem:s14], [sflag:$0x2] =	stream.linear.gather [hbm4b:s5+s4], $0x800, $0x38;
	[tilespmem:$0x8000] =	vst v63  }
0x16: {  	_ =	swait.ge [sflag:s13], $0x800  }
0x17: {  	[sflag:s13] =	ssyncset.done $0x0  }
0x18: {  	s18 =	simm.s32 @p0 $0x0;
	s19 =	simm.s32 @p0 $0x2;
	[sflag:s13] =	ssyncadd.s32 $0xFFFFF800  }
0x19: {  	[tilespmem:s18], [sflag:$0x2] =	stream.linear.gather @p0 [hbm4b:s9+s18], $0x1400, $0x38;
	[tilespmem:$0x8000] =	vst v63  }
0x1a: {  	_ =	swait.ge @p0 [sflag:s19], $0x1400  }
0x1b: {  	[sflag:s19] =	ssyncset.done @p0 $0x0  }
0x1c: {  	s20 =	simm.s32 @p0 $0x1400;
	[sflag:s19] =	ssyncadd.s32 @p0 $0xFFFFEC00  }
0x1d: {  	[tilespmem:s20], [sflag:$0x2] =	stream.linear.gather @p0 [hbm4b:s2+s18], $0x3C00, $0x38;
	[tilespmem:$0x8000] =	vst v63  }
0x1e: {  	_ =	swait.ge @p0 [sflag:s19], $0x3C00  }
0x1f: {  	[sflag:s19] =	ssyncset.done @p0 $0x0  }
0x20: {  	s18 =	simm.s32 @!p0 $0x0;
	[sflag:s19] =	ssyncadd.s32 @p0 $0xFFFFC400  }
0x21: {  	[tilespmem:s18], [sflag:$0x2] =	stream.linear.gather @!p0 [hbm4b:s8+s18], $0x5000, $0x38;
	[tilespmem:$0x8000] =	vst v63  }
0x22: {  	s18 =	simm.s32 @!p0 $0x2  }
0x23: {  	_ =	swait.ge @!p0 [sflag:s18], $0x5000  }
0x24: {  	[sflag:s18] =	ssyncset.done @!p0 $0x0  }
0x25: {  	[sflag:s18] =	ssyncadd.s32 @!p0 $0xFFFFB000  }
0x26: {  	s18 =	simm.s32 $0x200;
	[bflag:$0x0] =	sbarrier.arrive $0xFFFF  }
.LBB2_2:
0x27: {  	p1 =	sne.s32 s18, $0x13E00  }
.Ltmp0:
0x28: {  	_ = 	snop;
	(pc) =	sbr.rel @p1 .LBB2_2-.Ltmp0, $3  }
0x29: {  	_ =	sdelay $0x1  }
0x2a: {  	s19 =	sshra.s32 s18, $0x2;
	s18 =	sadd.s32 $0x400, s18  }
0x2b: {  	[spmem:s3] =	stream.indirect.scatter.add.f32 [tilespmem:s14], [sflag:$0x1], $0x10, s19, s15, $0xb8;
	[tilespmem:$0x8000] =	vst v63  }
0x2c: {  	_ =	swait.ge [sflag:s16], $0x800  }
0x2d: {  	s18 =	simm.s32 $0x4F;
	[sflag:s16] =	ssyncset.done $0x0  }
.LBB2_4:
0x2e: {  	p1 =	sne.s32 s18, $0x1;
	s18 =	sadd.s32 $0xFFFFFFFF, s18;
	[sflag:s16] =	ssyncadd.s32 $0xFFFFF800  }
.Ltmp1:
0x2f: {  	(pc) =	sbr.rel @p1 .LBB2_4-.Ltmp1, $3  }
0x30: {  	_ =	sdelay $0x1  }
0x31: {  	_ =	swait.ge [sflag:s16], $0x800  }
0x32: {  	[sflag:s16] =	ssyncset.done $0x0  }
0x33: {  	s17 =	sadd.s32 $0x1, s17  }
0x34: {  	[sflag:s16] =	ssyncadd.s32 $0xFFFFF800;
	p1 =	sne.s32 s17, s11  }
.Ltmp2:
0x35: {  	[bflag:$0x0] =	sbarrier.arrive $0xFFFF;
	(pc) =	sbr.rel @p1 .LBB2_1-.Ltmp2, $4  }
0x36: {  	[hbm:s10], [sflag:s7] =	dma.local [spmem:s12], $0x500  }
0x37: {  	_ =	swait.ge [sflag:s13], $0x500  }
0x38: {  	[sflag:s13] =	ssyncset.done $0x0  }
0x39: {  	[sflag:s13] =	ssyncadd.s32 $0xFFFFFB00  }
0x3a: {  	_ =	sfence.sel $0x180000  }
0x3b: {  	[bflag:$0x0] =	sbarrier.arrive $0xFFFF  }
0x3c: {  	p0 =	sne.s32 s0, $0x0;
	_ =	strace $0x90000047  }
0x3d: {  	s0 =	sadd.s32 @!p0 $0x100000, s1;
	[bflag:$0x2] =	sbarrier.arrive $0xFFFF  }
0x3e: {  	[sflag:s0] =	ssyncadd.tile.s32 @!p0 $0x1;
	_ =	shalt  }
.Lfunc_end2:
_tile_overlayer_lowered:
.L_overlay_start_2:
0x3f: {  	(tag) =	ssettag $0x2  }
0x40: {  	s0 =	rddreg [dreg:$0x0];
	s2 =	stileid.u32  }
0x41: {  	s1 =	rddreg [dreg:$0x1];
	p0 =	sne.s32 s2, $0x0  }
0x42: {  	s3 =	rddreg [dreg:$0x2];
	[bflag:$0x3] =	sbarrier.arrive $0xFFFF;
	s2 =	simm.s32 @!p0 $0x1C02  }
0x43: {  	[timem:s3], [sflag:s2] =	dma.local @!p0 [hbm:s0], s1  }
0x44: {  	s0 =	simm.s32 @!p0 $0x2  }
0x45: {  	_ =	swait.ge @!p0 [sflag:s0], s1  }
0x46: {  	s1 =	ssub.s32 @!p0 $0x0, s1;
	[sflag:s0] =	ssyncset.done @!p0 $0x0  }
0x47: {  	[sflag:s0] =	ssyncadd.s32 @!p0 s1  }
0x48: {  	[bflag:$0x3] =	sbarrier.arrive $0xFFFF  }
0x49: {  	_ =	shalt  }

</sc_bundles>
